<compile_context>
chip_gen: v7x
topology: tpu7x:2x2x1
jax: 0.10.2.dev20260603
libtpu: 0.0.44.dev20260713+nightly
codegen_flags: <defaults>
</compile_context>

<pallas_src>
import functools

import jax
import jax.numpy as jnp
from jax import lax
from jax.experimental import pallas as pl
from jax.experimental.pallas import tpu as pltpu
from jax.experimental.pallas import tpu_sc as plsc

N_ROWS = 100000
D = 128
S = 256
NC = 2
NS = 16
NW = NC * NS
CH = 128
FULL = (N_ROWS // (NW * CH)) * NW * CH
CHUNKS = FULL // (NW * CH)
EXTRA = (N_ROWS - FULL) // CH
TAIL = N_ROWS - FULL - EXTRA * CH
TAIL_OFF = FULL + EXTRA * CH


BIG = 256
NBUF = 3
NBIG = CHUNKS * CH // BIG


def _sc_body(feat_hbm, seg_hbm, psums_hbm, pcnts_hbm,
             acc, rows0, rows1, rows2, rows_e, idx_all, idx_e, idx32, cnt,
             zbuf, sem_g0, sem_g1, sem_g2, sem_s, sem_i, sem_e):
  c = lax.axis_index("c")
  s = lax.axis_index("s")
  w = s * NC + c
  base = w * (CHUNKS * CH)

  zv = jnp.zeros((16,), jnp.float32)
  ov = jnp.ones((16,), jnp.float32)
  for i in range(16):
    for k in range(D // 16):
      zbuf[i, pl.ds(k * 16, 16)] = zv
  for i in range(S // 16):
    cnt[pl.ds(i * 16, 16)] = zv

  sl = pl.ds(s * 16, 16)
  pltpu.sync_copy(zbuf, acc.at[sl])
  plsc.subcore_barrier()

  def count_ids(idx_vals):
    plsc.addupdate_scatter(cnt, [idx_vals], ov)

  bufs = (rows0, rows1, rows2)
  gsems = (sem_g0, sem_g1, sem_g2)

  def gather(b):
    return pltpu.async_copy(feat_hbm.at[pl.ds(base + b * BIG, BIG)],
                            bufs[b % NBUF], gsems[b % NBUF])

  gathers = [gather(0), gather(1)]
  eoff = FULL + w * CH

  @pl.when(w < EXTRA)
  def _():
    pltpu.async_copy(seg_hbm.at[pl.ds(eoff, CH)], idx_e, sem_e)
    pltpu.async_copy(feat_hbm.at[pl.ds(eoff, CH)], rows_e, sem_e)

  @pl.when(w == EXTRA)
  def _():
    pltpu.async_copy(seg_hbm.at[pl.ds(TAIL_OFF, TAIL)], idx32, sem_e)
    pltpu.async_copy(feat_hbm.at[pl.ds(TAIL_OFF, TAIL)],
                     rows_e.at[pl.ds(0, TAIL)], sem_e)
  idx_dmas = [
      pltpu.async_copy(seg_hbm.at[pl.ds(base + r * CH, CH)], idx_all.at[r],
                       sem_i)
      for r in range(CHUNKS)
  ]
  for d in idx_dmas:
    d.wait()

  scatters = {}
  for b in range(NBIG):
    for d in scatters.pop(b - 1, ()):
      d.wait()
    if b + 2 < NBIG:
      gathers.append(gather(b + 2))
    gathers[b].wait()
    buf = bufs[b % NBUF]
    scatters[b] = [
        pltpu.async_copy(buf.at[pl.ds(k * CH, CH)],
                         acc.at[idx_all.at[b * (BIG // CH) + k]],
                         sem_s, add=True)
        for k in range(BIG // CH)
    ]
    for k in range(BIG // CH):
      r = b * (BIG // CH) + k
      for q in range(CH // 16):
        count_ids(idx_all[r, pl.ds(q * 16, 16)])
  for ds_ in scatters.values():
    for d in ds_:
      d.wait()

  @pl.when(w < EXTRA)
  def _():
    pltpu.make_async_copy(seg_hbm.at[pl.ds(eoff, CH)], idx_e, sem_e).wait()
    pltpu.make_async_copy(feat_hbm.at[pl.ds(eoff, CH)], rows_e, sem_e).wait()
    pltpu.sync_copy(rows_e, acc.at[idx_e], add=True)
    for q in range(CH // 16):
      count_ids(idx_e[pl.ds(q * 16, 16)])

  @pl.when(w == EXTRA)
  def _():
    pltpu.make_async_copy(seg_hbm.at[pl.ds(TAIL_OFF, TAIL)], idx32,
                          sem_e).wait()
    pltpu.make_async_copy(feat_hbm.at[pl.ds(TAIL_OFF, TAIL)],
                          rows_e.at[pl.ds(0, TAIL)], sem_e).wait()
    pltpu.sync_copy(rows_e.at[pl.ds(0, TAIL)], acc.at[idx32], add=True)
    for q in range(TAIL // 16):
      count_ids(idx32[pl.ds(q * 16, 16)])

  plsc.subcore_barrier()

  pltpu.sync_copy(acc.at[sl], psums_hbm.at[c, sl])
  pltpu.sync_copy(cnt, pcnts_hbm.at[w])


_sc_pool = functools.partial(
    pl.kernel,
    out_type=(
        jax.ShapeDtypeStruct((NC, S, D), jnp.float32),
        jax.ShapeDtypeStruct((NW, S), jnp.float32),
    ),
    mesh=plsc.VectorSubcoreMesh(
        core_axis_name="c", subcore_axis_name="s",
        num_cores=NC, num_subcores=NS),
    scratch_types=[
        pltpu.VMEM_SHARED((S, D), jnp.float32),
        pltpu.VMEM((BIG, D), jnp.float32),
        pltpu.VMEM((BIG, D), jnp.float32),
        pltpu.VMEM((BIG, D), jnp.float32),
        pltpu.VMEM((CH, D), jnp.float32),
        pltpu.VMEM((CHUNKS, CH), jnp.int32),
        pltpu.VMEM((CH,), jnp.int32),
        pltpu.VMEM((TAIL,), jnp.int32),
        pltpu.VMEM((S,), jnp.float32),
        pltpu.VMEM((16, D), jnp.float32),
        pltpu.SemaphoreType.DMA,
        pltpu.SemaphoreType.DMA,
        pltpu.SemaphoreType.DMA,
        pltpu.SemaphoreType.DMA,
        pltpu.SemaphoreType.DMA,
        pltpu.SemaphoreType.DMA,
    ],
    compiler_params=pltpu.CompilerParams(needs_layout_passes=False),
)(_sc_body)


def _combine_body(ps_ref, pc_ref, o_ref):
  sums = ps_ref[0] + ps_ref[1]
  counts = jnp.sum(pc_ref[...], axis=0, keepdims=True)
  counts_col = jnp.transpose(counts)
  o_ref[...] = sums / jnp.clip(counts_col, 1.0, None)


def kernel(feat, segment_ids, num_graphs):
  seg = segment_ids.astype(jnp.int32)
  psums, pcnts = _sc_pool(feat, seg)
  out = pl.pallas_call(
      _combine_body,
      out_shape=jax.ShapeDtypeStruct((S, D), jnp.float32),
  )(psums, pcnts)
  return out

# --- scband reference (transcript-rebuilt; emitter-appended) ---
"""Pipeline reference for scband-avg-pooling-33457795236065 (READ-ONLY COPY).

The authoritative reference and input builder live on the scoring server;
editing this copy changes nothing except your own understanding.
"""

import jax, jax.numpy as jnp
import numpy as np

N_NODES = 100000
D_FEAT = 128
NUM_GRAPHS = 256


def setup_inputs(seed: int = 0) -> dict:
    key = jax.random.key(seed)
    k1, k2 = jax.random.split(key)
    feat = jax.random.normal(k1, (N_NODES, D_FEAT), dtype=jnp.float32)
    segment_ids = jnp.sort(jax.random.randint(k2, (N_NODES,), 0, NUM_GRAPHS))
    return {"feat": feat, "segment_ids": segment_ids, "num_graphs": NUM_GRAPHS}


def reference(feat, segment_ids, num_graphs):
    # dgl.mean_nodes: per-graph mean of node features in a batched graph.
    sums = jax.ops.segment_sum(feat, segment_ids, num_segments=NUM_GRAPHS)
    counts = jax.ops.segment_sum(
        jnp.ones((feat.shape[0],), dtype=feat.dtype), segment_ids,
        num_segments=NUM_GRAPHS)
    counts = jnp.clip(counts, 1.0, None)
    readout = sums / counts[:, None]
    readout = readout + jnp.zeros((), dtype=feat.dtype) * jnp.asarray(
        num_graphs, dtype=feat.dtype)
    return readout

if __name__ == "__main__":
    import jax
    _d = setup_inputs()
    print(jax.jit(kernel)(*tuple(_d.values())))

</pallas_src>

<mosaic_0001>
#map = affine_map<(d0, d1) -> (0, 0)>
#map1 = affine_map<(d0, d1) -> (0)>
#map2 = affine_map<(d0, d1) -> (0, 0, 0)>
module attributes {stable_mosaic.version = 14 : i64} {
  func.func @_sc_body(%arg0: i32, %arg1: i32, %arg2: memref<100000x128xf32, #tpu.memory_space<hbm>>, %arg3: memref<100000xi32, #tpu.memory_space<hbm>>, %arg4: memref<2x256x128xf32, #tpu.memory_space<hbm>>, %arg5: memref<32x256xf32, #tpu.memory_space<hbm>>, %arg6: memref<256x128xf32, #tpu.memory_space<vmem_shared>>, %arg7: memref<256x128xf32, #tpu.memory_space<vmem>>, %arg8: memref<256x128xf32, #tpu.memory_space<vmem>>, %arg9: memref<256x128xf32, #tpu.memory_space<vmem>>, %arg10: memref<128x128xf32, #tpu.memory_space<vmem>>, %arg11: memref<24x128xi32, #tpu.memory_space<vmem>>, %arg12: memref<128xi32, #tpu.memory_space<vmem>>, %arg13: memref<32xi32, #tpu.memory_space<vmem>>, %arg14: memref<256xf32, #tpu.memory_space<vmem>>, %arg15: memref<16x128xf32, #tpu.memory_space<vmem>>, %arg16: memref<!tpu.dma_semaphore, #tpu.memory_space<semaphore_mem>>, %arg17: memref<!tpu.dma_semaphore, #tpu.memory_space<semaphore_mem>>, %arg18: memref<!tpu.dma_semaphore, #tpu.memory_space<semaphore_mem>>, %arg19: memref<!tpu.dma_semaphore, #tpu.memory_space<semaphore_mem>>, %arg20: memref<!tpu.dma_semaphore, #tpu.memory_space<semaphore_mem>>, %arg21: memref<!tpu.dma_semaphore, #tpu.memory_space<semaphore_mem>>) attributes {dimension_semantics = [#tpu.dimension_semantics<core_parallel>, #tpu.dimension_semantics<subcore_parallel>], iteration_bounds = array<i64: 2, 16>, scalar_prefetch = 0 : i64, scratch_operands = 16 : i64, tpu.core_type = #tpu.core_type<sc_vector_subcore>, window_params = [{transform_indices = #map}, {transform_indices = #map1}, {transform_indices = #map2}, {transform_indices = #map}]} {
    %mul3A = arith.constant 2 : i32
    %mul3A_0 = arith.muli %arg1, %mul3A : i32
    %add3A = arith.addi %mul3A_0, %arg0 : i32
    %mul3A_1 = arith.constant 3072 : i32
    %mul3A_2 = arith.muli %add3A, %mul3A_1 : i32
    %broadcast_in_dim3A = arith.constant 0.000000e+00 : f32
    %broadcast_in_dim3A_3 = vector.broadcast %broadcast_in_dim3A : f32 to vector<16xf32>
    %broadcast_in_dim3A_4 = arith.constant 1.000000e+00 : f32
    %broadcast_in_dim3A_5 = vector.broadcast %broadcast_in_dim3A_4 : f32 to vector<16xf32>
    %swap3A = arith.constant 0 : i32
    %swap3A_6 = arith.index_cast %swap3A : i32 to index
    %swap3A_7 = arith.constant 0 : index
    %swap3A_8 = tpu.vector_load %arg15[%swap3A_6, %swap3A_7] {strides = array<i32>} : memref<16x128xf32, #tpu.memory_space<vmem>>, vector<16xf32>,
    tpu.vector_store %arg15[%swap3A_6, %swap3A_7], %broadcast_in_dim3A_3 {strides = array<i32>} : memref<16x128xf32, #tpu.memory_space<vmem>>, vector<16xf32>,
    %swap3A_9 = arith.constant 0 : i32
    %swap3A_10 = arith.index_cast %swap3A_9 : i32 to index
    %swap3A_11 = arith.constant 16 : index
    %swap3A_12 = tpu.vector_load %arg15[%swap3A_10, %swap3A_11] {strides = array<i32>} : memref<16x128xf32, #tpu.memory_space<vmem>>, vector<16xf32>,
    tpu.vector_store %arg15[%swap3A_10, %swap3A_11], %broadcast_in_dim3A_3 {strides = array<i32>} : memref<16x128xf32, #tpu.memory_space<vmem>>, vector<16xf32>,
    %swap3A_13 = arith.constant 0 : i32
    %swap3A_14 = arith.index_cast %swap3A_13 : i32 to index
    %swap3A_15 = arith.constant 32 : index
    %swap3A_16 = tpu.vector_load %arg15[%swap3A_14, %swap3A_15] {strides = array<i32>} : memref<16x128xf32, #tpu.memory_space<vmem>>, vector<16xf32>,
    tpu.vector_store %arg15[%swap3A_14, %swap3A_15], %broadcast_in_dim3A_3 {strides = array<i32>} : memref<16x128xf32, #tpu.memory_space<vmem>>, vector<16xf32>,
    %swap3A_17 = arith.constant 0 : i32
    %swap3A_18 = arith.index_cast %swap3A_17 : i32 to index
    %swap3A_19 = arith.constant 48 : index
    %swap3A_20 = tpu.vector_load %arg15[%swap3A_18, %swap3A_19] {strides = array<i32>} : memref<16x128xf32, #tpu.memory_space<vmem>>, vector<16xf32>,
    tpu.vector_store %arg15[%swap3A_18, %swap3A_19], %broadcast_in_dim3A_3 {strides = array<i32>} : memref<16x128xf32, #tpu.memory_space<vmem>>, vector<16xf32>,
    %swap3A_21 = arith.constant 0 : i32
    %swap3A_22 = arith.index_cast %swap3A_21 : i32 to index
    %swap3A_23 = arith.constant 64 : index
    %swap3A_24 = tpu.vector_load %arg15[%swap3A_22, %swap3A_23] {strides = array<i32>} : memref<16x128xf32, #tpu.memory_space<vmem>>, vector<16xf32>,
    tpu.vector_store %arg15[%swap3A_22, %swap3A_23], %broadcast_in_dim3A_3 {strides = array<i32>} : memref<16x128xf32, #tpu.memory_space<vmem>>, vector<16xf32>,
    %swap3A_25 = arith.constant 0 : i32
    %swap3A_26 = arith.index_cast %swap3A_25 : i32 to index
    %swap3A_27 = arith.constant 80 : index
    %swap3A_28 = tpu.vector_load %arg15[%swap3A_26, %swap3A_27] {strides = array<i32>} : memref<16x128xf32, #tpu.memory_space<vmem>>, vector<16xf32>,
    tpu.vector_store %arg15[%swap3A_26, %swap3A_27], %broadcast_in_dim3A_3 {strides = array<i32>} : memref<16x128xf32, #tpu.memory_space<vmem>>, vector<16xf32>,
    %swap3A_29 = arith.constant 0 : i32
    %swap3A_30 = arith.index_cast %swap3A_29 : i32 to index
    %swap3A_31 = arith.constant 96 : index
    %swap3A_32 = tpu.vector_load %arg15[%swap3A_30, %swap3A_31] {strides = array<i32>} : memref<16x128xf32, #tpu.memory_space<vmem>>, vector<16xf32>,
    tpu.vector_store %arg15[%swap3A_30, %swap3A_31], %broadcast_in_dim3A_3 {strides = array<i32>} : memref<16x128xf32, #tpu.memory_space<vmem>>, vector<16xf32>,
    %swap3A_33 = arith.constant 0 : i32
    %swap3A_34 = arith.index_cast %swap3A_33 : i32 to index
    %swap3A_35 = arith.constant 112 : index
    %swap3A_36 = tpu.vector_load %arg15[%swap3A_34, %swap3A_35] {strides = array<i32>} : memref<16x128xf32, #tpu.memory_space<vmem>>, vector<16xf32>,
    tpu.vector_store %arg15[%swap3A_34, %swap3A_35], %broadcast_in_dim3A_3 {strides = array<i32>} : memref<16x128xf32, #tpu.memory_space<vmem>>, vector<16xf32>,
    %swap3A_37 = arith.constant 1 : i32
    %swap3A_38 = arith.index_cast %swap3A_37 : i32 to index
    %swap3A_39 = arith.constant 0 : index
    %swap3A_40 = tpu.vector_load %arg15[%swap3A_38, %swap3A_39] {strides = array<i32>} : memref<16x128xf32, #tpu.memory_space<vmem>>, vector<16xf32>,
    tpu.vector_store %arg15[%swap3A_38, %swap3A_39], %broadcast_in_dim3A_3 {strides = array<i32>} : memref<16x128xf32, #tpu.memory_space<vmem>>, vector<16xf32>,
    %swap3A_41 = arith.constant 1 : i32
    %swap3A_42 = arith.index_cast %swap3A_41 : i32 to index
    %swap3A_43 = arith.constant 16 : index
    %swap3A_44 = tpu.vector_load %arg15[%swap3A_42, %swap3A_43] {strides = array<i32>} : memref<16x128xf32, #tpu.memory_space<vmem>>, vector<16xf32>,
    tpu.vector_store %arg15[%swap3A_42, %swap3A_43], %broadcast_in_dim3A_3 {strides = array<i32>} : memref<16x128xf32, #tpu.memory_space<vmem>>, vector<16xf32>,
    %swap3A_45 = arith.constant 1 : i32
    %swap3A_46 = arith.index_cast %swap3A_45 : i32 to index
    %swap3A_47 = arith.constant 32 : index
    %swap3A_48 = tpu.vector_load %arg15[%swap3A_46, %swap3A_47] {strides = array<i32>} : memref<16x128xf32, #tpu.memory_space<vmem>>, vector<16xf32>,
    tpu.vector_store %arg15[%swap3A_46, %swap3A_47], %broadcast_in_dim3A_3 {strides = array<i32>} : memref<16x128xf32, #tpu.memory_space<vmem>>, vector<16xf32>,
    %swap3A_49 = arith.constant 1 : i32
    %swap3A_50 = arith.index_cast %swap3A_49 : i32 to index
    %swap3A_51 = arith.constant 48 : index
    %swap3A_52 = tpu.vector_load %arg15[%swap3A_50, %swap3A_51] {strides = array<i32>} : memref<16x128xf32, #tpu.memory_space<vmem>>, vector<16xf32>,
    tpu.vector_store %arg15[%swap3A_50, %swap3A_51], %broadcast_in_dim3A_3 {strides = array<i32>} : memref<16x128xf32, #tpu.memory_space<vmem>>, vector<16xf32>,
    %swap3A_53 = arith.constant 1 : i32
    %swap3A_54 = arith.index_cast %swap3A_53 : i32 to index
    %swap3A_55 = arith.constant 64 : index
    %swap3A_56 = tpu.vector_load %arg15[%swap3A_54, %swap3A_55] {strides = array<i32>} : memref<16x128xf32, #tpu.memory_space<vmem>>, vector<16xf32>,
    tpu.vector_store %arg15[%swap3A_54, %swap3A_55], %broadcast_in_dim3A_3 {strides = array<i32>} : memref<16x128xf32, #tpu.memory_space<vmem>>, vector<16xf32>,
    %swap3A_57 = arith.constant 1 : i32
    %swap3A_58 = arith.index_cast %swap3A_57 : i32 to index
    %swap3A_59 = arith.constant 80 : index
    %swap3A_60 = tpu.vector_load %arg15[%swap3A_58, %swap3A_59] {strides = array<i32>} : memref<16x128xf32, #tpu.memory_space<vmem>>, vector<16xf32>,
    tpu.vector_store %arg15[%swap3A_58, %swap3A_59], %broadcast_in_dim3A_3 {strides = array<i32>} : memref<16x128xf32, #tpu.memory_space<vmem>>, vector<16xf32>,
    %swap3A_61 = arith.constant 1 : i32
    %swap3A_62 = arith.index_cast %swap3A_61 : i32 to index
    %swap3A_63 = arith.constant 96 : index
    %swap3A_64 = tpu.vector_load %arg15[%swap3A_62, %swap3A_63] {strides = array<i32>} : memref<16x128xf32, #tpu.memory_space<vmem>>, vector<16xf32>,
    tpu.vector_store %arg15[%swap3A_62, %swap3A_63], %broadcast_in_dim3A_3 {strides = array<i32>} : memref<16x128xf32, #tpu.memory_space<vmem>>, vector<16xf32>,
    %swap3A_65 = arith.constant 1 : i32
    %swap3A_66 = arith.index_cast %swap3A_65 : i32 to index
    %swap3A_67 = arith.constant 112 : index
    %swap3A_68 = tpu.vector_load %arg15[%swap3A_66, %swap3A_67] {strides = array<i32>} : memref<16x128xf32, #tpu.memory_space<vmem>>, vector<16xf32>,
    tpu.vector_store %arg15[%swap3A_66, %swap3A_67], %broadcast_in_dim3A_3 {strides = array<i32>} : memref<16x128xf32, #tpu.memory_space<vmem>>, vector<16xf32>,
    %swap3A_69 = arith.constant 2 : i32
    %swap3A_70 = arith.index_cast %swap3A_69 : i32 to index
    %swap3A_71 = arith.constant 0 : index
    %swap3A_72 = tpu.vector_load %arg15[%swap3A_70, %swap3A_71] {strides = array<i32>} : memref<16x128xf32, #tpu.memory_space<vmem>>, vector<16xf32>,
    tpu.vector_store %arg15[%swap3A_70, %swap3A_71], %broadcast_in_dim3A_3 {strides = array<i32>} : memref<16x128xf32, #tpu.memory_space<vmem>>, vector<16xf32>,
    %swap3A_73 = arith.constant 2 : i32
    %swap3A_74 = arith.index_cast %swap3A_73 : i32 to index
    %swap3A_75 = arith.constant 16 : index
    %swap3A_76 = tpu.vector_load %arg15[%swap3A_74, %swap3A_75] {strides = array<i32>} : memref<16x128xf32, #tpu.memory_space<vmem>>, vector<16xf32>,
    tpu.vector_store %arg15[%swap3A_74, %swap3A_75], %broadcast_in_dim3A_3 {strides = array<i32>} : memref<16x128xf32, #tpu.memory_space<vmem>>, vector<16xf32>,
    %swap3A_77 = arith.constant 2 : i32
    %swap3A_78 = arith.index_cast %swap3A_77 : i32 to index
    %swap3A_79 = arith.constant 32 : index
    %swap3A_80 = tpu.vector_load %arg15[%swap3A_78, %swap3A_79] {strides = array<i32>} : memref<16x128xf32, #tpu.memory_space<vmem>>, vector<16xf32>,
    tpu.vector_store %arg15[%swap3A_78, %swap3A_79], %broadcast_in_dim3A_3 {strides = array<i32>} : memref<16x128xf32, #tpu.memory_space<vmem>>, vector<16xf32>,
    %swap3A_81 = arith.constant 2 : i32
    %swap3A_82 = arith.index_cast %swap3A_81 : i32 to index
    %swap3A_83 = arith.constant 48 : index
    %swap3A_84 = tpu.vector_load %arg15[%swap3A_82, %swap3A_83] {strides = array<i32>} : memref<16x128xf32, #tpu.memory_space<vmem>>, vector<16xf32>,
    tpu.vector_store %arg15[%swap3A_82, %swap3A_83], %broadcast_in_dim3A_3 {strides = array<i32>} : memref<16x128xf32, #tpu.memory_space<vmem>>, vector<16xf32>,
    %swap3A_85 = arith.constant 2 : i32
    %swap3A_86 = arith.index_cast %swap3A_85 : i32 to index
    %swap3A_87 = arith.constant 64 : index
    %swap3A_88 = tpu.vector_load %arg15[%swap3A_86, %swap3A_87] {strides = array<i32>} : memref<16x128xf32, #tpu.memory_space<vmem>>, vector<16xf32>,
    tpu.vector_store %arg15[%swap3A_86, %swap3A_87], %broadcast_in_dim3A_3 {strides = array<i32>} : memref<16x128xf32, #tpu.memory_space<vmem>>, vector<16xf32>,
    %swap3A_89 = arith.constant 2 : i32
    %swap3A_90 = arith.index_cast %swap3A_89 : i32 to index
    %swap3A_91 = arith.constant 80 : index
    %swap3A_92 = tpu.vector_load %arg15[%swap3A_90, %swap3A_91] {strides = array<i32>} : memref<16x128xf32, #tpu.memory_space<vmem>>, vector<16xf32>,
    tpu.vector_store %arg15[%swap3A_90, %swap3A_91], %broadcast_in_dim3A_3 {strides = array<i32>} : memref<16x128xf32, #tpu.memory_space<vmem>>, vector<16xf32>,
    %swap3A_93 = arith.constant 2 : i32
    %swap3A_94 = arith.index_cast %swap3A_93 : i32 to index
    %swap3A_95 = arith.constant 96 : index
    %swap3A_96 = tpu.vector_load %arg15[%swap3A_94, %swap3A_95] {strides = array<i32>} : memref<16x128xf32, #tpu.memory_space<vmem>>, vector<16xf32>,
    tpu.vector_store %arg15[%swap3A_94, %swap3A_95], %broadcast_in_dim3A_3 {strides = array<i32>} : memref<16x128xf32, #tpu.memory_space<vmem>>, vector<16xf32>,
    %swap3A_97 = arith.constant 2 : i32
    %swap3A_98 = arith.index_cast %swap3A_97 : i32 to index
    %swap3A_99 = arith.constant 112 : index
    %swap3A_100 = tpu.vector_load %arg15[%swap3A_98, %swap3A_99] {strides = array<i32>} : memref<16x128xf32, #tpu.memory_space<vmem>>, vector<16xf32>,
    tpu.vector_store %arg15[%swap3A_98, %swap3A_99], %broadcast_in_dim3A_3 {strides = array<i32>} : memref<16x128xf32, #tpu.memory_space<vmem>>, vector<16xf32>,
    %swap3A_101 = arith.constant 3 : i32
    %swap3A_102 = arith.index_cast %swap3A_101 : i32 to index
    %swap3A_103 = arith.constant 0 : index
    %swap3A_104 = tpu.vector_load %arg15[%swap3A_102, %swap3A_103] {strides = array<i32>} : memref<16x128xf32, #tpu.memory_space<vmem>>, vector<16xf32>,
    tpu.vector_store %arg15[%swap3A_102, %swap3A_103], %broadcast_in_dim3A_3 {strides = array<i32>} : memref<16x128xf32, #tpu.memory_space<vmem>>, vector<16xf32>,
    %swap3A_105 = arith.constant 3 : i32
    %swap3A_106 = arith.index_cast %swap3A_105 : i32 to index
    %swap3A_107 = arith.constant 16 : index
    %swap3A_108 = tpu.vector_load %arg15[%swap3A_106, %swap3A_107] {strides = array<i32>} : memref<16x128xf32, #tpu.memory_space<vmem>>, vector<16xf32>,
    tpu.vector_store %arg15[%swap3A_106, %swap3A_107], %broadcast_in_dim3A_3 {strides = array<i32>} : memref<16x128xf32, #tpu.memory_space<vmem>>, vector<16xf32>,
    %swap3A_109 = arith.constant 3 : i32
    %swap3A_110 = arith.index_cast %swap3A_109 : i32 to index
    %swap3A_111 = arith.constant 32 : index
    %swap3A_112 = tpu.vector_load %arg15[%swap3A_110, %swap3A_111] {strides = array<i32>} : memref<16x128xf32, #tpu.memory_space<vmem>>, vector<16xf32>,
    tpu.vector_store %arg15[%swap3A_110, %swap3A_111], %broadcast_in_dim3A_3 {strides = array<i32>} : memref<16x128xf32, #tpu.memory_space<vmem>>, vector<16xf32>,
    %swap3A_113 = arith.constant 3 : i32
    %swap3A_114 = arith.index_cast %swap3A_113 : i32 to index
    %swap3A_115 = arith.constant 48 : index
    %swap3A_116 = tpu.vector_load %arg15[%swap3A_114, %swap3A_115] {strides = array<i32>} : memref<16x128xf32, #tpu.memory_space<vmem>>, vector<16xf32>,
    tpu.vector_store %arg15[%swap3A_114, %swap3A_115], %broadcast_in_dim3A_3 {strides = array<i32>} : memref<16x128xf32, #tpu.memory_space<vmem>>, vector<16xf32>,
    %swap3A_117 = arith.constant 3 : i32
    %swap3A_118 = arith.index_cast %swap3A_117 : i32 to index
    %swap3A_119 = arith.constant 64 : index
    %swap3A_120 = tpu.vector_load %arg15[%swap3A_118, %swap3A_119] {strides = array<i32>} : memref<16x128xf32, #tpu.memory_space<vmem>>, vector<16xf32>,
    tpu.vector_store %arg15[%swap3A_118, %swap3A_119], %broadcast_in_dim3A_3 {strides = array<i32>} : memref<16x128xf32, #tpu.memory_space<vmem>>, vector<16xf32>,
    %swap3A_121 = arith.constant 3 : i32
    %swap3A_122 = arith.index_cast %swap3A_121 : i32 to index
    %swap3A_123 = arith.constant 80 : index
    %swap3A_124 = tpu.vector_load %arg15[%swap3A_122, %swap3A_123] {strides = array<i32>} : memref<16x128xf32, #tpu.memory_space<vmem>>, vector<16xf32>,
    tpu.vector_store %arg15[%swap3A_122, %swap3A_123], %broadcast_in_dim3A_3 {strides = array<i32>} : memref<16x128xf32, #tpu.memory_space<vmem>>, vector<16xf32>,
    %swap3A_125 = arith.constant 3 : i32
    %swap3A_126 = arith.index_cast %swap3A_125 : i32 to index
    %swap3A_127 = arith.constant 96 : index
    %swap3A_128 = tpu.vector_load %arg15[%swap3A_126, %swap3A_127] {strides = array<i32>} : memref<16x128xf32, #tpu.memory_space<vmem>>, vector<16xf32>,
    tpu.vector_store %arg15[%swap3A_126, %swap3A_127], %broadcast_in_dim3A_3 {strides = array<i32>} : memref<16x128xf32, #tpu.memory_space<vmem>>, vector<16xf32>,
    %swap3A_129 = arith.constant 3 : i32
    %swap3A_130 = arith.index_cast %swap3A_129 : i32 to index
    %swap3A_131 = arith.constant 112 : index
    %swap3A_132 = tpu.vector_load %arg15[%swap3A_130, %swap3A_131] {strides = array<i32>} : memref<16x128xf32, #tpu.memory_space<vmem>>, vector<16xf32>,
    tpu.vector_store %arg15[%swap3A_130, %swap3A_131], %broadcast_in_dim3A_3 {strides = array<i32>} : memref<16x128xf32, #tpu.memory_space<vmem>>, vector<16xf32>,
    %swap3A_133 = arith.constant 4 : i32
    %swap3A_134 = arith.index_cast %swap3A_133 : i32 to index
    %swap3A_135 = arith.constant 0 : index
    %swap3A_136 = tpu.vector_load %arg15[%swap3A_134, %swap3A_135] {strides = array<i32>} : memref<16x128xf32, #tpu.memory_space<vmem>>, vector<16xf32>,
    tpu.vector_store %arg15[%swap3A_134, %swap3A_135], %broadcast_in_dim3A_3 {strides = array<i32>} : memref<16x128xf32, #tpu.memory_space<vmem>>, vector<16xf32>,
    %swap3A_137 = arith.constant 4 : i32
    %swap3A_138 = arith.index_cast %swap3A_137 : i32 to index
    %swap3A_139 = arith.constant 16 : index
    %swap3A_140 = tpu.vector_load %arg15[%swap3A_138, %swap3A_139] {strides = array<i32>} : memref<16x128xf32, #tpu.memory_space<vmem>>, vector<16xf32>,
    tpu.vector_store %arg15[%swap3A_138, %swap3A_139], %broadcast_in_dim3A_3 {strides = array<i32>} : memref<16x128xf32, #tpu.memory_space<vmem>>, vector<16xf32>,
    %swap3A_141 = arith.constant 4 : i32
    %swap3A_142 = arith.index_cast %swap3A_141 : i32 to index
    %swap3A_143 = arith.constant 32 : index
    %swap3A_144 = tpu.vector_load %arg15[%swap3A_142, %swap3A_143] {strides = array<i32>} : memref<16x128xf32, #tpu.memory_space<vmem>>, vector<16xf32>,
    tpu.vector_store %arg15[%swap3A_142, %swap3A_143], %broadcast_in_dim3A_3 {strides = array<i32>} : memref<16x128xf32, #tpu.memory_space<vmem>>, vector<16xf32>,
    %swap3A_145 = arith.constant 4 : i32
    %swap3A_146 = arith.index_cast %swap3A_145 : i32 to index
    %swap3A_147 = arith.constant 48 : index
    %swap3A_148 = tpu.vector_load %arg15[%swap3A_146, %swap3A_147] {strides = array<i32>} : memref<16x128xf32, #tpu.memory_space<vmem>>, vector<16xf32>,
    tpu.vector_store %arg15[%swap3A_146, %swap3A_147], %broadcast_in_dim3A_3 {strides = array<i32>} : memref<16x128xf32, #tpu.memory_space<vmem>>, vector<16xf32>,
    %swap3A_149 = arith.constant 4 : i32
    %swap3A_150 = arith.index_cast %swap3A_149 : i32 to index
    %swap3A_151 = arith.constant 64 : index
    %swap3A_152 = tpu.vector_load %arg15[%swap3A_150, %swap3A_151] {strides = array<i32>} : memref<16x128xf32, #tpu.memory_space<vmem>>, vector<16xf32>,
    tpu.vector_store %arg15[%swap3A_150, %swap3A_151], %broadcast_in_dim3A_3 {strides = array<i32>} : memref<16x128xf32, #tpu.memory_space<vmem>>, vector<16xf32>,
    %swap3A_153 = arith.constant 4 : i32
    %swap3A_154 = arith.index_cast %swap3A_153 : i32 to index
    %swap3A_155 = arith.constant 80 : index
    %swap3A_156 = tpu.vector_load %arg15[%swap3A_154, %swap3A_155] {strides = array<i32>} : memref<16x128xf32, #tpu.memory_space<vmem>>, vector<16xf32>,
    tpu.vector_store %arg15[%swap3A_154, %swap3A_155], %broadcast_in_dim3A_3 {strides = array<i32>} : memref<16x128xf32, #tpu.memory_space<vmem>>, vector<16xf32>,
    %swap3A_157 = arith.constant 4 : i32
    %swap3A_158 = arith.index_cast %swap3A_157 : i32 to index
    %swap3A_159 = arith.constant 96 : index
    %swap3A_160 = tpu.vector_load %arg15[%swap3A_158, %swap3A_159] {strides = array<i32>} : memref<16x128xf32, #tpu.memory_space<vmem>>, vector<16xf32>,
    tpu.vector_store %arg15[%swap3A_158, %swap3A_159], %broadcast_in_dim3A_3 {strides = array<i32>} : memref<16x128xf32, #tpu.memory_space<vmem>>, vector<16xf32>,
    %swap3A_161 = arith.constant 4 : i32
    %swap3A_162 = arith.index_cast %swap3A_161 : i32 to index
    %swap3A_163 = arith.constant 112 : index
    %swap3A_164 = tpu.vector_load %arg15[%swap3A_162, %swap3A_163] {strides = array<i32>} : memref<16x128xf32, #tpu.memory_space<vmem>>, vector<16xf32>,
    tpu.vector_store %arg15[%swap3A_162, %swap3A_163], %broadcast_in_dim3A_3 {strides = array<i32>} : memref<16x128xf32, #tpu.memory_space<vmem>>, vector<16xf32>,
    %swap3A_165 = arith.constant 5 : i32
    %swap3A_166 = arith.index_cast %swap3A_165 : i32 to index
    %swap3A_167 = arith.constant 0 : index
    %swap3A_168 = tpu.vector_load %arg15[%swap3A_166, %swap3A_167] {strides = array<i32>} : memref<16x128xf32, #tpu.memory_space<vmem>>, vector<16xf32>,
    tpu.vector_store %arg15[%swap3A_166, %swap3A_167], %broadcast_in_dim3A_3 {strides = array<i32>} : memref<16x128xf32, #tpu.memory_space<vmem>>, vector<16xf32>,
    %swap3A_169 = arith.constant 5 : i32
    %swap3A_170 = arith.index_cast %swap3A_169 : i32 to index
    %swap3A_171 = arith.constant 16 : index
    %swap3A_172 = tpu.vector_load %arg15[%swap3A_170, %swap3A_171] {strides = array<i32>} : memref<16x128xf32, #tpu.memory_space<vmem>>, vector<16xf32>,
    tpu.vector_store %arg15[%swap3A_170, %swap3A_171], %broadcast_in_dim3A_3 {strides = array<i32>} : memref<16x128xf32, #tpu.memory_space<vmem>>, vector<16xf32>,
    %swap3A_173 = arith.constant 5 : i32
    %swap3A_174 = arith.index_cast %swap3A_173 : i32 to index
    %swap3A_175 = arith.constant 32 : index
    %swap3A_176 = tpu.vector_load %arg15[%swap3A_174, %swap3A_175] {strides = array<i32>} : memref<16x128xf32, #tpu.memory_space<vmem>>, vector<16xf32>,
    tpu.vector_store %arg15[%swap3A_174, %swap3A_175], %broadcast_in_dim3A_3 {strides = array<i32>} : memref<16x128xf32, #tpu.memory_space<vmem>>, vector<16xf32>,
    %swap3A_177 = arith.constant 5 : i32
    %swap3A_178 = arith.index_cast %swap3A_177 : i32 to index
    %swap3A_179 = arith.constant 48 : index
    %swap3A_180 = tpu.vector_load %arg15[%swap3A_178, %swap3A_179] {strides = array<i32>} : memref<16x128xf32, #tpu.memory_space<vmem>>, vector<16xf32>,
    tpu.vector_store %arg15[%swap3A_178, %swap3A_179], %broadcast_in_dim3A_3 {strides = array<i32>} : memref<16x128xf32, #tpu.memory_space<vmem>>, vector<16xf32>,
    %swap3A_181 = arith.constant 5 : i32
    %swap3A_182 = arith.index_cast %swap3A_181 : i32 to index
    %swap3A_183 = arith.constant 64 : index
    %swap3A_184 = tpu.vector_load %arg15[%swap3A_182, %swap3A_183] {strides = array<i32>} : memref<16x128xf32, #tpu.memory_space<vmem>>, vector<16xf32>,
    tpu.vector_store %arg15[%swap3A_182, %swap3A_183], %broadcast_in_dim3A_3 {strides = array<i32>} : memref<16x128xf32, #tpu.memory_space<vmem>>, vector<16xf32>,
    %swap3A_185 = arith.constant 5 : i32
    %swap3A_186 = arith.index_cast %swap3A_185 : i32 to index
    %swap3A_187 = arith.constant 80 : index
    %swap3A_188 = tpu.vector_load %arg15[%swap3A_186, %swap3A_187] {strides = array<i32>} : memref<16x128xf32, #tpu.memory_space<vmem>>, vector<16xf32>,
    tpu.vector_store %arg15[%swap3A_186, %swap3A_187], %broadcast_in_dim3A_3 {strides = array<i32>} : memref<16x128xf32, #tpu.memory_space<vmem>>, vector<16xf32>,
    %swap3A_189 = arith.constant 5 : i32
    %swap3A_190 = arith.index_cast %swap3A_189 : i32 to index
    %swap3A_191 = arith.constant 96 : index
    %swap3A_192 = tpu.vector_load %arg15[%swap3A_190, %swap3A_191] {strides = array<i32>} : memref<16x128xf32, #tpu.memory_space<vmem>>, vector<16xf32>,
    tpu.vector_store %arg15[%swap3A_190, %swap3A_191], %broadcast_in_dim3A_3 {strides = array<i32>} : memref<16x128xf32, #tpu.memory_space<vmem>>, vector<16xf32>,
    %swap3A_193 = arith.constant 5 : i32
    %swap3A_194 = arith.index_cast %swap3A_193 : i32 to index
    %swap3A_195 = arith.constant 112 : index
    %swap3A_196 = tpu.vector_load %arg15[%swap3A_194, %swap3A_195] {strides = array<i32>} : memref<16x128xf32, #tpu.memory_space<vmem>>, vector<16xf32>,
    tpu.vector_store %arg15[%swap3A_194, %swap3A_195], %broadcast_in_dim3A_3 {strides = array<i32>} : memref<16x128xf32, #tpu.memory_space<vmem>>, vector<16xf32>,
    %swap3A_197 = arith.constant 6 : i32
    %swap3A_198 = arith.index_cast %swap3A_197 : i32 to index
    %swap3A_199 = arith.constant 0 : index
    %swap3A_200 = tpu.vector_load %arg15[%swap3A_198, %swap3A_199] {strides = array<i32>} : memref<16x128xf32, #tpu.memory_space<vmem>>, vector<16xf32>,
    tpu.vector_store %arg15[%swap3A_198, %swap3A_199], %broadcast_in_dim3A_3 {strides = array<i32>} : memref<16x128xf32, #tpu.memory_space<vmem>>, vector<16xf32>,
    %swap3A_201 = arith.constant 6 : i32
    %swap3A_202 = arith.index_cast %swap3A_201 : i32 to index
    %swap3A_203 = arith.constant 16 : index
    %swap3A_204 = tpu.vector_load %arg15[%swap3A_202, %swap3A_203] {strides = array<i32>} : memref<16x128xf32, #tpu.memory_space<vmem>>, vector<16xf32>,
    tpu.vector_store %arg15[%swap3A_202, %swap3A_203], %broadcast_in_dim3A_3 {strides = array<i32>} : memref<16x128xf32, #tpu.memory_space<vmem>>, vector<16xf32>,
    %swap3A_205 = arith.constant 6 : i32
    %swap3A_206 = arith.index_cast %swap3A_205 : i32 to index
    %swap3A_207 = arith.constant 32 : index
    %swap3A_208 = tpu.vector_load %arg15[%swap3A_206, %swap3A_207] {strides = array<i32>} : memref<16x128xf32, #tpu.memory_space<vmem>>, vector<16xf32>,
    tpu.vector_store %arg15[%swap3A_206, %swap3A_207], %broadcast_in_dim3A_3 {strides = array<i32>} : memref<16x128xf32, #tpu.memory_space<vmem>>, vector<16xf32>,
    %swap3A_209 = arith.constant 6 : i32
    %swap3A_210 = arith.index_cast %swap3A_209 : i32 to index
    %swap3A_211 = arith.constant 48 : index
    %swap3A_212 = tpu.vector_load %arg15[%swap3A_210, %swap3A_211] {strides = array<i32>} : memref<16x128xf32, #tpu.memory_space<vmem>>, vector<16xf32>,
    tpu.vector_store %arg15[%swap3A_210, %swap3A_211], %broadcast_in_dim3A_3 {strides = array<i32>} : memref<16x128xf32, #tpu.memory_space<vmem>>, vector<16xf32>,
    %swap3A_213 = arith.constant 6 : i32
    %swap3A_214 = arith.index_cast %swap3A_213 : i32 to index
    %swap3A_215 = arith.constant 64 : index
    %swap3A_216 = tpu.vector_load %arg15[%swap3A_214, %swap3A_215] {strides = array<i32>} : memref<16x128xf32, #tpu.memory_space<vmem>>, vector<16xf32>,
    tpu.vector_store %arg15[%swap3A_214, %swap3A_215], %broadcast_in_dim3A_3 {strides = array<i32>} : memref<16x128xf32, #tpu.memory_space<vmem>>, vector<16xf32>,
    %swap3A_217 = arith.constant 6 : i32
    %swap3A_218 = arith.index_cast %swap3A_217 : i32 to index
    %swap3A_219 = arith.constant 80 : index
    %swap3A_220 = tpu.vector_load %arg15[%swap3A_218, %swap3A_219] {strides = array<i32>} : memref<16x128xf32, #tpu.memory_space<vmem>>, vector<16xf32>,
    tpu.vector_store %arg15[%swap3A_218, %swap3A_219], %broadcast_in_dim3A_3 {strides = array<i32>} : memref<16x128xf32, #tpu.memory_space<vmem>>, vector<16xf32>,
    %swap3A_221 = arith.constant 6 : i32
    %swap3A_222 = arith.index_cast %swap3A_221 : i32 to index
    %swap3A_223 = arith.constant 96 : index
    %swap3A_224 = tpu.vector_load %arg15[%swap3A_222, %swap3A_223] {strides = array<i32>} : memref<16x128xf32, #tpu.memory_space<vmem>>, vector<16xf32>,
    tpu.vector_store %arg15[%swap3A_222, %swap3A_223], %broadcast_in_dim3A_3 {strides = array<i32>} : memref<16x128xf32, #tpu.memory_space<vmem>>, vector<16xf32>,
    %swap3A_225 = arith.constant 6 : i32
    %swap3A_226 = arith.index_cast %swap3A_225 : i32 to index
    %swap3A_227 = arith.constant 112 : index
    %swap3A_228 = tpu.vector_load %arg15[%swap3A_226, %swap3A_227] {strides = array<i32>} : memref<16x128xf32, #tpu.memory_space<vmem>>, vector<16xf32>,
    tpu.vector_store %arg15[%swap3A_226, %swap3A_227], %broadcast_in_dim3A_3 {strides = array<i32>} : memref<16x128xf32, #tpu.memory_space<vmem>>, vector<16xf32>,
    %swap3A_229 = arith.constant 7 : i32
    %swap3A_230 = arith.index_cast %swap3A_229 : i32 to index
    %swap3A_231 = arith.constant 0 : index
    %swap3A_232 = tpu.vector_load %arg15[%swap3A_230, %swap3A_231] {strides = array<i32>} : memref<16x128xf32, #tpu.memory_space<vmem>>, vector<16xf32>,
    tpu.vector_store %arg15[%swap3A_230, %swap3A_231], %broadcast_in_dim3A_3 {strides = array<i32>} : memref<16x128xf32, #tpu.memory_space<vmem>>, vector<16xf32>,
    %swap3A_233 = arith.constant 7 : i32
    %swap3A_234 = arith.index_cast %swap3A_233 : i32 to index
    %swap3A_235 = arith.constant 16 : index
    %swap3A_236 = tpu.vector_load %arg15[%swap3A_234, %swap3A_235] {strides = array<i32>} : memref<16x128xf32, #tpu.memory_space<vmem>>, vector<16xf32>,
    tpu.vector_store %arg15[%swap3A_234, %swap3A_235], %broadcast_in_dim3A_3 {strides = array<i32>} : memref<16x128xf32, #tpu.memory_space<vmem>>, vector<16xf32>,
    %swap3A_237 = arith.constant 7 : i32
    %swap3A_238 = arith.index_cast %swap3A_237 : i32 to index
    %swap3A_239 = arith.constant 32 : index
    %swap3A_240 = tpu.vector_load %arg15[%swap3A_238, %swap3A_239] {strides = array<i32>} : memref<16x128xf32, #tpu.memory_space<vmem>>, vector<16xf32>,
    tpu.vector_store %arg15[%swap3A_238, %swap3A_239], %broadcast_in_dim3A_3 {strides = array<i32>} : memref<16x128xf32, #tpu.memory_space<vmem>>, vector<16xf32>,
    %swap3A_241 = arith.constant 7 : i32
    %swap3A_242 = arith.index_cast %swap3A_241 : i32 to index
    %swap3A_243 = arith.constant 48 : index
    %swap3A_244 = tpu.vector_load %arg15[%swap3A_242, %swap3A_243] {strides = array<i32>} : memref<16x128xf32, #tpu.memory_space<vmem>>, vector<16xf32>,
    tpu.vector_store %arg15[%swap3A_242, %swap3A_243], %broadcast_in_dim3A_3 {strides = array<i32>} : memref<16x128xf32, #tpu.memory_space<vmem>>, vector<16xf32>,
    %swap3A_245 = arith.constant 7 : i32
    %swap3A_246 = arith.index_cast %swap3A_245 : i32 to index
    %swap3A_247 = arith.constant 64 : index
    %swap3A_248 = tpu.vector_load %arg15[%swap3A_246, %swap3A_247] {strides = array<i32>} : memref<16x128xf32, #tpu.memory_space<vmem>>, vector<16xf32>,
    tpu.vector_store %arg15[%swap3A_246, %swap3A_247], %broadcast_in_dim3A_3 {strides = array<i32>} : memref<16x128xf32, #tpu.memory_space<vmem>>, vector<16xf32>,
    %swap3A_249 = arith.constant 7 : i32
    %swap3A_250 = arith.index_cast %swap3A_249 : i32 to index
    %swap3A_251 = arith.constant 80 : index
    %swap3A_252 = tpu.vector_load %arg15[%swap3A_250, %swap3A_251] {strides = array<i32>} : memref<16x128xf32, #tpu.memory_space<vmem>>, vector<16xf32>,
    tpu.vector_store %arg15[%swap3A_250, %swap3A_251], %broadcast_in_dim3A_3 {strides = array<i32>} : memref<16x128xf32, #tpu.memory_space<vmem>>, vector<16xf32>,
    %swap3A_253 = arith.constant 7 : i32
    %swap3A_254 = arith.index_cast %swap3A_253 : i32 to index
    %swap3A_255 = arith.constant 96 : index
    %swap3A_256 = tpu.vector_load %arg15[%swap3A_254, %swap3A_255] {strides = array<i32>} : memref<16x128xf32, #tpu.memory_space<vmem>>, vector<16xf32>,
    tpu.vector_store %arg15[%swap3A_254, %swap3A_255], %broadcast_in_dim3A_3 {strides = array<i32>} : memref<16x128xf32, #tpu.memory_space<vmem>>, vector<16xf32>,
    %swap3A_257 = arith.constant 7 : i32
    %swap3A_258 = arith.index_cast %swap3A_257 : i32 to index
    %swap3A_259 = arith.constant 112 : index
    %swap3A_260 = tpu.vector_load %arg15[%swap3A_258, %swap3A_259] {strides = array<i32>} : memref<16x128xf32, #tpu.memory_space<vmem>>, vector<16xf32>,
    tpu.vector_store %arg15[%swap3A_258, %swap3A_259], %broadcast_in_dim3A_3 {strides = array<i32>} : memref<16x128xf32, #tpu.memory_space<vmem>>, vector<16xf32>,
    %swap3A_261 = arith.constant 8 : i32
    %swap3A_262 = arith.index_cast %swap3A_261 : i32 to index
    %swap3A_263 = arith.constant 0 : index
    %swap3A_264 = tpu.vector_load %arg15[%swap3A_262, %swap3A_263] {strides = array<i32>} : memref<16x128xf32, #tpu.memory_space<vmem>>, vector<16xf32>,
    tpu.vector_store %arg15[%swap3A_262, %swap3A_263], %broadcast_in_dim3A_3 {strides = array<i32>} : memref<16x128xf32, #tpu.memory_space<vmem>>, vector<16xf32>,
    %swap3A_265 = arith.constant 8 : i32
    %swap3A_266 = arith.index_cast %swap3A_265 : i32 to index
    %swap3A_267 = arith.constant 16 : index
    %swap3A_268 = tpu.vector_load %arg15[%swap3A_266, %swap3A_267] {strides = array<i32>} : memref<16x128xf32, #tpu.memory_space<vmem>>, vector<16xf32>,
    tpu.vector_store %arg15[%swap3A_266, %swap3A_267], %broadcast_in_dim3A_3 {strides = array<i32>} : memref<16x128xf32, #tpu.memory_space<vmem>>, vector<16xf32>,
    %swap3A_269 = arith.constant 8 : i32
    %swap3A_270 = arith.index_cast %swap3A_269 : i32 to index
    %swap3A_271 = arith.constant 32 : index
    %swap3A_272 = tpu.vector_load %arg15[%swap3A_270, %swap3A_271] {strides = array<i32>} : memref<16x128xf32, #tpu.memory_space<vmem>>, vector<16xf32>,
    tpu.vector_store %arg15[%swap3A_270, %swap3A_271], %broadcast_in_dim3A_3 {strides = array<i32>} : memref<16x128xf32, #tpu.memory_space<vmem>>, vector<16xf32>,
    %swap3A_273 = arith.constant 8 : i32
    %swap3A_274 = arith.index_cast %swap3A_273 : i32 to index
    %swap3A_275 = arith.constant 48 : index
    %swap3A_276 = tpu.vector_load %arg15[%swap3A_274, %swap3A_275] {strides = array<i32>} : memref<16x128xf32, #tpu.memory_space<vmem>>, vector<16xf32>,
    tpu.vector_store %arg15[%swap3A_274, %swap3A_275], %broadcast_in_dim3A_3 {strides = array<i32>} : memref<16x128xf32, #tpu.memory_space<vmem>>, vector<16xf32>,
    %swap3A_277 = arith.constant 8 : i32
    %swap3A_278 = arith.index_cast %swap3A_277 : i32 to index
    %swap3A_279 = arith.constant 64 : index
    %swap3A_280 = tpu.vector_load %arg15[%swap3A_278, %swap3A_279] {strides = array<i32>} : memref<16x128xf32, #tpu.memory_space<vmem>>, vector<16xf32>,
    tpu.vector_store %arg15[%swap3A_278, %swap3A_279], %broadcast_in_dim3A_3 {strides = array<i32>} : memref<16x128xf32, #tpu.memory_space<vmem>>, vector<16xf32>,
    %swap3A_281 = arith.constant 8 : i32
    %swap3A_282 = arith.index_cast %swap3A_281 : i32 to index
    %swap3A_283 = arith.constant 80 : index
    %swap3A_284 = tpu.vector_load %arg15[%swap3A_282, %swap3A_283] {strides = array<i32>} : memref<16x128xf32, #tpu.memory_space<vmem>>, vector<16xf32>,
    tpu.vector_store %arg15[%swap3A_282, %swap3A_283], %broadcast_in_dim3A_3 {strides = array<i32>} : memref<16x128xf32, #tpu.memory_space<vmem>>, vector<16xf32>,
    %swap3A_285 = arith.constant 8 : i32
    %swap3A_286 = arith.index_cast %swap3A_285 : i32 to index
    %swap3A_287 = arith.constant 96 : index
    %swap3A_288 = tpu.vector_load %arg15[%swap3A_286, %swap3A_287] {strides = array<i32>} : memref<16x128xf32, #tpu.memory_space<vmem>>, vector<16xf32>,
    tpu.vector_store %arg15[%swap3A_286, %swap3A_287], %broadcast_in_dim3A_3 {strides = array<i32>} : memref<16x128xf32, #tpu.memory_space<vmem>>, vector<16xf32>,
    %swap3A_289 = arith.constant 8 : i32
    %swap3A_290 = arith.index_cast %swap3A_289 : i32 to index
    %swap3A_291 = arith.constant 112 : index
    %swap3A_292 = tpu.vector_load %arg15[%swap3A_290, %swap3A_291] {strides = array<i32>} : memref<16x128xf32, #tpu.memory_space<vmem>>, vector<16xf32>,
    tpu.vector_store %arg15[%swap3A_290, %swap3A_291], %broadcast_in_dim3A_3 {strides = array<i32>} : memref<16x128xf32, #tpu.memory_space<vmem>>, vector<16xf32>,
    %swap3A_293 = arith.constant 9 : i32
    %swap3A_294 = arith.index_cast %swap3A_293 : i32 to index
    %swap3A_295 = arith.constant 0 : index
    %swap3A_296 = tpu.vector_load %arg15[%swap3A_294, %swap3A_295] {strides = array<i32>} : memref<16x128xf32, #tpu.memory_space<vmem>>, vector<16xf32>,
    tpu.vector_store %arg15[%swap3A_294, %swap3A_295], %broadcast_in_dim3A_3 {strides = array<i32>} : memref<16x128xf32, #tpu.memory_space<vmem>>, vector<16xf32>,
    %swap3A_297 = arith.constant 9 : i32
    %swap3A_298 = arith.index_cast %swap3A_297 : i32 to index
    %swap3A_299 = arith.constant 16 : index
    %swap3A_300 = tpu.vector_load %arg15[%swap3A_298, %swap3A_299] {strides = array<i32>} : memref<16x128xf32, #tpu.memory_space<vmem>>, vector<16xf32>,
    tpu.vector_store %arg15[%swap3A_298, %swap3A_299], %broadcast_in_dim3A_3 {strides = array<i32>} : memref<16x128xf32, #tpu.memory_space<vmem>>, vector<16xf32>,
    %swap3A_301 = arith.constant 9 : i32
    %swap3A_302 = arith.index_cast %swap3A_301 : i32 to index
    %swap3A_303 = arith.constant 32 : index
    %swap3A_304 = tpu.vector_load %arg15[%swap3A_302, %swap3A_303] {strides = array<i32>} : memref<16x128xf32, #tpu.memory_space<vmem>>, vector<16xf32>,
    tpu.vector_store %arg15[%swap3A_302, %swap3A_303], %broadcast_in_dim3A_3 {strides = array<i32>} : memref<16x128xf32, #tpu.memory_space<vmem>>, vector<16xf32>,
    %swap3A_305 = arith.constant 9 : i32
    %swap3A_306 = arith.index_cast %swap3A_305 : i32 to index
    %swap3A_307 = arith.constant 48 : index
    %swap3A_308 = tpu.vector_load %arg15[%swap3A_306, %swap3A_307] {strides = array<i32>} : memref<16x128xf32, #tpu.memory_space<vmem>>, vector<16xf32>,
    tpu.vector_store %arg15[%swap3A_306, %swap3A_307], %broadcast_in_dim3A_3 {strides = array<i32>} : memref<16x128xf32, #tpu.memory_space<vmem>>, vector<16xf32>,
    %swap3A_309 = arith.constant 9 : i32
    %swap3A_310 = arith.index_cast %swap3A_309 : i32 to index
    %swap3A_311 = arith.constant 64 : index
    %swap3A_312 = tpu.vector_load %arg15[%swap3A_310, %swap3A_311] {strides = array<i32>} : memref<16x128xf32, #tpu.memory_space<vmem>>, vector<16xf32>,
    tpu.vector_store %arg15[%swap3A_310, %swap3A_311], %broadcast_in_dim3A_3 {strides = array<i32>} : memref<16x128xf32, #tpu.memory_space<vmem>>, vector<16xf32>,
    %swap3A_313 = arith.constant 9 : i32
    %swap3A_314 = arith.index_cast %swap3A_313 : i32 to index
    %swap3A_315 = arith.constant 80 : index
    %swap3A_316 = tpu.vector_load %arg15[%swap3A_314, %swap3A_315] {strides = array<i32>} : memref<16x128xf32, #tpu.memory_space<vmem>>, vector<16xf32>,
    tpu.vector_store %arg15[%swap3A_314, %swap3A_315], %broadcast_in_dim3A_3 {strides = array<i32>} : memref<16x128xf32, #tpu.memory_space<vmem>>, vector<16xf32>,
    %swap3A_317 = arith.constant 9 : i32
    %swap3A_318 = arith.index_cast %swap3A_317 : i32 to index
    %swap3A_319 = arith.constant 96 : index
    %swap3A_320 = tpu.vector_load %arg15[%swap3A_318, %swap3A_319] {strides = array<i32>} : memref<16x128xf32, #tpu.memory_space<vmem>>, vector<16xf32>,
    tpu.vector_store %arg15[%swap3A_318, %swap3A_319], %broadcast_in_dim3A_3 {strides = array<i32>} : memref<16x128xf32, #tpu.memory_space<vmem>>, vector<16xf32>,
    %swap3A_321 = arith.constant 9 : i32
    %swap3A_322 = arith.index_cast %swap3A_321 : i32 to index
    %swap3A_323 = arith.constant 112 : index
    %swap3A_324 = tpu.vector_load %arg15[%swap3A_322, %swap3A_323] {strides = array<i32>} : memref<16x128xf32, #tpu.memory_space<vmem>>, vector<16xf32>,
    tpu.vector_store %arg15[%swap3A_322, %swap3A_323], %broadcast_in_dim3A_3 {strides = array<i32>} : memref<16x128xf32, #tpu.memory_space<vmem>>, vector<16xf32>,
    %swap3A_325 = arith.constant 10 : i32
    %swap3A_326 = arith.index_cast %swap3A_325 : i32 to index
    %swap3A_327 = arith.constant 0 : index
    %swap3A_328 = tpu.vector_load %arg15[%swap3A_326, %swap3A_327] {strides = array<i32>} : memref<16x128xf32, #tpu.memory_space<vmem>>, vector<16xf32>,
    tpu.vector_store %arg15[%swap3A_326, %swap3A_327], %broadcast_in_dim3A_3 {strides = array<i32>} : memref<16x128xf32, #tpu.memory_space<vmem>>, vector<16xf32>,
    %swap3A_329 = arith.constant 10 : i32
    %swap3A_330 = arith.index_cast %swap3A_329 : i32 to index
    %swap3A_331 = arith.constant 16 : index
    %swap3A_332 = tpu.vector_load %arg15[%swap3A_330, %swap3A_331] {strides = array<i32>} : memref<16x128xf32, #tpu.memory_space<vmem>>, vector<16xf32>,
    tpu.vector_store %arg15[%swap3A_330, %swap3A_331], %broadcast_in_dim3A_3 {strides = array<i32>} : memref<16x128xf32, #tpu.memory_space<vmem>>, vector<16xf32>,
    %swap3A_333 = arith.constant 10 : i32
    %swap3A_334 = arith.index_cast %swap3A_333 : i32 to index
    %swap3A_335 = arith.constant 32 : index
    %swap3A_336 = tpu.vector_load %arg15[%swap3A_334, %swap3A_335] {strides = array<i32>} : memref<16x128xf32, #tpu.memory_space<vmem>>, vector<16xf32>,
    tpu.vector_store %arg15[%swap3A_334, %swap3A_335], %broadcast_in_dim3A_3 {strides = array<i32>} : memref<16x128xf32, #tpu.memory_space<vmem>>, vector<16xf32>,
    %swap3A_337 = arith.constant 10 : i32
    %swap3A_338 = arith.index_cast %swap3A_337 : i32 to index
    %swap3A_339 = arith.constant 48 : index
    %swap3A_340 = tpu.vector_load %arg15[%swap3A_338, %swap3A_339] {strides = array<i32>} : memref<16x128xf32, #tpu.memory_space<vmem>>, vector<16xf32>,
    tpu.vector_store %arg15[%swap3A_338, %swap3A_339], %broadcast_in_dim3A_3 {strides = array<i32>} : memref<16x128xf32, #tpu.memory_space<vmem>>, vector<16xf32>,
    %swap3A_341 = arith.constant 10 : i32
    %swap3A_342 = arith.index_cast %swap3A_341 : i32 to index
    %swap3A_343 = arith.constant 64 : index
    %swap3A_344 = tpu.vector_load %arg15[%swap3A_342, %swap3A_343] {strides = array<i32>} : memref<16x128xf32, #tpu.memory_space<vmem>>, vector<16xf32>,
    tpu.vector_store %arg15[%swap3A_342, %swap3A_343], %broadcast_in_dim3A_3 {strides = array<i32>} : memref<16x128xf32, #tpu.memory_space<vmem>>, vector<16xf32>,
    %swap3A_345 = arith.constant 10 : i32
    %swap3A_346 = arith.index_cast %swap3A_345 : i32 to index
    %swap3A_347 = arith.constant 80 : index
    %swap3A_348 = tpu.vector_load %arg15[%swap3A_346, %swap3A_347] {strides = array<i32>} : memref<16x128xf32, #tpu.memory_space<vmem>>, vector<16xf32>,
    tpu.vector_store %arg15[%swap3A_346, %swap3A_347], %broadcast_in_dim3A_3 {strides = array<i32>} : memref<16x128xf32, #tpu.memory_space<vmem>>, vector<16xf32>,
    %swap3A_349 = arith.constant 10 : i32
    %swap3A_350 = arith.index_cast %swap3A_349 : i32 to index
    %swap3A_351 = arith.constant 96 : index
    %swap3A_352 = tpu.vector_load %arg15[%swap3A_350, %swap3A_351] {strides = array<i32>} : memref<16x128xf32, #tpu.memory_space<vmem>>, vector<16xf32>,
    tpu.vector_store %arg15[%swap3A_350, %swap3A_351], %broadcast_in_dim3A_3 {strides = array<i32>} : memref<16x128xf32, #tpu.memory_space<vmem>>, vector<16xf32>,
    %swap3A_353 = arith.constant 10 : i32
    %swap3A_354 = arith.index_cast %swap3A_353 : i32 to index
    %swap3A_355 = arith.constant 112 : index
    %swap3A_356 = tpu.vector_load %arg15[%swap3A_354, %swap3A_355] {strides = array<i32>} : memref<16x128xf32, #tpu.memory_space<vmem>>, vector<16xf32>,
    tpu.vector_store %arg15[%swap3A_354, %swap3A_355], %broadcast_in_dim3A_3 {strides = array<i32>} : memref<16x128xf32, #tpu.memory_space<vmem>>, vector<16xf32>,
    %swap3A_357 = arith.constant 11 : i32
    %swap3A_358 = arith.index_cast %swap3A_357 : i32 to index
    %swap3A_359 = arith.constant 0 : index
    %swap3A_360 = tpu.vector_load %arg15[%swap3A_358, %swap3A_359] {strides = array<i32>} : memref<16x128xf32, #tpu.memory_space<vmem>>, vector<16xf32>,
    tpu.vector_store %arg15[%swap3A_358, %swap3A_359], %broadcast_in_dim3A_3 {strides = array<i32>} : memref<16x128xf32, #tpu.memory_space<vmem>>, vector<16xf32>,
    %swap3A_361 = arith.constant 11 : i32
    %swap3A_362 = arith.index_cast %swap3A_361 : i32 to index
    %swap3A_363 = arith.constant 16 : index
    %swap3A_364 = tpu.vector_load %arg15[%swap3A_362, %swap3A_363] {strides = array<i32>} : memref<16x128xf32, #tpu.memory_space<vmem>>, vector<16xf32>,
    tpu.vector_store %arg15[%swap3A_362, %swap3A_363], %broadcast_in_dim3A_3 {strides = array<i32>} : memref<16x128xf32, #tpu.memory_space<vmem>>, vector<16xf32>,
    %swap3A_365 = arith.constant 11 : i32
    %swap3A_366 = arith.index_cast %swap3A_365 : i32 to index
    %swap3A_367 = arith.constant 32 : index
    %swap3A_368 = tpu.vector_load %arg15[%swap3A_366, %swap3A_367] {strides = array<i32>} : memref<16x128xf32, #tpu.memory_space<vmem>>, vector<16xf32>,
    tpu.vector_store %arg15[%swap3A_366, %swap3A_367], %broadcast_in_dim3A_3 {strides = array<i32>} : memref<16x128xf32, #tpu.memory_space<vmem>>, vector<16xf32>,
    %swap3A_369 = arith.constant 11 : i32
    %swap3A_370 = arith.index_cast %swap3A_369 : i32 to index
    %swap3A_371 = arith.constant 48 : index
    %swap3A_372 = tpu.vector_load %arg15[%swap3A_370, %swap3A_371] {strides = array<i32>} : memref<16x128xf32, #tpu.memory_space<vmem>>, vector<16xf32>,
    tpu.vector_store %arg15[%swap3A_370, %swap3A_371], %broadcast_in_dim3A_3 {strides = array<i32>} : memref<16x128xf32, #tpu.memory_space<vmem>>, vector<16xf32>,
    %swap3A_373 = arith.constant 11 : i32
    %swap3A_374 = arith.index_cast %swap3A_373 : i32 to index
    %swap3A_375 = arith.constant 64 : index
    %swap3A_376 = tpu.vector_load %arg15[%swap3A_374, %swap3A_375] {strides = array<i32>} : memref<16x128xf32, #tpu.memory_space<vmem>>, vector<16xf32>,
    tpu.vector_store %arg15[%swap3A_374, %swap3A_375], %broadcast_in_dim3A_3 {strides = array<i32>} : memref<16x128xf32, #tpu.memory_space<vmem>>, vector<16xf32>,
    %swap3A_377 = arith.constant 11 : i32
    %swap3A_378 = arith.index_cast %swap3A_377 : i32 to index
    %swap3A_379 = arith.constant 80 : index
    %swap3A_380 = tpu.vector_load %arg15[%swap3A_378, %swap3A_379] {strides = array<i32>} : memref<16x128xf32, #tpu.memory_space<vmem>>, vector<16xf32>,
    tpu.vector_store %arg15[%swap3A_378, %swap3A_379], %broadcast_in_dim3A_3 {strides = array<i32>} : memref<16x128xf32, #tpu.memory_space<vmem>>, vector<16xf32>,
    %swap3A_381 = arith.constant 11 : i32
    %swap3A_382 = arith.index_cast %swap3A_381 : i32 to index
    %swap3A_383 = arith.constant 96 : index
    %swap3A_384 = tpu.vector_load %arg15[%swap3A_382, %swap3A_383] {strides = array<i32>} : memref<16x128xf32, #tpu.memory_space<vmem>>, vector<16xf32>,
    tpu.vector_store %arg15[%swap3A_382, %swap3A_383], %broadcast_in_dim3A_3 {strides = array<i32>} : memref<16x128xf32, #tpu.memory_space<vmem>>, vector<16xf32>,
    %swap3A_385 = arith.constant 11 : i32
    %swap3A_386 = arith.index_cast %swap3A_385 : i32 to index
    %swap3A_387 = arith.constant 112 : index
    %swap3A_388 = tpu.vector_load %arg15[%swap3A_386, %swap3A_387] {strides = array<i32>} : memref<16x128xf32, #tpu.memory_space<vmem>>, vector<16xf32>,
    tpu.vector_store %arg15[%swap3A_386, %swap3A_387], %broadcast_in_dim3A_3 {strides = array<i32>} : memref<16x128xf32, #tpu.memory_space<vmem>>, vector<16xf32>,
    %swap3A_389 = arith.constant 12 : i32
    %swap3A_390 = arith.index_cast %swap3A_389 : i32 to index
    %swap3A_391 = arith.constant 0 : index
    %swap3A_392 = tpu.vector_load %arg15[%swap3A_390, %swap3A_391] {strides = array<i32>} : memref<16x128xf32, #tpu.memory_space<vmem>>, vector<16xf32>,
    tpu.vector_store %arg15[%swap3A_390, %swap3A_391], %broadcast_in_dim3A_3 {strides = array<i32>} : memref<16x128xf32, #tpu.memory_space<vmem>>, vector<16xf32>,
    %swap3A_393 = arith.constant 12 : i32
    %swap3A_394 = arith.index_cast %swap3A_393 : i32 to index
    %swap3A_395 = arith.constant 16 : index
    %swap3A_396 = tpu.vector_load %arg15[%swap3A_394, %swap3A_395] {strides = array<i32>} : memref<16x128xf32, #tpu.memory_space<vmem>>, vector<16xf32>,
    tpu.vector_store %arg15[%swap3A_394, %swap3A_395], %broadcast_in_dim3A_3 {strides = array<i32>} : memref<16x128xf32, #tpu.memory_space<vmem>>, vector<16xf32>,
    %swap3A_397 = arith.constant 12 : i32
    %swap3A_398 = arith.index_cast %swap3A_397 : i32 to index
    %swap3A_399 = arith.constant 32 : index
    %swap3A_400 = tpu.vector_load %arg15[%swap3A_398, %swap3A_399] {strides = array<i32>} : memref<16x128xf32, #tpu.memory_space<vmem>>, vector<16xf32>,
    tpu.vector_store %arg15[%swap3A_398, %swap3A_399], %broadcast_in_dim3A_3 {strides = array<i32>} : memref<16x128xf32, #tpu.memory_space<vmem>>, vector<16xf32>,
    %swap3A_401 = arith.constant 12 : i32
    %swap3A_402 = arith.index_cast %swap3A_401 : i32 to index
    %swap3A_403 = arith.constant 48 : index
    %swap3A_404 = tpu.vector_load %arg15[%swap3A_402, %swap3A_403] {strides = array<i32>} : memref<16x128xf32, #tpu.memory_space<vmem>>, vector<16xf32>,
    tpu.vector_store %arg15[%swap3A_402, %swap3A_403], %broadcast_in_dim3A_3 {strides = array<i32>} : memref<16x128xf32, #tpu.memory_space<vmem>>, vector<16xf32>,
    %swap3A_405 = arith.constant 12 : i32
    %swap3A_406 = arith.index_cast %swap3A_405 : i32 to index
    %swap3A_407 = arith.constant 64 : index
    %swap3A_408 = tpu.vector_load %arg15[%swap3A_406, %swap3A_407] {strides = array<i32>} : memref<16x128xf32, #tpu.memory_space<vmem>>, vector<16xf32>,
    tpu.vector_store %arg15[%swap3A_406, %swap3A_407], %broadcast_in_dim3A_3 {strides = array<i32>} : memref<16x128xf32, #tpu.memory_space<vmem>>, vector<16xf32>,
    %swap3A_409 = arith.constant 12 : i32
    %swap3A_410 = arith.index_cast %swap3A_409 : i32 to index
    %swap3A_411 = arith.constant 80 : index
    %swap3A_412 = tpu.vector_load %arg15[%swap3A_410, %swap3A_411] {strides = array<i32>} : memref<16x128xf32, #tpu.memory_space<vmem>>, vector<16xf32>,
    tpu.vector_store %arg15[%swap3A_410, %swap3A_411], %broadcast_in_dim3A_3 {strides = array<i32>} : memref<16x128xf32, #tpu.memory_space<vmem>>, vector<16xf32>,
    %swap3A_413 = arith.constant 12 : i32
    %swap3A_414 = arith.index_cast %swap3A_413 : i32 to index
    %swap3A_415 = arith.constant 96 : index
    %swap3A_416 = tpu.vector_load %arg15[%swap3A_414, %swap3A_415] {strides = array<i32>} : memref<16x128xf32, #tpu.memory_space<vmem>>, vector<16xf32>,
    tpu.vector_store %arg15[%swap3A_414, %swap3A_415], %broadcast_in_dim3A_3 {strides = array<i32>} : memref<16x128xf32, #tpu.memory_space<vmem>>, vector<16xf32>,
    %swap3A_417 = arith.constant 12 : i32
    %swap3A_418 = arith.index_cast %swap3A_417 : i32 to index
    %swap3A_419 = arith.constant 112 : index
    %swap3A_420 = tpu.vector_load %arg15[%swap3A_418, %swap3A_419] {strides = array<i32>} : memref<16x128xf32, #tpu.memory_space<vmem>>, vector<16xf32>,
    tpu.vector_store %arg15[%swap3A_418, %swap3A_419], %broadcast_in_dim3A_3 {strides = array<i32>} : memref<16x128xf32, #tpu.memory_space<vmem>>, vector<16xf32>,
    %swap3A_421 = arith.constant 13 : i32
    %swap3A_422 = arith.index_cast %swap3A_421 : i32 to index
    %swap3A_423 = arith.constant 0 : index
    %swap3A_424 = tpu.vector_load %arg15[%swap3A_422, %swap3A_423] {strides = array<i32>} : memref<16x128xf32, #tpu.memory_space<vmem>>, vector<16xf32>,
    tpu.vector_store %arg15[%swap3A_422, %swap3A_423], %broadcast_in_dim3A_3 {strides = array<i32>} : memref<16x128xf32, #tpu.memory_space<vmem>>, vector<16xf32>,
    %swap3A_425 = arith.constant 13 : i32
    %swap3A_426 = arith.index_cast %swap3A_425 : i32 to index
    %swap3A_427 = arith.constant 16 : index
    %swap3A_428 = tpu.vector_load %arg15[%swap3A_426, %swap3A_427] {strides = array<i32>} : memref<16x128xf32, #tpu.memory_space<vmem>>, vector<16xf32>,
    tpu.vector_store %arg15[%swap3A_426, %swap3A_427], %broadcast_in_dim3A_3 {strides = array<i32>} : memref<16x128xf32, #tpu.memory_space<vmem>>, vector<16xf32>,
    %swap3A_429 = arith.constant 13 : i32
    %swap3A_430 = arith.index_cast %swap3A_429 : i32 to index
    %swap3A_431 = arith.constant 32 : index
    %swap3A_432 = tpu.vector_load %arg15[%swap3A_430, %swap3A_431] {strides = array<i32>} : memref<16x128xf32, #tpu.memory_space<vmem>>, vector<16xf32>,
    tpu.vector_store %arg15[%swap3A_430, %swap3A_431], %broadcast_in_dim3A_3 {strides = array<i32>} : memref<16x128xf32, #tpu.memory_space<vmem>>, vector<16xf32>,
    %swap3A_433 = arith.constant 13 : i32
    %swap3A_434 = arith.index_cast %swap3A_433 : i32 to index
    %swap3A_435 = arith.constant 48 : index
    %swap3A_436 = tpu.vector_load %arg15[%swap3A_434, %swap3A_435] {strides = array<i32>} : memref<16x128xf32, #tpu.memory_space<vmem>>, vector<16xf32>,
    tpu.vector_store %arg15[%swap3A_434, %swap3A_435], %broadcast_in_dim3A_3 {strides = array<i32>} : memref<16x128xf32, #tpu.memory_space<vmem>>, vector<16xf32>,
    %swap3A_437 = arith.constant 13 : i32
    %swap3A_438 = arith.index_cast %swap3A_437 : i32 to index
    %swap3A_439 = arith.constant 64 : index
    %swap3A_440 = tpu.vector_load %arg15[%swap3A_438, %swap3A_439] {strides = array<i32>} : memref<16x128xf32, #tpu.memory_space<vmem>>, vector<16xf32>,
    tpu.vector_store %arg15[%swap3A_438, %swap3A_439], %broadcast_in_dim3A_3 {strides = array<i32>} : memref<16x128xf32, #tpu.memory_space<vmem>>, vector<16xf32>,
    %swap3A_441 = arith.constant 13 : i32
    %swap3A_442 = arith.index_cast %swap3A_441 : i32 to index
    %swap3A_443 = arith.constant 80 : index
    %swap3A_444 = tpu.vector_load %arg15[%swap3A_442, %swap3A_443] {strides = array<i32>} : memref<16x128xf32, #tpu.memory_space<vmem>>, vector<16xf32>,
    tpu.vector_store %arg15[%swap3A_442, %swap3A_443], %broadcast_in_dim3A_3 {strides = array<i32>} : memref<16x128xf32, #tpu.memory_space<vmem>>, vector<16xf32>,
    %swap3A_445 = arith.constant 13 : i32
    %swap3A_446 = arith.index_cast %swap3A_445 : i32 to index
    %swap3A_447 = arith.constant 96 : index
    %swap3A_448 = tpu.vector_load %arg15[%swap3A_446, %swap3A_447] {strides = array<i32>} : memref<16x128xf32, #tpu.memory_space<vmem>>, vector<16xf32>,
    tpu.vector_store %arg15[%swap3A_446, %swap3A_447], %broadcast_in_dim3A_3 {strides = array<i32>} : memref<16x128xf32, #tpu.memory_space<vmem>>, vector<16xf32>,
    %swap3A_449 = arith.constant 13 : i32
    %swap3A_450 = arith.index_cast %swap3A_449 : i32 to index
    %swap3A_451 = arith.constant 112 : index
    %swap3A_452 = tpu.vector_load %arg15[%swap3A_450, %swap3A_451] {strides = array<i32>} : memref<16x128xf32, #tpu.memory_space<vmem>>, vector<16xf32>,
    tpu.vector_store %arg15[%swap3A_450, %swap3A_451], %broadcast_in_dim3A_3 {strides = array<i32>} : memref<16x128xf32, #tpu.memory_space<vmem>>, vector<16xf32>,
    %swap3A_453 = arith.constant 14 : i32
    %swap3A_454 = arith.index_cast %swap3A_453 : i32 to index
    %swap3A_455 = arith.constant 0 : index
    %swap3A_456 = tpu.vector_load %arg15[%swap3A_454, %swap3A_455] {strides = array<i32>} : memref<16x128xf32, #tpu.memory_space<vmem>>, vector<16xf32>,
    tpu.vector_store %arg15[%swap3A_454, %swap3A_455], %broadcast_in_dim3A_3 {strides = array<i32>} : memref<16x128xf32, #tpu.memory_space<vmem>>, vector<16xf32>,
    %swap3A_457 = arith.constant 14 : i32
    %swap3A_458 = arith.index_cast %swap3A_457 : i32 to index
    %swap3A_459 = arith.constant 16 : index
    %swap3A_460 = tpu.vector_load %arg15[%swap3A_458, %swap3A_459] {strides = array<i32>} : memref<16x128xf32, #tpu.memory_space<vmem>>, vector<16xf32>,
    tpu.vector_store %arg15[%swap3A_458, %swap3A_459], %broadcast_in_dim3A_3 {strides = array<i32>} : memref<16x128xf32, #tpu.memory_space<vmem>>, vector<16xf32>,
    %swap3A_461 = arith.constant 14 : i32
    %swap3A_462 = arith.index_cast %swap3A_461 : i32 to index
    %swap3A_463 = arith.constant 32 : index
    %swap3A_464 = tpu.vector_load %arg15[%swap3A_462, %swap3A_463] {strides = array<i32>} : memref<16x128xf32, #tpu.memory_space<vmem>>, vector<16xf32>,
    tpu.vector_store %arg15[%swap3A_462, %swap3A_463], %broadcast_in_dim3A_3 {strides = array<i32>} : memref<16x128xf32, #tpu.memory_space<vmem>>, vector<16xf32>,
    %swap3A_465 = arith.constant 14 : i32
    %swap3A_466 = arith.index_cast %swap3A_465 : i32 to index
    %swap3A_467 = arith.constant 48 : index
    %swap3A_468 = tpu.vector_load %arg15[%swap3A_466, %swap3A_467] {strides = array<i32>} : memref<16x128xf32, #tpu.memory_space<vmem>>, vector<16xf32>,
    tpu.vector_store %arg15[%swap3A_466, %swap3A_467], %broadcast_in_dim3A_3 {strides = array<i32>} : memref<16x128xf32, #tpu.memory_space<vmem>>, vector<16xf32>,
    %swap3A_469 = arith.constant 14 : i32
    %swap3A_470 = arith.index_cast %swap3A_469 : i32 to index
    %swap3A_471 = arith.constant 64 : index
    %swap3A_472 = tpu.vector_load %arg15[%swap3A_470, %swap3A_471] {strides = array<i32>} : memref<16x128xf32, #tpu.memory_space<vmem>>, vector<16xf32>,
    tpu.vector_store %arg15[%swap3A_470, %swap3A_471], %broadcast_in_dim3A_3 {strides = array<i32>} : memref<16x128xf32, #tpu.memory_space<vmem>>, vector<16xf32>,
    %swap3A_473 = arith.constant 14 : i32
    %swap3A_474 = arith.index_cast %swap3A_473 : i32 to index
    %swap3A_475 = arith.constant 80 : index
    %swap3A_476 = tpu.vector_load %arg15[%swap3A_474, %swap3A_475] {strides = array<i32>} : memref<16x128xf32, #tpu.memory_space<vmem>>, vector<16xf32>,
    tpu.vector_store %arg15[%swap3A_474, %swap3A_475], %broadcast_in_dim3A_3 {strides = array<i32>} : memref<16x128xf32, #tpu.memory_space<vmem>>, vector<16xf32>,
    %swap3A_477 = arith.constant 14 : i32
    %swap3A_478 = arith.index_cast %swap3A_477 : i32 to index
    %swap3A_479 = arith.constant 96 : index
    %swap3A_480 = tpu.vector_load %arg15[%swap3A_478, %swap3A_479] {strides = array<i32>} : memref<16x128xf32, #tpu.memory_space<vmem>>, vector<16xf32>,
    tpu.vector_store %arg15[%swap3A_478, %swap3A_479], %broadcast_in_dim3A_3 {strides = array<i32>} : memref<16x128xf32, #tpu.memory_space<vmem>>, vector<16xf32>,
    %swap3A_481 = arith.constant 14 : i32
    %swap3A_482 = arith.index_cast %swap3A_481 : i32 to index
    %swap3A_483 = arith.constant 112 : index
    %swap3A_484 = tpu.vector_load %arg15[%swap3A_482, %swap3A_483] {strides = array<i32>} : memref<16x128xf32, #tpu.memory_space<vmem>>, vector<16xf32>,
    tpu.vector_store %arg15[%swap3A_482, %swap3A_483], %broadcast_in_dim3A_3 {strides = array<i32>} : memref<16x128xf32, #tpu.memory_space<vmem>>, vector<16xf32>,
    %swap3A_485 = arith.constant 15 : i32
    %swap3A_486 = arith.index_cast %swap3A_485 : i32 to index
    %swap3A_487 = arith.constant 0 : index
    %swap3A_488 = tpu.vector_load %arg15[%swap3A_486, %swap3A_487] {strides = array<i32>} : memref<16x128xf32, #tpu.memory_space<vmem>>, vector<16xf32>,
    tpu.vector_store %arg15[%swap3A_486, %swap3A_487], %broadcast_in_dim3A_3 {strides = array<i32>} : memref<16x128xf32, #tpu.memory_space<vmem>>, vector<16xf32>,
    %swap3A_489 = arith.constant 15 : i32
    %swap3A_490 = arith.index_cast %swap3A_489 : i32 to index
    %swap3A_491 = arith.constant 16 : index
    %swap3A_492 = tpu.vector_load %arg15[%swap3A_490, %swap3A_491] {strides = array<i32>} : memref<16x128xf32, #tpu.memory_space<vmem>>, vector<16xf32>,
    tpu.vector_store %arg15[%swap3A_490, %swap3A_491], %broadcast_in_dim3A_3 {strides = array<i32>} : memref<16x128xf32, #tpu.memory_space<vmem>>, vector<16xf32>,
    %swap3A_493 = arith.constant 15 : i32
    %swap3A_494 = arith.index_cast %swap3A_493 : i32 to index
    %swap3A_495 = arith.constant 32 : index
    %swap3A_496 = tpu.vector_load %arg15[%swap3A_494, %swap3A_495] {strides = array<i32>} : memref<16x128xf32, #tpu.memory_space<vmem>>, vector<16xf32>,
    tpu.vector_store %arg15[%swap3A_494, %swap3A_495], %broadcast_in_dim3A_3 {strides = array<i32>} : memref<16x128xf32, #tpu.memory_space<vmem>>, vector<16xf32>,
    %swap3A_497 = arith.constant 15 : i32
    %swap3A_498 = arith.index_cast %swap3A_497 : i32 to index
    %swap3A_499 = arith.constant 48 : index
    %swap3A_500 = tpu.vector_load %arg15[%swap3A_498, %swap3A_499] {strides = array<i32>} : memref<16x128xf32, #tpu.memory_space<vmem>>, vector<16xf32>,
    tpu.vector_store %arg15[%swap3A_498, %swap3A_499], %broadcast_in_dim3A_3 {strides = array<i32>} : memref<16x128xf32, #tpu.memory_space<vmem>>, vector<16xf32>,
    %swap3A_501 = arith.constant 15 : i32
    %swap3A_502 = arith.index_cast %swap3A_501 : i32 to index
    %swap3A_503 = arith.constant 64 : index
    %swap3A_504 = tpu.vector_load %arg15[%swap3A_502, %swap3A_503] {strides = array<i32>} : memref<16x128xf32, #tpu.memory_space<vmem>>, vector<16xf32>,
    tpu.vector_store %arg15[%swap3A_502, %swap3A_503], %broadcast_in_dim3A_3 {strides = array<i32>} : memref<16x128xf32, #tpu.memory_space<vmem>>, vector<16xf32>,
    %swap3A_505 = arith.constant 15 : i32
    %swap3A_506 = arith.index_cast %swap3A_505 : i32 to index
    %swap3A_507 = arith.constant 80 : index
    %swap3A_508 = tpu.vector_load %arg15[%swap3A_506, %swap3A_507] {strides = array<i32>} : memref<16x128xf32, #tpu.memory_space<vmem>>, vector<16xf32>,
    tpu.vector_store %arg15[%swap3A_506, %swap3A_507], %broadcast_in_dim3A_3 {strides = array<i32>} : memref<16x128xf32, #tpu.memory_space<vmem>>, vector<16xf32>,
    %swap3A_509 = arith.constant 15 : i32
    %swap3A_510 = arith.index_cast %swap3A_509 : i32 to index
    %swap3A_511 = arith.constant 96 : index
    %swap3A_512 = tpu.vector_load %arg15[%swap3A_510, %swap3A_511] {strides = array<i32>} : memref<16x128xf32, #tpu.memory_space<vmem>>, vector<16xf32>,
    tpu.vector_store %arg15[%swap3A_510, %swap3A_511], %broadcast_in_dim3A_3 {strides = array<i32>} : memref<16x128xf32, #tpu.memory_space<vmem>>, vector<16xf32>,
    %swap3A_513 = arith.constant 15 : i32
    %swap3A_514 = arith.index_cast %swap3A_513 : i32 to index
    %swap3A_515 = arith.constant 112 : index
    %swap3A_516 = tpu.vector_load %arg15[%swap3A_514, %swap3A_515] {strides = array<i32>} : memref<16x128xf32, #tpu.memory_space<vmem>>, vector<16xf32>,
    tpu.vector_store %arg15[%swap3A_514, %swap3A_515], %broadcast_in_dim3A_3 {strides = array<i32>} : memref<16x128xf32, #tpu.memory_space<vmem>>, vector<16xf32>,
    %swap3A_517 = arith.constant 0 : index
    %swap3A_518 = tpu.vector_load %arg14[%swap3A_517] {strides = array<i32>} : memref<256xf32, #tpu.memory_space<vmem>>, vector<16xf32>,
    tpu.vector_store %arg14[%swap3A_517], %broadcast_in_dim3A_3 {strides = array<i32>} : memref<256xf32, #tpu.memory_space<vmem>>, vector<16xf32>,
    %swap3A_519 = arith.constant 16 : index
    %swap3A_520 = tpu.vector_load %arg14[%swap3A_519] {strides = array<i32>} : memref<256xf32, #tpu.memory_space<vmem>>, vector<16xf32>,
    tpu.vector_store %arg14[%swap3A_519], %broadcast_in_dim3A_3 {strides = array<i32>} : memref<256xf32, #tpu.memory_space<vmem>>, vector<16xf32>,
    %swap3A_521 = arith.constant 32 : index
    %swap3A_522 = tpu.vector_load %arg14[%swap3A_521] {strides = array<i32>} : memref<256xf32, #tpu.memory_space<vmem>>, vector<16xf32>,
    tpu.vector_store %arg14[%swap3A_521], %broadcast_in_dim3A_3 {strides = array<i32>} : memref<256xf32, #tpu.memory_space<vmem>>, vector<16xf32>,
    %swap3A_523 = arith.constant 48 : index
    %swap3A_524 = tpu.vector_load %arg14[%swap3A_523] {strides = array<i32>} : memref<256xf32, #tpu.memory_space<vmem>>, vector<16xf32>,
    tpu.vector_store %arg14[%swap3A_523], %broadcast_in_dim3A_3 {strides = array<i32>} : memref<256xf32, #tpu.memory_space<vmem>>, vector<16xf32>,
    %swap3A_525 = arith.constant 64 : index
    %swap3A_526 = tpu.vector_load %arg14[%swap3A_525] {strides = array<i32>} : memref<256xf32, #tpu.memory_space<vmem>>, vector<16xf32>,
    tpu.vector_store %arg14[%swap3A_525], %broadcast_in_dim3A_3 {strides = array<i32>} : memref<256xf32, #tpu.memory_space<vmem>>, vector<16xf32>,
    %swap3A_527 = arith.constant 80 : index
    %swap3A_528 = tpu.vector_load %arg14[%swap3A_527] {strides = array<i32>} : memref<256xf32, #tpu.memory_space<vmem>>, vector<16xf32>,
    tpu.vector_store %arg14[%swap3A_527], %broadcast_in_dim3A_3 {strides = array<i32>} : memref<256xf32, #tpu.memory_space<vmem>>, vector<16xf32>,
    %swap3A_529 = arith.constant 96 : index
    %swap3A_530 = tpu.vector_load %arg14[%swap3A_529] {strides = array<i32>} : memref<256xf32, #tpu.memory_space<vmem>>, vector<16xf32>,
    tpu.vector_store %arg14[%swap3A_529], %broadcast_in_dim3A_3 {strides = array<i32>} : memref<256xf32, #tpu.memory_space<vmem>>, vector<16xf32>,
    %swap3A_531 = arith.constant 112 : index
    %swap3A_532 = tpu.vector_load %arg14[%swap3A_531] {strides = array<i32>} : memref<256xf32, #tpu.memory_space<vmem>>, vector<16xf32>,
    tpu.vector_store %arg14[%swap3A_531], %broadcast_in_dim3A_3 {strides = array<i32>} : memref<256xf32, #tpu.memory_space<vmem>>, vector<16xf32>,
    %swap3A_533 = arith.constant 128 : index
    %swap3A_534 = tpu.vector_load %arg14[%swap3A_533] {strides = array<i32>} : memref<256xf32, #tpu.memory_space<vmem>>, vector<16xf32>,
    tpu.vector_store %arg14[%swap3A_533], %broadcast_in_dim3A_3 {strides = array<i32>} : memref<256xf32, #tpu.memory_space<vmem>>, vector<16xf32>,
    %swap3A_535 = arith.constant 144 : index
    %swap3A_536 = tpu.vector_load %arg14[%swap3A_535] {strides = array<i32>} : memref<256xf32, #tpu.memory_space<vmem>>, vector<16xf32>,
    tpu.vector_store %arg14[%swap3A_535], %broadcast_in_dim3A_3 {strides = array<i32>} : memref<256xf32, #tpu.memory_space<vmem>>, vector<16xf32>,
    %swap3A_537 = arith.constant 160 : index
    %swap3A_538 = tpu.vector_load %arg14[%swap3A_537] {strides = array<i32>} : memref<256xf32, #tpu.memory_space<vmem>>, vector<16xf32>,
    tpu.vector_store %arg14[%swap3A_537], %broadcast_in_dim3A_3 {strides = array<i32>} : memref<256xf32, #tpu.memory_space<vmem>>, vector<16xf32>,
    %swap3A_539 = arith.constant 176 : index
    %swap3A_540 = tpu.vector_load %arg14[%swap3A_539] {strides = array<i32>} : memref<256xf32, #tpu.memory_space<vmem>>, vector<16xf32>,
    tpu.vector_store %arg14[%swap3A_539], %broadcast_in_dim3A_3 {strides = array<i32>} : memref<256xf32, #tpu.memory_space<vmem>>, vector<16xf32>,
    %swap3A_541 = arith.constant 192 : index
    %swap3A_542 = tpu.vector_load %arg14[%swap3A_541] {strides = array<i32>} : memref<256xf32, #tpu.memory_space<vmem>>, vector<16xf32>,
    tpu.vector_store %arg14[%swap3A_541], %broadcast_in_dim3A_3 {strides = array<i32>} : memref<256xf32, #tpu.memory_space<vmem>>, vector<16xf32>,
    %swap3A_543 = arith.constant 208 : index
    %swap3A_544 = tpu.vector_load %arg14[%swap3A_543] {strides = array<i32>} : memref<256xf32, #tpu.memory_space<vmem>>, vector<16xf32>,
    tpu.vector_store %arg14[%swap3A_543], %broadcast_in_dim3A_3 {strides = array<i32>} : memref<256xf32, #tpu.memory_space<vmem>>, vector<16xf32>,
    %swap3A_545 = arith.constant 224 : index
    %swap3A_546 = tpu.vector_load %arg14[%swap3A_545] {strides = array<i32>} : memref<256xf32, #tpu.memory_space<vmem>>, vector<16xf32>,
    tpu.vector_store %arg14[%swap3A_545], %broadcast_in_dim3A_3 {strides = array<i32>} : memref<256xf32, #tpu.memory_space<vmem>>, vector<16xf32>,
    %swap3A_547 = arith.constant 240 : index
    %swap3A_548 = tpu.vector_load %arg14[%swap3A_547] {strides = array<i32>} : memref<256xf32, #tpu.memory_space<vmem>>, vector<16xf32>,
    tpu.vector_store %arg14[%swap3A_547], %broadcast_in_dim3A_3 {strides = array<i32>} : memref<256xf32, #tpu.memory_space<vmem>>, vector<16xf32>,
    %mul3A_549 = arith.constant 16 : i32
    %mul3A_550 = arith.muli %arg1, %mul3A_549 : i32
    "tpu.region"() ({
      %run_scoped3A = tpu.sem_alloc : memref<!tpu.dma_semaphore, #tpu.memory_space<semaphore_mem>>
      %dma_start3A_2417 = arith.constant 0 : i32
      %dma_start3A_2418 = tpu.memref_slice %arg6[%mul3A_550, %dma_start3A_2417] : memref<256x128xf32, #tpu.memory_space<vmem_shared>> -> memref<16x128xf32, #tpu.memory_space<vmem_shared>>
      %dma_start3A_2419 = arith.constant 0 : i32
      %dma_start3A_2420 = tpu.memref_slice %arg6[%mul3A_550, %dma_start3A_2419] : memref<256x128xf32, #tpu.memory_space<vmem_shared>> -> memref<16x128xf32, #tpu.memory_space<vmem_shared>>
      tpu.enqueue_dma source(%arg15 : memref<16x128xf32, #tpu.memory_space<vmem>>) target(%dma_start3A_2420 : memref<16x128xf32, #tpu.memory_space<vmem_shared>>) target_semaphore(%run_scoped3A : memref<!tpu.dma_semaphore, #tpu.memory_space<semaphore_mem>>)
      %dma_wait3A_2421 = arith.constant 0 : i32
      %dma_wait3A_2422 = tpu.memref_slice %arg6[%mul3A_550, %dma_wait3A_2421] : memref<256x128xf32, #tpu.memory_space<vmem_shared>> -> memref<16x128xf32, #tpu.memory_space<vmem_shared>>
      %dma_wait3A_2423 = arith.constant 0 : i32
      %dma_wait3A_2424 = tpu.memref_slice %arg6[%mul3A_550, %dma_wait3A_2423] : memref<256x128xf32, #tpu.memory_space<vmem_shared>> -> memref<16x128xf32, #tpu.memory_space<vmem_shared>>
      tpu.wait_dma2 semaphore(%run_scoped3A : memref<!tpu.dma_semaphore, #tpu.memory_space<semaphore_mem>>) src(%arg15 : memref<16x128xf32, #tpu.memory_space<vmem>>) dst(%dma_wait3A_2424 : memref<16x128xf32, #tpu.memory_space<vmem_shared>>)
      tpu.yield
    }) : () -> ()
    %barrier3A = arith.constant 0 : index
    tpu.barrier barrier_id(%barrier3A)
    %add3A_551 = arith.constant 0 : i32
    %add3A_552 = arith.addi %mul3A_2, %add3A_551 : i32
    %dma_start3A = arith.constant 0 : i32
    %dma_start3A_553 = tpu.memref_slice %arg2[%add3A_552, %dma_start3A] : memref<100000x128xf32, #tpu.memory_space<hbm>> -> memref<256x128xf32, #tpu.memory_space<hbm>>
    %dma_start3A_554 = arith.constant 0 : i32
    %dma_start3A_555 = tpu.memref_slice %arg2[%add3A_552, %dma_start3A_554] : memref<100000x128xf32, #tpu.memory_space<hbm>> -> memref<256x128xf32, #tpu.memory_space<hbm>>
    tpu.enqueue_dma source(%dma_start3A_555 : memref<256x128xf32, #tpu.memory_space<hbm>>) target(%arg7 : memref<256x128xf32, #tpu.memory_space<vmem>>) target_semaphore(%arg16 : memref<!tpu.dma_semaphore, #tpu.memory_space<semaphore_mem>>)
    %add3A_556 = arith.constant 256 : i32
    %add3A_557 = arith.addi %mul3A_2, %add3A_556 : i32
    %dma_start3A_558 = arith.constant 0 : i32
    %dma_start3A_559 = tpu.memref_slice %arg2[%add3A_557, %dma_start3A_558] : memref<100000x128xf32, #tpu.memory_space<hbm>> -> memref<256x128xf32, #tpu.memory_space<hbm>>
    %dma_start3A_560 = arith.constant 0 : i32
    %dma_start3A_561 = tpu.memref_slice %arg2[%add3A_557, %dma_start3A_560] : memref<100000x128xf32, #tpu.memory_space<hbm>> -> memref<256x128xf32, #tpu.memory_space<hbm>>
    tpu.enqueue_dma source(%dma_start3A_561 : memref<256x128xf32, #tpu.memory_space<hbm>>) target(%arg8 : memref<256x128xf32, #tpu.memory_space<vmem>>) target_semaphore(%arg17 : memref<!tpu.dma_semaphore, #tpu.memory_space<semaphore_mem>>)
    %mul3A_562 = arith.constant 128 : i32
    %mul3A_563 = arith.muli %add3A, %mul3A_562 : i32
    %add3A_564 = arith.constant 98304 : i32
    %add3A_565 = arith.addi %add3A_564, %mul3A_563 : i32
    %lt3A = arith.constant 13 : i32
    %lt3A_566 = arith.cmpi slt, %add3A, %lt3A : i32
    %convert_element_type3A = arith.extui %lt3A_566 : i1 to i32
    %cond3A = arith.constant 0 : i32
    %cond3A_567 = arith.cmpi ne, %convert_element_type3A, %cond3A : i32
    scf.if %cond3A_567 {
      %dma_start3A_2417 = tpu.memref_slice %arg3[%add3A_565] : memref<100000xi32, #tpu.memory_space<hbm>> -> memref<128xi32, #tpu.memory_space<hbm>>
      %dma_start3A_2418 = tpu.memref_slice %arg3[%add3A_565] : memref<100000xi32, #tpu.memory_space<hbm>> -> memref<128xi32, #tpu.memory_space<hbm>>
      tpu.enqueue_dma source(%dma_start3A_2418 : memref<128xi32, #tpu.memory_space<hbm>>) target(%arg12 : memref<128xi32, #tpu.memory_space<vmem>>) target_semaphore(%arg21 : memref<!tpu.dma_semaphore, #tpu.memory_space<semaphore_mem>>)
      %dma_start3A_2419 = arith.constant 0 : i32
      %dma_start3A_2420 = tpu.memref_slice %arg2[%add3A_565, %dma_start3A_2419] : memref<100000x128xf32, #tpu.memory_space<hbm>> -> memref<128x128xf32, #tpu.memory_space<hbm>>
      %dma_start3A_2421 = arith.constant 0 : i32
      %dma_start3A_2422 = tpu.memref_slice %arg2[%add3A_565, %dma_start3A_2421] : memref<100000x128xf32, #tpu.memory_space<hbm>> -> memref<128x128xf32, #tpu.memory_space<hbm>>
      tpu.enqueue_dma source(%dma_start3A_2422 : memref<128x128xf32, #tpu.memory_space<hbm>>) target(%arg10 : memref<128x128xf32, #tpu.memory_space<vmem>>) target_semaphore(%arg21 : memref<!tpu.dma_semaphore, #tpu.memory_space<semaphore_mem>>)
    } else {
    }
    %eq3A = arith.constant 13 : i32
    %eq3A_568 = arith.cmpi eq, %add3A, %eq3A : i32
    %convert_element_type3A_569 = arith.extui %eq3A_568 : i1 to i32
    %cond3A_570 = arith.constant 0 : i32
    %cond3A_571 = arith.cmpi ne, %convert_element_type3A_569, %cond3A_570 : i32
    scf.if %cond3A_571 {
      %dma_start3A_2417 = arith.constant 99968 : i32
      %dma_start3A_2418 = tpu.memref_slice %arg3[%dma_start3A_2417] : memref<100000xi32, #tpu.memory_space<hbm>> -> memref<32xi32, #tpu.memory_space<hbm>>
      %dma_start3A_2419 = arith.constant 99968 : i32
      %dma_start3A_2420 = tpu.memref_slice %arg3[%dma_start3A_2419] : memref<100000xi32, #tpu.memory_space<hbm>> -> memref<32xi32, #tpu.memory_space<hbm>>
      tpu.enqueue_dma source(%dma_start3A_2420 : memref<32xi32, #tpu.memory_space<hbm>>) target(%arg13 : memref<32xi32, #tpu.memory_space<vmem>>) target_semaphore(%arg21 : memref<!tpu.dma_semaphore, #tpu.memory_space<semaphore_mem>>)
      %dma_start3A_2421 = arith.constant 0 : i32
      %dma_start3A_2422 = arith.constant 0 : i32
      %dma_start3A_2423 = tpu.memref_slice %arg10[%dma_start3A_2421, %dma_start3A_2422] : memref<128x128xf32, #tpu.memory_space<vmem>> -> memref<32x128xf32, #tpu.memory_space<vmem>>
      %dma_start3A_2424 = arith.constant 99968 : i32
      %dma_start3A_2425 = arith.constant 0 : i32
      %dma_start3A_2426 = tpu.memref_slice %arg2[%dma_start3A_2424, %dma_start3A_2425] : memref<100000x128xf32, #tpu.memory_space<hbm>> -> memref<32x128xf32, #tpu.memory_space<hbm>>
      %dma_start3A_2427 = arith.constant 0 : i32
      %dma_start3A_2428 = arith.constant 0 : i32
      %dma_start3A_2429 = tpu.memref_slice %arg10[%dma_start3A_2427, %dma_start3A_2428] : memref<128x128xf32, #tpu.memory_space<vmem>> -> memref<32x128xf32, #tpu.memory_space<vmem>>
      %dma_start3A_2430 = arith.constant 99968 : i32
      %dma_start3A_2431 = arith.constant 0 : i32
      %dma_start3A_2432 = tpu.memref_slice %arg2[%dma_start3A_2430, %dma_start3A_2431] : memref<100000x128xf32, #tpu.memory_space<hbm>> -> memref<32x128xf32, #tpu.memory_space<hbm>>
      tpu.enqueue_dma source(%dma_start3A_2432 : memref<32x128xf32, #tpu.memory_space<hbm>>) target(%dma_start3A_2429 : memref<32x128xf32, #tpu.memory_space<vmem>>) target_semaphore(%arg21 : memref<!tpu.dma_semaphore, #tpu.memory_space<semaphore_mem>>)
    } else {
    }
    %add3A_572 = arith.constant 0 : i32
    %add3A_573 = arith.addi %mul3A_2, %add3A_572 : i32
    %dma_start3A_574 = arith.constant 0 : i32
    %dma_start3A_575 = arith.constant 0 : i32
    %dma_start3A_576 = tpu.memref_slice %arg11[%dma_start3A_574, %dma_start3A_575] : memref<24x128xi32, #tpu.memory_space<vmem>> -> memref<1x128xi32, #tpu.memory_space<vmem>>
    %dma_start3A_577 = tpu.memref_squeeze %dma_start3A_576 : memref<1x128xi32, #tpu.memory_space<vmem>> -> memref<128xi32, #tpu.memory_space<vmem>>
    %dma_start3A_578 = tpu.memref_slice %arg3[%add3A_573] : memref<100000xi32, #tpu.memory_space<hbm>> -> memref<128xi32, #tpu.memory_space<hbm>>
    %dma_start3A_579 = arith.constant 0 : i32
    %dma_start3A_580 = tpu.memref_slice %arg11[%dma_start3A_574, %dma_start3A_579] : memref<24x128xi32, #tpu.memory_space<vmem>> -> memref<1x128xi32, #tpu.memory_space<vmem>>
    %dma_start3A_581 = tpu.memref_squeeze %dma_start3A_580 : memref<1x128xi32, #tpu.memory_space<vmem>> -> memref<128xi32, #tpu.memory_space<vmem>>
    %dma_start3A_582 = tpu.memref_slice %arg3[%add3A_573] : memref<100000xi32, #tpu.memory_space<hbm>> -> memref<128xi32, #tpu.memory_space<hbm>>
    tpu.enqueue_dma source(%dma_start3A_582 : memref<128xi32, #tpu.memory_space<hbm>>) target(%dma_start3A_581 : memref<128xi32, #tpu.memory_space<vmem>>) target_semaphore(%arg20 : memref<!tpu.dma_semaphore, #tpu.memory_space<semaphore_mem>>)
    %add3A_583 = arith.constant 128 : i32
    %add3A_584 = arith.addi %mul3A_2, %add3A_583 : i32
    %dma_start3A_585 = arith.constant 1 : i32
    %dma_start3A_586 = arith.constant 0 : i32
    %dma_start3A_587 = tpu.memref_slice %arg11[%dma_start3A_585, %dma_start3A_586] : memref<24x128xi32, #tpu.memory_space<vmem>> -> memref<1x128xi32, #tpu.memory_space<vmem>>
    %dma_start3A_588 = tpu.memref_squeeze %dma_start3A_587 : memref<1x128xi32, #tpu.memory_space<vmem>> -> memref<128xi32, #tpu.memory_space<vmem>>
    %dma_start3A_589 = tpu.memref_slice %arg3[%add3A_584] : memref<100000xi32, #tpu.memory_space<hbm>> -> memref<128xi32, #tpu.memory_space<hbm>>
    %dma_start3A_590 = arith.constant 0 : i32
    %dma_start3A_591 = tpu.memref_slice %arg11[%dma_start3A_585, %dma_start3A_590] : memref<24x128xi32, #tpu.memory_space<vmem>> -> memref<1x128xi32, #tpu.memory_space<vmem>>
    %dma_start3A_592 = tpu.memref_squeeze %dma_start3A_591 : memref<1x128xi32, #tpu.memory_space<vmem>> -> memref<128xi32, #tpu.memory_space<vmem>>
    %dma_start3A_593 = tpu.memref_slice %arg3[%add3A_584] : memref<100000xi32, #tpu.memory_space<hbm>> -> memref<128xi32, #tpu.memory_space<hbm>>
    tpu.enqueue_dma source(%dma_start3A_593 : memref<128xi32, #tpu.memory_space<hbm>>) target(%dma_start3A_592 : memref<128xi32, #tpu.memory_space<vmem>>) target_semaphore(%arg20 : memref<!tpu.dma_semaphore, #tpu.memory_space<semaphore_mem>>)
    %add3A_594 = arith.constant 256 : i32
    %add3A_595 = arith.addi %mul3A_2, %add3A_594 : i32
    %dma_start3A_596 = arith.constant 2 : i32
    %dma_start3A_597 = arith.constant 0 : i32
    %dma_start3A_598 = tpu.memref_slice %arg11[%dma_start3A_596, %dma_start3A_597] : memref<24x128xi32, #tpu.memory_space<vmem>> -> memref<1x128xi32, #tpu.memory_space<vmem>>
    %dma_start3A_599 = tpu.memref_squeeze %dma_start3A_598 : memref<1x128xi32, #tpu.memory_space<vmem>> -> memref<128xi32, #tpu.memory_space<vmem>>
    %dma_start3A_600 = tpu.memref_slice %arg3[%add3A_595] : memref<100000xi32, #tpu.memory_space<hbm>> -> memref<128xi32, #tpu.memory_space<hbm>>
    %dma_start3A_601 = arith.constant 0 : i32
    %dma_start3A_602 = tpu.memref_slice %arg11[%dma_start3A_596, %dma_start3A_601] : memref<24x128xi32, #tpu.memory_space<vmem>> -> memref<1x128xi32, #tpu.memory_space<vmem>>
    %dma_start3A_603 = tpu.memref_squeeze %dma_start3A_602 : memref<1x128xi32, #tpu.memory_space<vmem>> -> memref<128xi32, #tpu.memory_space<vmem>>
    %dma_start3A_604 = tpu.memref_slice %arg3[%add3A_595] : memref<100000xi32, #tpu.memory_space<hbm>> -> memref<128xi32, #tpu.memory_space<hbm>>
    tpu.enqueue_dma source(%dma_start3A_604 : memref<128xi32, #tpu.memory_space<hbm>>) target(%dma_start3A_603 : memref<128xi32, #tpu.memory_space<vmem>>) target_semaphore(%arg20 : memref<!tpu.dma_semaphore, #tpu.memory_space<semaphore_mem>>)
    %add3A_605 = arith.constant 384 : i32
    %add3A_606 = arith.addi %mul3A_2, %add3A_605 : i32
    %dma_start3A_607 = arith.constant 3 : i32
    %dma_start3A_608 = arith.constant 0 : i32
    %dma_start3A_609 = tpu.memref_slice %arg11[%dma_start3A_607, %dma_start3A_608] : memref<24x128xi32, #tpu.memory_space<vmem>> -> memref<1x128xi32, #tpu.memory_space<vmem>>
    %dma_start3A_610 = tpu.memref_squeeze %dma_start3A_609 : memref<1x128xi32, #tpu.memory_space<vmem>> -> memref<128xi32, #tpu.memory_space<vmem>>
    %dma_start3A_611 = tpu.memref_slice %arg3[%add3A_606] : memref<100000xi32, #tpu.memory_space<hbm>> -> memref<128xi32, #tpu.memory_space<hbm>>
    %dma_start3A_612 = arith.constant 0 : i32
    %dma_start3A_613 = tpu.memref_slice %arg11[%dma_start3A_607, %dma_start3A_612] : memref<24x128xi32, #tpu.memory_space<vmem>> -> memref<1x128xi32, #tpu.memory_space<vmem>>
    %dma_start3A_614 = tpu.memref_squeeze %dma_start3A_613 : memref<1x128xi32, #tpu.memory_space<vmem>> -> memref<128xi32, #tpu.memory_space<vmem>>
    %dma_start3A_615 = tpu.memref_slice %arg3[%add3A_606] : memref<100000xi32, #tpu.memory_space<hbm>> -> memref<128xi32, #tpu.memory_space<hbm>>
    tpu.enqueue_dma source(%dma_start3A_615 : memref<128xi32, #tpu.memory_space<hbm>>) target(%dma_start3A_614 : memref<128xi32, #tpu.memory_space<vmem>>) target_semaphore(%arg20 : memref<!tpu.dma_semaphore, #tpu.memory_space<semaphore_mem>>)
    %add3A_616 = arith.constant 512 : i32
    %add3A_617 = arith.addi %mul3A_2, %add3A_616 : i32
    %dma_start3A_618 = arith.constant 4 : i32
    %dma_start3A_619 = arith.constant 0 : i32
    %dma_start3A_620 = tpu.memref_slice %arg11[%dma_start3A_618, %dma_start3A_619] : memref<24x128xi32, #tpu.memory_space<vmem>> -> memref<1x128xi32, #tpu.memory_space<vmem>>
    %dma_start3A_621 = tpu.memref_squeeze %dma_start3A_620 : memref<1x128xi32, #tpu.memory_space<vmem>> -> memref<128xi32, #tpu.memory_space<vmem>>
    %dma_start3A_622 = tpu.memref_slice %arg3[%add3A_617] : memref<100000xi32, #tpu.memory_space<hbm>> -> memref<128xi32, #tpu.memory_space<hbm>>
    %dma_start3A_623 = arith.constant 0 : i32
    %dma_start3A_624 = tpu.memref_slice %arg11[%dma_start3A_618, %dma_start3A_623] : memref<24x128xi32, #tpu.memory_space<vmem>> -> memref<1x128xi32, #tpu.memory_space<vmem>>
    %dma_start3A_625 = tpu.memref_squeeze %dma_start3A_624 : memref<1x128xi32, #tpu.memory_space<vmem>> -> memref<128xi32, #tpu.memory_space<vmem>>
    %dma_start3A_626 = tpu.memref_slice %arg3[%add3A_617] : memref<100000xi32, #tpu.memory_space<hbm>> -> memref<128xi32, #tpu.memory_space<hbm>>
    tpu.enqueue_dma source(%dma_start3A_626 : memref<128xi32, #tpu.memory_space<hbm>>) target(%dma_start3A_625 : memref<128xi32, #tpu.memory_space<vmem>>) target_semaphore(%arg20 : memref<!tpu.dma_semaphore, #tpu.memory_space<semaphore_mem>>)
    %add3A_627 = arith.constant 640 : i32
    %add3A_628 = arith.addi %mul3A_2, %add3A_627 : i32
    %dma_start3A_629 = arith.constant 5 : i32
    %dma_start3A_630 = arith.constant 0 : i32
    %dma_start3A_631 = tpu.memref_slice %arg11[%dma_start3A_629, %dma_start3A_630] : memref<24x128xi32, #tpu.memory_space<vmem>> -> memref<1x128xi32, #tpu.memory_space<vmem>>
    %dma_start3A_632 = tpu.memref_squeeze %dma_start3A_631 : memref<1x128xi32, #tpu.memory_space<vmem>> -> memref<128xi32, #tpu.memory_space<vmem>>
    %dma_start3A_633 = tpu.memref_slice %arg3[%add3A_628] : memref<100000xi32, #tpu.memory_space<hbm>> -> memref<128xi32, #tpu.memory_space<hbm>>
    %dma_start3A_634 = arith.constant 0 : i32
    %dma_start3A_635 = tpu.memref_slice %arg11[%dma_start3A_629, %dma_start3A_634] : memref<24x128xi32, #tpu.memory_space<vmem>> -> memref<1x128xi32, #tpu.memory_space<vmem>>
    %dma_start3A_636 = tpu.memref_squeeze %dma_start3A_635 : memref<1x128xi32, #tpu.memory_space<vmem>> -> memref<128xi32, #tpu.memory_space<vmem>>
    %dma_start3A_637 = tpu.memref_slice %arg3[%add3A_628] : memref<100000xi32, #tpu.memory_space<hbm>> -> memref<128xi32, #tpu.memory_space<hbm>>
    tpu.enqueue_dma source(%dma_start3A_637 : memref<128xi32, #tpu.memory_space<hbm>>) target(%dma_start3A_636 : memref<128xi32, #tpu.memory_space<vmem>>) target_semaphore(%arg20 : memref<!tpu.dma_semaphore, #tpu.memory_space<semaphore_mem>>)
    %add3A_638 = arith.constant 768 : i32
    %add3A_639 = arith.addi %mul3A_2, %add3A_638 : i32
    %dma_start3A_640 = arith.constant 6 : i32
    %dma_start3A_641 = arith.constant 0 : i32
    %dma_start3A_642 = tpu.memref_slice %arg11[%dma_start3A_640, %dma_start3A_641] : memref<24x128xi32, #tpu.memory_space<vmem>> -> memref<1x128xi32, #tpu.memory_space<vmem>>
    %dma_start3A_643 = tpu.memref_squeeze %dma_start3A_642 : memref<1x128xi32, #tpu.memory_space<vmem>> -> memref<128xi32, #tpu.memory_space<vmem>>
    %dma_start3A_644 = tpu.memref_slice %arg3[%add3A_639] : memref<100000xi32, #tpu.memory_space<hbm>> -> memref<128xi32, #tpu.memory_space<hbm>>
    %dma_start3A_645 = arith.constant 0 : i32
    %dma_start3A_646 = tpu.memref_slice %arg11[%dma_start3A_640, %dma_start3A_645] : memref<24x128xi32, #tpu.memory_space<vmem>> -> memref<1x128xi32, #tpu.memory_space<vmem>>
    %dma_start3A_647 = tpu.memref_squeeze %dma_start3A_646 : memref<1x128xi32, #tpu.memory_space<vmem>> -> memref<128xi32, #tpu.memory_space<vmem>>
    %dma_start3A_648 = tpu.memref_slice %arg3[%add3A_639] : memref<100000xi32, #tpu.memory_space<hbm>> -> memref<128xi32, #tpu.memory_space<hbm>>
    tpu.enqueue_dma source(%dma_start3A_648 : memref<128xi32, #tpu.memory_space<hbm>>) target(%dma_start3A_647 : memref<128xi32, #tpu.memory_space<vmem>>) target_semaphore(%arg20 : memref<!tpu.dma_semaphore, #tpu.memory_space<semaphore_mem>>)
    %add3A_649 = arith.constant 896 : i32
    %add3A_650 = arith.addi %mul3A_2, %add3A_649 : i32
    %dma_start3A_651 = arith.constant 7 : i32
    %dma_start3A_652 = arith.constant 0 : i32
    %dma_start3A_653 = tpu.memref_slice %arg11[%dma_start3A_651, %dma_start3A_652] : memref<24x128xi32, #tpu.memory_space<vmem>> -> memref<1x128xi32, #tpu.memory_space<vmem>>
    %dma_start3A_654 = tpu.memref_squeeze %dma_start3A_653 : memref<1x128xi32, #tpu.memory_space<vmem>> -> memref<128xi32, #tpu.memory_space<vmem>>
    %dma_start3A_655 = tpu.memref_slice %arg3[%add3A_650] : memref<100000xi32, #tpu.memory_space<hbm>> -> memref<128xi32, #tpu.memory_space<hbm>>
    %dma_start3A_656 = arith.constant 0 : i32
    %dma_start3A_657 = tpu.memref_slice %arg11[%dma_start3A_651, %dma_start3A_656] : memref<24x128xi32, #tpu.memory_space<vmem>> -> memref<1x128xi32, #tpu.memory_space<vmem>>
    %dma_start3A_658 = tpu.memref_squeeze %dma_start3A_657 : memref<1x128xi32, #tpu.memory_space<vmem>> -> memref<128xi32, #tpu.memory_space<vmem>>
    %dma_start3A_659 = tpu.memref_slice %arg3[%add3A_650] : memref<100000xi32, #tpu.memory_space<hbm>> -> memref<128xi32, #tpu.memory_space<hbm>>
    tpu.enqueue_dma source(%dma_start3A_659 : memref<128xi32, #tpu.memory_space<hbm>>) target(%dma_start3A_658 : memref<128xi32, #tpu.memory_space<vmem>>) target_semaphore(%arg20 : memref<!tpu.dma_semaphore, #tpu.memory_space<semaphore_mem>>)
    %add3A_660 = arith.constant 1024 : i32
    %add3A_661 = arith.addi %mul3A_2, %add3A_660 : i32
    %dma_start3A_662 = arith.constant 8 : i32
    %dma_start3A_663 = arith.constant 0 : i32
    %dma_start3A_664 = tpu.memref_slice %arg11[%dma_start3A_662, %dma_start3A_663] : memref<24x128xi32, #tpu.memory_space<vmem>> -> memref<1x128xi32, #tpu.memory_space<vmem>>
    %dma_start3A_665 = tpu.memref_squeeze %dma_start3A_664 : memref<1x128xi32, #tpu.memory_space<vmem>> -> memref<128xi32, #tpu.memory_space<vmem>>
    %dma_start3A_666 = tpu.memref_slice %arg3[%add3A_661] : memref<100000xi32, #tpu.memory_space<hbm>> -> memref<128xi32, #tpu.memory_space<hbm>>
    %dma_start3A_667 = arith.constant 0 : i32
    %dma_start3A_668 = tpu.memref_slice %arg11[%dma_start3A_662, %dma_start3A_667] : memref<24x128xi32, #tpu.memory_space<vmem>> -> memref<1x128xi32, #tpu.memory_space<vmem>>
    %dma_start3A_669 = tpu.memref_squeeze %dma_start3A_668 : memref<1x128xi32, #tpu.memory_space<vmem>> -> memref<128xi32, #tpu.memory_space<vmem>>
    %dma_start3A_670 = tpu.memref_slice %arg3[%add3A_661] : memref<100000xi32, #tpu.memory_space<hbm>> -> memref<128xi32, #tpu.memory_space<hbm>>
    tpu.enqueue_dma source(%dma_start3A_670 : memref<128xi32, #tpu.memory_space<hbm>>) target(%dma_start3A_669 : memref<128xi32, #tpu.memory_space<vmem>>) target_semaphore(%arg20 : memref<!tpu.dma_semaphore, #tpu.memory_space<semaphore_mem>>)
    %add3A_671 = arith.constant 1152 : i32
    %add3A_672 = arith.addi %mul3A_2, %add3A_671 : i32
    %dma_start3A_673 = arith.constant 9 : i32
    %dma_start3A_674 = arith.constant 0 : i32
    %dma_start3A_675 = tpu.memref_slice %arg11[%dma_start3A_673, %dma_start3A_674] : memref<24x128xi32, #tpu.memory_space<vmem>> -> memref<1x128xi32, #tpu.memory_space<vmem>>
    %dma_start3A_676 = tpu.memref_squeeze %dma_start3A_675 : memref<1x128xi32, #tpu.memory_space<vmem>> -> memref<128xi32, #tpu.memory_space<vmem>>
    %dma_start3A_677 = tpu.memref_slice %arg3[%add3A_672] : memref<100000xi32, #tpu.memory_space<hbm>> -> memref<128xi32, #tpu.memory_space<hbm>>
    %dma_start3A_678 = arith.constant 0 : i32
    %dma_start3A_679 = tpu.memref_slice %arg11[%dma_start3A_673, %dma_start3A_678] : memref<24x128xi32, #tpu.memory_space<vmem>> -> memref<1x128xi32, #tpu.memory_space<vmem>>
    %dma_start3A_680 = tpu.memref_squeeze %dma_start3A_679 : memref<1x128xi32, #tpu.memory_space<vmem>> -> memref<128xi32, #tpu.memory_space<vmem>>
    %dma_start3A_681 = tpu.memref_slice %arg3[%add3A_672] : memref<100000xi32, #tpu.memory_space<hbm>> -> memref<128xi32, #tpu.memory_space<hbm>>
    tpu.enqueue_dma source(%dma_start3A_681 : memref<128xi32, #tpu.memory_space<hbm>>) target(%dma_start3A_680 : memref<128xi32, #tpu.memory_space<vmem>>) target_semaphore(%arg20 : memref<!tpu.dma_semaphore, #tpu.memory_space<semaphore_mem>>)
    %add3A_682 = arith.constant 1280 : i32
    %add3A_683 = arith.addi %mul3A_2, %add3A_682 : i32
    %dma_start3A_684 = arith.constant 10 : i32
    %dma_start3A_685 = arith.constant 0 : i32
    %dma_start3A_686 = tpu.memref_slice %arg11[%dma_start3A_684, %dma_start3A_685] : memref<24x128xi32, #tpu.memory_space<vmem>> -> memref<1x128xi32, #tpu.memory_space<vmem>>
    %dma_start3A_687 = tpu.memref_squeeze %dma_start3A_686 : memref<1x128xi32, #tpu.memory_space<vmem>> -> memref<128xi32, #tpu.memory_space<vmem>>
    %dma_start3A_688 = tpu.memref_slice %arg3[%add3A_683] : memref<100000xi32, #tpu.memory_space<hbm>> -> memref<128xi32, #tpu.memory_space<hbm>>
    %dma_start3A_689 = arith.constant 0 : i32
    %dma_start3A_690 = tpu.memref_slice %arg11[%dma_start3A_684, %dma_start3A_689] : memref<24x128xi32, #tpu.memory_space<vmem>> -> memref<1x128xi32, #tpu.memory_space<vmem>>
    %dma_start3A_691 = tpu.memref_squeeze %dma_start3A_690 : memref<1x128xi32, #tpu.memory_space<vmem>> -> memref<128xi32, #tpu.memory_space<vmem>>
    %dma_start3A_692 = tpu.memref_slice %arg3[%add3A_683] : memref<100000xi32, #tpu.memory_space<hbm>> -> memref<128xi32, #tpu.memory_space<hbm>>
    tpu.enqueue_dma source(%dma_start3A_692 : memref<128xi32, #tpu.memory_space<hbm>>) target(%dma_start3A_691 : memref<128xi32, #tpu.memory_space<vmem>>) target_semaphore(%arg20 : memref<!tpu.dma_semaphore, #tpu.memory_space<semaphore_mem>>)
    %add3A_693 = arith.constant 1408 : i32
    %add3A_694 = arith.addi %mul3A_2, %add3A_693 : i32
    %dma_start3A_695 = arith.constant 11 : i32
    %dma_start3A_696 = arith.constant 0 : i32
    %dma_start3A_697 = tpu.memref_slice %arg11[%dma_start3A_695, %dma_start3A_696] : memref<24x128xi32, #tpu.memory_space<vmem>> -> memref<1x128xi32, #tpu.memory_space<vmem>>
    %dma_start3A_698 = tpu.memref_squeeze %dma_start3A_697 : memref<1x128xi32, #tpu.memory_space<vmem>> -> memref<128xi32, #tpu.memory_space<vmem>>
    %dma_start3A_699 = tpu.memref_slice %arg3[%add3A_694] : memref<100000xi32, #tpu.memory_space<hbm>> -> memref<128xi32, #tpu.memory_space<hbm>>
    %dma_start3A_700 = arith.constant 0 : i32
    %dma_start3A_701 = tpu.memref_slice %arg11[%dma_start3A_695, %dma_start3A_700] : memref<24x128xi32, #tpu.memory_space<vmem>> -> memref<1x128xi32, #tpu.memory_space<vmem>>
    %dma_start3A_702 = tpu.memref_squeeze %dma_start3A_701 : memref<1x128xi32, #tpu.memory_space<vmem>> -> memref<128xi32, #tpu.memory_space<vmem>>
    %dma_start3A_703 = tpu.memref_slice %arg3[%add3A_694] : memref<100000xi32, #tpu.memory_space<hbm>> -> memref<128xi32, #tpu.memory_space<hbm>>
    tpu.enqueue_dma source(%dma_start3A_703 : memref<128xi32, #tpu.memory_space<hbm>>) target(%dma_start3A_702 : memref<128xi32, #tpu.memory_space<vmem>>) target_semaphore(%arg20 : memref<!tpu.dma_semaphore, #tpu.memory_space<semaphore_mem>>)
    %add3A_704 = arith.constant 1536 : i32
    %add3A_705 = arith.addi %mul3A_2, %add3A_704 : i32
    %dma_start3A_706 = arith.constant 12 : i32
    %dma_start3A_707 = arith.constant 0 : i32
    %dma_start3A_708 = tpu.memref_slice %arg11[%dma_start3A_706, %dma_start3A_707] : memref<24x128xi32, #tpu.memory_space<vmem>> -> memref<1x128xi32, #tpu.memory_space<vmem>>
    %dma_start3A_709 = tpu.memref_squeeze %dma_start3A_708 : memref<1x128xi32, #tpu.memory_space<vmem>> -> memref<128xi32, #tpu.memory_space<vmem>>
    %dma_start3A_710 = tpu.memref_slice %arg3[%add3A_705] : memref<100000xi32, #tpu.memory_space<hbm>> -> memref<128xi32, #tpu.memory_space<hbm>>
    %dma_start3A_711 = arith.constant 0 : i32
    %dma_start3A_712 = tpu.memref_slice %arg11[%dma_start3A_706, %dma_start3A_711] : memref<24x128xi32, #tpu.memory_space<vmem>> -> memref<1x128xi32, #tpu.memory_space<vmem>>
    %dma_start3A_713 = tpu.memref_squeeze %dma_start3A_712 : memref<1x128xi32, #tpu.memory_space<vmem>> -> memref<128xi32, #tpu.memory_space<vmem>>
    %dma_start3A_714 = tpu.memref_slice %arg3[%add3A_705] : memref<100000xi32, #tpu.memory_space<hbm>> -> memref<128xi32, #tpu.memory_space<hbm>>
    tpu.enqueue_dma source(%dma_start3A_714 : memref<128xi32, #tpu.memory_space<hbm>>) target(%dma_start3A_713 : memref<128xi32, #tpu.memory_space<vmem>>) target_semaphore(%arg20 : memref<!tpu.dma_semaphore, #tpu.memory_space<semaphore_mem>>)
    %add3A_715 = arith.constant 1664 : i32
    %add3A_716 = arith.addi %mul3A_2, %add3A_715 : i32
    %dma_start3A_717 = arith.constant 13 : i32
    %dma_start3A_718 = arith.constant 0 : i32
    %dma_start3A_719 = tpu.memref_slice %arg11[%dma_start3A_717, %dma_start3A_718] : memref<24x128xi32, #tpu.memory_space<vmem>> -> memref<1x128xi32, #tpu.memory_space<vmem>>
    %dma_start3A_720 = tpu.memref_squeeze %dma_start3A_719 : memref<1x128xi32, #tpu.memory_space<vmem>> -> memref<128xi32, #tpu.memory_space<vmem>>
    %dma_start3A_721 = tpu.memref_slice %arg3[%add3A_716] : memref<100000xi32, #tpu.memory_space<hbm>> -> memref<128xi32, #tpu.memory_space<hbm>>
    %dma_start3A_722 = arith.constant 0 : i32
    %dma_start3A_723 = tpu.memref_slice %arg11[%dma_start3A_717, %dma_start3A_722] : memref<24x128xi32, #tpu.memory_space<vmem>> -> memref<1x128xi32, #tpu.memory_space<vmem>>
    %dma_start3A_724 = tpu.memref_squeeze %dma_start3A_723 : memref<1x128xi32, #tpu.memory_space<vmem>> -> memref<128xi32, #tpu.memory_space<vmem>>
    %dma_start3A_725 = tpu.memref_slice %arg3[%add3A_716] : memref<100000xi32, #tpu.memory_space<hbm>> -> memref<128xi32, #tpu.memory_space<hbm>>
    tpu.enqueue_dma source(%dma_start3A_725 : memref<128xi32, #tpu.memory_space<hbm>>) target(%dma_start3A_724 : memref<128xi32, #tpu.memory_space<vmem>>) target_semaphore(%arg20 : memref<!tpu.dma_semaphore, #tpu.memory_space<semaphore_mem>>)
    %add3A_726 = arith.constant 1792 : i32
    %add3A_727 = arith.addi %mul3A_2, %add3A_726 : i32
    %dma_start3A_728 = arith.constant 14 : i32
    %dma_start3A_729 = arith.constant 0 : i32
    %dma_start3A_730 = tpu.memref_slice %arg11[%dma_start3A_728, %dma_start3A_729] : memref<24x128xi32, #tpu.memory_space<vmem>> -> memref<1x128xi32, #tpu.memory_space<vmem>>
    %dma_start3A_731 = tpu.memref_squeeze %dma_start3A_730 : memref<1x128xi32, #tpu.memory_space<vmem>> -> memref<128xi32, #tpu.memory_space<vmem>>
    %dma_start3A_732 = tpu.memref_slice %arg3[%add3A_727] : memref<100000xi32, #tpu.memory_space<hbm>> -> memref<128xi32, #tpu.memory_space<hbm>>
    %dma_start3A_733 = arith.constant 0 : i32
    %dma_start3A_734 = tpu.memref_slice %arg11[%dma_start3A_728, %dma_start3A_733] : memref<24x128xi32, #tpu.memory_space<vmem>> -> memref<1x128xi32, #tpu.memory_space<vmem>>
    %dma_start3A_735 = tpu.memref_squeeze %dma_start3A_734 : memref<1x128xi32, #tpu.memory_space<vmem>> -> memref<128xi32, #tpu.memory_space<vmem>>
    %dma_start3A_736 = tpu.memref_slice %arg3[%add3A_727] : memref<100000xi32, #tpu.memory_space<hbm>> -> memref<128xi32, #tpu.memory_space<hbm>>
    tpu.enqueue_dma source(%dma_start3A_736 : memref<128xi32, #tpu.memory_space<hbm>>) target(%dma_start3A_735 : memref<128xi32, #tpu.memory_space<vmem>>) target_semaphore(%arg20 : memref<!tpu.dma_semaphore, #tpu.memory_space<semaphore_mem>>)
    %add3A_737 = arith.constant 1920 : i32
    %add3A_738 = arith.addi %mul3A_2, %add3A_737 : i32
    %dma_start3A_739 = arith.constant 15 : i32
    %dma_start3A_740 = arith.constant 0 : i32
    %dma_start3A_741 = tpu.memref_slice %arg11[%dma_start3A_739, %dma_start3A_740] : memref<24x128xi32, #tpu.memory_space<vmem>> -> memref<1x128xi32, #tpu.memory_space<vmem>>
    %dma_start3A_742 = tpu.memref_squeeze %dma_start3A_741 : memref<1x128xi32, #tpu.memory_space<vmem>> -> memref<128xi32, #tpu.memory_space<vmem>>
    %dma_start3A_743 = tpu.memref_slice %arg3[%add3A_738] : memref<100000xi32, #tpu.memory_space<hbm>> -> memref<128xi32, #tpu.memory_space<hbm>>
    %dma_start3A_744 = arith.constant 0 : i32
    %dma_start3A_745 = tpu.memref_slice %arg11[%dma_start3A_739, %dma_start3A_744] : memref<24x128xi32, #tpu.memory_space<vmem>> -> memref<1x128xi32, #tpu.memory_space<vmem>>
    %dma_start3A_746 = tpu.memref_squeeze %dma_start3A_745 : memref<1x128xi32, #tpu.memory_space<vmem>> -> memref<128xi32, #tpu.memory_space<vmem>>
    %dma_start3A_747 = tpu.memref_slice %arg3[%add3A_738] : memref<100000xi32, #tpu.memory_space<hbm>> -> memref<128xi32, #tpu.memory_space<hbm>>
    tpu.enqueue_dma source(%dma_start3A_747 : memref<128xi32, #tpu.memory_space<hbm>>) target(%dma_start3A_746 : memref<128xi32, #tpu.memory_space<vmem>>) target_semaphore(%arg20 : memref<!tpu.dma_semaphore, #tpu.memory_space<semaphore_mem>>)
    %add3A_748 = arith.constant 2048 : i32
    %add3A_749 = arith.addi %mul3A_2, %add3A_748 : i32
    %dma_start3A_750 = arith.constant 16 : i32
    %dma_start3A_751 = arith.constant 0 : i32
    %dma_start3A_752 = tpu.memref_slice %arg11[%dma_start3A_750, %dma_start3A_751] : memref<24x128xi32, #tpu.memory_space<vmem>> -> memref<1x128xi32, #tpu.memory_space<vmem>>
    %dma_start3A_753 = tpu.memref_squeeze %dma_start3A_752 : memref<1x128xi32, #tpu.memory_space<vmem>> -> memref<128xi32, #tpu.memory_space<vmem>>
    %dma_start3A_754 = tpu.memref_slice %arg3[%add3A_749] : memref<100000xi32, #tpu.memory_space<hbm>> -> memref<128xi32, #tpu.memory_space<hbm>>
    %dma_start3A_755 = arith.constant 0 : i32
    %dma_start3A_756 = tpu.memref_slice %arg11[%dma_start3A_750, %dma_start3A_755] : memref<24x128xi32, #tpu.memory_space<vmem>> -> memref<1x128xi32, #tpu.memory_space<vmem>>
    %dma_start3A_757 = tpu.memref_squeeze %dma_start3A_756 : memref<1x128xi32, #tpu.memory_space<vmem>> -> memref<128xi32, #tpu.memory_space<vmem>>
    %dma_start3A_758 = tpu.memref_slice %arg3[%add3A_749] : memref<100000xi32, #tpu.memory_space<hbm>> -> memref<128xi32, #tpu.memory_space<hbm>>
    tpu.enqueue_dma source(%dma_start3A_758 : memref<128xi32, #tpu.memory_space<hbm>>) target(%dma_start3A_757 : memref<128xi32, #tpu.memory_space<vmem>>) target_semaphore(%arg20 : memref<!tpu.dma_semaphore, #tpu.memory_space<semaphore_mem>>)
    %add3A_759 = arith.constant 2176 : i32
    %add3A_760 = arith.addi %mul3A_2, %add3A_759 : i32
    %dma_start3A_761 = arith.constant 17 : i32
    %dma_start3A_762 = arith.constant 0 : i32
    %dma_start3A_763 = tpu.memref_slice %arg11[%dma_start3A_761, %dma_start3A_762] : memref<24x128xi32, #tpu.memory_space<vmem>> -> memref<1x128xi32, #tpu.memory_space<vmem>>
    %dma_start3A_764 = tpu.memref_squeeze %dma_start3A_763 : memref<1x128xi32, #tpu.memory_space<vmem>> -> memref<128xi32, #tpu.memory_space<vmem>>
    %dma_start3A_765 = tpu.memref_slice %arg3[%add3A_760] : memref<100000xi32, #tpu.memory_space<hbm>> -> memref<128xi32, #tpu.memory_space<hbm>>
    %dma_start3A_766 = arith.constant 0 : i32
    %dma_start3A_767 = tpu.memref_slice %arg11[%dma_start3A_761, %dma_start3A_766] : memref<24x128xi32, #tpu.memory_space<vmem>> -> memref<1x128xi32, #tpu.memory_space<vmem>>
    %dma_start3A_768 = tpu.memref_squeeze %dma_start3A_767 : memref<1x128xi32, #tpu.memory_space<vmem>> -> memref<128xi32, #tpu.memory_space<vmem>>
    %dma_start3A_769 = tpu.memref_slice %arg3[%add3A_760] : memref<100000xi32, #tpu.memory_space<hbm>> -> memref<128xi32, #tpu.memory_space<hbm>>
    tpu.enqueue_dma source(%dma_start3A_769 : memref<128xi32, #tpu.memory_space<hbm>>) target(%dma_start3A_768 : memref<128xi32, #tpu.memory_space<vmem>>) target_semaphore(%arg20 : memref<!tpu.dma_semaphore, #tpu.memory_space<semaphore_mem>>)
    %add3A_770 = arith.constant 2304 : i32
    %add3A_771 = arith.addi %mul3A_2, %add3A_770 : i32
    %dma_start3A_772 = arith.constant 18 : i32
    %dma_start3A_773 = arith.constant 0 : i32
    %dma_start3A_774 = tpu.memref_slice %arg11[%dma_start3A_772, %dma_start3A_773] : memref<24x128xi32, #tpu.memory_space<vmem>> -> memref<1x128xi32, #tpu.memory_space<vmem>>
    %dma_start3A_775 = tpu.memref_squeeze %dma_start3A_774 : memref<1x128xi32, #tpu.memory_space<vmem>> -> memref<128xi32, #tpu.memory_space<vmem>>
    %dma_start3A_776 = tpu.memref_slice %arg3[%add3A_771] : memref<100000xi32, #tpu.memory_space<hbm>> -> memref<128xi32, #tpu.memory_space<hbm>>
    %dma_start3A_777 = arith.constant 0 : i32
    %dma_start3A_778 = tpu.memref_slice %arg11[%dma_start3A_772, %dma_start3A_777] : memref<24x128xi32, #tpu.memory_space<vmem>> -> memref<1x128xi32, #tpu.memory_space<vmem>>
    %dma_start3A_779 = tpu.memref_squeeze %dma_start3A_778 : memref<1x128xi32, #tpu.memory_space<vmem>> -> memref<128xi32, #tpu.memory_space<vmem>>
    %dma_start3A_780 = tpu.memref_slice %arg3[%add3A_771] : memref<100000xi32, #tpu.memory_space<hbm>> -> memref<128xi32, #tpu.memory_space<hbm>>
    tpu.enqueue_dma source(%dma_start3A_780 : memref<128xi32, #tpu.memory_space<hbm>>) target(%dma_start3A_779 : memref<128xi32, #tpu.memory_space<vmem>>) target_semaphore(%arg20 : memref<!tpu.dma_semaphore, #tpu.memory_space<semaphore_mem>>)
    %add3A_781 = arith.constant 2432 : i32
    %add3A_782 = arith.addi %mul3A_2, %add3A_781 : i32
    %dma_start3A_783 = arith.constant 19 : i32
    %dma_start3A_784 = arith.constant 0 : i32
    %dma_start3A_785 = tpu.memref_slice %arg11[%dma_start3A_783, %dma_start3A_784] : memref<24x128xi32, #tpu.memory_space<vmem>> -> memref<1x128xi32, #tpu.memory_space<vmem>>
    %dma_start3A_786 = tpu.memref_squeeze %dma_start3A_785 : memref<1x128xi32, #tpu.memory_space<vmem>> -> memref<128xi32, #tpu.memory_space<vmem>>
    %dma_start3A_787 = tpu.memref_slice %arg3[%add3A_782] : memref<100000xi32, #tpu.memory_space<hbm>> -> memref<128xi32, #tpu.memory_space<hbm>>
    %dma_start3A_788 = arith.constant 0 : i32
    %dma_start3A_789 = tpu.memref_slice %arg11[%dma_start3A_783, %dma_start3A_788] : memref<24x128xi32, #tpu.memory_space<vmem>> -> memref<1x128xi32, #tpu.memory_space<vmem>>
    %dma_start3A_790 = tpu.memref_squeeze %dma_start3A_789 : memref<1x128xi32, #tpu.memory_space<vmem>> -> memref<128xi32, #tpu.memory_space<vmem>>
    %dma_start3A_791 = tpu.memref_slice %arg3[%add3A_782] : memref<100000xi32, #tpu.memory_space<hbm>> -> memref<128xi32, #tpu.memory_space<hbm>>
    tpu.enqueue_dma source(%dma_start3A_791 : memref<128xi32, #tpu.memory_space<hbm>>) target(%dma_start3A_790 : memref<128xi32, #tpu.memory_space<vmem>>) target_semaphore(%arg20 : memref<!tpu.dma_semaphore, #tpu.memory_space<semaphore_mem>>)
    %add3A_792 = arith.constant 2560 : i32
    %add3A_793 = arith.addi %mul3A_2, %add3A_792 : i32
    %dma_start3A_794 = arith.constant 20 : i32
    %dma_start3A_795 = arith.constant 0 : i32
    %dma_start3A_796 = tpu.memref_slice %arg11[%dma_start3A_794, %dma_start3A_795] : memref<24x128xi32, #tpu.memory_space<vmem>> -> memref<1x128xi32, #tpu.memory_space<vmem>>
    %dma_start3A_797 = tpu.memref_squeeze %dma_start3A_796 : memref<1x128xi32, #tpu.memory_space<vmem>> -> memref<128xi32, #tpu.memory_space<vmem>>
    %dma_start3A_798 = tpu.memref_slice %arg3[%add3A_793] : memref<100000xi32, #tpu.memory_space<hbm>> -> memref<128xi32, #tpu.memory_space<hbm>>
    %dma_start3A_799 = arith.constant 0 : i32
    %dma_start3A_800 = tpu.memref_slice %arg11[%dma_start3A_794, %dma_start3A_799] : memref<24x128xi32, #tpu.memory_space<vmem>> -> memref<1x128xi32, #tpu.memory_space<vmem>>
    %dma_start3A_801 = tpu.memref_squeeze %dma_start3A_800 : memref<1x128xi32, #tpu.memory_space<vmem>> -> memref<128xi32, #tpu.memory_space<vmem>>
    %dma_start3A_802 = tpu.memref_slice %arg3[%add3A_793] : memref<100000xi32, #tpu.memory_space<hbm>> -> memref<128xi32, #tpu.memory_space<hbm>>
    tpu.enqueue_dma source(%dma_start3A_802 : memref<128xi32, #tpu.memory_space<hbm>>) target(%dma_start3A_801 : memref<128xi32, #tpu.memory_space<vmem>>) target_semaphore(%arg20 : memref<!tpu.dma_semaphore, #tpu.memory_space<semaphore_mem>>)
    %add3A_803 = arith.constant 2688 : i32
    %add3A_804 = arith.addi %mul3A_2, %add3A_803 : i32
    %dma_start3A_805 = arith.constant 21 : i32
    %dma_start3A_806 = arith.constant 0 : i32
    %dma_start3A_807 = tpu.memref_slice %arg11[%dma_start3A_805, %dma_start3A_806] : memref<24x128xi32, #tpu.memory_space<vmem>> -> memref<1x128xi32, #tpu.memory_space<vmem>>
    %dma_start3A_808 = tpu.memref_squeeze %dma_start3A_807 : memref<1x128xi32, #tpu.memory_space<vmem>> -> memref<128xi32, #tpu.memory_space<vmem>>
    %dma_start3A_809 = tpu.memref_slice %arg3[%add3A_804] : memref<100000xi32, #tpu.memory_space<hbm>> -> memref<128xi32, #tpu.memory_space<hbm>>
    %dma_start3A_810 = arith.constant 0 : i32
    %dma_start3A_811 = tpu.memref_slice %arg11[%dma_start3A_805, %dma_start3A_810] : memref<24x128xi32, #tpu.memory_space<vmem>> -> memref<1x128xi32, #tpu.memory_space<vmem>>
    %dma_start3A_812 = tpu.memref_squeeze %dma_start3A_811 : memref<1x128xi32, #tpu.memory_space<vmem>> -> memref<128xi32, #tpu.memory_space<vmem>>
    %dma_start3A_813 = tpu.memref_slice %arg3[%add3A_804] : memref<100000xi32, #tpu.memory_space<hbm>> -> memref<128xi32, #tpu.memory_space<hbm>>
    tpu.enqueue_dma source(%dma_start3A_813 : memref<128xi32, #tpu.memory_space<hbm>>) target(%dma_start3A_812 : memref<128xi32, #tpu.memory_space<vmem>>) target_semaphore(%arg20 : memref<!tpu.dma_semaphore, #tpu.memory_space<semaphore_mem>>)
    %add3A_814 = arith.constant 2816 : i32
    %add3A_815 = arith.addi %mul3A_2, %add3A_814 : i32
    %dma_start3A_816 = arith.constant 22 : i32
    %dma_start3A_817 = arith.constant 0 : i32
    %dma_start3A_818 = tpu.memref_slice %arg11[%dma_start3A_816, %dma_start3A_817] : memref<24x128xi32, #tpu.memory_space<vmem>> -> memref<1x128xi32, #tpu.memory_space<vmem>>
    %dma_start3A_819 = tpu.memref_squeeze %dma_start3A_818 : memref<1x128xi32, #tpu.memory_space<vmem>> -> memref<128xi32, #tpu.memory_space<vmem>>
    %dma_start3A_820 = tpu.memref_slice %arg3[%add3A_815] : memref<100000xi32, #tpu.memory_space<hbm>> -> memref<128xi32, #tpu.memory_space<hbm>>
    %dma_start3A_821 = arith.constant 0 : i32
    %dma_start3A_822 = tpu.memref_slice %arg11[%dma_start3A_816, %dma_start3A_821] : memref<24x128xi32, #tpu.memory_space<vmem>> -> memref<1x128xi32, #tpu.memory_space<vmem>>
    %dma_start3A_823 = tpu.memref_squeeze %dma_start3A_822 : memref<1x128xi32, #tpu.memory_space<vmem>> -> memref<128xi32, #tpu.memory_space<vmem>>
    %dma_start3A_824 = tpu.memref_slice %arg3[%add3A_815] : memref<100000xi32, #tpu.memory_space<hbm>> -> memref<128xi32, #tpu.memory_space<hbm>>
    tpu.enqueue_dma source(%dma_start3A_824 : memref<128xi32, #tpu.memory_space<hbm>>) target(%dma_start3A_823 : memref<128xi32, #tpu.memory_space<vmem>>) target_semaphore(%arg20 : memref<!tpu.dma_semaphore, #tpu.memory_space<semaphore_mem>>)
    %add3A_825 = arith.constant 2944 : i32
    %add3A_826 = arith.addi %mul3A_2, %add3A_825 : i32
    %dma_start3A_827 = arith.constant 23 : i32
    %dma_start3A_828 = arith.constant 0 : i32
    %dma_start3A_829 = tpu.memref_slice %arg11[%dma_start3A_827, %dma_start3A_828] : memref<24x128xi32, #tpu.memory_space<vmem>> -> memref<1x128xi32, #tpu.memory_space<vmem>>
    %dma_start3A_830 = tpu.memref_squeeze %dma_start3A_829 : memref<1x128xi32, #tpu.memory_space<vmem>> -> memref<128xi32, #tpu.memory_space<vmem>>
    %dma_start3A_831 = tpu.memref_slice %arg3[%add3A_826] : memref<100000xi32, #tpu.memory_space<hbm>> -> memref<128xi32, #tpu.memory_space<hbm>>
    %dma_start3A_832 = arith.constant 0 : i32
    %dma_start3A_833 = tpu.memref_slice %arg11[%dma_start3A_827, %dma_start3A_832] : memref<24x128xi32, #tpu.memory_space<vmem>> -> memref<1x128xi32, #tpu.memory_space<vmem>>
    %dma_start3A_834 = tpu.memref_squeeze %dma_start3A_833 : memref<1x128xi32, #tpu.memory_space<vmem>> -> memref<128xi32, #tpu.memory_space<vmem>>
    %dma_start3A_835 = tpu.memref_slice %arg3[%add3A_826] : memref<100000xi32, #tpu.memory_space<hbm>> -> memref<128xi32, #tpu.memory_space<hbm>>
    tpu.enqueue_dma source(%dma_start3A_835 : memref<128xi32, #tpu.memory_space<hbm>>) target(%dma_start3A_834 : memref<128xi32, #tpu.memory_space<vmem>>) target_semaphore(%arg20 : memref<!tpu.dma_semaphore, #tpu.memory_space<semaphore_mem>>)
    %dma_wait3A = arith.constant 0 : i32
    %dma_wait3A_836 = arith.constant 0 : i32
    %dma_wait3A_837 = tpu.memref_slice %arg11[%dma_wait3A, %dma_wait3A_836] : memref<24x128xi32, #tpu.memory_space<vmem>> -> memref<1x128xi32, #tpu.memory_space<vmem>>
    %dma_wait3A_838 = tpu.memref_squeeze %dma_wait3A_837 : memref<1x128xi32, #tpu.memory_space<vmem>> -> memref<128xi32, #tpu.memory_space<vmem>>
    %dma_wait3A_839 = tpu.memref_slice %arg3[%add3A_573] : memref<100000xi32, #tpu.memory_space<hbm>> -> memref<128xi32, #tpu.memory_space<hbm>>
    %dma_wait3A_840 = arith.constant 0 : i32
    %dma_wait3A_841 = tpu.memref_slice %arg11[%dma_wait3A, %dma_wait3A_840] : memref<24x128xi32, #tpu.memory_space<vmem>> -> memref<1x128xi32, #tpu.memory_space<vmem>>
    %dma_wait3A_842 = tpu.memref_squeeze %dma_wait3A_841 : memref<1x128xi32, #tpu.memory_space<vmem>> -> memref<128xi32, #tpu.memory_space<vmem>>
    %dma_wait3A_843 = tpu.memref_slice %arg3[%add3A_573] : memref<100000xi32, #tpu.memory_space<hbm>> -> memref<128xi32, #tpu.memory_space<hbm>>
    tpu.wait_dma2 semaphore(%arg20 : memref<!tpu.dma_semaphore, #tpu.memory_space<semaphore_mem>>) src(%dma_wait3A_843 : memref<128xi32, #tpu.memory_space<hbm>>) dst(%dma_wait3A_842 : memref<128xi32, #tpu.memory_space<vmem>>)
    %dma_wait3A_844 = arith.constant 1 : i32
    %dma_wait3A_845 = arith.constant 0 : i32
    %dma_wait3A_846 = tpu.memref_slice %arg11[%dma_wait3A_844, %dma_wait3A_845] : memref<24x128xi32, #tpu.memory_space<vmem>> -> memref<1x128xi32, #tpu.memory_space<vmem>>
    %dma_wait3A_847 = tpu.memref_squeeze %dma_wait3A_846 : memref<1x128xi32, #tpu.memory_space<vmem>> -> memref<128xi32, #tpu.memory_space<vmem>>
    %dma_wait3A_848 = tpu.memref_slice %arg3[%add3A_584] : memref<100000xi32, #tpu.memory_space<hbm>> -> memref<128xi32, #tpu.memory_space<hbm>>
    %dma_wait3A_849 = arith.constant 0 : i32
    %dma_wait3A_850 = tpu.memref_slice %arg11[%dma_wait3A_844, %dma_wait3A_849] : memref<24x128xi32, #tpu.memory_space<vmem>> -> memref<1x128xi32, #tpu.memory_space<vmem>>
    %dma_wait3A_851 = tpu.memref_squeeze %dma_wait3A_850 : memref<1x128xi32, #tpu.memory_space<vmem>> -> memref<128xi32, #tpu.memory_space<vmem>>
    %dma_wait3A_852 = tpu.memref_slice %arg3[%add3A_584] : memref<100000xi32, #tpu.memory_space<hbm>> -> memref<128xi32, #tpu.memory_space<hbm>>
    tpu.wait_dma2 semaphore(%arg20 : memref<!tpu.dma_semaphore, #tpu.memory_space<semaphore_mem>>) src(%dma_wait3A_852 : memref<128xi32, #tpu.memory_space<hbm>>) dst(%dma_wait3A_851 : memref<128xi32, #tpu.memory_space<vmem>>)
    %dma_wait3A_853 = arith.constant 2 : i32
    %dma_wait3A_854 = arith.constant 0 : i32
    %dma_wait3A_855 = tpu.memref_slice %arg11[%dma_wait3A_853, %dma_wait3A_854] : memref<24x128xi32, #tpu.memory_space<vmem>> -> memref<1x128xi32, #tpu.memory_space<vmem>>
    %dma_wait3A_856 = tpu.memref_squeeze %dma_wait3A_855 : memref<1x128xi32, #tpu.memory_space<vmem>> -> memref<128xi32, #tpu.memory_space<vmem>>
    %dma_wait3A_857 = tpu.memref_slice %arg3[%add3A_595] : memref<100000xi32, #tpu.memory_space<hbm>> -> memref<128xi32, #tpu.memory_space<hbm>>
    %dma_wait3A_858 = arith.constant 0 : i32
    %dma_wait3A_859 = tpu.memref_slice %arg11[%dma_wait3A_853, %dma_wait3A_858] : memref<24x128xi32, #tpu.memory_space<vmem>> -> memref<1x128xi32, #tpu.memory_space<vmem>>
    %dma_wait3A_860 = tpu.memref_squeeze %dma_wait3A_859 : memref<1x128xi32, #tpu.memory_space<vmem>> -> memref<128xi32, #tpu.memory_space<vmem>>
    %dma_wait3A_861 = tpu.memref_slice %arg3[%add3A_595] : memref<100000xi32, #tpu.memory_space<hbm>> -> memref<128xi32, #tpu.memory_space<hbm>>
    tpu.wait_dma2 semaphore(%arg20 : memref<!tpu.dma_semaphore, #tpu.memory_space<semaphore_mem>>) src(%dma_wait3A_861 : memref<128xi32, #tpu.memory_space<hbm>>) dst(%dma_wait3A_860 : memref<128xi32, #tpu.memory_space<vmem>>)
    %dma_wait3A_862 = arith.constant 3 : i32
    %dma_wait3A_863 = arith.constant 0 : i32
    %dma_wait3A_864 = tpu.memref_slice %arg11[%dma_wait3A_862, %dma_wait3A_863] : memref<24x128xi32, #tpu.memory_space<vmem>> -> memref<1x128xi32, #tpu.memory_space<vmem>>
    %dma_wait3A_865 = tpu.memref_squeeze %dma_wait3A_864 : memref<1x128xi32, #tpu.memory_space<vmem>> -> memref<128xi32, #tpu.memory_space<vmem>>
    %dma_wait3A_866 = tpu.memref_slice %arg3[%add3A_606] : memref<100000xi32, #tpu.memory_space<hbm>> -> memref<128xi32, #tpu.memory_space<hbm>>
    %dma_wait3A_867 = arith.constant 0 : i32
    %dma_wait3A_868 = tpu.memref_slice %arg11[%dma_wait3A_862, %dma_wait3A_867] : memref<24x128xi32, #tpu.memory_space<vmem>> -> memref<1x128xi32, #tpu.memory_space<vmem>>
    %dma_wait3A_869 = tpu.memref_squeeze %dma_wait3A_868 : memref<1x128xi32, #tpu.memory_space<vmem>> -> memref<128xi32, #tpu.memory_space<vmem>>
    %dma_wait3A_870 = tpu.memref_slice %arg3[%add3A_606] : memref<100000xi32, #tpu.memory_space<hbm>> -> memref<128xi32, #tpu.memory_space<hbm>>
    tpu.wait_dma2 semaphore(%arg20 : memref<!tpu.dma_semaphore, #tpu.memory_space<semaphore_mem>>) src(%dma_wait3A_870 : memref<128xi32, #tpu.memory_space<hbm>>) dst(%dma_wait3A_869 : memref<128xi32, #tpu.memory_space<vmem>>)
    %dma_wait3A_871 = arith.constant 4 : i32
    %dma_wait3A_872 = arith.constant 0 : i32
    %dma_wait3A_873 = tpu.memref_slice %arg11[%dma_wait3A_871, %dma_wait3A_872] : memref<24x128xi32, #tpu.memory_space<vmem>> -> memref<1x128xi32, #tpu.memory_space<vmem>>
    %dma_wait3A_874 = tpu.memref_squeeze %dma_wait3A_873 : memref<1x128xi32, #tpu.memory_space<vmem>> -> memref<128xi32, #tpu.memory_space<vmem>>
    %dma_wait3A_875 = tpu.memref_slice %arg3[%add3A_617] : memref<100000xi32, #tpu.memory_space<hbm>> -> memref<128xi32, #tpu.memory_space<hbm>>
    %dma_wait3A_876 = arith.constant 0 : i32
    %dma_wait3A_877 = tpu.memref_slice %arg11[%dma_wait3A_871, %dma_wait3A_876] : memref<24x128xi32, #tpu.memory_space<vmem>> -> memref<1x128xi32, #tpu.memory_space<vmem>>
    %dma_wait3A_878 = tpu.memref_squeeze %dma_wait3A_877 : memref<1x128xi32, #tpu.memory_space<vmem>> -> memref<128xi32, #tpu.memory_space<vmem>>
    %dma_wait3A_879 = tpu.memref_slice %arg3[%add3A_617] : memref<100000xi32, #tpu.memory_space<hbm>> -> memref<128xi32, #tpu.memory_space<hbm>>
    tpu.wait_dma2 semaphore(%arg20 : memref<!tpu.dma_semaphore, #tpu.memory_space<semaphore_mem>>) src(%dma_wait3A_879 : memref<128xi32, #tpu.memory_space<hbm>>) dst(%dma_wait3A_878 : memref<128xi32, #tpu.memory_space<vmem>>)
    %dma_wait3A_880 = arith.constant 5 : i32
    %dma_wait3A_881 = arith.constant 0 : i32
    %dma_wait3A_882 = tpu.memref_slice %arg11[%dma_wait3A_880, %dma_wait3A_881] : memref<24x128xi32, #tpu.memory_space<vmem>> -> memref<1x128xi32, #tpu.memory_space<vmem>>
    %dma_wait3A_883 = tpu.memref_squeeze %dma_wait3A_882 : memref<1x128xi32, #tpu.memory_space<vmem>> -> memref<128xi32, #tpu.memory_space<vmem>>
    %dma_wait3A_884 = tpu.memref_slice %arg3[%add3A_628] : memref<100000xi32, #tpu.memory_space<hbm>> -> memref<128xi32, #tpu.memory_space<hbm>>
    %dma_wait3A_885 = arith.constant 0 : i32
    %dma_wait3A_886 = tpu.memref_slice %arg11[%dma_wait3A_880, %dma_wait3A_885] : memref<24x128xi32, #tpu.memory_space<vmem>> -> memref<1x128xi32, #tpu.memory_space<vmem>>
    %dma_wait3A_887 = tpu.memref_squeeze %dma_wait3A_886 : memref<1x128xi32, #tpu.memory_space<vmem>> -> memref<128xi32, #tpu.memory_space<vmem>>
    %dma_wait3A_888 = tpu.memref_slice %arg3[%add3A_628] : memref<100000xi32, #tpu.memory_space<hbm>> -> memref<128xi32, #tpu.memory_space<hbm>>
    tpu.wait_dma2 semaphore(%arg20 : memref<!tpu.dma_semaphore, #tpu.memory_space<semaphore_mem>>) src(%dma_wait3A_888 : memref<128xi32, #tpu.memory_space<hbm>>) dst(%dma_wait3A_887 : memref<128xi32, #tpu.memory_space<vmem>>)
    %dma_wait3A_889 = arith.constant 6 : i32
    %dma_wait3A_890 = arith.constant 0 : i32
    %dma_wait3A_891 = tpu.memref_slice %arg11[%dma_wait3A_889, %dma_wait3A_890] : memref<24x128xi32, #tpu.memory_space<vmem>> -> memref<1x128xi32, #tpu.memory_space<vmem>>
    %dma_wait3A_892 = tpu.memref_squeeze %dma_wait3A_891 : memref<1x128xi32, #tpu.memory_space<vmem>> -> memref<128xi32, #tpu.memory_space<vmem>>
    %dma_wait3A_893 = tpu.memref_slice %arg3[%add3A_639] : memref<100000xi32, #tpu.memory_space<hbm>> -> memref<128xi32, #tpu.memory_space<hbm>>
    %dma_wait3A_894 = arith.constant 0 : i32
    %dma_wait3A_895 = tpu.memref_slice %arg11[%dma_wait3A_889, %dma_wait3A_894] : memref<24x128xi32, #tpu.memory_space<vmem>> -> memref<1x128xi32, #tpu.memory_space<vmem>>
    %dma_wait3A_896 = tpu.memref_squeeze %dma_wait3A_895 : memref<1x128xi32, #tpu.memory_space<vmem>> -> memref<128xi32, #tpu.memory_space<vmem>>
    %dma_wait3A_897 = tpu.memref_slice %arg3[%add3A_639] : memref<100000xi32, #tpu.memory_space<hbm>> -> memref<128xi32, #tpu.memory_space<hbm>>
    tpu.wait_dma2 semaphore(%arg20 : memref<!tpu.dma_semaphore, #tpu.memory_space<semaphore_mem>>) src(%dma_wait3A_897 : memref<128xi32, #tpu.memory_space<hbm>>) dst(%dma_wait3A_896 : memref<128xi32, #tpu.memory_space<vmem>>)
    %dma_wait3A_898 = arith.constant 7 : i32
    %dma_wait3A_899 = arith.constant 0 : i32
    %dma_wait3A_900 = tpu.memref_slice %arg11[%dma_wait3A_898, %dma_wait3A_899] : memref<24x128xi32, #tpu.memory_space<vmem>> -> memref<1x128xi32, #tpu.memory_space<vmem>>
    %dma_wait3A_901 = tpu.memref_squeeze %dma_wait3A_900 : memref<1x128xi32, #tpu.memory_space<vmem>> -> memref<128xi32, #tpu.memory_space<vmem>>
    %dma_wait3A_902 = tpu.memref_slice %arg3[%add3A_650] : memref<100000xi32, #tpu.memory_space<hbm>> -> memref<128xi32, #tpu.memory_space<hbm>>
    %dma_wait3A_903 = arith.constant 0 : i32
    %dma_wait3A_904 = tpu.memref_slice %arg11[%dma_wait3A_898, %dma_wait3A_903] : memref<24x128xi32, #tpu.memory_space<vmem>> -> memref<1x128xi32, #tpu.memory_space<vmem>>
    %dma_wait3A_905 = tpu.memref_squeeze %dma_wait3A_904 : memref<1x128xi32, #tpu.memory_space<vmem>> -> memref<128xi32, #tpu.memory_space<vmem>>
    %dma_wait3A_906 = tpu.memref_slice %arg3[%add3A_650] : memref<100000xi32, #tpu.memory_space<hbm>> -> memref<128xi32, #tpu.memory_space<hbm>>
    tpu.wait_dma2 semaphore(%arg20 : memref<!tpu.dma_semaphore, #tpu.memory_space<semaphore_mem>>) src(%dma_wait3A_906 : memref<128xi32, #tpu.memory_space<hbm>>) dst(%dma_wait3A_905 : memref<128xi32, #tpu.memory_space<vmem>>)
    %dma_wait3A_907 = arith.constant 8 : i32
    %dma_wait3A_908 = arith.constant 0 : i32
    %dma_wait3A_909 = tpu.memref_slice %arg11[%dma_wait3A_907, %dma_wait3A_908] : memref<24x128xi32, #tpu.memory_space<vmem>> -> memref<1x128xi32, #tpu.memory_space<vmem>>
    %dma_wait3A_910 = tpu.memref_squeeze %dma_wait3A_909 : memref<1x128xi32, #tpu.memory_space<vmem>> -> memref<128xi32, #tpu.memory_space<vmem>>
    %dma_wait3A_911 = tpu.memref_slice %arg3[%add3A_661] : memref<100000xi32, #tpu.memory_space<hbm>> -> memref<128xi32, #tpu.memory_space<hbm>>
    %dma_wait3A_912 = arith.constant 0 : i32
    %dma_wait3A_913 = tpu.memref_slice %arg11[%dma_wait3A_907, %dma_wait3A_912] : memref<24x128xi32, #tpu.memory_space<vmem>> -> memref<1x128xi32, #tpu.memory_space<vmem>>
    %dma_wait3A_914 = tpu.memref_squeeze %dma_wait3A_913 : memref<1x128xi32, #tpu.memory_space<vmem>> -> memref<128xi32, #tpu.memory_space<vmem>>
    %dma_wait3A_915 = tpu.memref_slice %arg3[%add3A_661] : memref<100000xi32, #tpu.memory_space<hbm>> -> memref<128xi32, #tpu.memory_space<hbm>>
    tpu.wait_dma2 semaphore(%arg20 : memref<!tpu.dma_semaphore, #tpu.memory_space<semaphore_mem>>) src(%dma_wait3A_915 : memref<128xi32, #tpu.memory_space<hbm>>) dst(%dma_wait3A_914 : memref<128xi32, #tpu.memory_space<vmem>>)
    %dma_wait3A_916 = arith.constant 9 : i32
    %dma_wait3A_917 = arith.constant 0 : i32
    %dma_wait3A_918 = tpu.memref_slice %arg11[%dma_wait3A_916, %dma_wait3A_917] : memref<24x128xi32, #tpu.memory_space<vmem>> -> memref<1x128xi32, #tpu.memory_space<vmem>>
    %dma_wait3A_919 = tpu.memref_squeeze %dma_wait3A_918 : memref<1x128xi32, #tpu.memory_space<vmem>> -> memref<128xi32, #tpu.memory_space<vmem>>
    %dma_wait3A_920 = tpu.memref_slice %arg3[%add3A_672] : memref<100000xi32, #tpu.memory_space<hbm>> -> memref<128xi32, #tpu.memory_space<hbm>>
    %dma_wait3A_921 = arith.constant 0 : i32
    %dma_wait3A_922 = tpu.memref_slice %arg11[%dma_wait3A_916, %dma_wait3A_921] : memref<24x128xi32, #tpu.memory_space<vmem>> -> memref<1x128xi32, #tpu.memory_space<vmem>>
    %dma_wait3A_923 = tpu.memref_squeeze %dma_wait3A_922 : memref<1x128xi32, #tpu.memory_space<vmem>> -> memref<128xi32, #tpu.memory_space<vmem>>
    %dma_wait3A_924 = tpu.memref_slice %arg3[%add3A_672] : memref<100000xi32, #tpu.memory_space<hbm>> -> memref<128xi32, #tpu.memory_space<hbm>>
    tpu.wait_dma2 semaphore(%arg20 : memref<!tpu.dma_semaphore, #tpu.memory_space<semaphore_mem>>) src(%dma_wait3A_924 : memref<128xi32, #tpu.memory_space<hbm>>) dst(%dma_wait3A_923 : memref<128xi32, #tpu.memory_space<vmem>>)
    %dma_wait3A_925 = arith.constant 10 : i32
    %dma_wait3A_926 = arith.constant 0 : i32
    %dma_wait3A_927 = tpu.memref_slice %arg11[%dma_wait3A_925, %dma_wait3A_926] : memref<24x128xi32, #tpu.memory_space<vmem>> -> memref<1x128xi32, #tpu.memory_space<vmem>>
    %dma_wait3A_928 = tpu.memref_squeeze %dma_wait3A_927 : memref<1x128xi32, #tpu.memory_space<vmem>> -> memref<128xi32, #tpu.memory_space<vmem>>
    %dma_wait3A_929 = tpu.memref_slice %arg3[%add3A_683] : memref<100000xi32, #tpu.memory_space<hbm>> -> memref<128xi32, #tpu.memory_space<hbm>>
    %dma_wait3A_930 = arith.constant 0 : i32
    %dma_wait3A_931 = tpu.memref_slice %arg11[%dma_wait3A_925, %dma_wait3A_930] : memref<24x128xi32, #tpu.memory_space<vmem>> -> memref<1x128xi32, #tpu.memory_space<vmem>>
    %dma_wait3A_932 = tpu.memref_squeeze %dma_wait3A_931 : memref<1x128xi32, #tpu.memory_space<vmem>> -> memref<128xi32, #tpu.memory_space<vmem>>
    %dma_wait3A_933 = tpu.memref_slice %arg3[%add3A_683] : memref<100000xi32, #tpu.memory_space<hbm>> -> memref<128xi32, #tpu.memory_space<hbm>>
    tpu.wait_dma2 semaphore(%arg20 : memref<!tpu.dma_semaphore, #tpu.memory_space<semaphore_mem>>) src(%dma_wait3A_933 : memref<128xi32, #tpu.memory_space<hbm>>) dst(%dma_wait3A_932 : memref<128xi32, #tpu.memory_space<vmem>>)
    %dma_wait3A_934 = arith.constant 11 : i32
    %dma_wait3A_935 = arith.constant 0 : i32
    %dma_wait3A_936 = tpu.memref_slice %arg11[%dma_wait3A_934, %dma_wait3A_935] : memref<24x128xi32, #tpu.memory_space<vmem>> -> memref<1x128xi32, #tpu.memory_space<vmem>>
    %dma_wait3A_937 = tpu.memref_squeeze %dma_wait3A_936 : memref<1x128xi32, #tpu.memory_space<vmem>> -> memref<128xi32, #tpu.memory_space<vmem>>
    %dma_wait3A_938 = tpu.memref_slice %arg3[%add3A_694] : memref<100000xi32, #tpu.memory_space<hbm>> -> memref<128xi32, #tpu.memory_space<hbm>>
    %dma_wait3A_939 = arith.constant 0 : i32
    %dma_wait3A_940 = tpu.memref_slice %arg11[%dma_wait3A_934, %dma_wait3A_939] : memref<24x128xi32, #tpu.memory_space<vmem>> -> memref<1x128xi32, #tpu.memory_space<vmem>>
    %dma_wait3A_941 = tpu.memref_squeeze %dma_wait3A_940 : memref<1x128xi32, #tpu.memory_space<vmem>> -> memref<128xi32, #tpu.memory_space<vmem>>
    %dma_wait3A_942 = tpu.memref_slice %arg3[%add3A_694] : memref<100000xi32, #tpu.memory_space<hbm>> -> memref<128xi32, #tpu.memory_space<hbm>>
    tpu.wait_dma2 semaphore(%arg20 : memref<!tpu.dma_semaphore, #tpu.memory_space<semaphore_mem>>) src(%dma_wait3A_942 : memref<128xi32, #tpu.memory_space<hbm>>) dst(%dma_wait3A_941 : memref<128xi32, #tpu.memory_space<vmem>>)
    %dma_wait3A_943 = arith.constant 12 : i32
    %dma_wait3A_944 = arith.constant 0 : i32
    %dma_wait3A_945 = tpu.memref_slice %arg11[%dma_wait3A_943, %dma_wait3A_944] : memref<24x128xi32, #tpu.memory_space<vmem>> -> memref<1x128xi32, #tpu.memory_space<vmem>>
    %dma_wait3A_946 = tpu.memref_squeeze %dma_wait3A_945 : memref<1x128xi32, #tpu.memory_space<vmem>> -> memref<128xi32, #tpu.memory_space<vmem>>
    %dma_wait3A_947 = tpu.memref_slice %arg3[%add3A_705] : memref<100000xi32, #tpu.memory_space<hbm>> -> memref<128xi32, #tpu.memory_space<hbm>>
    %dma_wait3A_948 = arith.constant 0 : i32
    %dma_wait3A_949 = tpu.memref_slice %arg11[%dma_wait3A_943, %dma_wait3A_948] : memref<24x128xi32, #tpu.memory_space<vmem>> -> memref<1x128xi32, #tpu.memory_space<vmem>>
    %dma_wait3A_950 = tpu.memref_squeeze %dma_wait3A_949 : memref<1x128xi32, #tpu.memory_space<vmem>> -> memref<128xi32, #tpu.memory_space<vmem>>
    %dma_wait3A_951 = tpu.memref_slice %arg3[%add3A_705] : memref<100000xi32, #tpu.memory_space<hbm>> -> memref<128xi32, #tpu.memory_space<hbm>>
    tpu.wait_dma2 semaphore(%arg20 : memref<!tpu.dma_semaphore, #tpu.memory_space<semaphore_mem>>) src(%dma_wait3A_951 : memref<128xi32, #tpu.memory_space<hbm>>) dst(%dma_wait3A_950 : memref<128xi32, #tpu.memory_space<vmem>>)
    %dma_wait3A_952 = arith.constant 13 : i32
    %dma_wait3A_953 = arith.constant 0 : i32
    %dma_wait3A_954 = tpu.memref_slice %arg11[%dma_wait3A_952, %dma_wait3A_953] : memref<24x128xi32, #tpu.memory_space<vmem>> -> memref<1x128xi32, #tpu.memory_space<vmem>>
    %dma_wait3A_955 = tpu.memref_squeeze %dma_wait3A_954 : memref<1x128xi32, #tpu.memory_space<vmem>> -> memref<128xi32, #tpu.memory_space<vmem>>
    %dma_wait3A_956 = tpu.memref_slice %arg3[%add3A_716] : memref<100000xi32, #tpu.memory_space<hbm>> -> memref<128xi32, #tpu.memory_space<hbm>>
    %dma_wait3A_957 = arith.constant 0 : i32
    %dma_wait3A_958 = tpu.memref_slice %arg11[%dma_wait3A_952, %dma_wait3A_957] : memref<24x128xi32, #tpu.memory_space<vmem>> -> memref<1x128xi32, #tpu.memory_space<vmem>>
    %dma_wait3A_959 = tpu.memref_squeeze %dma_wait3A_958 : memref<1x128xi32, #tpu.memory_space<vmem>> -> memref<128xi32, #tpu.memory_space<vmem>>
    %dma_wait3A_960 = tpu.memref_slice %arg3[%add3A_716] : memref<100000xi32, #tpu.memory_space<hbm>> -> memref<128xi32, #tpu.memory_space<hbm>>
    tpu.wait_dma2 semaphore(%arg20 : memref<!tpu.dma_semaphore, #tpu.memory_space<semaphore_mem>>) src(%dma_wait3A_960 : memref<128xi32, #tpu.memory_space<hbm>>) dst(%dma_wait3A_959 : memref<128xi32, #tpu.memory_space<vmem>>)
    %dma_wait3A_961 = arith.constant 14 : i32
    %dma_wait3A_962 = arith.constant 0 : i32
    %dma_wait3A_963 = tpu.memref_slice %arg11[%dma_wait3A_961, %dma_wait3A_962] : memref<24x128xi32, #tpu.memory_space<vmem>> -> memref<1x128xi32, #tpu.memory_space<vmem>>
    %dma_wait3A_964 = tpu.memref_squeeze %dma_wait3A_963 : memref<1x128xi32, #tpu.memory_space<vmem>> -> memref<128xi32, #tpu.memory_space<vmem>>
    %dma_wait3A_965 = tpu.memref_slice %arg3[%add3A_727] : memref<100000xi32, #tpu.memory_space<hbm>> -> memref<128xi32, #tpu.memory_space<hbm>>
    %dma_wait3A_966 = arith.constant 0 : i32
    %dma_wait3A_967 = tpu.memref_slice %arg11[%dma_wait3A_961, %dma_wait3A_966] : memref<24x128xi32, #tpu.memory_space<vmem>> -> memref<1x128xi32, #tpu.memory_space<vmem>>
    %dma_wait3A_968 = tpu.memref_squeeze %dma_wait3A_967 : memref<1x128xi32, #tpu.memory_space<vmem>> -> memref<128xi32, #tpu.memory_space<vmem>>
    %dma_wait3A_969 = tpu.memref_slice %arg3[%add3A_727] : memref<100000xi32, #tpu.memory_space<hbm>> -> memref<128xi32, #tpu.memory_space<hbm>>
    tpu.wait_dma2 semaphore(%arg20 : memref<!tpu.dma_semaphore, #tpu.memory_space<semaphore_mem>>) src(%dma_wait3A_969 : memref<128xi32, #tpu.memory_space<hbm>>) dst(%dma_wait3A_968 : memref<128xi32, #tpu.memory_space<vmem>>)
    %dma_wait3A_970 = arith.constant 15 : i32
    %dma_wait3A_971 = arith.constant 0 : i32
    %dma_wait3A_972 = tpu.memref_slice %arg11[%dma_wait3A_970, %dma_wait3A_971] : memref<24x128xi32, #tpu.memory_space<vmem>> -> memref<1x128xi32, #tpu.memory_space<vmem>>
    %dma_wait3A_973 = tpu.memref_squeeze %dma_wait3A_972 : memref<1x128xi32, #tpu.memory_space<vmem>> -> memref<128xi32, #tpu.memory_space<vmem>>
    %dma_wait3A_974 = tpu.memref_slice %arg3[%add3A_738] : memref<100000xi32, #tpu.memory_space<hbm>> -> memref<128xi32, #tpu.memory_space<hbm>>
    %dma_wait3A_975 = arith.constant 0 : i32
    %dma_wait3A_976 = tpu.memref_slice %arg11[%dma_wait3A_970, %dma_wait3A_975] : memref<24x128xi32, #tpu.memory_space<vmem>> -> memref<1x128xi32, #tpu.memory_space<vmem>>
    %dma_wait3A_977 = tpu.memref_squeeze %dma_wait3A_976 : memref<1x128xi32, #tpu.memory_space<vmem>> -> memref<128xi32, #tpu.memory_space<vmem>>
    %dma_wait3A_978 = tpu.memref_slice %arg3[%add3A_738] : memref<100000xi32, #tpu.memory_space<hbm>> -> memref<128xi32, #tpu.memory_space<hbm>>
    tpu.wait_dma2 semaphore(%arg20 : memref<!tpu.dma_semaphore, #tpu.memory_space<semaphore_mem>>) src(%dma_wait3A_978 : memref<128xi32, #tpu.memory_space<hbm>>) dst(%dma_wait3A_977 : memref<128xi32, #tpu.memory_space<vmem>>)
    %dma_wait3A_979 = arith.constant 16 : i32
    %dma_wait3A_980 = arith.constant 0 : i32
    %dma_wait3A_981 = tpu.memref_slice %arg11[%dma_wait3A_979, %dma_wait3A_980] : memref<24x128xi32, #tpu.memory_space<vmem>> -> memref<1x128xi32, #tpu.memory_space<vmem>>
    %dma_wait3A_982 = tpu.memref_squeeze %dma_wait3A_981 : memref<1x128xi32, #tpu.memory_space<vmem>> -> memref<128xi32, #tpu.memory_space<vmem>>
    %dma_wait3A_983 = tpu.memref_slice %arg3[%add3A_749] : memref<100000xi32, #tpu.memory_space<hbm>> -> memref<128xi32, #tpu.memory_space<hbm>>
    %dma_wait3A_984 = arith.constant 0 : i32
    %dma_wait3A_985 = tpu.memref_slice %arg11[%dma_wait3A_979, %dma_wait3A_984] : memref<24x128xi32, #tpu.memory_space<vmem>> -> memref<1x128xi32, #tpu.memory_space<vmem>>
    %dma_wait3A_986 = tpu.memref_squeeze %dma_wait3A_985 : memref<1x128xi32, #tpu.memory_space<vmem>> -> memref<128xi32, #tpu.memory_space<vmem>>
    %dma_wait3A_987 = tpu.memref_slice %arg3[%add3A_749] : memref<100000xi32, #tpu.memory_space<hbm>> -> memref<128xi32, #tpu.memory_space<hbm>>
    tpu.wait_dma2 semaphore(%arg20 : memref<!tpu.dma_semaphore, #tpu.memory_space<semaphore_mem>>) src(%dma_wait3A_987 : memref<128xi32, #tpu.memory_space<hbm>>) dst(%dma_wait3A_986 : memref<128xi32, #tpu.memory_space<vmem>>)
    %dma_wait3A_988 = arith.constant 17 : i32
    %dma_wait3A_989 = arith.constant 0 : i32
    %dma_wait3A_990 = tpu.memref_slice %arg11[%dma_wait3A_988, %dma_wait3A_989] : memref<24x128xi32, #tpu.memory_space<vmem>> -> memref<1x128xi32, #tpu.memory_space<vmem>>
    %dma_wait3A_991 = tpu.memref_squeeze %dma_wait3A_990 : memref<1x128xi32, #tpu.memory_space<vmem>> -> memref<128xi32, #tpu.memory_space<vmem>>
    %dma_wait3A_992 = tpu.memref_slice %arg3[%add3A_760] : memref<100000xi32, #tpu.memory_space<hbm>> -> memref<128xi32, #tpu.memory_space<hbm>>
    %dma_wait3A_993 = arith.constant 0 : i32
    %dma_wait3A_994 = tpu.memref_slice %arg11[%dma_wait3A_988, %dma_wait3A_993] : memref<24x128xi32, #tpu.memory_space<vmem>> -> memref<1x128xi32, #tpu.memory_space<vmem>>
    %dma_wait3A_995 = tpu.memref_squeeze %dma_wait3A_994 : memref<1x128xi32, #tpu.memory_space<vmem>> -> memref<128xi32, #tpu.memory_space<vmem>>
    %dma_wait3A_996 = tpu.memref_slice %arg3[%add3A_760] : memref<100000xi32, #tpu.memory_space<hbm>> -> memref<128xi32, #tpu.memory_space<hbm>>
    tpu.wait_dma2 semaphore(%arg20 : memref<!tpu.dma_semaphore, #tpu.memory_space<semaphore_mem>>) src(%dma_wait3A_996 : memref<128xi32, #tpu.memory_space<hbm>>) dst(%dma_wait3A_995 : memref<128xi32, #tpu.memory_space<vmem>>)
    %dma_wait3A_997 = arith.constant 18 : i32
    %dma_wait3A_998 = arith.constant 0 : i32
    %dma_wait3A_999 = tpu.memref_slice %arg11[%dma_wait3A_997, %dma_wait3A_998] : memref<24x128xi32, #tpu.memory_space<vmem>> -> memref<1x128xi32, #tpu.memory_space<vmem>>
    %dma_wait3A_1000 = tpu.memref_squeeze %dma_wait3A_999 : memref<1x128xi32, #tpu.memory_space<vmem>> -> memref<128xi32, #tpu.memory_space<vmem>>
    %dma_wait3A_1001 = tpu.memref_slice %arg3[%add3A_771] : memref<100000xi32, #tpu.memory_space<hbm>> -> memref<128xi32, #tpu.memory_space<hbm>>
    %dma_wait3A_1002 = arith.constant 0 : i32
    %dma_wait3A_1003 = tpu.memref_slice %arg11[%dma_wait3A_997, %dma_wait3A_1002] : memref<24x128xi32, #tpu.memory_space<vmem>> -> memref<1x128xi32, #tpu.memory_space<vmem>>
    %dma_wait3A_1004 = tpu.memref_squeeze %dma_wait3A_1003 : memref<1x128xi32, #tpu.memory_space<vmem>> -> memref<128xi32, #tpu.memory_space<vmem>>
    %dma_wait3A_1005 = tpu.memref_slice %arg3[%add3A_771] : memref<100000xi32, #tpu.memory_space<hbm>> -> memref<128xi32, #tpu.memory_space<hbm>>
    tpu.wait_dma2 semaphore(%arg20 : memref<!tpu.dma_semaphore, #tpu.memory_space<semaphore_mem>>) src(%dma_wait3A_1005 : memref<128xi32, #tpu.memory_space<hbm>>) dst(%dma_wait3A_1004 : memref<128xi32, #tpu.memory_space<vmem>>)
    %dma_wait3A_1006 = arith.constant 19 : i32
    %dma_wait3A_1007 = arith.constant 0 : i32
    %dma_wait3A_1008 = tpu.memref_slice %arg11[%dma_wait3A_1006, %dma_wait3A_1007] : memref<24x128xi32, #tpu.memory_space<vmem>> -> memref<1x128xi32, #tpu.memory_space<vmem>>
    %dma_wait3A_1009 = tpu.memref_squeeze %dma_wait3A_1008 : memref<1x128xi32, #tpu.memory_space<vmem>> -> memref<128xi32, #tpu.memory_space<vmem>>
    %dma_wait3A_1010 = tpu.memref_slice %arg3[%add3A_782] : memref<100000xi32, #tpu.memory_space<hbm>> -> memref<128xi32, #tpu.memory_space<hbm>>
    %dma_wait3A_1011 = arith.constant 0 : i32
    %dma_wait3A_1012 = tpu.memref_slice %arg11[%dma_wait3A_1006, %dma_wait3A_1011] : memref<24x128xi32, #tpu.memory_space<vmem>> -> memref<1x128xi32, #tpu.memory_space<vmem>>
    %dma_wait3A_1013 = tpu.memref_squeeze %dma_wait3A_1012 : memref<1x128xi32, #tpu.memory_space<vmem>> -> memref<128xi32, #tpu.memory_space<vmem>>
    %dma_wait3A_1014 = tpu.memref_slice %arg3[%add3A_782] : memref<100000xi32, #tpu.memory_space<hbm>> -> memref<128xi32, #tpu.memory_space<hbm>>
    tpu.wait_dma2 semaphore(%arg20 : memref<!tpu.dma_semaphore, #tpu.memory_space<semaphore_mem>>) src(%dma_wait3A_1014 : memref<128xi32, #tpu.memory_space<hbm>>) dst(%dma_wait3A_1013 : memref<128xi32, #tpu.memory_space<vmem>>)
    %dma_wait3A_1015 = arith.constant 20 : i32
    %dma_wait3A_1016 = arith.constant 0 : i32
    %dma_wait3A_1017 = tpu.memref_slice %arg11[%dma_wait3A_1015, %dma_wait3A_1016] : memref<24x128xi32, #tpu.memory_space<vmem>> -> memref<1x128xi32, #tpu.memory_space<vmem>>
    %dma_wait3A_1018 = tpu.memref_squeeze %dma_wait3A_1017 : memref<1x128xi32, #tpu.memory_space<vmem>> -> memref<128xi32, #tpu.memory_space<vmem>>
    %dma_wait3A_1019 = tpu.memref_slice %arg3[%add3A_793] : memref<100000xi32, #tpu.memory_space<hbm>> -> memref<128xi32, #tpu.memory_space<hbm>>
    %dma_wait3A_1020 = arith.constant 0 : i32
    %dma_wait3A_1021 = tpu.memref_slice %arg11[%dma_wait3A_1015, %dma_wait3A_1020] : memref<24x128xi32, #tpu.memory_space<vmem>> -> memref<1x128xi32, #tpu.memory_space<vmem>>
    %dma_wait3A_1022 = tpu.memref_squeeze %dma_wait3A_1021 : memref<1x128xi32, #tpu.memory_space<vmem>> -> memref<128xi32, #tpu.memory_space<vmem>>
    %dma_wait3A_1023 = tpu.memref_slice %arg3[%add3A_793] : memref<100000xi32, #tpu.memory_space<hbm>> -> memref<128xi32, #tpu.memory_space<hbm>>
    tpu.wait_dma2 semaphore(%arg20 : memref<!tpu.dma_semaphore, #tpu.memory_space<semaphore_mem>>) src(%dma_wait3A_1023 : memref<128xi32, #tpu.memory_space<hbm>>) dst(%dma_wait3A_1022 : memref<128xi32, #tpu.memory_space<vmem>>)
    %dma_wait3A_1024 = arith.constant 21 : i32
    %dma_wait3A_1025 = arith.constant 0 : i32
    %dma_wait3A_1026 = tpu.memref_slice %arg11[%dma_wait3A_1024, %dma_wait3A_1025] : memref<24x128xi32, #tpu.memory_space<vmem>> -> memref<1x128xi32, #tpu.memory_space<vmem>>
    %dma_wait3A_1027 = tpu.memref_squeeze %dma_wait3A_1026 : memref<1x128xi32, #tpu.memory_space<vmem>> -> memref<128xi32, #tpu.memory_space<vmem>>
    %dma_wait3A_1028 = tpu.memref_slice %arg3[%add3A_804] : memref<100000xi32, #tpu.memory_space<hbm>> -> memref<128xi32, #tpu.memory_space<hbm>>
    %dma_wait3A_1029 = arith.constant 0 : i32
    %dma_wait3A_1030 = tpu.memref_slice %arg11[%dma_wait3A_1024, %dma_wait3A_1029] : memref<24x128xi32, #tpu.memory_space<vmem>> -> memref<1x128xi32, #tpu.memory_space<vmem>>
    %dma_wait3A_1031 = tpu.memref_squeeze %dma_wait3A_1030 : memref<1x128xi32, #tpu.memory_space<vmem>> -> memref<128xi32, #tpu.memory_space<vmem>>
    %dma_wait3A_1032 = tpu.memref_slice %arg3[%add3A_804] : memref<100000xi32, #tpu.memory_space<hbm>> -> memref<128xi32, #tpu.memory_space<hbm>>
    tpu.wait_dma2 semaphore(%arg20 : memref<!tpu.dma_semaphore, #tpu.memory_space<semaphore_mem>>) src(%dma_wait3A_1032 : memref<128xi32, #tpu.memory_space<hbm>>) dst(%dma_wait3A_1031 : memref<128xi32, #tpu.memory_space<vmem>>)
    %dma_wait3A_1033 = arith.constant 22 : i32
    %dma_wait3A_1034 = arith.constant 0 : i32
    %dma_wait3A_1035 = tpu.memref_slice %arg11[%dma_wait3A_1033, %dma_wait3A_1034] : memref<24x128xi32, #tpu.memory_space<vmem>> -> memref<1x128xi32, #tpu.memory_space<vmem>>
    %dma_wait3A_1036 = tpu.memref_squeeze %dma_wait3A_1035 : memref<1x128xi32, #tpu.memory_space<vmem>> -> memref<128xi32, #tpu.memory_space<vmem>>
    %dma_wait3A_1037 = tpu.memref_slice %arg3[%add3A_815] : memref<100000xi32, #tpu.memory_space<hbm>> -> memref<128xi32, #tpu.memory_space<hbm>>
    %dma_wait3A_1038 = arith.constant 0 : i32
    %dma_wait3A_1039 = tpu.memref_slice %arg11[%dma_wait3A_1033, %dma_wait3A_1038] : memref<24x128xi32, #tpu.memory_space<vmem>> -> memref<1x128xi32, #tpu.memory_space<vmem>>
    %dma_wait3A_1040 = tpu.memref_squeeze %dma_wait3A_1039 : memref<1x128xi32, #tpu.memory_space<vmem>> -> memref<128xi32, #tpu.memory_space<vmem>>
    %dma_wait3A_1041 = tpu.memref_slice %arg3[%add3A_815] : memref<100000xi32, #tpu.memory_space<hbm>> -> memref<128xi32, #tpu.memory_space<hbm>>
    tpu.wait_dma2 semaphore(%arg20 : memref<!tpu.dma_semaphore, #tpu.memory_space<semaphore_mem>>) src(%dma_wait3A_1041 : memref<128xi32, #tpu.memory_space<hbm>>) dst(%dma_wait3A_1040 : memref<128xi32, #tpu.memory_space<vmem>>)
    %dma_wait3A_1042 = arith.constant 23 : i32
    %dma_wait3A_1043 = arith.constant 0 : i32
    %dma_wait3A_1044 = tpu.memref_slice %arg11[%dma_wait3A_1042, %dma_wait3A_1043] : memref<24x128xi32, #tpu.memory_space<vmem>> -> memref<1x128xi32, #tpu.memory_space<vmem>>
    %dma_wait3A_1045 = tpu.memref_squeeze %dma_wait3A_1044 : memref<1x128xi32, #tpu.memory_space<vmem>> -> memref<128xi32, #tpu.memory_space<vmem>>
    %dma_wait3A_1046 = tpu.memref_slice %arg3[%add3A_826] : memref<100000xi32, #tpu.memory_space<hbm>> -> memref<128xi32, #tpu.memory_space<hbm>>
    %dma_wait3A_1047 = arith.constant 0 : i32
    %dma_wait3A_1048 = tpu.memref_slice %arg11[%dma_wait3A_1042, %dma_wait3A_1047] : memref<24x128xi32, #tpu.memory_space<vmem>> -> memref<1x128xi32, #tpu.memory_space<vmem>>
    %dma_wait3A_1049 = tpu.memref_squeeze %dma_wait3A_1048 : memref<1x128xi32, #tpu.memory_space<vmem>> -> memref<128xi32, #tpu.memory_space<vmem>>
    %dma_wait3A_1050 = tpu.memref_slice %arg3[%add3A_826] : memref<100000xi32, #tpu.memory_space<hbm>> -> memref<128xi32, #tpu.memory_space<hbm>>
    tpu.wait_dma2 semaphore(%arg20 : memref<!tpu.dma_semaphore, #tpu.memory_space<semaphore_mem>>) src(%dma_wait3A_1050 : memref<128xi32, #tpu.memory_space<hbm>>) dst(%dma_wait3A_1049 : memref<128xi32, #tpu.memory_space<vmem>>)
    %add3A_1051 = arith.constant 512 : i32
    %add3A_1052 = arith.addi %mul3A_2, %add3A_1051 : i32
    %dma_start3A_1053 = arith.constant 0 : i32
    %dma_start3A_1054 = tpu.memref_slice %arg2[%add3A_1052, %dma_start3A_1053] : memref<100000x128xf32, #tpu.memory_space<hbm>> -> memref<256x128xf32, #tpu.memory_space<hbm>>
    %dma_start3A_1055 = arith.constant 0 : i32
    %dma_start3A_1056 = tpu.memref_slice %arg2[%add3A_1052, %dma_start3A_1055] : memref<100000x128xf32, #tpu.memory_space<hbm>> -> memref<256x128xf32, #tpu.memory_space<hbm>>
    tpu.enqueue_dma source(%dma_start3A_1056 : memref<256x128xf32, #tpu.memory_space<hbm>>) target(%arg9 : memref<256x128xf32, #tpu.memory_space<vmem>>) target_semaphore(%arg18 : memref<!tpu.dma_semaphore, #tpu.memory_space<semaphore_mem>>)
    %dma_wait3A_1057 = arith.constant 0 : i32
    %dma_wait3A_1058 = tpu.memref_slice %arg2[%add3A_552, %dma_wait3A_1057] : memref<100000x128xf32, #tpu.memory_space<hbm>> -> memref<256x128xf32, #tpu.memory_space<hbm>>
    %dma_wait3A_1059 = arith.constant 0 : i32
    %dma_wait3A_1060 = tpu.memref_slice %arg2[%add3A_552, %dma_wait3A_1059] : memref<100000x128xf32, #tpu.memory_space<hbm>> -> memref<256x128xf32, #tpu.memory_space<hbm>>
    tpu.wait_dma2 semaphore(%arg16 : memref<!tpu.dma_semaphore, #tpu.memory_space<semaphore_mem>>) src(%dma_wait3A_1060 : memref<256x128xf32, #tpu.memory_space<hbm>>) dst(%arg7 : memref<256x128xf32, #tpu.memory_space<vmem>>)
    %dma_start3A_1061 = arith.constant 0 : i32
    %dma_start3A_1062 = arith.constant 0 : i32
    %dma_start3A_1063 = arith.constant 0 : i32
    %dma_start3A_1064 = tpu.memref_slice %arg7[%dma_start3A_1062, %dma_start3A_1063] : memref<256x128xf32, #tpu.memory_space<vmem>> -> memref<128x128xf32, #tpu.memory_space<vmem>>
    %dma_start3A_1065 = arith.constant 0 : i32
    %dma_start3A_1066 = tpu.memref_slice %arg11[%dma_start3A_1061, %dma_start3A_1065] : memref<24x128xi32, #tpu.memory_space<vmem>> -> memref<1x128xi32, #tpu.memory_space<vmem>>
    %dma_start3A_1067 = tpu.memref_squeeze %dma_start3A_1066 : memref<1x128xi32, #tpu.memory_space<vmem>> -> memref<128xi32, #tpu.memory_space<vmem>>
    %dma_start3A_1068 = arith.constant 0 : i32
    %dma_start3A_1069 = arith.constant 0 : i32
    %dma_start3A_1070 = tpu.memref_slice %arg6[%dma_start3A_1068, %dma_start3A_1069] : memref<256x128xf32, #tpu.memory_space<vmem_shared>> -> memref<256x128xf32, #tpu.memory_space<vmem_shared>>
    tpu.enqueue_indirect_dma source(%dma_start3A_1064 : memref<128x128xf32, #tpu.memory_space<vmem>>) target(%dma_start3A_1070 : memref<256x128xf32, #tpu.memory_space<vmem_shared>>) offsets(%dma_start3A_1067 : memref<128xi32, #tpu.memory_space<vmem>>) semaphore(%arg19 : memref<!tpu.dma_semaphore, #tpu.memory_space<semaphore_mem>>) {add = true}
    %dma_start3A_1071 = arith.constant 1 : i32
    %dma_start3A_1072 = arith.constant 128 : i32
    %dma_start3A_1073 = arith.constant 0 : i32
    %dma_start3A_1074 = tpu.memref_slice %arg7[%dma_start3A_1072, %dma_start3A_1073] : memref<256x128xf32, #tpu.memory_space<vmem>> -> memref<128x128xf32, #tpu.memory_space<vmem>>
    %dma_start3A_1075 = arith.constant 0 : i32
    %dma_start3A_1076 = tpu.memref_slice %arg11[%dma_start3A_1071, %dma_start3A_1075] : memref<24x128xi32, #tpu.memory_space<vmem>> -> memref<1x128xi32, #tpu.memory_space<vmem>>
    %dma_start3A_1077 = tpu.memref_squeeze %dma_start3A_1076 : memref<1x128xi32, #tpu.memory_space<vmem>> -> memref<128xi32, #tpu.memory_space<vmem>>
    %dma_start3A_1078 = arith.constant 0 : i32
    %dma_start3A_1079 = arith.constant 0 : i32
    %dma_start3A_1080 = tpu.memref_slice %arg6[%dma_start3A_1078, %dma_start3A_1079] : memref<256x128xf32, #tpu.memory_space<vmem_shared>> -> memref<256x128xf32, #tpu.memory_space<vmem_shared>>
    tpu.enqueue_indirect_dma source(%dma_start3A_1074 : memref<128x128xf32, #tpu.memory_space<vmem>>) target(%dma_start3A_1080 : memref<256x128xf32, #tpu.memory_space<vmem_shared>>) offsets(%dma_start3A_1077 : memref<128xi32, #tpu.memory_space<vmem>>) semaphore(%arg19 : memref<!tpu.dma_semaphore, #tpu.memory_space<semaphore_mem>>) {add = true}
    %get3A = arith.constant 0 : i32
    %get3A_1081 = arith.index_cast %get3A : i32 to index
    %get3A_1082 = arith.constant 0 : index
    %get3A_1083 = tpu.vector_load %arg11[%get3A_1081, %get3A_1082] {strides = array<i32>} : memref<24x128xi32, #tpu.memory_space<vmem>>, vector<16xi32>,
    tpu.vector_store_idx %arg14[%get3A_1083], %broadcast_in_dim3A_5 {add = true} : memref<256xf32, #tpu.memory_space<vmem>>[vector<16xi32>], vector<16xf32>,
    %get3A_1084 = arith.constant 0 : i32
    %get3A_1085 = arith.index_cast %get3A_1084 : i32 to index
    %get3A_1086 = arith.constant 16 : index
    %get3A_1087 = tpu.vector_load %arg11[%get3A_1085, %get3A_1086] {strides = array<i32>} : memref<24x128xi32, #tpu.memory_space<vmem>>, vector<16xi32>,
    tpu.vector_store_idx %arg14[%get3A_1087], %broadcast_in_dim3A_5 {add = true} : memref<256xf32, #tpu.memory_space<vmem>>[vector<16xi32>], vector<16xf32>,
    %get3A_1088 = arith.constant 0 : i32
    %get3A_1089 = arith.index_cast %get3A_1088 : i32 to index
    %get3A_1090 = arith.constant 32 : index
    %get3A_1091 = tpu.vector_load %arg11[%get3A_1089, %get3A_1090] {strides = array<i32>} : memref<24x128xi32, #tpu.memory_space<vmem>>, vector<16xi32>,
    tpu.vector_store_idx %arg14[%get3A_1091], %broadcast_in_dim3A_5 {add = true} : memref<256xf32, #tpu.memory_space<vmem>>[vector<16xi32>], vector<16xf32>,
    %get3A_1092 = arith.constant 0 : i32
    %get3A_1093 = arith.index_cast %get3A_1092 : i32 to index
    %get3A_1094 = arith.constant 48 : index
    %get3A_1095 = tpu.vector_load %arg11[%get3A_1093, %get3A_1094] {strides = array<i32>} : memref<24x128xi32, #tpu.memory_space<vmem>>, vector<16xi32>,
    tpu.vector_store_idx %arg14[%get3A_1095], %broadcast_in_dim3A_5 {add = true} : memref<256xf32, #tpu.memory_space<vmem>>[vector<16xi32>], vector<16xf32>,
    %get3A_1096 = arith.constant 0 : i32
    %get3A_1097 = arith.index_cast %get3A_1096 : i32 to index
    %get3A_1098 = arith.constant 64 : index
    %get3A_1099 = tpu.vector_load %arg11[%get3A_1097, %get3A_1098] {strides = array<i32>} : memref<24x128xi32, #tpu.memory_space<vmem>>, vector<16xi32>,
    tpu.vector_store_idx %arg14[%get3A_1099], %broadcast_in_dim3A_5 {add = true} : memref<256xf32, #tpu.memory_space<vmem>>[vector<16xi32>], vector<16xf32>,
    %get3A_1100 = arith.constant 0 : i32
    %get3A_1101 = arith.index_cast %get3A_1100 : i32 to index
    %get3A_1102 = arith.constant 80 : index
    %get3A_1103 = tpu.vector_load %arg11[%get3A_1101, %get3A_1102] {strides = array<i32>} : memref<24x128xi32, #tpu.memory_space<vmem>>, vector<16xi32>,
    tpu.vector_store_idx %arg14[%get3A_1103], %broadcast_in_dim3A_5 {add = true} : memref<256xf32, #tpu.memory_space<vmem>>[vector<16xi32>], vector<16xf32>,
    %get3A_1104 = arith.constant 0 : i32
    %get3A_1105 = arith.index_cast %get3A_1104 : i32 to index
    %get3A_1106 = arith.constant 96 : index
    %get3A_1107 = tpu.vector_load %arg11[%get3A_1105, %get3A_1106] {strides = array<i32>} : memref<24x128xi32, #tpu.memory_space<vmem>>, vector<16xi32>,
    tpu.vector_store_idx %arg14[%get3A_1107], %broadcast_in_dim3A_5 {add = true} : memref<256xf32, #tpu.memory_space<vmem>>[vector<16xi32>], vector<16xf32>,
    %get3A_1108 = arith.constant 0 : i32
    %get3A_1109 = arith.index_cast %get3A_1108 : i32 to index
    %get3A_1110 = arith.constant 112 : index
    %get3A_1111 = tpu.vector_load %arg11[%get3A_1109, %get3A_1110] {strides = array<i32>} : memref<24x128xi32, #tpu.memory_space<vmem>>, vector<16xi32>,
    tpu.vector_store_idx %arg14[%get3A_1111], %broadcast_in_dim3A_5 {add = true} : memref<256xf32, #tpu.memory_space<vmem>>[vector<16xi32>], vector<16xf32>,
    %get3A_1112 = arith.constant 1 : i32
    %get3A_1113 = arith.index_cast %get3A_1112 : i32 to index
    %get3A_1114 = arith.constant 0 : index
    %get3A_1115 = tpu.vector_load %arg11[%get3A_1113, %get3A_1114] {strides = array<i32>} : memref<24x128xi32, #tpu.memory_space<vmem>>, vector<16xi32>,
    tpu.vector_store_idx %arg14[%get3A_1115], %broadcast_in_dim3A_5 {add = true} : memref<256xf32, #tpu.memory_space<vmem>>[vector<16xi32>], vector<16xf32>,
    %get3A_1116 = arith.constant 1 : i32
    %get3A_1117 = arith.index_cast %get3A_1116 : i32 to index
    %get3A_1118 = arith.constant 16 : index
    %get3A_1119 = tpu.vector_load %arg11[%get3A_1117, %get3A_1118] {strides = array<i32>} : memref<24x128xi32, #tpu.memory_space<vmem>>, vector<16xi32>,
    tpu.vector_store_idx %arg14[%get3A_1119], %broadcast_in_dim3A_5 {add = true} : memref<256xf32, #tpu.memory_space<vmem>>[vector<16xi32>], vector<16xf32>,
    %get3A_1120 = arith.constant 1 : i32
    %get3A_1121 = arith.index_cast %get3A_1120 : i32 to index
    %get3A_1122 = arith.constant 32 : index
    %get3A_1123 = tpu.vector_load %arg11[%get3A_1121, %get3A_1122] {strides = array<i32>} : memref<24x128xi32, #tpu.memory_space<vmem>>, vector<16xi32>,
    tpu.vector_store_idx %arg14[%get3A_1123], %broadcast_in_dim3A_5 {add = true} : memref<256xf32, #tpu.memory_space<vmem>>[vector<16xi32>], vector<16xf32>,
    %get3A_1124 = arith.constant 1 : i32
    %get3A_1125 = arith.index_cast %get3A_1124 : i32 to index
    %get3A_1126 = arith.constant 48 : index
    %get3A_1127 = tpu.vector_load %arg11[%get3A_1125, %get3A_1126] {strides = array<i32>} : memref<24x128xi32, #tpu.memory_space<vmem>>, vector<16xi32>,
    tpu.vector_store_idx %arg14[%get3A_1127], %broadcast_in_dim3A_5 {add = true} : memref<256xf32, #tpu.memory_space<vmem>>[vector<16xi32>], vector<16xf32>,
    %get3A_1128 = arith.constant 1 : i32
    %get3A_1129 = arith.index_cast %get3A_1128 : i32 to index
    %get3A_1130 = arith.constant 64 : index
    %get3A_1131 = tpu.vector_load %arg11[%get3A_1129, %get3A_1130] {strides = array<i32>} : memref<24x128xi32, #tpu.memory_space<vmem>>, vector<16xi32>,
    tpu.vector_store_idx %arg14[%get3A_1131], %broadcast_in_dim3A_5 {add = true} : memref<256xf32, #tpu.memory_space<vmem>>[vector<16xi32>], vector<16xf32>,
    %get3A_1132 = arith.constant 1 : i32
    %get3A_1133 = arith.index_cast %get3A_1132 : i32 to index
    %get3A_1134 = arith.constant 80 : index
    %get3A_1135 = tpu.vector_load %arg11[%get3A_1133, %get3A_1134] {strides = array<i32>} : memref<24x128xi32, #tpu.memory_space<vmem>>, vector<16xi32>,
    tpu.vector_store_idx %arg14[%get3A_1135], %broadcast_in_dim3A_5 {add = true} : memref<256xf32, #tpu.memory_space<vmem>>[vector<16xi32>], vector<16xf32>,
    %get3A_1136 = arith.constant 1 : i32
    %get3A_1137 = arith.index_cast %get3A_1136 : i32 to index
    %get3A_1138 = arith.constant 96 : index
    %get3A_1139 = tpu.vector_load %arg11[%get3A_1137, %get3A_1138] {strides = array<i32>} : memref<24x128xi32, #tpu.memory_space<vmem>>, vector<16xi32>,
    tpu.vector_store_idx %arg14[%get3A_1139], %broadcast_in_dim3A_5 {add = true} : memref<256xf32, #tpu.memory_space<vmem>>[vector<16xi32>], vector<16xf32>,
    %get3A_1140 = arith.constant 1 : i32
    %get3A_1141 = arith.index_cast %get3A_1140 : i32 to index
    %get3A_1142 = arith.constant 112 : index
    %get3A_1143 = tpu.vector_load %arg11[%get3A_1141, %get3A_1142] {strides = array<i32>} : memref<24x128xi32, #tpu.memory_space<vmem>>, vector<16xi32>,
    tpu.vector_store_idx %arg14[%get3A_1143], %broadcast_in_dim3A_5 {add = true} : memref<256xf32, #tpu.memory_space<vmem>>[vector<16xi32>], vector<16xf32>,
    %dma_wait3A_1144 = arith.constant 0 : i32
    %dma_wait3A_1145 = arith.constant 0 : i32
    %dma_wait3A_1146 = arith.constant 0 : i32
    %dma_wait3A_1147 = tpu.memref_slice %arg7[%dma_wait3A_1145, %dma_wait3A_1146] : memref<256x128xf32, #tpu.memory_space<vmem>> -> memref<128x128xf32, #tpu.memory_space<vmem>>
    %dma_wait3A_1148 = arith.constant 0 : i32
    %dma_wait3A_1149 = tpu.memref_slice %arg11[%dma_wait3A_1144, %dma_wait3A_1148] : memref<24x128xi32, #tpu.memory_space<vmem>> -> memref<1x128xi32, #tpu.memory_space<vmem>>
    %dma_wait3A_1150 = tpu.memref_squeeze %dma_wait3A_1149 : memref<1x128xi32, #tpu.memory_space<vmem>> -> memref<128xi32, #tpu.memory_space<vmem>>
    %dma_wait3A_1151 = arith.constant 0 : i32
    %dma_wait3A_1152 = arith.constant 0 : i32
    %dma_wait3A_1153 = tpu.memref_slice %arg6[%dma_wait3A_1151, %dma_wait3A_1152] : memref<256x128xf32, #tpu.memory_space<vmem_shared>> -> memref<256x128xf32, #tpu.memory_space<vmem_shared>>
    tpu.wait_indirect_dma semaphore(%arg19 : memref<!tpu.dma_semaphore, #tpu.memory_space<semaphore_mem>>) src(%dma_wait3A_1147 : memref<128x128xf32, #tpu.memory_space<vmem>>) dst(%dma_wait3A_1153 : memref<256x128xf32, #tpu.memory_space<vmem_shared>>)
    %dma_wait3A_1154 = arith.constant 1 : i32
    %dma_wait3A_1155 = arith.constant 128 : i32
    %dma_wait3A_1156 = arith.constant 0 : i32
    %dma_wait3A_1157 = tpu.memref_slice %arg7[%dma_wait3A_1155, %dma_wait3A_1156] : memref<256x128xf32, #tpu.memory_space<vmem>> -> memref<128x128xf32, #tpu.memory_space<vmem>>
    %dma_wait3A_1158 = arith.constant 0 : i32
    %dma_wait3A_1159 = tpu.memref_slice %arg11[%dma_wait3A_1154, %dma_wait3A_1158] : memref<24x128xi32, #tpu.memory_space<vmem>> -> memref<1x128xi32, #tpu.memory_space<vmem>>
    %dma_wait3A_1160 = tpu.memref_squeeze %dma_wait3A_1159 : memref<1x128xi32, #tpu.memory_space<vmem>> -> memref<128xi32, #tpu.memory_space<vmem>>
    %dma_wait3A_1161 = arith.constant 0 : i32
    %dma_wait3A_1162 = arith.constant 0 : i32
    %dma_wait3A_1163 = tpu.memref_slice %arg6[%dma_wait3A_1161, %dma_wait3A_1162] : memref<256x128xf32, #tpu.memory_space<vmem_shared>> -> memref<256x128xf32, #tpu.memory_space<vmem_shared>>
    tpu.wait_indirect_dma semaphore(%arg19 : memref<!tpu.dma_semaphore, #tpu.memory_space<semaphore_mem>>) src(%dma_wait3A_1157 : memref<128x128xf32, #tpu.memory_space<vmem>>) dst(%dma_wait3A_1163 : memref<256x128xf32, #tpu.memory_space<vmem_shared>>)
    %add3A_1164 = arith.constant 768 : i32
    %add3A_1165 = arith.addi %mul3A_2, %add3A_1164 : i32
    %dma_start3A_1166 = arith.constant 0 : i32
    %dma_start3A_1167 = tpu.memref_slice %arg2[%add3A_1165, %dma_start3A_1166] : memref<100000x128xf32, #tpu.memory_space<hbm>> -> memref<256x128xf32, #tpu.memory_space<hbm>>
    %dma_start3A_1168 = arith.constant 0 : i32
    %dma_start3A_1169 = tpu.memref_slice %arg2[%add3A_1165, %dma_start3A_1168] : memref<100000x128xf32, #tpu.memory_space<hbm>> -> memref<256x128xf32, #tpu.memory_space<hbm>>
    tpu.enqueue_dma source(%dma_start3A_1169 : memref<256x128xf32, #tpu.memory_space<hbm>>) target(%arg7 : memref<256x128xf32, #tpu.memory_space<vmem>>) target_semaphore(%arg16 : memref<!tpu.dma_semaphore, #tpu.memory_space<semaphore_mem>>)
    %dma_wait3A_1170 = arith.constant 0 : i32
    %dma_wait3A_1171 = tpu.memref_slice %arg2[%add3A_557, %dma_wait3A_1170] : memref<100000x128xf32, #tpu.memory_space<hbm>> -> memref<256x128xf32, #tpu.memory_space<hbm>>
    %dma_wait3A_1172 = arith.constant 0 : i32
    %dma_wait3A_1173 = tpu.memref_slice %arg2[%add3A_557, %dma_wait3A_1172] : memref<100000x128xf32, #tpu.memory_space<hbm>> -> memref<256x128xf32, #tpu.memory_space<hbm>>
    tpu.wait_dma2 semaphore(%arg17 : memref<!tpu.dma_semaphore, #tpu.memory_space<semaphore_mem>>) src(%dma_wait3A_1173 : memref<256x128xf32, #tpu.memory_space<hbm>>) dst(%arg8 : memref<256x128xf32, #tpu.memory_space<vmem>>)
    %dma_start3A_1174 = arith.constant 2 : i32
    %dma_start3A_1175 = arith.constant 0 : i32
    %dma_start3A_1176 = arith.constant 0 : i32
    %dma_start3A_1177 = tpu.memref_slice %arg8[%dma_start3A_1175, %dma_start3A_1176] : memref<256x128xf32, #tpu.memory_space<vmem>> -> memref<128x128xf32, #tpu.memory_space<vmem>>
    %dma_start3A_1178 = arith.constant 0 : i32
    %dma_start3A_1179 = tpu.memref_slice %arg11[%dma_start3A_1174, %dma_start3A_1178] : memref<24x128xi32, #tpu.memory_space<vmem>> -> memref<1x128xi32, #tpu.memory_space<vmem>>
    %dma_start3A_1180 = tpu.memref_squeeze %dma_start3A_1179 : memref<1x128xi32, #tpu.memory_space<vmem>> -> memref<128xi32, #tpu.memory_space<vmem>>
    %dma_start3A_1181 = arith.constant 0 : i32
    %dma_start3A_1182 = arith.constant 0 : i32
    %dma_start3A_1183 = tpu.memref_slice %arg6[%dma_start3A_1181, %dma_start3A_1182] : memref<256x128xf32, #tpu.memory_space<vmem_shared>> -> memref<256x128xf32, #tpu.memory_space<vmem_shared>>
    tpu.enqueue_indirect_dma source(%dma_start3A_1177 : memref<128x128xf32, #tpu.memory_space<vmem>>) target(%dma_start3A_1183 : memref<256x128xf32, #tpu.memory_space<vmem_shared>>) offsets(%dma_start3A_1180 : memref<128xi32, #tpu.memory_space<vmem>>) semaphore(%arg19 : memref<!tpu.dma_semaphore, #tpu.memory_space<semaphore_mem>>) {add = true}
    %dma_start3A_1184 = arith.constant 3 : i32
    %dma_start3A_1185 = arith.constant 128 : i32
    %dma_start3A_1186 = arith.constant 0 : i32
    %dma_start3A_1187 = tpu.memref_slice %arg8[%dma_start3A_1185, %dma_start3A_1186] : memref<256x128xf32, #tpu.memory_space<vmem>> -> memref<128x128xf32, #tpu.memory_space<vmem>>
    %dma_start3A_1188 = arith.constant 0 : i32
    %dma_start3A_1189 = tpu.memref_slice %arg11[%dma_start3A_1184, %dma_start3A_1188] : memref<24x128xi32, #tpu.memory_space<vmem>> -> memref<1x128xi32, #tpu.memory_space<vmem>>
    %dma_start3A_1190 = tpu.memref_squeeze %dma_start3A_1189 : memref<1x128xi32, #tpu.memory_space<vmem>> -> memref<128xi32, #tpu.memory_space<vmem>>
    %dma_start3A_1191 = arith.constant 0 : i32
    %dma_start3A_1192 = arith.constant 0 : i32
    %dma_start3A_1193 = tpu.memref_slice %arg6[%dma_start3A_1191, %dma_start3A_1192] : memref<256x128xf32, #tpu.memory_space<vmem_shared>> -> memref<256x128xf32, #tpu.memory_space<vmem_shared>>
    tpu.enqueue_indirect_dma source(%dma_start3A_1187 : memref<128x128xf32, #tpu.memory_space<vmem>>) target(%dma_start3A_1193 : memref<256x128xf32, #tpu.memory_space<vmem_shared>>) offsets(%dma_start3A_1190 : memref<128xi32, #tpu.memory_space<vmem>>) semaphore(%arg19 : memref<!tpu.dma_semaphore, #tpu.memory_space<semaphore_mem>>) {add = true}
    %get3A_1194 = arith.constant 2 : i32
    %get3A_1195 = arith.index_cast %get3A_1194 : i32 to index
    %get3A_1196 = arith.constant 0 : index
    %get3A_1197 = tpu.vector_load %arg11[%get3A_1195, %get3A_1196] {strides = array<i32>} : memref<24x128xi32, #tpu.memory_space<vmem>>, vector<16xi32>,
    tpu.vector_store_idx %arg14[%get3A_1197], %broadcast_in_dim3A_5 {add = true} : memref<256xf32, #tpu.memory_space<vmem>>[vector<16xi32>], vector<16xf32>,
    %get3A_1198 = arith.constant 2 : i32
    %get3A_1199 = arith.index_cast %get3A_1198 : i32 to index
    %get3A_1200 = arith.constant 16 : index
    %get3A_1201 = tpu.vector_load %arg11[%get3A_1199, %get3A_1200] {strides = array<i32>} : memref<24x128xi32, #tpu.memory_space<vmem>>, vector<16xi32>,
    tpu.vector_store_idx %arg14[%get3A_1201], %broadcast_in_dim3A_5 {add = true} : memref<256xf32, #tpu.memory_space<vmem>>[vector<16xi32>], vector<16xf32>,
    %get3A_1202 = arith.constant 2 : i32
    %get3A_1203 = arith.index_cast %get3A_1202 : i32 to index
    %get3A_1204 = arith.constant 32 : index
    %get3A_1205 = tpu.vector_load %arg11[%get3A_1203, %get3A_1204] {strides = array<i32>} : memref<24x128xi32, #tpu.memory_space<vmem>>, vector<16xi32>,
    tpu.vector_store_idx %arg14[%get3A_1205], %broadcast_in_dim3A_5 {add = true} : memref<256xf32, #tpu.memory_space<vmem>>[vector<16xi32>], vector<16xf32>,
    %get3A_1206 = arith.constant 2 : i32
    %get3A_1207 = arith.index_cast %get3A_1206 : i32 to index
    %get3A_1208 = arith.constant 48 : index
    %get3A_1209 = tpu.vector_load %arg11[%get3A_1207, %get3A_1208] {strides = array<i32>} : memref<24x128xi32, #tpu.memory_space<vmem>>, vector<16xi32>,
    tpu.vector_store_idx %arg14[%get3A_1209], %broadcast_in_dim3A_5 {add = true} : memref<256xf32, #tpu.memory_space<vmem>>[vector<16xi32>], vector<16xf32>,
    %get3A_1210 = arith.constant 2 : i32
    %get3A_1211 = arith.index_cast %get3A_1210 : i32 to index
    %get3A_1212 = arith.constant 64 : index
    %get3A_1213 = tpu.vector_load %arg11[%get3A_1211, %get3A_1212] {strides = array<i32>} : memref<24x128xi32, #tpu.memory_space<vmem>>, vector<16xi32>,
    tpu.vector_store_idx %arg14[%get3A_1213], %broadcast_in_dim3A_5 {add = true} : memref<256xf32, #tpu.memory_space<vmem>>[vector<16xi32>], vector<16xf32>,
    %get3A_1214 = arith.constant 2 : i32
    %get3A_1215 = arith.index_cast %get3A_1214 : i32 to index
    %get3A_1216 = arith.constant 80 : index
    %get3A_1217 = tpu.vector_load %arg11[%get3A_1215, %get3A_1216] {strides = array<i32>} : memref<24x128xi32, #tpu.memory_space<vmem>>, vector<16xi32>,
    tpu.vector_store_idx %arg14[%get3A_1217], %broadcast_in_dim3A_5 {add = true} : memref<256xf32, #tpu.memory_space<vmem>>[vector<16xi32>], vector<16xf32>,
    %get3A_1218 = arith.constant 2 : i32
    %get3A_1219 = arith.index_cast %get3A_1218 : i32 to index
    %get3A_1220 = arith.constant 96 : index
    %get3A_1221 = tpu.vector_load %arg11[%get3A_1219, %get3A_1220] {strides = array<i32>} : memref<24x128xi32, #tpu.memory_space<vmem>>, vector<16xi32>,
    tpu.vector_store_idx %arg14[%get3A_1221], %broadcast_in_dim3A_5 {add = true} : memref<256xf32, #tpu.memory_space<vmem>>[vector<16xi32>], vector<16xf32>,
    %get3A_1222 = arith.constant 2 : i32
    %get3A_1223 = arith.index_cast %get3A_1222 : i32 to index
    %get3A_1224 = arith.constant 112 : index
    %get3A_1225 = tpu.vector_load %arg11[%get3A_1223, %get3A_1224] {strides = array<i32>} : memref<24x128xi32, #tpu.memory_space<vmem>>, vector<16xi32>,
    tpu.vector_store_idx %arg14[%get3A_1225], %broadcast_in_dim3A_5 {add = true} : memref<256xf32, #tpu.memory_space<vmem>>[vector<16xi32>], vector<16xf32>,
    %get3A_1226 = arith.constant 3 : i32
    %get3A_1227 = arith.index_cast %get3A_1226 : i32 to index
    %get3A_1228 = arith.constant 0 : index
    %get3A_1229 = tpu.vector_load %arg11[%get3A_1227, %get3A_1228] {strides = array<i32>} : memref<24x128xi32, #tpu.memory_space<vmem>>, vector<16xi32>,
    tpu.vector_store_idx %arg14[%get3A_1229], %broadcast_in_dim3A_5 {add = true} : memref<256xf32, #tpu.memory_space<vmem>>[vector<16xi32>], vector<16xf32>,
    %get3A_1230 = arith.constant 3 : i32
    %get3A_1231 = arith.index_cast %get3A_1230 : i32 to index
    %get3A_1232 = arith.constant 16 : index
    %get3A_1233 = tpu.vector_load %arg11[%get3A_1231, %get3A_1232] {strides = array<i32>} : memref<24x128xi32, #tpu.memory_space<vmem>>, vector<16xi32>,
    tpu.vector_store_idx %arg14[%get3A_1233], %broadcast_in_dim3A_5 {add = true} : memref<256xf32, #tpu.memory_space<vmem>>[vector<16xi32>], vector<16xf32>,
    %get3A_1234 = arith.constant 3 : i32
    %get3A_1235 = arith.index_cast %get3A_1234 : i32 to index
    %get3A_1236 = arith.constant 32 : index
    %get3A_1237 = tpu.vector_load %arg11[%get3A_1235, %get3A_1236] {strides = array<i32>} : memref<24x128xi32, #tpu.memory_space<vmem>>, vector<16xi32>,
    tpu.vector_store_idx %arg14[%get3A_1237], %broadcast_in_dim3A_5 {add = true} : memref<256xf32, #tpu.memory_space<vmem>>[vector<16xi32>], vector<16xf32>,
    %get3A_1238 = arith.constant 3 : i32
    %get3A_1239 = arith.index_cast %get3A_1238 : i32 to index
    %get3A_1240 = arith.constant 48 : index
    %get3A_1241 = tpu.vector_load %arg11[%get3A_1239, %get3A_1240] {strides = array<i32>} : memref<24x128xi32, #tpu.memory_space<vmem>>, vector<16xi32>,
    tpu.vector_store_idx %arg14[%get3A_1241], %broadcast_in_dim3A_5 {add = true} : memref<256xf32, #tpu.memory_space<vmem>>[vector<16xi32>], vector<16xf32>,
    %get3A_1242 = arith.constant 3 : i32
    %get3A_1243 = arith.index_cast %get3A_1242 : i32 to index
    %get3A_1244 = arith.constant 64 : index
    %get3A_1245 = tpu.vector_load %arg11[%get3A_1243, %get3A_1244] {strides = array<i32>} : memref<24x128xi32, #tpu.memory_space<vmem>>, vector<16xi32>,
    tpu.vector_store_idx %arg14[%get3A_1245], %broadcast_in_dim3A_5 {add = true} : memref<256xf32, #tpu.memory_space<vmem>>[vector<16xi32>], vector<16xf32>,
    %get3A_1246 = arith.constant 3 : i32
    %get3A_1247 = arith.index_cast %get3A_1246 : i32 to index
    %get3A_1248 = arith.constant 80 : index
    %get3A_1249 = tpu.vector_load %arg11[%get3A_1247, %get3A_1248] {strides = array<i32>} : memref<24x128xi32, #tpu.memory_space<vmem>>, vector<16xi32>,
    tpu.vector_store_idx %arg14[%get3A_1249], %broadcast_in_dim3A_5 {add = true} : memref<256xf32, #tpu.memory_space<vmem>>[vector<16xi32>], vector<16xf32>,
    %get3A_1250 = arith.constant 3 : i32
    %get3A_1251 = arith.index_cast %get3A_1250 : i32 to index
    %get3A_1252 = arith.constant 96 : index
    %get3A_1253 = tpu.vector_load %arg11[%get3A_1251, %get3A_1252] {strides = array<i32>} : memref<24x128xi32, #tpu.memory_space<vmem>>, vector<16xi32>,
    tpu.vector_store_idx %arg14[%get3A_1253], %broadcast_in_dim3A_5 {add = true} : memref<256xf32, #tpu.memory_space<vmem>>[vector<16xi32>], vector<16xf32>,
    %get3A_1254 = arith.constant 3 : i32
    %get3A_1255 = arith.index_cast %get3A_1254 : i32 to index
    %get3A_1256 = arith.constant 112 : index
    %get3A_1257 = tpu.vector_load %arg11[%get3A_1255, %get3A_1256] {strides = array<i32>} : memref<24x128xi32, #tpu.memory_space<vmem>>, vector<16xi32>,
    tpu.vector_store_idx %arg14[%get3A_1257], %broadcast_in_dim3A_5 {add = true} : memref<256xf32, #tpu.memory_space<vmem>>[vector<16xi32>], vector<16xf32>,
    %dma_wait3A_1258 = arith.constant 2 : i32
    %dma_wait3A_1259 = arith.constant 0 : i32
    %dma_wait3A_1260 = arith.constant 0 : i32
    %dma_wait3A_1261 = tpu.memref_slice %arg8[%dma_wait3A_1259, %dma_wait3A_1260] : memref<256x128xf32, #tpu.memory_space<vmem>> -> memref<128x128xf32, #tpu.memory_space<vmem>>
    %dma_wait3A_1262 = arith.constant 0 : i32
    %dma_wait3A_1263 = tpu.memref_slice %arg11[%dma_wait3A_1258, %dma_wait3A_1262] : memref<24x128xi32, #tpu.memory_space<vmem>> -> memref<1x128xi32, #tpu.memory_space<vmem>>
    %dma_wait3A_1264 = tpu.memref_squeeze %dma_wait3A_1263 : memref<1x128xi32, #tpu.memory_space<vmem>> -> memref<128xi32, #tpu.memory_space<vmem>>
    %dma_wait3A_1265 = arith.constant 0 : i32
    %dma_wait3A_1266 = arith.constant 0 : i32
    %dma_wait3A_1267 = tpu.memref_slice %arg6[%dma_wait3A_1265, %dma_wait3A_1266] : memref<256x128xf32, #tpu.memory_space<vmem_shared>> -> memref<256x128xf32, #tpu.memory_space<vmem_shared>>
    tpu.wait_indirect_dma semaphore(%arg19 : memref<!tpu.dma_semaphore, #tpu.memory_space<semaphore_mem>>) src(%dma_wait3A_1261 : memref<128x128xf32, #tpu.memory_space<vmem>>) dst(%dma_wait3A_1267 : memref<256x128xf32, #tpu.memory_space<vmem_shared>>)
    %dma_wait3A_1268 = arith.constant 3 : i32
    %dma_wait3A_1269 = arith.constant 128 : i32
    %dma_wait3A_1270 = arith.constant 0 : i32
    %dma_wait3A_1271 = tpu.memref_slice %arg8[%dma_wait3A_1269, %dma_wait3A_1270] : memref<256x128xf32, #tpu.memory_space<vmem>> -> memref<128x128xf32, #tpu.memory_space<vmem>>
    %dma_wait3A_1272 = arith.constant 0 : i32
    %dma_wait3A_1273 = tpu.memref_slice %arg11[%dma_wait3A_1268, %dma_wait3A_1272] : memref<24x128xi32, #tpu.memory_space<vmem>> -> memref<1x128xi32, #tpu.memory_space<vmem>>
    %dma_wait3A_1274 = tpu.memref_squeeze %dma_wait3A_1273 : memref<1x128xi32, #tpu.memory_space<vmem>> -> memref<128xi32, #tpu.memory_space<vmem>>
    %dma_wait3A_1275 = arith.constant 0 : i32
    %dma_wait3A_1276 = arith.constant 0 : i32
    %dma_wait3A_1277 = tpu.memref_slice %arg6[%dma_wait3A_1275, %dma_wait3A_1276] : memref<256x128xf32, #tpu.memory_space<vmem_shared>> -> memref<256x128xf32, #tpu.memory_space<vmem_shared>>
    tpu.wait_indirect_dma semaphore(%arg19 : memref<!tpu.dma_semaphore, #tpu.memory_space<semaphore_mem>>) src(%dma_wait3A_1271 : memref<128x128xf32, #tpu.memory_space<vmem>>) dst(%dma_wait3A_1277 : memref<256x128xf32, #tpu.memory_space<vmem_shared>>)
    %add3A_1278 = arith.constant 1024 : i32
    %add3A_1279 = arith.addi %mul3A_2, %add3A_1278 : i32
    %dma_start3A_1280 = arith.constant 0 : i32
    %dma_start3A_1281 = tpu.memref_slice %arg2[%add3A_1279, %dma_start3A_1280] : memref<100000x128xf32, #tpu.memory_space<hbm>> -> memref<256x128xf32, #tpu.memory_space<hbm>>
    %dma_start3A_1282 = arith.constant 0 : i32
    %dma_start3A_1283 = tpu.memref_slice %arg2[%add3A_1279, %dma_start3A_1282] : memref<100000x128xf32, #tpu.memory_space<hbm>> -> memref<256x128xf32, #tpu.memory_space<hbm>>
    tpu.enqueue_dma source(%dma_start3A_1283 : memref<256x128xf32, #tpu.memory_space<hbm>>) target(%arg8 : memref<256x128xf32, #tpu.memory_space<vmem>>) target_semaphore(%arg17 : memref<!tpu.dma_semaphore, #tpu.memory_space<semaphore_mem>>)
    %dma_wait3A_1284 = arith.constant 0 : i32
    %dma_wait3A_1285 = tpu.memref_slice %arg2[%add3A_1052, %dma_wait3A_1284] : memref<100000x128xf32, #tpu.memory_space<hbm>> -> memref<256x128xf32, #tpu.memory_space<hbm>>
    %dma_wait3A_1286 = arith.constant 0 : i32
    %dma_wait3A_1287 = tpu.memref_slice %arg2[%add3A_1052, %dma_wait3A_1286] : memref<100000x128xf32, #tpu.memory_space<hbm>> -> memref<256x128xf32, #tpu.memory_space<hbm>>
    tpu.wait_dma2 semaphore(%arg18 : memref<!tpu.dma_semaphore, #tpu.memory_space<semaphore_mem>>) src(%dma_wait3A_1287 : memref<256x128xf32, #tpu.memory_space<hbm>>) dst(%arg9 : memref<256x128xf32, #tpu.memory_space<vmem>>)
    %dma_start3A_1288 = arith.constant 4 : i32
    %dma_start3A_1289 = arith.constant 0 : i32
    %dma_start3A_1290 = arith.constant 0 : i32
    %dma_start3A_1291 = tpu.memref_slice %arg9[%dma_start3A_1289, %dma_start3A_1290] : memref<256x128xf32, #tpu.memory_space<vmem>> -> memref<128x128xf32, #tpu.memory_space<vmem>>
    %dma_start3A_1292 = arith.constant 0 : i32
    %dma_start3A_1293 = tpu.memref_slice %arg11[%dma_start3A_1288, %dma_start3A_1292] : memref<24x128xi32, #tpu.memory_space<vmem>> -> memref<1x128xi32, #tpu.memory_space<vmem>>
    %dma_start3A_1294 = tpu.memref_squeeze %dma_start3A_1293 : memref<1x128xi32, #tpu.memory_space<vmem>> -> memref<128xi32, #tpu.memory_space<vmem>>
    %dma_start3A_1295 = arith.constant 0 : i32
    %dma_start3A_1296 = arith.constant 0 : i32
    %dma_start3A_1297 = tpu.memref_slice %arg6[%dma_start3A_1295, %dma_start3A_1296] : memref<256x128xf32, #tpu.memory_space<vmem_shared>> -> memref<256x128xf32, #tpu.memory_space<vmem_shared>>
    tpu.enqueue_indirect_dma source(%dma_start3A_1291 : memref<128x128xf32, #tpu.memory_space<vmem>>) target(%dma_start3A_1297 : memref<256x128xf32, #tpu.memory_space<vmem_shared>>) offsets(%dma_start3A_1294 : memref<128xi32, #tpu.memory_space<vmem>>) semaphore(%arg19 : memref<!tpu.dma_semaphore, #tpu.memory_space<semaphore_mem>>) {add = true}
    %dma_start3A_1298 = arith.constant 5 : i32
    %dma_start3A_1299 = arith.constant 128 : i32
    %dma_start3A_1300 = arith.constant 0 : i32
    %dma_start3A_1301 = tpu.memref_slice %arg9[%dma_start3A_1299, %dma_start3A_1300] : memref<256x128xf32, #tpu.memory_space<vmem>> -> memref<128x128xf32, #tpu.memory_space<vmem>>
    %dma_start3A_1302 = arith.constant 0 : i32
    %dma_start3A_1303 = tpu.memref_slice %arg11[%dma_start3A_1298, %dma_start3A_1302] : memref<24x128xi32, #tpu.memory_space<vmem>> -> memref<1x128xi32, #tpu.memory_space<vmem>>
    %dma_start3A_1304 = tpu.memref_squeeze %dma_start3A_1303 : memref<1x128xi32, #tpu.memory_space<vmem>> -> memref<128xi32, #tpu.memory_space<vmem>>
    %dma_start3A_1305 = arith.constant 0 : i32
    %dma_start3A_1306 = arith.constant 0 : i32
    %dma_start3A_1307 = tpu.memref_slice %arg6[%dma_start3A_1305, %dma_start3A_1306] : memref<256x128xf32, #tpu.memory_space<vmem_shared>> -> memref<256x128xf32, #tpu.memory_space<vmem_shared>>
    tpu.enqueue_indirect_dma source(%dma_start3A_1301 : memref<128x128xf32, #tpu.memory_space<vmem>>) target(%dma_start3A_1307 : memref<256x128xf32, #tpu.memory_space<vmem_shared>>) offsets(%dma_start3A_1304 : memref<128xi32, #tpu.memory_space<vmem>>) semaphore(%arg19 : memref<!tpu.dma_semaphore, #tpu.memory_space<semaphore_mem>>) {add = true}
    %get3A_1308 = arith.constant 4 : i32
    %get3A_1309 = arith.index_cast %get3A_1308 : i32 to index
    %get3A_1310 = arith.constant 0 : index
    %get3A_1311 = tpu.vector_load %arg11[%get3A_1309, %get3A_1310] {strides = array<i32>} : memref<24x128xi32, #tpu.memory_space<vmem>>, vector<16xi32>,
    tpu.vector_store_idx %arg14[%get3A_1311], %broadcast_in_dim3A_5 {add = true} : memref<256xf32, #tpu.memory_space<vmem>>[vector<16xi32>], vector<16xf32>,
    %get3A_1312 = arith.constant 4 : i32
    %get3A_1313 = arith.index_cast %get3A_1312 : i32 to index
    %get3A_1314 = arith.constant 16 : index
    %get3A_1315 = tpu.vector_load %arg11[%get3A_1313, %get3A_1314] {strides = array<i32>} : memref<24x128xi32, #tpu.memory_space<vmem>>, vector<16xi32>,
    tpu.vector_store_idx %arg14[%get3A_1315], %broadcast_in_dim3A_5 {add = true} : memref<256xf32, #tpu.memory_space<vmem>>[vector<16xi32>], vector<16xf32>,
    %get3A_1316 = arith.constant 4 : i32
    %get3A_1317 = arith.index_cast %get3A_1316 : i32 to index
    %get3A_1318 = arith.constant 32 : index
    %get3A_1319 = tpu.vector_load %arg11[%get3A_1317, %get3A_1318] {strides = array<i32>} : memref<24x128xi32, #tpu.memory_space<vmem>>, vector<16xi32>,
    tpu.vector_store_idx %arg14[%get3A_1319], %broadcast_in_dim3A_5 {add = true} : memref<256xf32, #tpu.memory_space<vmem>>[vector<16xi32>], vector<16xf32>,
    %get3A_1320 = arith.constant 4 : i32
    %get3A_1321 = arith.index_cast %get3A_1320 : i32 to index
    %get3A_1322 = arith.constant 48 : index
    %get3A_1323 = tpu.vector_load %arg11[%get3A_1321, %get3A_1322] {strides = array<i32>} : memref<24x128xi32, #tpu.memory_space<vmem>>, vector<16xi32>,
    tpu.vector_store_idx %arg14[%get3A_1323], %broadcast_in_dim3A_5 {add = true} : memref<256xf32, #tpu.memory_space<vmem>>[vector<16xi32>], vector<16xf32>,
    %get3A_1324 = arith.constant 4 : i32
    %get3A_1325 = arith.index_cast %get3A_1324 : i32 to index
    %get3A_1326 = arith.constant 64 : index
    %get3A_1327 = tpu.vector_load %arg11[%get3A_1325, %get3A_1326] {strides = array<i32>} : memref<24x128xi32, #tpu.memory_space<vmem>>, vector<16xi32>,
    tpu.vector_store_idx %arg14[%get3A_1327], %broadcast_in_dim3A_5 {add = true} : memref<256xf32, #tpu.memory_space<vmem>>[vector<16xi32>], vector<16xf32>,
    %get3A_1328 = arith.constant 4 : i32
    %get3A_1329 = arith.index_cast %get3A_1328 : i32 to index
    %get3A_1330 = arith.constant 80 : index
    %get3A_1331 = tpu.vector_load %arg11[%get3A_1329, %get3A_1330] {strides = array<i32>} : memref<24x128xi32, #tpu.memory_space<vmem>>, vector<16xi32>,
    tpu.vector_store_idx %arg14[%get3A_1331], %broadcast_in_dim3A_5 {add = true} : memref<256xf32, #tpu.memory_space<vmem>>[vector<16xi32>], vector<16xf32>,
    %get3A_1332 = arith.constant 4 : i32
    %get3A_1333 = arith.index_cast %get3A_1332 : i32 to index
    %get3A_1334 = arith.constant 96 : index
    %get3A_1335 = tpu.vector_load %arg11[%get3A_1333, %get3A_1334] {strides = array<i32>} : memref<24x128xi32, #tpu.memory_space<vmem>>, vector<16xi32>,
    tpu.vector_store_idx %arg14[%get3A_1335], %broadcast_in_dim3A_5 {add = true} : memref<256xf32, #tpu.memory_space<vmem>>[vector<16xi32>], vector<16xf32>,
    %get3A_1336 = arith.constant 4 : i32
    %get3A_1337 = arith.index_cast %get3A_1336 : i32 to index
    %get3A_1338 = arith.constant 112 : index
    %get3A_1339 = tpu.vector_load %arg11[%get3A_1337, %get3A_1338] {strides = array<i32>} : memref<24x128xi32, #tpu.memory_space<vmem>>, vector<16xi32>,
    tpu.vector_store_idx %arg14[%get3A_1339], %broadcast_in_dim3A_5 {add = true} : memref<256xf32, #tpu.memory_space<vmem>>[vector<16xi32>], vector<16xf32>,
    %get3A_1340 = arith.constant 5 : i32
    %get3A_1341 = arith.index_cast %get3A_1340 : i32 to index
    %get3A_1342 = arith.constant 0 : index
    %get3A_1343 = tpu.vector_load %arg11[%get3A_1341, %get3A_1342] {strides = array<i32>} : memref<24x128xi32, #tpu.memory_space<vmem>>, vector<16xi32>,
    tpu.vector_store_idx %arg14[%get3A_1343], %broadcast_in_dim3A_5 {add = true} : memref<256xf32, #tpu.memory_space<vmem>>[vector<16xi32>], vector<16xf32>,
    %get3A_1344 = arith.constant 5 : i32
    %get3A_1345 = arith.index_cast %get3A_1344 : i32 to index
    %get3A_1346 = arith.constant 16 : index
    %get3A_1347 = tpu.vector_load %arg11[%get3A_1345, %get3A_1346] {strides = array<i32>} : memref<24x128xi32, #tpu.memory_space<vmem>>, vector<16xi32>,
    tpu.vector_store_idx %arg14[%get3A_1347], %broadcast_in_dim3A_5 {add = true} : memref<256xf32, #tpu.memory_space<vmem>>[vector<16xi32>], vector<16xf32>,
    %get3A_1348 = arith.constant 5 : i32
    %get3A_1349 = arith.index_cast %get3A_1348 : i32 to index
    %get3A_1350 = arith.constant 32 : index
    %get3A_1351 = tpu.vector_load %arg11[%get3A_1349, %get3A_1350] {strides = array<i32>} : memref<24x128xi32, #tpu.memory_space<vmem>>, vector<16xi32>,
    tpu.vector_store_idx %arg14[%get3A_1351], %broadcast_in_dim3A_5 {add = true} : memref<256xf32, #tpu.memory_space<vmem>>[vector<16xi32>], vector<16xf32>,
    %get3A_1352 = arith.constant 5 : i32
    %get3A_1353 = arith.index_cast %get3A_1352 : i32 to index
    %get3A_1354 = arith.constant 48 : index
    %get3A_1355 = tpu.vector_load %arg11[%get3A_1353, %get3A_1354] {strides = array<i32>} : memref<24x128xi32, #tpu.memory_space<vmem>>, vector<16xi32>,
    tpu.vector_store_idx %arg14[%get3A_1355], %broadcast_in_dim3A_5 {add = true} : memref<256xf32, #tpu.memory_space<vmem>>[vector<16xi32>], vector<16xf32>,
    %get3A_1356 = arith.constant 5 : i32
    %get3A_1357 = arith.index_cast %get3A_1356 : i32 to index
    %get3A_1358 = arith.constant 64 : index
    %get3A_1359 = tpu.vector_load %arg11[%get3A_1357, %get3A_1358] {strides = array<i32>} : memref<24x128xi32, #tpu.memory_space<vmem>>, vector<16xi32>,
    tpu.vector_store_idx %arg14[%get3A_1359], %broadcast_in_dim3A_5 {add = true} : memref<256xf32, #tpu.memory_space<vmem>>[vector<16xi32>], vector<16xf32>,
    %get3A_1360 = arith.constant 5 : i32
    %get3A_1361 = arith.index_cast %get3A_1360 : i32 to index
    %get3A_1362 = arith.constant 80 : index
    %get3A_1363 = tpu.vector_load %arg11[%get3A_1361, %get3A_1362] {strides = array<i32>} : memref<24x128xi32, #tpu.memory_space<vmem>>, vector<16xi32>,
    tpu.vector_store_idx %arg14[%get3A_1363], %broadcast_in_dim3A_5 {add = true} : memref<256xf32, #tpu.memory_space<vmem>>[vector<16xi32>], vector<16xf32>,
    %get3A_1364 = arith.constant 5 : i32
    %get3A_1365 = arith.index_cast %get3A_1364 : i32 to index
    %get3A_1366 = arith.constant 96 : index
    %get3A_1367 = tpu.vector_load %arg11[%get3A_1365, %get3A_1366] {strides = array<i32>} : memref<24x128xi32, #tpu.memory_space<vmem>>, vector<16xi32>,
    tpu.vector_store_idx %arg14[%get3A_1367], %broadcast_in_dim3A_5 {add = true} : memref<256xf32, #tpu.memory_space<vmem>>[vector<16xi32>], vector<16xf32>,
    %get3A_1368 = arith.constant 5 : i32
    %get3A_1369 = arith.index_cast %get3A_1368 : i32 to index
    %get3A_1370 = arith.constant 112 : index
    %get3A_1371 = tpu.vector_load %arg11[%get3A_1369, %get3A_1370] {strides = array<i32>} : memref<24x128xi32, #tpu.memory_space<vmem>>, vector<16xi32>,
    tpu.vector_store_idx %arg14[%get3A_1371], %broadcast_in_dim3A_5 {add = true} : memref<256xf32, #tpu.memory_space<vmem>>[vector<16xi32>], vector<16xf32>,
    %dma_wait3A_1372 = arith.constant 4 : i32
    %dma_wait3A_1373 = arith.constant 0 : i32
    %dma_wait3A_1374 = arith.constant 0 : i32
    %dma_wait3A_1375 = tpu.memref_slice %arg9[%dma_wait3A_1373, %dma_wait3A_1374] : memref<256x128xf32, #tpu.memory_space<vmem>> -> memref<128x128xf32, #tpu.memory_space<vmem>>
    %dma_wait3A_1376 = arith.constant 0 : i32
    %dma_wait3A_1377 = tpu.memref_slice %arg11[%dma_wait3A_1372, %dma_wait3A_1376] : memref<24x128xi32, #tpu.memory_space<vmem>> -> memref<1x128xi32, #tpu.memory_space<vmem>>
    %dma_wait3A_1378 = tpu.memref_squeeze %dma_wait3A_1377 : memref<1x128xi32, #tpu.memory_space<vmem>> -> memref<128xi32, #tpu.memory_space<vmem>>
    %dma_wait3A_1379 = arith.constant 0 : i32
    %dma_wait3A_1380 = arith.constant 0 : i32
    %dma_wait3A_1381 = tpu.memref_slice %arg6[%dma_wait3A_1379, %dma_wait3A_1380] : memref<256x128xf32, #tpu.memory_space<vmem_shared>> -> memref<256x128xf32, #tpu.memory_space<vmem_shared>>
    tpu.wait_indirect_dma semaphore(%arg19 : memref<!tpu.dma_semaphore, #tpu.memory_space<semaphore_mem>>) src(%dma_wait3A_1375 : memref<128x128xf32, #tpu.memory_space<vmem>>) dst(%dma_wait3A_1381 : memref<256x128xf32, #tpu.memory_space<vmem_shared>>)
    %dma_wait3A_1382 = arith.constant 5 : i32
    %dma_wait3A_1383 = arith.constant 128 : i32
    %dma_wait3A_1384 = arith.constant 0 : i32
    %dma_wait3A_1385 = tpu.memref_slice %arg9[%dma_wait3A_1383, %dma_wait3A_1384] : memref<256x128xf32, #tpu.memory_space<vmem>> -> memref<128x128xf32, #tpu.memory_space<vmem>>
    %dma_wait3A_1386 = arith.constant 0 : i32
    %dma_wait3A_1387 = tpu.memref_slice %arg11[%dma_wait3A_1382, %dma_wait3A_1386] : memref<24x128xi32, #tpu.memory_space<vmem>> -> memref<1x128xi32, #tpu.memory_space<vmem>>
    %dma_wait3A_1388 = tpu.memref_squeeze %dma_wait3A_1387 : memref<1x128xi32, #tpu.memory_space<vmem>> -> memref<128xi32, #tpu.memory_space<vmem>>
    %dma_wait3A_1389 = arith.constant 0 : i32
    %dma_wait3A_1390 = arith.constant 0 : i32
    %dma_wait3A_1391 = tpu.memref_slice %arg6[%dma_wait3A_1389, %dma_wait3A_1390] : memref<256x128xf32, #tpu.memory_space<vmem_shared>> -> memref<256x128xf32, #tpu.memory_space<vmem_shared>>
    tpu.wait_indirect_dma semaphore(%arg19 : memref<!tpu.dma_semaphore, #tpu.memory_space<semaphore_mem>>) src(%dma_wait3A_1385 : memref<128x128xf32, #tpu.memory_space<vmem>>) dst(%dma_wait3A_1391 : memref<256x128xf32, #tpu.memory_space<vmem_shared>>)
    %add3A_1392 = arith.constant 1280 : i32
    %add3A_1393 = arith.addi %mul3A_2, %add3A_1392 : i32
    %dma_start3A_1394 = arith.constant 0 : i32
    %dma_start3A_1395 = tpu.memref_slice %arg2[%add3A_1393, %dma_start3A_1394] : memref<100000x128xf32, #tpu.memory_space<hbm>> -> memref<256x128xf32, #tpu.memory_space<hbm>>
    %dma_start3A_1396 = arith.constant 0 : i32
    %dma_start3A_1397 = tpu.memref_slice %arg2[%add3A_1393, %dma_start3A_1396] : memref<100000x128xf32, #tpu.memory_space<hbm>> -> memref<256x128xf32, #tpu.memory_space<hbm>>
    tpu.enqueue_dma source(%dma_start3A_1397 : memref<256x128xf32, #tpu.memory_space<hbm>>) target(%arg9 : memref<256x128xf32, #tpu.memory_space<vmem>>) target_semaphore(%arg18 : memref<!tpu.dma_semaphore, #tpu.memory_space<semaphore_mem>>)
    %dma_wait3A_1398 = arith.constant 0 : i32
    %dma_wait3A_1399 = tpu.memref_slice %arg2[%add3A_1165, %dma_wait3A_1398] : memref<100000x128xf32, #tpu.memory_space<hbm>> -> memref<256x128xf32, #tpu.memory_space<hbm>>
    %dma_wait3A_1400 = arith.constant 0 : i32
    %dma_wait3A_1401 = tpu.memref_slice %arg2[%add3A_1165, %dma_wait3A_1400] : memref<100000x128xf32, #tpu.memory_space<hbm>> -> memref<256x128xf32, #tpu.memory_space<hbm>>
    tpu.wait_dma2 semaphore(%arg16 : memref<!tpu.dma_semaphore, #tpu.memory_space<semaphore_mem>>) src(%dma_wait3A_1401 : memref<256x128xf32, #tpu.memory_space<hbm>>) dst(%arg7 : memref<256x128xf32, #tpu.memory_space<vmem>>)
    %dma_start3A_1402 = arith.constant 6 : i32
    %dma_start3A_1403 = arith.constant 0 : i32
    %dma_start3A_1404 = arith.constant 0 : i32
    %dma_start3A_1405 = tpu.memref_slice %arg7[%dma_start3A_1403, %dma_start3A_1404] : memref<256x128xf32, #tpu.memory_space<vmem>> -> memref<128x128xf32, #tpu.memory_space<vmem>>
    %dma_start3A_1406 = arith.constant 0 : i32
    %dma_start3A_1407 = tpu.memref_slice %arg11[%dma_start3A_1402, %dma_start3A_1406] : memref<24x128xi32, #tpu.memory_space<vmem>> -> memref<1x128xi32, #tpu.memory_space<vmem>>
    %dma_start3A_1408 = tpu.memref_squeeze %dma_start3A_1407 : memref<1x128xi32, #tpu.memory_space<vmem>> -> memref<128xi32, #tpu.memory_space<vmem>>
    %dma_start3A_1409 = arith.constant 0 : i32
    %dma_start3A_1410 = arith.constant 0 : i32
    %dma_start3A_1411 = tpu.memref_slice %arg6[%dma_start3A_1409, %dma_start3A_1410] : memref<256x128xf32, #tpu.memory_space<vmem_shared>> -> memref<256x128xf32, #tpu.memory_space<vmem_shared>>
    tpu.enqueue_indirect_dma source(%dma_start3A_1405 : memref<128x128xf32, #tpu.memory_space<vmem>>) target(%dma_start3A_1411 : memref<256x128xf32, #tpu.memory_space<vmem_shared>>) offsets(%dma_start3A_1408 : memref<128xi32, #tpu.memory_space<vmem>>) semaphore(%arg19 : memref<!tpu.dma_semaphore, #tpu.memory_space<semaphore_mem>>) {add = true}
    %dma_start3A_1412 = arith.constant 7 : i32
    %dma_start3A_1413 = arith.constant 128 : i32
    %dma_start3A_1414 = arith.constant 0 : i32
    %dma_start3A_1415 = tpu.memref_slice %arg7[%dma_start3A_1413, %dma_start3A_1414] : memref<256x128xf32, #tpu.memory_space<vmem>> -> memref<128x128xf32, #tpu.memory_space<vmem>>
    %dma_start3A_1416 = arith.constant 0 : i32
    %dma_start3A_1417 = tpu.memref_slice %arg11[%dma_start3A_1412, %dma_start3A_1416] : memref<24x128xi32, #tpu.memory_space<vmem>> -> memref<1x128xi32, #tpu.memory_space<vmem>>
    %dma_start3A_1418 = tpu.memref_squeeze %dma_start3A_1417 : memref<1x128xi32, #tpu.memory_space<vmem>> -> memref<128xi32, #tpu.memory_space<vmem>>
    %dma_start3A_1419 = arith.constant 0 : i32
    %dma_start3A_1420 = arith.constant 0 : i32
    %dma_start3A_1421 = tpu.memref_slice %arg6[%dma_start3A_1419, %dma_start3A_1420] : memref<256x128xf32, #tpu.memory_space<vmem_shared>> -> memref<256x128xf32, #tpu.memory_space<vmem_shared>>
    tpu.enqueue_indirect_dma source(%dma_start3A_1415 : memref<128x128xf32, #tpu.memory_space<vmem>>) target(%dma_start3A_1421 : memref<256x128xf32, #tpu.memory_space<vmem_shared>>) offsets(%dma_start3A_1418 : memref<128xi32, #tpu.memory_space<vmem>>) semaphore(%arg19 : memref<!tpu.dma_semaphore, #tpu.memory_space<semaphore_mem>>) {add = true}
    %get3A_1422 = arith.constant 6 : i32
    %get3A_1423 = arith.index_cast %get3A_1422 : i32 to index
    %get3A_1424 = arith.constant 0 : index
    %get3A_1425 = tpu.vector_load %arg11[%get3A_1423, %get3A_1424] {strides = array<i32>} : memref<24x128xi32, #tpu.memory_space<vmem>>, vector<16xi32>,
    tpu.vector_store_idx %arg14[%get3A_1425], %broadcast_in_dim3A_5 {add = true} : memref<256xf32, #tpu.memory_space<vmem>>[vector<16xi32>], vector<16xf32>,
    %get3A_1426 = arith.constant 6 : i32
    %get3A_1427 = arith.index_cast %get3A_1426 : i32 to index
    %get3A_1428 = arith.constant 16 : index
    %get3A_1429 = tpu.vector_load %arg11[%get3A_1427, %get3A_1428] {strides = array<i32>} : memref<24x128xi32, #tpu.memory_space<vmem>>, vector<16xi32>,
    tpu.vector_store_idx %arg14[%get3A_1429], %broadcast_in_dim3A_5 {add = true} : memref<256xf32, #tpu.memory_space<vmem>>[vector<16xi32>], vector<16xf32>,
    %get3A_1430 = arith.constant 6 : i32
    %get3A_1431 = arith.index_cast %get3A_1430 : i32 to index
    %get3A_1432 = arith.constant 32 : index
    %get3A_1433 = tpu.vector_load %arg11[%get3A_1431, %get3A_1432] {strides = array<i32>} : memref<24x128xi32, #tpu.memory_space<vmem>>, vector<16xi32>,
    tpu.vector_store_idx %arg14[%get3A_1433], %broadcast_in_dim3A_5 {add = true} : memref<256xf32, #tpu.memory_space<vmem>>[vector<16xi32>], vector<16xf32>,
    %get3A_1434 = arith.constant 6 : i32
    %get3A_1435 = arith.index_cast %get3A_1434 : i32 to index
    %get3A_1436 = arith.constant 48 : index
    %get3A_1437 = tpu.vector_load %arg11[%get3A_1435, %get3A_1436] {strides = array<i32>} : memref<24x128xi32, #tpu.memory_space<vmem>>, vector<16xi32>,
    tpu.vector_store_idx %arg14[%get3A_1437], %broadcast_in_dim3A_5 {add = true} : memref<256xf32, #tpu.memory_space<vmem>>[vector<16xi32>], vector<16xf32>,
    %get3A_1438 = arith.constant 6 : i32
    %get3A_1439 = arith.index_cast %get3A_1438 : i32 to index
    %get3A_1440 = arith.constant 64 : index
    %get3A_1441 = tpu.vector_load %arg11[%get3A_1439, %get3A_1440] {strides = array<i32>} : memref<24x128xi32, #tpu.memory_space<vmem>>, vector<16xi32>,
    tpu.vector_store_idx %arg14[%get3A_1441], %broadcast_in_dim3A_5 {add = true} : memref<256xf32, #tpu.memory_space<vmem>>[vector<16xi32>], vector<16xf32>,
    %get3A_1442 = arith.constant 6 : i32
    %get3A_1443 = arith.index_cast %get3A_1442 : i32 to index
    %get3A_1444 = arith.constant 80 : index
    %get3A_1445 = tpu.vector_load %arg11[%get3A_1443, %get3A_1444] {strides = array<i32>} : memref<24x128xi32, #tpu.memory_space<vmem>>, vector<16xi32>,
    tpu.vector_store_idx %arg14[%get3A_1445], %broadcast_in_dim3A_5 {add = true} : memref<256xf32, #tpu.memory_space<vmem>>[vector<16xi32>], vector<16xf32>,
    %get3A_1446 = arith.constant 6 : i32
    %get3A_1447 = arith.index_cast %get3A_1446 : i32 to index
    %get3A_1448 = arith.constant 96 : index
    %get3A_1449 = tpu.vector_load %arg11[%get3A_1447, %get3A_1448] {strides = array<i32>} : memref<24x128xi32, #tpu.memory_space<vmem>>, vector<16xi32>,
    tpu.vector_store_idx %arg14[%get3A_1449], %broadcast_in_dim3A_5 {add = true} : memref<256xf32, #tpu.memory_space<vmem>>[vector<16xi32>], vector<16xf32>,
    %get3A_1450 = arith.constant 6 : i32
    %get3A_1451 = arith.index_cast %get3A_1450 : i32 to index
    %get3A_1452 = arith.constant 112 : index
    %get3A_1453 = tpu.vector_load %arg11[%get3A_1451, %get3A_1452] {strides = array<i32>} : memref<24x128xi32, #tpu.memory_space<vmem>>, vector<16xi32>,
    tpu.vector_store_idx %arg14[%get3A_1453], %broadcast_in_dim3A_5 {add = true} : memref<256xf32, #tpu.memory_space<vmem>>[vector<16xi32>], vector<16xf32>,
    %get3A_1454 = arith.constant 7 : i32
    %get3A_1455 = arith.index_cast %get3A_1454 : i32 to index
    %get3A_1456 = arith.constant 0 : index
    %get3A_1457 = tpu.vector_load %arg11[%get3A_1455, %get3A_1456] {strides = array<i32>} : memref<24x128xi32, #tpu.memory_space<vmem>>, vector<16xi32>,
    tpu.vector_store_idx %arg14[%get3A_1457], %broadcast_in_dim3A_5 {add = true} : memref<256xf32, #tpu.memory_space<vmem>>[vector<16xi32>], vector<16xf32>,
    %get3A_1458 = arith.constant 7 : i32
    %get3A_1459 = arith.index_cast %get3A_1458 : i32 to index
    %get3A_1460 = arith.constant 16 : index
    %get3A_1461 = tpu.vector_load %arg11[%get3A_1459, %get3A_1460] {strides = array<i32>} : memref<24x128xi32, #tpu.memory_space<vmem>>, vector<16xi32>,
    tpu.vector_store_idx %arg14[%get3A_1461], %broadcast_in_dim3A_5 {add = true} : memref<256xf32, #tpu.memory_space<vmem>>[vector<16xi32>], vector<16xf32>,
    %get3A_1462 = arith.constant 7 : i32
    %get3A_1463 = arith.index_cast %get3A_1462 : i32 to index
    %get3A_1464 = arith.constant 32 : index
    %get3A_1465 = tpu.vector_load %arg11[%get3A_1463, %get3A_1464] {strides = array<i32>} : memref<24x128xi32, #tpu.memory_space<vmem>>, vector<16xi32>,
    tpu.vector_store_idx %arg14[%get3A_1465], %broadcast_in_dim3A_5 {add = true} : memref<256xf32, #tpu.memory_space<vmem>>[vector<16xi32>], vector<16xf32>,
    %get3A_1466 = arith.constant 7 : i32
    %get3A_1467 = arith.index_cast %get3A_1466 : i32 to index
    %get3A_1468 = arith.constant 48 : index
    %get3A_1469 = tpu.vector_load %arg11[%get3A_1467, %get3A_1468] {strides = array<i32>} : memref<24x128xi32, #tpu.memory_space<vmem>>, vector<16xi32>,
    tpu.vector_store_idx %arg14[%get3A_1469], %broadcast_in_dim3A_5 {add = true} : memref<256xf32, #tpu.memory_space<vmem>>[vector<16xi32>], vector<16xf32>,
    %get3A_1470 = arith.constant 7 : i32
    %get3A_1471 = arith.index_cast %get3A_1470 : i32 to index
    %get3A_1472 = arith.constant 64 : index
    %get3A_1473 = tpu.vector_load %arg11[%get3A_1471, %get3A_1472] {strides = array<i32>} : memref<24x128xi32, #tpu.memory_space<vmem>>, vector<16xi32>,
    tpu.vector_store_idx %arg14[%get3A_1473], %broadcast_in_dim3A_5 {add = true} : memref<256xf32, #tpu.memory_space<vmem>>[vector<16xi32>], vector<16xf32>,
    %get3A_1474 = arith.constant 7 : i32
    %get3A_1475 = arith.index_cast %get3A_1474 : i32 to index
    %get3A_1476 = arith.constant 80 : index
    %get3A_1477 = tpu.vector_load %arg11[%get3A_1475, %get3A_1476] {strides = array<i32>} : memref<24x128xi32, #tpu.memory_space<vmem>>, vector<16xi32>,
    tpu.vector_store_idx %arg14[%get3A_1477], %broadcast_in_dim3A_5 {add = true} : memref<256xf32, #tpu.memory_space<vmem>>[vector<16xi32>], vector<16xf32>,
    %get3A_1478 = arith.constant 7 : i32
    %get3A_1479 = arith.index_cast %get3A_1478 : i32 to index
    %get3A_1480 = arith.constant 96 : index
    %get3A_1481 = tpu.vector_load %arg11[%get3A_1479, %get3A_1480] {strides = array<i32>} : memref<24x128xi32, #tpu.memory_space<vmem>>, vector<16xi32>,
    tpu.vector_store_idx %arg14[%get3A_1481], %broadcast_in_dim3A_5 {add = true} : memref<256xf32, #tpu.memory_space<vmem>>[vector<16xi32>], vector<16xf32>,
    %get3A_1482 = arith.constant 7 : i32
    %get3A_1483 = arith.index_cast %get3A_1482 : i32 to index
    %get3A_1484 = arith.constant 112 : index
    %get3A_1485 = tpu.vector_load %arg11[%get3A_1483, %get3A_1484] {strides = array<i32>} : memref<24x128xi32, #tpu.memory_space<vmem>>, vector<16xi32>,
    tpu.vector_store_idx %arg14[%get3A_1485], %broadcast_in_dim3A_5 {add = true} : memref<256xf32, #tpu.memory_space<vmem>>[vector<16xi32>], vector<16xf32>,
    %dma_wait3A_1486 = arith.constant 6 : i32
    %dma_wait3A_1487 = arith.constant 0 : i32
    %dma_wait3A_1488 = arith.constant 0 : i32
    %dma_wait3A_1489 = tpu.memref_slice %arg7[%dma_wait3A_1487, %dma_wait3A_1488] : memref<256x128xf32, #tpu.memory_space<vmem>> -> memref<128x128xf32, #tpu.memory_space<vmem>>
    %dma_wait3A_1490 = arith.constant 0 : i32
    %dma_wait3A_1491 = tpu.memref_slice %arg11[%dma_wait3A_1486, %dma_wait3A_1490] : memref<24x128xi32, #tpu.memory_space<vmem>> -> memref<1x128xi32, #tpu.memory_space<vmem>>
    %dma_wait3A_1492 = tpu.memref_squeeze %dma_wait3A_1491 : memref<1x128xi32, #tpu.memory_space<vmem>> -> memref<128xi32, #tpu.memory_space<vmem>>
    %dma_wait3A_1493 = arith.constant 0 : i32
    %dma_wait3A_1494 = arith.constant 0 : i32
    %dma_wait3A_1495 = tpu.memref_slice %arg6[%dma_wait3A_1493, %dma_wait3A_1494] : memref<256x128xf32, #tpu.memory_space<vmem_shared>> -> memref<256x128xf32, #tpu.memory_space<vmem_shared>>
    tpu.wait_indirect_dma semaphore(%arg19 : memref<!tpu.dma_semaphore, #tpu.memory_space<semaphore_mem>>) src(%dma_wait3A_1489 : memref<128x128xf32, #tpu.memory_space<vmem>>) dst(%dma_wait3A_1495 : memref<256x128xf32, #tpu.memory_space<vmem_shared>>)
    %dma_wait3A_1496 = arith.constant 7 : i32
    %dma_wait3A_1497 = arith.constant 128 : i32
    %dma_wait3A_1498 = arith.constant 0 : i32
    %dma_wait3A_1499 = tpu.memref_slice %arg7[%dma_wait3A_1497, %dma_wait3A_1498] : memref<256x128xf32, #tpu.memory_space<vmem>> -> memref<128x128xf32, #tpu.memory_space<vmem>>
    %dma_wait3A_1500 = arith.constant 0 : i32
    %dma_wait3A_1501 = tpu.memref_slice %arg11[%dma_wait3A_1496, %dma_wait3A_1500] : memref<24x128xi32, #tpu.memory_space<vmem>> -> memref<1x128xi32, #tpu.memory_space<vmem>>
    %dma_wait3A_1502 = tpu.memref_squeeze %dma_wait3A_1501 : memref<1x128xi32, #tpu.memory_space<vmem>> -> memref<128xi32, #tpu.memory_space<vmem>>
    %dma_wait3A_1503 = arith.constant 0 : i32
    %dma_wait3A_1504 = arith.constant 0 : i32
    %dma_wait3A_1505 = tpu.memref_slice %arg6[%dma_wait3A_1503, %dma_wait3A_1504] : memref<256x128xf32, #tpu.memory_space<vmem_shared>> -> memref<256x128xf32, #tpu.memory_space<vmem_shared>>
    tpu.wait_indirect_dma semaphore(%arg19 : memref<!tpu.dma_semaphore, #tpu.memory_space<semaphore_mem>>) src(%dma_wait3A_1499 : memref<128x128xf32, #tpu.memory_space<vmem>>) dst(%dma_wait3A_1505 : memref<256x128xf32, #tpu.memory_space<vmem_shared>>)
    %add3A_1506 = arith.constant 1536 : i32
    %add3A_1507 = arith.addi %mul3A_2, %add3A_1506 : i32
    %dma_start3A_1508 = arith.constant 0 : i32
    %dma_start3A_1509 = tpu.memref_slice %arg2[%add3A_1507, %dma_start3A_1508] : memref<100000x128xf32, #tpu.memory_space<hbm>> -> memref<256x128xf32, #tpu.memory_space<hbm>>
    %dma_start3A_1510 = arith.constant 0 : i32
    %dma_start3A_1511 = tpu.memref_slice %arg2[%add3A_1507, %dma_start3A_1510] : memref<100000x128xf32, #tpu.memory_space<hbm>> -> memref<256x128xf32, #tpu.memory_space<hbm>>
    tpu.enqueue_dma source(%dma_start3A_1511 : memref<256x128xf32, #tpu.memory_space<hbm>>) target(%arg7 : memref<256x128xf32, #tpu.memory_space<vmem>>) target_semaphore(%arg16 : memref<!tpu.dma_semaphore, #tpu.memory_space<semaphore_mem>>)
    %dma_wait3A_1512 = arith.constant 0 : i32
    %dma_wait3A_1513 = tpu.memref_slice %arg2[%add3A_1279, %dma_wait3A_1512] : memref<100000x128xf32, #tpu.memory_space<hbm>> -> memref<256x128xf32, #tpu.memory_space<hbm>>
    %dma_wait3A_1514 = arith.constant 0 : i32
    %dma_wait3A_1515 = tpu.memref_slice %arg2[%add3A_1279, %dma_wait3A_1514] : memref<100000x128xf32, #tpu.memory_space<hbm>> -> memref<256x128xf32, #tpu.memory_space<hbm>>
    tpu.wait_dma2 semaphore(%arg17 : memref<!tpu.dma_semaphore, #tpu.memory_space<semaphore_mem>>) src(%dma_wait3A_1515 : memref<256x128xf32, #tpu.memory_space<hbm>>) dst(%arg8 : memref<256x128xf32, #tpu.memory_space<vmem>>)
    %dma_start3A_1516 = arith.constant 8 : i32
    %dma_start3A_1517 = arith.constant 0 : i32
    %dma_start3A_1518 = arith.constant 0 : i32
    %dma_start3A_1519 = tpu.memref_slice %arg8[%dma_start3A_1517, %dma_start3A_1518] : memref<256x128xf32, #tpu.memory_space<vmem>> -> memref<128x128xf32, #tpu.memory_space<vmem>>
    %dma_start3A_1520 = arith.constant 0 : i32
    %dma_start3A_1521 = tpu.memref_slice %arg11[%dma_start3A_1516, %dma_start3A_1520] : memref<24x128xi32, #tpu.memory_space<vmem>> -> memref<1x128xi32, #tpu.memory_space<vmem>>
    %dma_start3A_1522 = tpu.memref_squeeze %dma_start3A_1521 : memref<1x128xi32, #tpu.memory_space<vmem>> -> memref<128xi32, #tpu.memory_space<vmem>>
    %dma_start3A_1523 = arith.constant 0 : i32
    %dma_start3A_1524 = arith.constant 0 : i32
    %dma_start3A_1525 = tpu.memref_slice %arg6[%dma_start3A_1523, %dma_start3A_1524] : memref<256x128xf32, #tpu.memory_space<vmem_shared>> -> memref<256x128xf32, #tpu.memory_space<vmem_shared>>
    tpu.enqueue_indirect_dma source(%dma_start3A_1519 : memref<128x128xf32, #tpu.memory_space<vmem>>) target(%dma_start3A_1525 : memref<256x128xf32, #tpu.memory_space<vmem_shared>>) offsets(%dma_start3A_1522 : memref<128xi32, #tpu.memory_space<vmem>>) semaphore(%arg19 : memref<!tpu.dma_semaphore, #tpu.memory_space<semaphore_mem>>) {add = true}
    %dma_start3A_1526 = arith.constant 9 : i32
    %dma_start3A_1527 = arith.constant 128 : i32
    %dma_start3A_1528 = arith.constant 0 : i32
    %dma_start3A_1529 = tpu.memref_slice %arg8[%dma_start3A_1527, %dma_start3A_1528] : memref<256x128xf32, #tpu.memory_space<vmem>> -> memref<128x128xf32, #tpu.memory_space<vmem>>
    %dma_start3A_1530 = arith.constant 0 : i32
    %dma_start3A_1531 = tpu.memref_slice %arg11[%dma_start3A_1526, %dma_start3A_1530] : memref<24x128xi32, #tpu.memory_space<vmem>> -> memref<1x128xi32, #tpu.memory_space<vmem>>
    %dma_start3A_1532 = tpu.memref_squeeze %dma_start3A_1531 : memref<1x128xi32, #tpu.memory_space<vmem>> -> memref<128xi32, #tpu.memory_space<vmem>>
    %dma_start3A_1533 = arith.constant 0 : i32
    %dma_start3A_1534 = arith.constant 0 : i32
    %dma_start3A_1535 = tpu.memref_slice %arg6[%dma_start3A_1533, %dma_start3A_1534] : memref<256x128xf32, #tpu.memory_space<vmem_shared>> -> memref<256x128xf32, #tpu.memory_space<vmem_shared>>
    tpu.enqueue_indirect_dma source(%dma_start3A_1529 : memref<128x128xf32, #tpu.memory_space<vmem>>) target(%dma_start3A_1535 : memref<256x128xf32, #tpu.memory_space<vmem_shared>>) offsets(%dma_start3A_1532 : memref<128xi32, #tpu.memory_space<vmem>>) semaphore(%arg19 : memref<!tpu.dma_semaphore, #tpu.memory_space<semaphore_mem>>) {add = true}
    %get3A_1536 = arith.constant 8 : i32
    %get3A_1537 = arith.index_cast %get3A_1536 : i32 to index
    %get3A_1538 = arith.constant 0 : index
    %get3A_1539 = tpu.vector_load %arg11[%get3A_1537, %get3A_1538] {strides = array<i32>} : memref<24x128xi32, #tpu.memory_space<vmem>>, vector<16xi32>,
    tpu.vector_store_idx %arg14[%get3A_1539], %broadcast_in_dim3A_5 {add = true} : memref<256xf32, #tpu.memory_space<vmem>>[vector<16xi32>], vector<16xf32>,
    %get3A_1540 = arith.constant 8 : i32
    %get3A_1541 = arith.index_cast %get3A_1540 : i32 to index
    %get3A_1542 = arith.constant 16 : index
    %get3A_1543 = tpu.vector_load %arg11[%get3A_1541, %get3A_1542] {strides = array<i32>} : memref<24x128xi32, #tpu.memory_space<vmem>>, vector<16xi32>,
    tpu.vector_store_idx %arg14[%get3A_1543], %broadcast_in_dim3A_5 {add = true} : memref<256xf32, #tpu.memory_space<vmem>>[vector<16xi32>], vector<16xf32>,
    %get3A_1544 = arith.constant 8 : i32
    %get3A_1545 = arith.index_cast %get3A_1544 : i32 to index
    %get3A_1546 = arith.constant 32 : index
    %get3A_1547 = tpu.vector_load %arg11[%get3A_1545, %get3A_1546] {strides = array<i32>} : memref<24x128xi32, #tpu.memory_space<vmem>>, vector<16xi32>,
    tpu.vector_store_idx %arg14[%get3A_1547], %broadcast_in_dim3A_5 {add = true} : memref<256xf32, #tpu.memory_space<vmem>>[vector<16xi32>], vector<16xf32>,
    %get3A_1548 = arith.constant 8 : i32
    %get3A_1549 = arith.index_cast %get3A_1548 : i32 to index
    %get3A_1550 = arith.constant 48 : index
    %get3A_1551 = tpu.vector_load %arg11[%get3A_1549, %get3A_1550] {strides = array<i32>} : memref<24x128xi32, #tpu.memory_space<vmem>>, vector<16xi32>,
    tpu.vector_store_idx %arg14[%get3A_1551], %broadcast_in_dim3A_5 {add = true} : memref<256xf32, #tpu.memory_space<vmem>>[vector<16xi32>], vector<16xf32>,
    %get3A_1552 = arith.constant 8 : i32
    %get3A_1553 = arith.index_cast %get3A_1552 : i32 to index
    %get3A_1554 = arith.constant 64 : index
    %get3A_1555 = tpu.vector_load %arg11[%get3A_1553, %get3A_1554] {strides = array<i32>} : memref<24x128xi32, #tpu.memory_space<vmem>>, vector<16xi32>,
    tpu.vector_store_idx %arg14[%get3A_1555], %broadcast_in_dim3A_5 {add = true} : memref<256xf32, #tpu.memory_space<vmem>>[vector<16xi32>], vector<16xf32>,
    %get3A_1556 = arith.constant 8 : i32
    %get3A_1557 = arith.index_cast %get3A_1556 : i32 to index
    %get3A_1558 = arith.constant 80 : index
    %get3A_1559 = tpu.vector_load %arg11[%get3A_1557, %get3A_1558] {strides = array<i32>} : memref<24x128xi32, #tpu.memory_space<vmem>>, vector<16xi32>,
    tpu.vector_store_idx %arg14[%get3A_1559], %broadcast_in_dim3A_5 {add = true} : memref<256xf32, #tpu.memory_space<vmem>>[vector<16xi32>], vector<16xf32>,
    %get3A_1560 = arith.constant 8 : i32
    %get3A_1561 = arith.index_cast %get3A_1560 : i32 to index
    %get3A_1562 = arith.constant 96 : index
    %get3A_1563 = tpu.vector_load %arg11[%get3A_1561, %get3A_1562] {strides = array<i32>} : memref<24x128xi32, #tpu.memory_space<vmem>>, vector<16xi32>,
    tpu.vector_store_idx %arg14[%get3A_1563], %broadcast_in_dim3A_5 {add = true} : memref<256xf32, #tpu.memory_space<vmem>>[vector<16xi32>], vector<16xf32>,
    %get3A_1564 = arith.constant 8 : i32
    %get3A_1565 = arith.index_cast %get3A_1564 : i32 to index
    %get3A_1566 = arith.constant 112 : index
    %get3A_1567 = tpu.vector_load %arg11[%get3A_1565, %get3A_1566] {strides = array<i32>} : memref<24x128xi32, #tpu.memory_space<vmem>>, vector<16xi32>,
    tpu.vector_store_idx %arg14[%get3A_1567], %broadcast_in_dim3A_5 {add = true} : memref<256xf32, #tpu.memory_space<vmem>>[vector<16xi32>], vector<16xf32>,
    %get3A_1568 = arith.constant 9 : i32
    %get3A_1569 = arith.index_cast %get3A_1568 : i32 to index
    %get3A_1570 = arith.constant 0 : index
    %get3A_1571 = tpu.vector_load %arg11[%get3A_1569, %get3A_1570] {strides = array<i32>} : memref<24x128xi32, #tpu.memory_space<vmem>>, vector<16xi32>,
    tpu.vector_store_idx %arg14[%get3A_1571], %broadcast_in_dim3A_5 {add = true} : memref<256xf32, #tpu.memory_space<vmem>>[vector<16xi32>], vector<16xf32>,
    %get3A_1572 = arith.constant 9 : i32
    %get3A_1573 = arith.index_cast %get3A_1572 : i32 to index
    %get3A_1574 = arith.constant 16 : index
    %get3A_1575 = tpu.vector_load %arg11[%get3A_1573, %get3A_1574] {strides = array<i32>} : memref<24x128xi32, #tpu.memory_space<vmem>>, vector<16xi32>,
    tpu.vector_store_idx %arg14[%get3A_1575], %broadcast_in_dim3A_5 {add = true} : memref<256xf32, #tpu.memory_space<vmem>>[vector<16xi32>], vector<16xf32>,
    %get3A_1576 = arith.constant 9 : i32
    %get3A_1577 = arith.index_cast %get3A_1576 : i32 to index
    %get3A_1578 = arith.constant 32 : index
    %get3A_1579 = tpu.vector_load %arg11[%get3A_1577, %get3A_1578] {strides = array<i32>} : memref<24x128xi32, #tpu.memory_space<vmem>>, vector<16xi32>,
    tpu.vector_store_idx %arg14[%get3A_1579], %broadcast_in_dim3A_5 {add = true} : memref<256xf32, #tpu.memory_space<vmem>>[vector<16xi32>], vector<16xf32>,
    %get3A_1580 = arith.constant 9 : i32
    %get3A_1581 = arith.index_cast %get3A_1580 : i32 to index
    %get3A_1582 = arith.constant 48 : index
    %get3A_1583 = tpu.vector_load %arg11[%get3A_1581, %get3A_1582] {strides = array<i32>} : memref<24x128xi32, #tpu.memory_space<vmem>>, vector<16xi32>,
    tpu.vector_store_idx %arg14[%get3A_1583], %broadcast_in_dim3A_5 {add = true} : memref<256xf32, #tpu.memory_space<vmem>>[vector<16xi32>], vector<16xf32>,
    %get3A_1584 = arith.constant 9 : i32
    %get3A_1585 = arith.index_cast %get3A_1584 : i32 to index
    %get3A_1586 = arith.constant 64 : index
    %get3A_1587 = tpu.vector_load %arg11[%get3A_1585, %get3A_1586] {strides = array<i32>} : memref<24x128xi32, #tpu.memory_space<vmem>>, vector<16xi32>,
    tpu.vector_store_idx %arg14[%get3A_1587], %broadcast_in_dim3A_5 {add = true} : memref<256xf32, #tpu.memory_space<vmem>>[vector<16xi32>], vector<16xf32>,
    %get3A_1588 = arith.constant 9 : i32
    %get3A_1589 = arith.index_cast %get3A_1588 : i32 to index
    %get3A_1590 = arith.constant 80 : index
    %get3A_1591 = tpu.vector_load %arg11[%get3A_1589, %get3A_1590] {strides = array<i32>} : memref<24x128xi32, #tpu.memory_space<vmem>>, vector<16xi32>,
    tpu.vector_store_idx %arg14[%get3A_1591], %broadcast_in_dim3A_5 {add = true} : memref<256xf32, #tpu.memory_space<vmem>>[vector<16xi32>], vector<16xf32>,
    %get3A_1592 = arith.constant 9 : i32
    %get3A_1593 = arith.index_cast %get3A_1592 : i32 to index
    %get3A_1594 = arith.constant 96 : index
    %get3A_1595 = tpu.vector_load %arg11[%get3A_1593, %get3A_1594] {strides = array<i32>} : memref<24x128xi32, #tpu.memory_space<vmem>>, vector<16xi32>,
    tpu.vector_store_idx %arg14[%get3A_1595], %broadcast_in_dim3A_5 {add = true} : memref<256xf32, #tpu.memory_space<vmem>>[vector<16xi32>], vector<16xf32>,
    %get3A_1596 = arith.constant 9 : i32
    %get3A_1597 = arith.index_cast %get3A_1596 : i32 to index
    %get3A_1598 = arith.constant 112 : index
    %get3A_1599 = tpu.vector_load %arg11[%get3A_1597, %get3A_1598] {strides = array<i32>} : memref<24x128xi32, #tpu.memory_space<vmem>>, vector<16xi32>,
    tpu.vector_store_idx %arg14[%get3A_1599], %broadcast_in_dim3A_5 {add = true} : memref<256xf32, #tpu.memory_space<vmem>>[vector<16xi32>], vector<16xf32>,
    %dma_wait3A_1600 = arith.constant 8 : i32
    %dma_wait3A_1601 = arith.constant 0 : i32
    %dma_wait3A_1602 = arith.constant 0 : i32
    %dma_wait3A_1603 = tpu.memref_slice %arg8[%dma_wait3A_1601, %dma_wait3A_1602] : memref<256x128xf32, #tpu.memory_space<vmem>> -> memref<128x128xf32, #tpu.memory_space<vmem>>
    %dma_wait3A_1604 = arith.constant 0 : i32
    %dma_wait3A_1605 = tpu.memref_slice %arg11[%dma_wait3A_1600, %dma_wait3A_1604] : memref<24x128xi32, #tpu.memory_space<vmem>> -> memref<1x128xi32, #tpu.memory_space<vmem>>
    %dma_wait3A_1606 = tpu.memref_squeeze %dma_wait3A_1605 : memref<1x128xi32, #tpu.memory_space<vmem>> -> memref<128xi32, #tpu.memory_space<vmem>>
    %dma_wait3A_1607 = arith.constant 0 : i32
    %dma_wait3A_1608 = arith.constant 0 : i32
    %dma_wait3A_1609 = tpu.memref_slice %arg6[%dma_wait3A_1607, %dma_wait3A_1608] : memref<256x128xf32, #tpu.memory_space<vmem_shared>> -> memref<256x128xf32, #tpu.memory_space<vmem_shared>>
    tpu.wait_indirect_dma semaphore(%arg19 : memref<!tpu.dma_semaphore, #tpu.memory_space<semaphore_mem>>) src(%dma_wait3A_1603 : memref<128x128xf32, #tpu.memory_space<vmem>>) dst(%dma_wait3A_1609 : memref<256x128xf32, #tpu.memory_space<vmem_shared>>)
    %dma_wait3A_1610 = arith.constant 9 : i32
    %dma_wait3A_1611 = arith.constant 128 : i32
    %dma_wait3A_1612 = arith.constant 0 : i32
    %dma_wait3A_1613 = tpu.memref_slice %arg8[%dma_wait3A_1611, %dma_wait3A_1612] : memref<256x128xf32, #tpu.memory_space<vmem>> -> memref<128x128xf32, #tpu.memory_space<vmem>>
    %dma_wait3A_1614 = arith.constant 0 : i32
    %dma_wait3A_1615 = tpu.memref_slice %arg11[%dma_wait3A_1610, %dma_wait3A_1614] : memref<24x128xi32, #tpu.memory_space<vmem>> -> memref<1x128xi32, #tpu.memory_space<vmem>>
    %dma_wait3A_1616 = tpu.memref_squeeze %dma_wait3A_1615 : memref<1x128xi32, #tpu.memory_space<vmem>> -> memref<128xi32, #tpu.memory_space<vmem>>
    %dma_wait3A_1617 = arith.constant 0 : i32
    %dma_wait3A_1618 = arith.constant 0 : i32
    %dma_wait3A_1619 = tpu.memref_slice %arg6[%dma_wait3A_1617, %dma_wait3A_1618] : memref<256x128xf32, #tpu.memory_space<vmem_shared>> -> memref<256x128xf32, #tpu.memory_space<vmem_shared>>
    tpu.wait_indirect_dma semaphore(%arg19 : memref<!tpu.dma_semaphore, #tpu.memory_space<semaphore_mem>>) src(%dma_wait3A_1613 : memref<128x128xf32, #tpu.memory_space<vmem>>) dst(%dma_wait3A_1619 : memref<256x128xf32, #tpu.memory_space<vmem_shared>>)
    %add3A_1620 = arith.constant 1792 : i32
    %add3A_1621 = arith.addi %mul3A_2, %add3A_1620 : i32
    %dma_start3A_1622 = arith.constant 0 : i32
    %dma_start3A_1623 = tpu.memref_slice %arg2[%add3A_1621, %dma_start3A_1622] : memref<100000x128xf32, #tpu.memory_space<hbm>> -> memref<256x128xf32, #tpu.memory_space<hbm>>
    %dma_start3A_1624 = arith.constant 0 : i32
    %dma_start3A_1625 = tpu.memref_slice %arg2[%add3A_1621, %dma_start3A_1624] : memref<100000x128xf32, #tpu.memory_space<hbm>> -> memref<256x128xf32, #tpu.memory_space<hbm>>
    tpu.enqueue_dma source(%dma_start3A_1625 : memref<256x128xf32, #tpu.memory_space<hbm>>) target(%arg8 : memref<256x128xf32, #tpu.memory_space<vmem>>) target_semaphore(%arg17 : memref<!tpu.dma_semaphore, #tpu.memory_space<semaphore_mem>>)
    %dma_wait3A_1626 = arith.constant 0 : i32
    %dma_wait3A_1627 = tpu.memref_slice %arg2[%add3A_1393, %dma_wait3A_1626] : memref<100000x128xf32, #tpu.memory_space<hbm>> -> memref<256x128xf32, #tpu.memory_space<hbm>>
    %dma_wait3A_1628 = arith.constant 0 : i32
    %dma_wait3A_1629 = tpu.memref_slice %arg2[%add3A_1393, %dma_wait3A_1628] : memref<100000x128xf32, #tpu.memory_space<hbm>> -> memref<256x128xf32, #tpu.memory_space<hbm>>
    tpu.wait_dma2 semaphore(%arg18 : memref<!tpu.dma_semaphore, #tpu.memory_space<semaphore_mem>>) src(%dma_wait3A_1629 : memref<256x128xf32, #tpu.memory_space<hbm>>) dst(%arg9 : memref<256x128xf32, #tpu.memory_space<vmem>>)
    %dma_start3A_1630 = arith.constant 10 : i32
    %dma_start3A_1631 = arith.constant 0 : i32
    %dma_start3A_1632 = arith.constant 0 : i32
    %dma_start3A_1633 = tpu.memref_slice %arg9[%dma_start3A_1631, %dma_start3A_1632] : memref<256x128xf32, #tpu.memory_space<vmem>> -> memref<128x128xf32, #tpu.memory_space<vmem>>
    %dma_start3A_1634 = arith.constant 0 : i32
    %dma_start3A_1635 = tpu.memref_slice %arg11[%dma_start3A_1630, %dma_start3A_1634] : memref<24x128xi32, #tpu.memory_space<vmem>> -> memref<1x128xi32, #tpu.memory_space<vmem>>
    %dma_start3A_1636 = tpu.memref_squeeze %dma_start3A_1635 : memref<1x128xi32, #tpu.memory_space<vmem>> -> memref<128xi32, #tpu.memory_space<vmem>>
    %dma_start3A_1637 = arith.constant 0 : i32
    %dma_start3A_1638 = arith.constant 0 : i32
    %dma_start3A_1639 = tpu.memref_slice %arg6[%dma_start3A_1637, %dma_start3A_1638] : memref<256x128xf32, #tpu.memory_space<vmem_shared>> -> memref<256x128xf32, #tpu.memory_space<vmem_shared>>
    tpu.enqueue_indirect_dma source(%dma_start3A_1633 : memref<128x128xf32, #tpu.memory_space<vmem>>) target(%dma_start3A_1639 : memref<256x128xf32, #tpu.memory_space<vmem_shared>>) offsets(%dma_start3A_1636 : memref<128xi32, #tpu.memory_space<vmem>>) semaphore(%arg19 : memref<!tpu.dma_semaphore, #tpu.memory_space<semaphore_mem>>) {add = true}
    %dma_start3A_1640 = arith.constant 11 : i32
    %dma_start3A_1641 = arith.constant 128 : i32
    %dma_start3A_1642 = arith.constant 0 : i32
    %dma_start3A_1643 = tpu.memref_slice %arg9[%dma_start3A_1641, %dma_start3A_1642] : memref<256x128xf32, #tpu.memory_space<vmem>> -> memref<128x128xf32, #tpu.memory_space<vmem>>
    %dma_start3A_1644 = arith.constant 0 : i32
    %dma_start3A_1645 = tpu.memref_slice %arg11[%dma_start3A_1640, %dma_start3A_1644] : memref<24x128xi32, #tpu.memory_space<vmem>> -> memref<1x128xi32, #tpu.memory_space<vmem>>
    %dma_start3A_1646 = tpu.memref_squeeze %dma_start3A_1645 : memref<1x128xi32, #tpu.memory_space<vmem>> -> memref<128xi32, #tpu.memory_space<vmem>>
    %dma_start3A_1647 = arith.constant 0 : i32
    %dma_start3A_1648 = arith.constant 0 : i32
    %dma_start3A_1649 = tpu.memref_slice %arg6[%dma_start3A_1647, %dma_start3A_1648] : memref<256x128xf32, #tpu.memory_space<vmem_shared>> -> memref<256x128xf32, #tpu.memory_space<vmem_shared>>
    tpu.enqueue_indirect_dma source(%dma_start3A_1643 : memref<128x128xf32, #tpu.memory_space<vmem>>) target(%dma_start3A_1649 : memref<256x128xf32, #tpu.memory_space<vmem_shared>>) offsets(%dma_start3A_1646 : memref<128xi32, #tpu.memory_space<vmem>>) semaphore(%arg19 : memref<!tpu.dma_semaphore, #tpu.memory_space<semaphore_mem>>) {add = true}
    %get3A_1650 = arith.constant 10 : i32
    %get3A_1651 = arith.index_cast %get3A_1650 : i32 to index
    %get3A_1652 = arith.constant 0 : index
    %get3A_1653 = tpu.vector_load %arg11[%get3A_1651, %get3A_1652] {strides = array<i32>} : memref<24x128xi32, #tpu.memory_space<vmem>>, vector<16xi32>,
    tpu.vector_store_idx %arg14[%get3A_1653], %broadcast_in_dim3A_5 {add = true} : memref<256xf32, #tpu.memory_space<vmem>>[vector<16xi32>], vector<16xf32>,
    %get3A_1654 = arith.constant 10 : i32
    %get3A_1655 = arith.index_cast %get3A_1654 : i32 to index
    %get3A_1656 = arith.constant 16 : index
    %get3A_1657 = tpu.vector_load %arg11[%get3A_1655, %get3A_1656] {strides = array<i32>} : memref<24x128xi32, #tpu.memory_space<vmem>>, vector<16xi32>,
    tpu.vector_store_idx %arg14[%get3A_1657], %broadcast_in_dim3A_5 {add = true} : memref<256xf32, #tpu.memory_space<vmem>>[vector<16xi32>], vector<16xf32>,
    %get3A_1658 = arith.constant 10 : i32
    %get3A_1659 = arith.index_cast %get3A_1658 : i32 to index
    %get3A_1660 = arith.constant 32 : index
    %get3A_1661 = tpu.vector_load %arg11[%get3A_1659, %get3A_1660] {strides = array<i32>} : memref<24x128xi32, #tpu.memory_space<vmem>>, vector<16xi32>,
    tpu.vector_store_idx %arg14[%get3A_1661], %broadcast_in_dim3A_5 {add = true} : memref<256xf32, #tpu.memory_space<vmem>>[vector<16xi32>], vector<16xf32>,
    %get3A_1662 = arith.constant 10 : i32
    %get3A_1663 = arith.index_cast %get3A_1662 : i32 to index
    %get3A_1664 = arith.constant 48 : index
    %get3A_1665 = tpu.vector_load %arg11[%get3A_1663, %get3A_1664] {strides = array<i32>} : memref<24x128xi32, #tpu.memory_space<vmem>>, vector<16xi32>,
    tpu.vector_store_idx %arg14[%get3A_1665], %broadcast_in_dim3A_5 {add = true} : memref<256xf32, #tpu.memory_space<vmem>>[vector<16xi32>], vector<16xf32>,
    %get3A_1666 = arith.constant 10 : i32
    %get3A_1667 = arith.index_cast %get3A_1666 : i32 to index
    %get3A_1668 = arith.constant 64 : index
    %get3A_1669 = tpu.vector_load %arg11[%get3A_1667, %get3A_1668] {strides = array<i32>} : memref<24x128xi32, #tpu.memory_space<vmem>>, vector<16xi32>,
    tpu.vector_store_idx %arg14[%get3A_1669], %broadcast_in_dim3A_5 {add = true} : memref<256xf32, #tpu.memory_space<vmem>>[vector<16xi32>], vector<16xf32>,
    %get3A_1670 = arith.constant 10 : i32
    %get3A_1671 = arith.index_cast %get3A_1670 : i32 to index
    %get3A_1672 = arith.constant 80 : index
    %get3A_1673 = tpu.vector_load %arg11[%get3A_1671, %get3A_1672] {strides = array<i32>} : memref<24x128xi32, #tpu.memory_space<vmem>>, vector<16xi32>,
    tpu.vector_store_idx %arg14[%get3A_1673], %broadcast_in_dim3A_5 {add = true} : memref<256xf32, #tpu.memory_space<vmem>>[vector<16xi32>], vector<16xf32>,
    %get3A_1674 = arith.constant 10 : i32
    %get3A_1675 = arith.index_cast %get3A_1674 : i32 to index
    %get3A_1676 = arith.constant 96 : index
    %get3A_1677 = tpu.vector_load %arg11[%get3A_1675, %get3A_1676] {strides = array<i32>} : memref<24x128xi32, #tpu.memory_space<vmem>>, vector<16xi32>,
    tpu.vector_store_idx %arg14[%get3A_1677], %broadcast_in_dim3A_5 {add = true} : memref<256xf32, #tpu.memory_space<vmem>>[vector<16xi32>], vector<16xf32>,
    %get3A_1678 = arith.constant 10 : i32
    %get3A_1679 = arith.index_cast %get3A_1678 : i32 to index
    %get3A_1680 = arith.constant 112 : index
    %get3A_1681 = tpu.vector_load %arg11[%get3A_1679, %get3A_1680] {strides = array<i32>} : memref<24x128xi32, #tpu.memory_space<vmem>>, vector<16xi32>,
    tpu.vector_store_idx %arg14[%get3A_1681], %broadcast_in_dim3A_5 {add = true} : memref<256xf32, #tpu.memory_space<vmem>>[vector<16xi32>], vector<16xf32>,
    %get3A_1682 = arith.constant 11 : i32
    %get3A_1683 = arith.index_cast %get3A_1682 : i32 to index
    %get3A_1684 = arith.constant 0 : index
    %get3A_1685 = tpu.vector_load %arg11[%get3A_1683, %get3A_1684] {strides = array<i32>} : memref<24x128xi32, #tpu.memory_space<vmem>>, vector<16xi32>,
    tpu.vector_store_idx %arg14[%get3A_1685], %broadcast_in_dim3A_5 {add = true} : memref<256xf32, #tpu.memory_space<vmem>>[vector<16xi32>], vector<16xf32>,
    %get3A_1686 = arith.constant 11 : i32
    %get3A_1687 = arith.index_cast %get3A_1686 : i32 to index
    %get3A_1688 = arith.constant 16 : index
    %get3A_1689 = tpu.vector_load %arg11[%get3A_1687, %get3A_1688] {strides = array<i32>} : memref<24x128xi32, #tpu.memory_space<vmem>>, vector<16xi32>,
    tpu.vector_store_idx %arg14[%get3A_1689], %broadcast_in_dim3A_5 {add = true} : memref<256xf32, #tpu.memory_space<vmem>>[vector<16xi32>], vector<16xf32>,
    %get3A_1690 = arith.constant 11 : i32
    %get3A_1691 = arith.index_cast %get3A_1690 : i32 to index
    %get3A_1692 = arith.constant 32 : index
    %get3A_1693 = tpu.vector_load %arg11[%get3A_1691, %get3A_1692] {strides = array<i32>} : memref<24x128xi32, #tpu.memory_space<vmem>>, vector<16xi32>,
    tpu.vector_store_idx %arg14[%get3A_1693], %broadcast_in_dim3A_5 {add = true} : memref<256xf32, #tpu.memory_space<vmem>>[vector<16xi32>], vector<16xf32>,
    %get3A_1694 = arith.constant 11 : i32
    %get3A_1695 = arith.index_cast %get3A_1694 : i32 to index
    %get3A_1696 = arith.constant 48 : index
    %get3A_1697 = tpu.vector_load %arg11[%get3A_1695, %get3A_1696] {strides = array<i32>} : memref<24x128xi32, #tpu.memory_space<vmem>>, vector<16xi32>,
    tpu.vector_store_idx %arg14[%get3A_1697], %broadcast_in_dim3A_5 {add = true} : memref<256xf32, #tpu.memory_space<vmem>>[vector<16xi32>], vector<16xf32>,
    %get3A_1698 = arith.constant 11 : i32
    %get3A_1699 = arith.index_cast %get3A_1698 : i32 to index
    %get3A_1700 = arith.constant 64 : index
    %get3A_1701 = tpu.vector_load %arg11[%get3A_1699, %get3A_1700] {strides = array<i32>} : memref<24x128xi32, #tpu.memory_space<vmem>>, vector<16xi32>,
    tpu.vector_store_idx %arg14[%get3A_1701], %broadcast_in_dim3A_5 {add = true} : memref<256xf32, #tpu.memory_space<vmem>>[vector<16xi32>], vector<16xf32>,
    %get3A_1702 = arith.constant 11 : i32
    %get3A_1703 = arith.index_cast %get3A_1702 : i32 to index
    %get3A_1704 = arith.constant 80 : index
    %get3A_1705 = tpu.vector_load %arg11[%get3A_1703, %get3A_1704] {strides = array<i32>} : memref<24x128xi32, #tpu.memory_space<vmem>>, vector<16xi32>,
    tpu.vector_store_idx %arg14[%get3A_1705], %broadcast_in_dim3A_5 {add = true} : memref<256xf32, #tpu.memory_space<vmem>>[vector<16xi32>], vector<16xf32>,
    %get3A_1706 = arith.constant 11 : i32
    %get3A_1707 = arith.index_cast %get3A_1706 : i32 to index
    %get3A_1708 = arith.constant 96 : index
    %get3A_1709 = tpu.vector_load %arg11[%get3A_1707, %get3A_1708] {strides = array<i32>} : memref<24x128xi32, #tpu.memory_space<vmem>>, vector<16xi32>,
    tpu.vector_store_idx %arg14[%get3A_1709], %broadcast_in_dim3A_5 {add = true} : memref<256xf32, #tpu.memory_space<vmem>>[vector<16xi32>], vector<16xf32>,
    %get3A_1710 = arith.constant 11 : i32
    %get3A_1711 = arith.index_cast %get3A_1710 : i32 to index
    %get3A_1712 = arith.constant 112 : index
    %get3A_1713 = tpu.vector_load %arg11[%get3A_1711, %get3A_1712] {strides = array<i32>} : memref<24x128xi32, #tpu.memory_space<vmem>>, vector<16xi32>,
    tpu.vector_store_idx %arg14[%get3A_1713], %broadcast_in_dim3A_5 {add = true} : memref<256xf32, #tpu.memory_space<vmem>>[vector<16xi32>], vector<16xf32>,
    %dma_wait3A_1714 = arith.constant 10 : i32
    %dma_wait3A_1715 = arith.constant 0 : i32
    %dma_wait3A_1716 = arith.constant 0 : i32
    %dma_wait3A_1717 = tpu.memref_slice %arg9[%dma_wait3A_1715, %dma_wait3A_1716] : memref<256x128xf32, #tpu.memory_space<vmem>> -> memref<128x128xf32, #tpu.memory_space<vmem>>
    %dma_wait3A_1718 = arith.constant 0 : i32
    %dma_wait3A_1719 = tpu.memref_slice %arg11[%dma_wait3A_1714, %dma_wait3A_1718] : memref<24x128xi32, #tpu.memory_space<vmem>> -> memref<1x128xi32, #tpu.memory_space<vmem>>
    %dma_wait3A_1720 = tpu.memref_squeeze %dma_wait3A_1719 : memref<1x128xi32, #tpu.memory_space<vmem>> -> memref<128xi32, #tpu.memory_space<vmem>>
    %dma_wait3A_1721 = arith.constant 0 : i32
    %dma_wait3A_1722 = arith.constant 0 : i32
    %dma_wait3A_1723 = tpu.memref_slice %arg6[%dma_wait3A_1721, %dma_wait3A_1722] : memref<256x128xf32, #tpu.memory_space<vmem_shared>> -> memref<256x128xf32, #tpu.memory_space<vmem_shared>>
    tpu.wait_indirect_dma semaphore(%arg19 : memref<!tpu.dma_semaphore, #tpu.memory_space<semaphore_mem>>) src(%dma_wait3A_1717 : memref<128x128xf32, #tpu.memory_space<vmem>>) dst(%dma_wait3A_1723 : memref<256x128xf32, #tpu.memory_space<vmem_shared>>)
    %dma_wait3A_1724 = arith.constant 11 : i32
    %dma_wait3A_1725 = arith.constant 128 : i32
    %dma_wait3A_1726 = arith.constant 0 : i32
    %dma_wait3A_1727 = tpu.memref_slice %arg9[%dma_wait3A_1725, %dma_wait3A_1726] : memref<256x128xf32, #tpu.memory_space<vmem>> -> memref<128x128xf32, #tpu.memory_space<vmem>>
    %dma_wait3A_1728 = arith.constant 0 : i32
    %dma_wait3A_1729 = tpu.memref_slice %arg11[%dma_wait3A_1724, %dma_wait3A_1728] : memref<24x128xi32, #tpu.memory_space<vmem>> -> memref<1x128xi32, #tpu.memory_space<vmem>>
    %dma_wait3A_1730 = tpu.memref_squeeze %dma_wait3A_1729 : memref<1x128xi32, #tpu.memory_space<vmem>> -> memref<128xi32, #tpu.memory_space<vmem>>
    %dma_wait3A_1731 = arith.constant 0 : i32
    %dma_wait3A_1732 = arith.constant 0 : i32
    %dma_wait3A_1733 = tpu.memref_slice %arg6[%dma_wait3A_1731, %dma_wait3A_1732] : memref<256x128xf32, #tpu.memory_space<vmem_shared>> -> memref<256x128xf32, #tpu.memory_space<vmem_shared>>
    tpu.wait_indirect_dma semaphore(%arg19 : memref<!tpu.dma_semaphore, #tpu.memory_space<semaphore_mem>>) src(%dma_wait3A_1727 : memref<128x128xf32, #tpu.memory_space<vmem>>) dst(%dma_wait3A_1733 : memref<256x128xf32, #tpu.memory_space<vmem_shared>>)
    %add3A_1734 = arith.constant 2048 : i32
    %add3A_1735 = arith.addi %mul3A_2, %add3A_1734 : i32
    %dma_start3A_1736 = arith.constant 0 : i32
    %dma_start3A_1737 = tpu.memref_slice %arg2[%add3A_1735, %dma_start3A_1736] : memref<100000x128xf32, #tpu.memory_space<hbm>> -> memref<256x128xf32, #tpu.memory_space<hbm>>
    %dma_start3A_1738 = arith.constant 0 : i32
    %dma_start3A_1739 = tpu.memref_slice %arg2[%add3A_1735, %dma_start3A_1738] : memref<100000x128xf32, #tpu.memory_space<hbm>> -> memref<256x128xf32, #tpu.memory_space<hbm>>
    tpu.enqueue_dma source(%dma_start3A_1739 : memref<256x128xf32, #tpu.memory_space<hbm>>) target(%arg9 : memref<256x128xf32, #tpu.memory_space<vmem>>) target_semaphore(%arg18 : memref<!tpu.dma_semaphore, #tpu.memory_space<semaphore_mem>>)
    %dma_wait3A_1740 = arith.constant 0 : i32
    %dma_wait3A_1741 = tpu.memref_slice %arg2[%add3A_1507, %dma_wait3A_1740] : memref<100000x128xf32, #tpu.memory_space<hbm>> -> memref<256x128xf32, #tpu.memory_space<hbm>>
    %dma_wait3A_1742 = arith.constant 0 : i32
    %dma_wait3A_1743 = tpu.memref_slice %arg2[%add3A_1507, %dma_wait3A_1742] : memref<100000x128xf32, #tpu.memory_space<hbm>> -> memref<256x128xf32, #tpu.memory_space<hbm>>
    tpu.wait_dma2 semaphore(%arg16 : memref<!tpu.dma_semaphore, #tpu.memory_space<semaphore_mem>>) src(%dma_wait3A_1743 : memref<256x128xf32, #tpu.memory_space<hbm>>) dst(%arg7 : memref<256x128xf32, #tpu.memory_space<vmem>>)
    %dma_start3A_1744 = arith.constant 12 : i32
    %dma_start3A_1745 = arith.constant 0 : i32
    %dma_start3A_1746 = arith.constant 0 : i32
    %dma_start3A_1747 = tpu.memref_slice %arg7[%dma_start3A_1745, %dma_start3A_1746] : memref<256x128xf32, #tpu.memory_space<vmem>> -> memref<128x128xf32, #tpu.memory_space<vmem>>
    %dma_start3A_1748 = arith.constant 0 : i32
    %dma_start3A_1749 = tpu.memref_slice %arg11[%dma_start3A_1744, %dma_start3A_1748] : memref<24x128xi32, #tpu.memory_space<vmem>> -> memref<1x128xi32, #tpu.memory_space<vmem>>
    %dma_start3A_1750 = tpu.memref_squeeze %dma_start3A_1749 : memref<1x128xi32, #tpu.memory_space<vmem>> -> memref<128xi32, #tpu.memory_space<vmem>>
    %dma_start3A_1751 = arith.constant 0 : i32
    %dma_start3A_1752 = arith.constant 0 : i32
    %dma_start3A_1753 = tpu.memref_slice %arg6[%dma_start3A_1751, %dma_start3A_1752] : memref<256x128xf32, #tpu.memory_space<vmem_shared>> -> memref<256x128xf32, #tpu.memory_space<vmem_shared>>
    tpu.enqueue_indirect_dma source(%dma_start3A_1747 : memref<128x128xf32, #tpu.memory_space<vmem>>) target(%dma_start3A_1753 : memref<256x128xf32, #tpu.memory_space<vmem_shared>>) offsets(%dma_start3A_1750 : memref<128xi32, #tpu.memory_space<vmem>>) semaphore(%arg19 : memref<!tpu.dma_semaphore, #tpu.memory_space<semaphore_mem>>) {add = true}
    %dma_start3A_1754 = arith.constant 13 : i32
    %dma_start3A_1755 = arith.constant 128 : i32
    %dma_start3A_1756 = arith.constant 0 : i32
    %dma_start3A_1757 = tpu.memref_slice %arg7[%dma_start3A_1755, %dma_start3A_1756] : memref<256x128xf32, #tpu.memory_space<vmem>> -> memref<128x128xf32, #tpu.memory_space<vmem>>
    %dma_start3A_1758 = arith.constant 0 : i32
    %dma_start3A_1759 = tpu.memref_slice %arg11[%dma_start3A_1754, %dma_start3A_1758] : memref<24x128xi32, #tpu.memory_space<vmem>> -> memref<1x128xi32, #tpu.memory_space<vmem>>
    %dma_start3A_1760 = tpu.memref_squeeze %dma_start3A_1759 : memref<1x128xi32, #tpu.memory_space<vmem>> -> memref<128xi32, #tpu.memory_space<vmem>>
    %dma_start3A_1761 = arith.constant 0 : i32
    %dma_start3A_1762 = arith.constant 0 : i32
    %dma_start3A_1763 = tpu.memref_slice %arg6[%dma_start3A_1761, %dma_start3A_1762] : memref<256x128xf32, #tpu.memory_space<vmem_shared>> -> memref<256x128xf32, #tpu.memory_space<vmem_shared>>
    tpu.enqueue_indirect_dma source(%dma_start3A_1757 : memref<128x128xf32, #tpu.memory_space<vmem>>) target(%dma_start3A_1763 : memref<256x128xf32, #tpu.memory_space<vmem_shared>>) offsets(%dma_start3A_1760 : memref<128xi32, #tpu.memory_space<vmem>>) semaphore(%arg19 : memref<!tpu.dma_semaphore, #tpu.memory_space<semaphore_mem>>) {add = true}
    %get3A_1764 = arith.constant 12 : i32
    %get3A_1765 = arith.index_cast %get3A_1764 : i32 to index
    %get3A_1766 = arith.constant 0 : index
    %get3A_1767 = tpu.vector_load %arg11[%get3A_1765, %get3A_1766] {strides = array<i32>} : memref<24x128xi32, #tpu.memory_space<vmem>>, vector<16xi32>,
    tpu.vector_store_idx %arg14[%get3A_1767], %broadcast_in_dim3A_5 {add = true} : memref<256xf32, #tpu.memory_space<vmem>>[vector<16xi32>], vector<16xf32>,
    %get3A_1768 = arith.constant 12 : i32
    %get3A_1769 = arith.index_cast %get3A_1768 : i32 to index
    %get3A_1770 = arith.constant 16 : index
    %get3A_1771 = tpu.vector_load %arg11[%get3A_1769, %get3A_1770] {strides = array<i32>} : memref<24x128xi32, #tpu.memory_space<vmem>>, vector<16xi32>,
    tpu.vector_store_idx %arg14[%get3A_1771], %broadcast_in_dim3A_5 {add = true} : memref<256xf32, #tpu.memory_space<vmem>>[vector<16xi32>], vector<16xf32>,
    %get3A_1772 = arith.constant 12 : i32
    %get3A_1773 = arith.index_cast %get3A_1772 : i32 to index
    %get3A_1774 = arith.constant 32 : index
    %get3A_1775 = tpu.vector_load %arg11[%get3A_1773, %get3A_1774] {strides = array<i32>} : memref<24x128xi32, #tpu.memory_space<vmem>>, vector<16xi32>,
    tpu.vector_store_idx %arg14[%get3A_1775], %broadcast_in_dim3A_5 {add = true} : memref<256xf32, #tpu.memory_space<vmem>>[vector<16xi32>], vector<16xf32>,
    %get3A_1776 = arith.constant 12 : i32
    %get3A_1777 = arith.index_cast %get3A_1776 : i32 to index
    %get3A_1778 = arith.constant 48 : index
    %get3A_1779 = tpu.vector_load %arg11[%get3A_1777, %get3A_1778] {strides = array<i32>} : memref<24x128xi32, #tpu.memory_space<vmem>>, vector<16xi32>,
    tpu.vector_store_idx %arg14[%get3A_1779], %broadcast_in_dim3A_5 {add = true} : memref<256xf32, #tpu.memory_space<vmem>>[vector<16xi32>], vector<16xf32>,
    %get3A_1780 = arith.constant 12 : i32
    %get3A_1781 = arith.index_cast %get3A_1780 : i32 to index
    %get3A_1782 = arith.constant 64 : index
    %get3A_1783 = tpu.vector_load %arg11[%get3A_1781, %get3A_1782] {strides = array<i32>} : memref<24x128xi32, #tpu.memory_space<vmem>>, vector<16xi32>,
    tpu.vector_store_idx %arg14[%get3A_1783], %broadcast_in_dim3A_5 {add = true} : memref<256xf32, #tpu.memory_space<vmem>>[vector<16xi32>], vector<16xf32>,
    %get3A_1784 = arith.constant 12 : i32
    %get3A_1785 = arith.index_cast %get3A_1784 : i32 to index
    %get3A_1786 = arith.constant 80 : index
    %get3A_1787 = tpu.vector_load %arg11[%get3A_1785, %get3A_1786] {strides = array<i32>} : memref<24x128xi32, #tpu.memory_space<vmem>>, vector<16xi32>,
    tpu.vector_store_idx %arg14[%get3A_1787], %broadcast_in_dim3A_5 {add = true} : memref<256xf32, #tpu.memory_space<vmem>>[vector<16xi32>], vector<16xf32>,
    %get3A_1788 = arith.constant 12 : i32
    %get3A_1789 = arith.index_cast %get3A_1788 : i32 to index
    %get3A_1790 = arith.constant 96 : index
    %get3A_1791 = tpu.vector_load %arg11[%get3A_1789, %get3A_1790] {strides = array<i32>} : memref<24x128xi32, #tpu.memory_space<vmem>>, vector<16xi32>,
    tpu.vector_store_idx %arg14[%get3A_1791], %broadcast_in_dim3A_5 {add = true} : memref<256xf32, #tpu.memory_space<vmem>>[vector<16xi32>], vector<16xf32>,
    %get3A_1792 = arith.constant 12 : i32
    %get3A_1793 = arith.index_cast %get3A_1792 : i32 to index
    %get3A_1794 = arith.constant 112 : index
    %get3A_1795 = tpu.vector_load %arg11[%get3A_1793, %get3A_1794] {strides = array<i32>} : memref<24x128xi32, #tpu.memory_space<vmem>>, vector<16xi32>,
    tpu.vector_store_idx %arg14[%get3A_1795], %broadcast_in_dim3A_5 {add = true} : memref<256xf32, #tpu.memory_space<vmem>>[vector<16xi32>], vector<16xf32>,
    %get3A_1796 = arith.constant 13 : i32
    %get3A_1797 = arith.index_cast %get3A_1796 : i32 to index
    %get3A_1798 = arith.constant 0 : index
    %get3A_1799 = tpu.vector_load %arg11[%get3A_1797, %get3A_1798] {strides = array<i32>} : memref<24x128xi32, #tpu.memory_space<vmem>>, vector<16xi32>,
    tpu.vector_store_idx %arg14[%get3A_1799], %broadcast_in_dim3A_5 {add = true} : memref<256xf32, #tpu.memory_space<vmem>>[vector<16xi32>], vector<16xf32>,
    %get3A_1800 = arith.constant 13 : i32
    %get3A_1801 = arith.index_cast %get3A_1800 : i32 to index
    %get3A_1802 = arith.constant 16 : index
    %get3A_1803 = tpu.vector_load %arg11[%get3A_1801, %get3A_1802] {strides = array<i32>} : memref<24x128xi32, #tpu.memory_space<vmem>>, vector<16xi32>,
    tpu.vector_store_idx %arg14[%get3A_1803], %broadcast_in_dim3A_5 {add = true} : memref<256xf32, #tpu.memory_space<vmem>>[vector<16xi32>], vector<16xf32>,
    %get3A_1804 = arith.constant 13 : i32
    %get3A_1805 = arith.index_cast %get3A_1804 : i32 to index
    %get3A_1806 = arith.constant 32 : index
    %get3A_1807 = tpu.vector_load %arg11[%get3A_1805, %get3A_1806] {strides = array<i32>} : memref<24x128xi32, #tpu.memory_space<vmem>>, vector<16xi32>,
    tpu.vector_store_idx %arg14[%get3A_1807], %broadcast_in_dim3A_5 {add = true} : memref<256xf32, #tpu.memory_space<vmem>>[vector<16xi32>], vector<16xf32>,
    %get3A_1808 = arith.constant 13 : i32
    %get3A_1809 = arith.index_cast %get3A_1808 : i32 to index
    %get3A_1810 = arith.constant 48 : index
    %get3A_1811 = tpu.vector_load %arg11[%get3A_1809, %get3A_1810] {strides = array<i32>} : memref<24x128xi32, #tpu.memory_space<vmem>>, vector<16xi32>,
    tpu.vector_store_idx %arg14[%get3A_1811], %broadcast_in_dim3A_5 {add = true} : memref<256xf32, #tpu.memory_space<vmem>>[vector<16xi32>], vector<16xf32>,
    %get3A_1812 = arith.constant 13 : i32
    %get3A_1813 = arith.index_cast %get3A_1812 : i32 to index
    %get3A_1814 = arith.constant 64 : index
    %get3A_1815 = tpu.vector_load %arg11[%get3A_1813, %get3A_1814] {strides = array<i32>} : memref<24x128xi32, #tpu.memory_space<vmem>>, vector<16xi32>,
    tpu.vector_store_idx %arg14[%get3A_1815], %broadcast_in_dim3A_5 {add = true} : memref<256xf32, #tpu.memory_space<vmem>>[vector<16xi32>], vector<16xf32>,
    %get3A_1816 = arith.constant 13 : i32
    %get3A_1817 = arith.index_cast %get3A_1816 : i32 to index
    %get3A_1818 = arith.constant 80 : index
    %get3A_1819 = tpu.vector_load %arg11[%get3A_1817, %get3A_1818] {strides = array<i32>} : memref<24x128xi32, #tpu.memory_space<vmem>>, vector<16xi32>,
    tpu.vector_store_idx %arg14[%get3A_1819], %broadcast_in_dim3A_5 {add = true} : memref<256xf32, #tpu.memory_space<vmem>>[vector<16xi32>], vector<16xf32>,
    %get3A_1820 = arith.constant 13 : i32
    %get3A_1821 = arith.index_cast %get3A_1820 : i32 to index
    %get3A_1822 = arith.constant 96 : index
    %get3A_1823 = tpu.vector_load %arg11[%get3A_1821, %get3A_1822] {strides = array<i32>} : memref<24x128xi32, #tpu.memory_space<vmem>>, vector<16xi32>,
    tpu.vector_store_idx %arg14[%get3A_1823], %broadcast_in_dim3A_5 {add = true} : memref<256xf32, #tpu.memory_space<vmem>>[vector<16xi32>], vector<16xf32>,
    %get3A_1824 = arith.constant 13 : i32
    %get3A_1825 = arith.index_cast %get3A_1824 : i32 to index
    %get3A_1826 = arith.constant 112 : index
    %get3A_1827 = tpu.vector_load %arg11[%get3A_1825, %get3A_1826] {strides = array<i32>} : memref<24x128xi32, #tpu.memory_space<vmem>>, vector<16xi32>,
    tpu.vector_store_idx %arg14[%get3A_1827], %broadcast_in_dim3A_5 {add = true} : memref<256xf32, #tpu.memory_space<vmem>>[vector<16xi32>], vector<16xf32>,
    %dma_wait3A_1828 = arith.constant 12 : i32
    %dma_wait3A_1829 = arith.constant 0 : i32
    %dma_wait3A_1830 = arith.constant 0 : i32
    %dma_wait3A_1831 = tpu.memref_slice %arg7[%dma_wait3A_1829, %dma_wait3A_1830] : memref<256x128xf32, #tpu.memory_space<vmem>> -> memref<128x128xf32, #tpu.memory_space<vmem>>
    %dma_wait3A_1832 = arith.constant 0 : i32
    %dma_wait3A_1833 = tpu.memref_slice %arg11[%dma_wait3A_1828, %dma_wait3A_1832] : memref<24x128xi32, #tpu.memory_space<vmem>> -> memref<1x128xi32, #tpu.memory_space<vmem>>
    %dma_wait3A_1834 = tpu.memref_squeeze %dma_wait3A_1833 : memref<1x128xi32, #tpu.memory_space<vmem>> -> memref<128xi32, #tpu.memory_space<vmem>>
    %dma_wait3A_1835 = arith.constant 0 : i32
    %dma_wait3A_1836 = arith.constant 0 : i32
    %dma_wait3A_1837 = tpu.memref_slice %arg6[%dma_wait3A_1835, %dma_wait3A_1836] : memref<256x128xf32, #tpu.memory_space<vmem_shared>> -> memref<256x128xf32, #tpu.memory_space<vmem_shared>>
    tpu.wait_indirect_dma semaphore(%arg19 : memref<!tpu.dma_semaphore, #tpu.memory_space<semaphore_mem>>) src(%dma_wait3A_1831 : memref<128x128xf32, #tpu.memory_space<vmem>>) dst(%dma_wait3A_1837 : memref<256x128xf32, #tpu.memory_space<vmem_shared>>)
    %dma_wait3A_1838 = arith.constant 13 : i32
    %dma_wait3A_1839 = arith.constant 128 : i32
    %dma_wait3A_1840 = arith.constant 0 : i32
    %dma_wait3A_1841 = tpu.memref_slice %arg7[%dma_wait3A_1839, %dma_wait3A_1840] : memref<256x128xf32, #tpu.memory_space<vmem>> -> memref<128x128xf32, #tpu.memory_space<vmem>>
    %dma_wait3A_1842 = arith.constant 0 : i32
    %dma_wait3A_1843 = tpu.memref_slice %arg11[%dma_wait3A_1838, %dma_wait3A_1842] : memref<24x128xi32, #tpu.memory_space<vmem>> -> memref<1x128xi32, #tpu.memory_space<vmem>>
    %dma_wait3A_1844 = tpu.memref_squeeze %dma_wait3A_1843 : memref<1x128xi32, #tpu.memory_space<vmem>> -> memref<128xi32, #tpu.memory_space<vmem>>
    %dma_wait3A_1845 = arith.constant 0 : i32
    %dma_wait3A_1846 = arith.constant 0 : i32
    %dma_wait3A_1847 = tpu.memref_slice %arg6[%dma_wait3A_1845, %dma_wait3A_1846] : memref<256x128xf32, #tpu.memory_space<vmem_shared>> -> memref<256x128xf32, #tpu.memory_space<vmem_shared>>
    tpu.wait_indirect_dma semaphore(%arg19 : memref<!tpu.dma_semaphore, #tpu.memory_space<semaphore_mem>>) src(%dma_wait3A_1841 : memref<128x128xf32, #tpu.memory_space<vmem>>) dst(%dma_wait3A_1847 : memref<256x128xf32, #tpu.memory_space<vmem_shared>>)
    %add3A_1848 = arith.constant 2304 : i32
    %add3A_1849 = arith.addi %mul3A_2, %add3A_1848 : i32
    %dma_start3A_1850 = arith.constant 0 : i32
    %dma_start3A_1851 = tpu.memref_slice %arg2[%add3A_1849, %dma_start3A_1850] : memref<100000x128xf32, #tpu.memory_space<hbm>> -> memref<256x128xf32, #tpu.memory_space<hbm>>
    %dma_start3A_1852 = arith.constant 0 : i32
    %dma_start3A_1853 = tpu.memref_slice %arg2[%add3A_1849, %dma_start3A_1852] : memref<100000x128xf32, #tpu.memory_space<hbm>> -> memref<256x128xf32, #tpu.memory_space<hbm>>
    tpu.enqueue_dma source(%dma_start3A_1853 : memref<256x128xf32, #tpu.memory_space<hbm>>) target(%arg7 : memref<256x128xf32, #tpu.memory_space<vmem>>) target_semaphore(%arg16 : memref<!tpu.dma_semaphore, #tpu.memory_space<semaphore_mem>>)
    %dma_wait3A_1854 = arith.constant 0 : i32
    %dma_wait3A_1855 = tpu.memref_slice %arg2[%add3A_1621, %dma_wait3A_1854] : memref<100000x128xf32, #tpu.memory_space<hbm>> -> memref<256x128xf32, #tpu.memory_space<hbm>>
    %dma_wait3A_1856 = arith.constant 0 : i32
    %dma_wait3A_1857 = tpu.memref_slice %arg2[%add3A_1621, %dma_wait3A_1856] : memref<100000x128xf32, #tpu.memory_space<hbm>> -> memref<256x128xf32, #tpu.memory_space<hbm>>
    tpu.wait_dma2 semaphore(%arg17 : memref<!tpu.dma_semaphore, #tpu.memory_space<semaphore_mem>>) src(%dma_wait3A_1857 : memref<256x128xf32, #tpu.memory_space<hbm>>) dst(%arg8 : memref<256x128xf32, #tpu.memory_space<vmem>>)
    %dma_start3A_1858 = arith.constant 14 : i32
    %dma_start3A_1859 = arith.constant 0 : i32
    %dma_start3A_1860 = arith.constant 0 : i32
    %dma_start3A_1861 = tpu.memref_slice %arg8[%dma_start3A_1859, %dma_start3A_1860] : memref<256x128xf32, #tpu.memory_space<vmem>> -> memref<128x128xf32, #tpu.memory_space<vmem>>
    %dma_start3A_1862 = arith.constant 0 : i32
    %dma_start3A_1863 = tpu.memref_slice %arg11[%dma_start3A_1858, %dma_start3A_1862] : memref<24x128xi32, #tpu.memory_space<vmem>> -> memref<1x128xi32, #tpu.memory_space<vmem>>
    %dma_start3A_1864 = tpu.memref_squeeze %dma_start3A_1863 : memref<1x128xi32, #tpu.memory_space<vmem>> -> memref<128xi32, #tpu.memory_space<vmem>>
    %dma_start3A_1865 = arith.constant 0 : i32
    %dma_start3A_1866 = arith.constant 0 : i32
    %dma_start3A_1867 = tpu.memref_slice %arg6[%dma_start3A_1865, %dma_start3A_1866] : memref<256x128xf32, #tpu.memory_space<vmem_shared>> -> memref<256x128xf32, #tpu.memory_space<vmem_shared>>
    tpu.enqueue_indirect_dma source(%dma_start3A_1861 : memref<128x128xf32, #tpu.memory_space<vmem>>) target(%dma_start3A_1867 : memref<256x128xf32, #tpu.memory_space<vmem_shared>>) offsets(%dma_start3A_1864 : memref<128xi32, #tpu.memory_space<vmem>>) semaphore(%arg19 : memref<!tpu.dma_semaphore, #tpu.memory_space<semaphore_mem>>) {add = true}
    %dma_start3A_1868 = arith.constant 15 : i32
    %dma_start3A_1869 = arith.constant 128 : i32
    %dma_start3A_1870 = arith.constant 0 : i32
    %dma_start3A_1871 = tpu.memref_slice %arg8[%dma_start3A_1869, %dma_start3A_1870] : memref<256x128xf32, #tpu.memory_space<vmem>> -> memref<128x128xf32, #tpu.memory_space<vmem>>
    %dma_start3A_1872 = arith.constant 0 : i32
    %dma_start3A_1873 = tpu.memref_slice %arg11[%dma_start3A_1868, %dma_start3A_1872] : memref<24x128xi32, #tpu.memory_space<vmem>> -> memref<1x128xi32, #tpu.memory_space<vmem>>
    %dma_start3A_1874 = tpu.memref_squeeze %dma_start3A_1873 : memref<1x128xi32, #tpu.memory_space<vmem>> -> memref<128xi32, #tpu.memory_space<vmem>>
    %dma_start3A_1875 = arith.constant 0 : i32
    %dma_start3A_1876 = arith.constant 0 : i32
    %dma_start3A_1877 = tpu.memref_slice %arg6[%dma_start3A_1875, %dma_start3A_1876] : memref<256x128xf32, #tpu.memory_space<vmem_shared>> -> memref<256x128xf32, #tpu.memory_space<vmem_shared>>
    tpu.enqueue_indirect_dma source(%dma_start3A_1871 : memref<128x128xf32, #tpu.memory_space<vmem>>) target(%dma_start3A_1877 : memref<256x128xf32, #tpu.memory_space<vmem_shared>>) offsets(%dma_start3A_1874 : memref<128xi32, #tpu.memory_space<vmem>>) semaphore(%arg19 : memref<!tpu.dma_semaphore, #tpu.memory_space<semaphore_mem>>) {add = true}
    %get3A_1878 = arith.constant 14 : i32
    %get3A_1879 = arith.index_cast %get3A_1878 : i32 to index
    %get3A_1880 = arith.constant 0 : index
    %get3A_1881 = tpu.vector_load %arg11[%get3A_1879, %get3A_1880] {strides = array<i32>} : memref<24x128xi32, #tpu.memory_space<vmem>>, vector<16xi32>,
    tpu.vector_store_idx %arg14[%get3A_1881], %broadcast_in_dim3A_5 {add = true} : memref<256xf32, #tpu.memory_space<vmem>>[vector<16xi32>], vector<16xf32>,
    %get3A_1882 = arith.constant 14 : i32
    %get3A_1883 = arith.index_cast %get3A_1882 : i32 to index
    %get3A_1884 = arith.constant 16 : index
    %get3A_1885 = tpu.vector_load %arg11[%get3A_1883, %get3A_1884] {strides = array<i32>} : memref<24x128xi32, #tpu.memory_space<vmem>>, vector<16xi32>,
    tpu.vector_store_idx %arg14[%get3A_1885], %broadcast_in_dim3A_5 {add = true} : memref<256xf32, #tpu.memory_space<vmem>>[vector<16xi32>], vector<16xf32>,
    %get3A_1886 = arith.constant 14 : i32
    %get3A_1887 = arith.index_cast %get3A_1886 : i32 to index
    %get3A_1888 = arith.constant 32 : index
    %get3A_1889 = tpu.vector_load %arg11[%get3A_1887, %get3A_1888] {strides = array<i32>} : memref<24x128xi32, #tpu.memory_space<vmem>>, vector<16xi32>,
    tpu.vector_store_idx %arg14[%get3A_1889], %broadcast_in_dim3A_5 {add = true} : memref<256xf32, #tpu.memory_space<vmem>>[vector<16xi32>], vector<16xf32>,
    %get3A_1890 = arith.constant 14 : i32
    %get3A_1891 = arith.index_cast %get3A_1890 : i32 to index
    %get3A_1892 = arith.constant 48 : index
    %get3A_1893 = tpu.vector_load %arg11[%get3A_1891, %get3A_1892] {strides = array<i32>} : memref<24x128xi32, #tpu.memory_space<vmem>>, vector<16xi32>,
    tpu.vector_store_idx %arg14[%get3A_1893], %broadcast_in_dim3A_5 {add = true} : memref<256xf32, #tpu.memory_space<vmem>>[vector<16xi32>], vector<16xf32>,
    %get3A_1894 = arith.constant 14 : i32
    %get3A_1895 = arith.index_cast %get3A_1894 : i32 to index
    %get3A_1896 = arith.constant 64 : index
    %get3A_1897 = tpu.vector_load %arg11[%get3A_1895, %get3A_1896] {strides = array<i32>} : memref<24x128xi32, #tpu.memory_space<vmem>>, vector<16xi32>,
    tpu.vector_store_idx %arg14[%get3A_1897], %broadcast_in_dim3A_5 {add = true} : memref<256xf32, #tpu.memory_space<vmem>>[vector<16xi32>], vector<16xf32>,
    %get3A_1898 = arith.constant 14 : i32
    %get3A_1899 = arith.index_cast %get3A_1898 : i32 to index
    %get3A_1900 = arith.constant 80 : index
    %get3A_1901 = tpu.vector_load %arg11[%get3A_1899, %get3A_1900] {strides = array<i32>} : memref<24x128xi32, #tpu.memory_space<vmem>>, vector<16xi32>,
    tpu.vector_store_idx %arg14[%get3A_1901], %broadcast_in_dim3A_5 {add = true} : memref<256xf32, #tpu.memory_space<vmem>>[vector<16xi32>], vector<16xf32>,
    %get3A_1902 = arith.constant 14 : i32
    %get3A_1903 = arith.index_cast %get3A_1902 : i32 to index
    %get3A_1904 = arith.constant 96 : index
    %get3A_1905 = tpu.vector_load %arg11[%get3A_1903, %get3A_1904] {strides = array<i32>} : memref<24x128xi32, #tpu.memory_space<vmem>>, vector<16xi32>,
    tpu.vector_store_idx %arg14[%get3A_1905], %broadcast_in_dim3A_5 {add = true} : memref<256xf32, #tpu.memory_space<vmem>>[vector<16xi32>], vector<16xf32>,
    %get3A_1906 = arith.constant 14 : i32
    %get3A_1907 = arith.index_cast %get3A_1906 : i32 to index
    %get3A_1908 = arith.constant 112 : index
    %get3A_1909 = tpu.vector_load %arg11[%get3A_1907, %get3A_1908] {strides = array<i32>} : memref<24x128xi32, #tpu.memory_space<vmem>>, vector<16xi32>,
    tpu.vector_store_idx %arg14[%get3A_1909], %broadcast_in_dim3A_5 {add = true} : memref<256xf32, #tpu.memory_space<vmem>>[vector<16xi32>], vector<16xf32>,
    %get3A_1910 = arith.constant 15 : i32
    %get3A_1911 = arith.index_cast %get3A_1910 : i32 to index
    %get3A_1912 = arith.constant 0 : index
    %get3A_1913 = tpu.vector_load %arg11[%get3A_1911, %get3A_1912] {strides = array<i32>} : memref<24x128xi32, #tpu.memory_space<vmem>>, vector<16xi32>,
    tpu.vector_store_idx %arg14[%get3A_1913], %broadcast_in_dim3A_5 {add = true} : memref<256xf32, #tpu.memory_space<vmem>>[vector<16xi32>], vector<16xf32>,
    %get3A_1914 = arith.constant 15 : i32
    %get3A_1915 = arith.index_cast %get3A_1914 : i32 to index
    %get3A_1916 = arith.constant 16 : index
    %get3A_1917 = tpu.vector_load %arg11[%get3A_1915, %get3A_1916] {strides = array<i32>} : memref<24x128xi32, #tpu.memory_space<vmem>>, vector<16xi32>,
    tpu.vector_store_idx %arg14[%get3A_1917], %broadcast_in_dim3A_5 {add = true} : memref<256xf32, #tpu.memory_space<vmem>>[vector<16xi32>], vector<16xf32>,
    %get3A_1918 = arith.constant 15 : i32
    %get3A_1919 = arith.index_cast %get3A_1918 : i32 to index
    %get3A_1920 = arith.constant 32 : index
    %get3A_1921 = tpu.vector_load %arg11[%get3A_1919, %get3A_1920] {strides = array<i32>} : memref<24x128xi32, #tpu.memory_space<vmem>>, vector<16xi32>,
    tpu.vector_store_idx %arg14[%get3A_1921], %broadcast_in_dim3A_5 {add = true} : memref<256xf32, #tpu.memory_space<vmem>>[vector<16xi32>], vector<16xf32>,
    %get3A_1922 = arith.constant 15 : i32
    %get3A_1923 = arith.index_cast %get3A_1922 : i32 to index
    %get3A_1924 = arith.constant 48 : index
    %get3A_1925 = tpu.vector_load %arg11[%get3A_1923, %get3A_1924] {strides = array<i32>} : memref<24x128xi32, #tpu.memory_space<vmem>>, vector<16xi32>,
    tpu.vector_store_idx %arg14[%get3A_1925], %broadcast_in_dim3A_5 {add = true} : memref<256xf32, #tpu.memory_space<vmem>>[vector<16xi32>], vector<16xf32>,
    %get3A_1926 = arith.constant 15 : i32
    %get3A_1927 = arith.index_cast %get3A_1926 : i32 to index
    %get3A_1928 = arith.constant 64 : index
    %get3A_1929 = tpu.vector_load %arg11[%get3A_1927, %get3A_1928] {strides = array<i32>} : memref<24x128xi32, #tpu.memory_space<vmem>>, vector<16xi32>,
    tpu.vector_store_idx %arg14[%get3A_1929], %broadcast_in_dim3A_5 {add = true} : memref<256xf32, #tpu.memory_space<vmem>>[vector<16xi32>], vector<16xf32>,
    %get3A_1930 = arith.constant 15 : i32
    %get3A_1931 = arith.index_cast %get3A_1930 : i32 to index
    %get3A_1932 = arith.constant 80 : index
    %get3A_1933 = tpu.vector_load %arg11[%get3A_1931, %get3A_1932] {strides = array<i32>} : memref<24x128xi32, #tpu.memory_space<vmem>>, vector<16xi32>,
    tpu.vector_store_idx %arg14[%get3A_1933], %broadcast_in_dim3A_5 {add = true} : memref<256xf32, #tpu.memory_space<vmem>>[vector<16xi32>], vector<16xf32>,
    %get3A_1934 = arith.constant 15 : i32
    %get3A_1935 = arith.index_cast %get3A_1934 : i32 to index
    %get3A_1936 = arith.constant 96 : index
    %get3A_1937 = tpu.vector_load %arg11[%get3A_1935, %get3A_1936] {strides = array<i32>} : memref<24x128xi32, #tpu.memory_space<vmem>>, vector<16xi32>,
    tpu.vector_store_idx %arg14[%get3A_1937], %broadcast_in_dim3A_5 {add = true} : memref<256xf32, #tpu.memory_space<vmem>>[vector<16xi32>], vector<16xf32>,
    %get3A_1938 = arith.constant 15 : i32
    %get3A_1939 = arith.index_cast %get3A_1938 : i32 to index
    %get3A_1940 = arith.constant 112 : index
    %get3A_1941 = tpu.vector_load %arg11[%get3A_1939, %get3A_1940] {strides = array<i32>} : memref<24x128xi32, #tpu.memory_space<vmem>>, vector<16xi32>,
    tpu.vector_store_idx %arg14[%get3A_1941], %broadcast_in_dim3A_5 {add = true} : memref<256xf32, #tpu.memory_space<vmem>>[vector<16xi32>], vector<16xf32>,
    %dma_wait3A_1942 = arith.constant 14 : i32
    %dma_wait3A_1943 = arith.constant 0 : i32
    %dma_wait3A_1944 = arith.constant 0 : i32
    %dma_wait3A_1945 = tpu.memref_slice %arg8[%dma_wait3A_1943, %dma_wait3A_1944] : memref<256x128xf32, #tpu.memory_space<vmem>> -> memref<128x128xf32, #tpu.memory_space<vmem>>
    %dma_wait3A_1946 = arith.constant 0 : i32
    %dma_wait3A_1947 = tpu.memref_slice %arg11[%dma_wait3A_1942, %dma_wait3A_1946] : memref<24x128xi32, #tpu.memory_space<vmem>> -> memref<1x128xi32, #tpu.memory_space<vmem>>
    %dma_wait3A_1948 = tpu.memref_squeeze %dma_wait3A_1947 : memref<1x128xi32, #tpu.memory_space<vmem>> -> memref<128xi32, #tpu.memory_space<vmem>>
    %dma_wait3A_1949 = arith.constant 0 : i32
    %dma_wait3A_1950 = arith.constant 0 : i32
    %dma_wait3A_1951 = tpu.memref_slice %arg6[%dma_wait3A_1949, %dma_wait3A_1950] : memref<256x128xf32, #tpu.memory_space<vmem_shared>> -> memref<256x128xf32, #tpu.memory_space<vmem_shared>>
    tpu.wait_indirect_dma semaphore(%arg19 : memref<!tpu.dma_semaphore, #tpu.memory_space<semaphore_mem>>) src(%dma_wait3A_1945 : memref<128x128xf32, #tpu.memory_space<vmem>>) dst(%dma_wait3A_1951 : memref<256x128xf32, #tpu.memory_space<vmem_shared>>)
    %dma_wait3A_1952 = arith.constant 15 : i32
    %dma_wait3A_1953 = arith.constant 128 : i32
    %dma_wait3A_1954 = arith.constant 0 : i32
    %dma_wait3A_1955 = tpu.memref_slice %arg8[%dma_wait3A_1953, %dma_wait3A_1954] : memref<256x128xf32, #tpu.memory_space<vmem>> -> memref<128x128xf32, #tpu.memory_space<vmem>>
    %dma_wait3A_1956 = arith.constant 0 : i32
    %dma_wait3A_1957 = tpu.memref_slice %arg11[%dma_wait3A_1952, %dma_wait3A_1956] : memref<24x128xi32, #tpu.memory_space<vmem>> -> memref<1x128xi32, #tpu.memory_space<vmem>>
    %dma_wait3A_1958 = tpu.memref_squeeze %dma_wait3A_1957 : memref<1x128xi32, #tpu.memory_space<vmem>> -> memref<128xi32, #tpu.memory_space<vmem>>
    %dma_wait3A_1959 = arith.constant 0 : i32
    %dma_wait3A_1960 = arith.constant 0 : i32
    %dma_wait3A_1961 = tpu.memref_slice %arg6[%dma_wait3A_1959, %dma_wait3A_1960] : memref<256x128xf32, #tpu.memory_space<vmem_shared>> -> memref<256x128xf32, #tpu.memory_space<vmem_shared>>
    tpu.wait_indirect_dma semaphore(%arg19 : memref<!tpu.dma_semaphore, #tpu.memory_space<semaphore_mem>>) src(%dma_wait3A_1955 : memref<128x128xf32, #tpu.memory_space<vmem>>) dst(%dma_wait3A_1961 : memref<256x128xf32, #tpu.memory_space<vmem_shared>>)
    %add3A_1962 = arith.constant 2560 : i32
    %add3A_1963 = arith.addi %mul3A_2, %add3A_1962 : i32
    %dma_start3A_1964 = arith.constant 0 : i32
    %dma_start3A_1965 = tpu.memref_slice %arg2[%add3A_1963, %dma_start3A_1964] : memref<100000x128xf32, #tpu.memory_space<hbm>> -> memref<256x128xf32, #tpu.memory_space<hbm>>
    %dma_start3A_1966 = arith.constant 0 : i32
    %dma_start3A_1967 = tpu.memref_slice %arg2[%add3A_1963, %dma_start3A_1966] : memref<100000x128xf32, #tpu.memory_space<hbm>> -> memref<256x128xf32, #tpu.memory_space<hbm>>
    tpu.enqueue_dma source(%dma_start3A_1967 : memref<256x128xf32, #tpu.memory_space<hbm>>) target(%arg8 : memref<256x128xf32, #tpu.memory_space<vmem>>) target_semaphore(%arg17 : memref<!tpu.dma_semaphore, #tpu.memory_space<semaphore_mem>>)
    %dma_wait3A_1968 = arith.constant 0 : i32
    %dma_wait3A_1969 = tpu.memref_slice %arg2[%add3A_1735, %dma_wait3A_1968] : memref<100000x128xf32, #tpu.memory_space<hbm>> -> memref<256x128xf32, #tpu.memory_space<hbm>>
    %dma_wait3A_1970 = arith.constant 0 : i32
    %dma_wait3A_1971 = tpu.memref_slice %arg2[%add3A_1735, %dma_wait3A_1970] : memref<100000x128xf32, #tpu.memory_space<hbm>> -> memref<256x128xf32, #tpu.memory_space<hbm>>
    tpu.wait_dma2 semaphore(%arg18 : memref<!tpu.dma_semaphore, #tpu.memory_space<semaphore_mem>>) src(%dma_wait3A_1971 : memref<256x128xf32, #tpu.memory_space<hbm>>) dst(%arg9 : memref<256x128xf32, #tpu.memory_space<vmem>>)
    %dma_start3A_1972 = arith.constant 16 : i32
    %dma_start3A_1973 = arith.constant 0 : i32
    %dma_start3A_1974 = arith.constant 0 : i32
    %dma_start3A_1975 = tpu.memref_slice %arg9[%dma_start3A_1973, %dma_start3A_1974] : memref<256x128xf32, #tpu.memory_space<vmem>> -> memref<128x128xf32, #tpu.memory_space<vmem>>
    %dma_start3A_1976 = arith.constant 0 : i32
    %dma_start3A_1977 = tpu.memref_slice %arg11[%dma_start3A_1972, %dma_start3A_1976] : memref<24x128xi32, #tpu.memory_space<vmem>> -> memref<1x128xi32, #tpu.memory_space<vmem>>
    %dma_start3A_1978 = tpu.memref_squeeze %dma_start3A_1977 : memref<1x128xi32, #tpu.memory_space<vmem>> -> memref<128xi32, #tpu.memory_space<vmem>>
    %dma_start3A_1979 = arith.constant 0 : i32
    %dma_start3A_1980 = arith.constant 0 : i32
    %dma_start3A_1981 = tpu.memref_slice %arg6[%dma_start3A_1979, %dma_start3A_1980] : memref<256x128xf32, #tpu.memory_space<vmem_shared>> -> memref<256x128xf32, #tpu.memory_space<vmem_shared>>
    tpu.enqueue_indirect_dma source(%dma_start3A_1975 : memref<128x128xf32, #tpu.memory_space<vmem>>) target(%dma_start3A_1981 : memref<256x128xf32, #tpu.memory_space<vmem_shared>>) offsets(%dma_start3A_1978 : memref<128xi32, #tpu.memory_space<vmem>>) semaphore(%arg19 : memref<!tpu.dma_semaphore, #tpu.memory_space<semaphore_mem>>) {add = true}
    %dma_start3A_1982 = arith.constant 17 : i32
    %dma_start3A_1983 = arith.constant 128 : i32
    %dma_start3A_1984 = arith.constant 0 : i32
    %dma_start3A_1985 = tpu.memref_slice %arg9[%dma_start3A_1983, %dma_start3A_1984] : memref<256x128xf32, #tpu.memory_space<vmem>> -> memref<128x128xf32, #tpu.memory_space<vmem>>
    %dma_start3A_1986 = arith.constant 0 : i32
    %dma_start3A_1987 = tpu.memref_slice %arg11[%dma_start3A_1982, %dma_start3A_1986] : memref<24x128xi32, #tpu.memory_space<vmem>> -> memref<1x128xi32, #tpu.memory_space<vmem>>
    %dma_start3A_1988 = tpu.memref_squeeze %dma_start3A_1987 : memref<1x128xi32, #tpu.memory_space<vmem>> -> memref<128xi32, #tpu.memory_space<vmem>>
    %dma_start3A_1989 = arith.constant 0 : i32
    %dma_start3A_1990 = arith.constant 0 : i32
    %dma_start3A_1991 = tpu.memref_slice %arg6[%dma_start3A_1989, %dma_start3A_1990] : memref<256x128xf32, #tpu.memory_space<vmem_shared>> -> memref<256x128xf32, #tpu.memory_space<vmem_shared>>
    tpu.enqueue_indirect_dma source(%dma_start3A_1985 : memref<128x128xf32, #tpu.memory_space<vmem>>) target(%dma_start3A_1991 : memref<256x128xf32, #tpu.memory_space<vmem_shared>>) offsets(%dma_start3A_1988 : memref<128xi32, #tpu.memory_space<vmem>>) semaphore(%arg19 : memref<!tpu.dma_semaphore, #tpu.memory_space<semaphore_mem>>) {add = true}
    %get3A_1992 = arith.constant 16 : i32
    %get3A_1993 = arith.index_cast %get3A_1992 : i32 to index
    %get3A_1994 = arith.constant 0 : index
    %get3A_1995 = tpu.vector_load %arg11[%get3A_1993, %get3A_1994] {strides = array<i32>} : memref<24x128xi32, #tpu.memory_space<vmem>>, vector<16xi32>,
    tpu.vector_store_idx %arg14[%get3A_1995], %broadcast_in_dim3A_5 {add = true} : memref<256xf32, #tpu.memory_space<vmem>>[vector<16xi32>], vector<16xf32>,
    %get3A_1996 = arith.constant 16 : i32
    %get3A_1997 = arith.index_cast %get3A_1996 : i32 to index
    %get3A_1998 = arith.constant 16 : index
    %get3A_1999 = tpu.vector_load %arg11[%get3A_1997, %get3A_1998] {strides = array<i32>} : memref<24x128xi32, #tpu.memory_space<vmem>>, vector<16xi32>,
    tpu.vector_store_idx %arg14[%get3A_1999], %broadcast_in_dim3A_5 {add = true} : memref<256xf32, #tpu.memory_space<vmem>>[vector<16xi32>], vector<16xf32>,
    %get3A_2000 = arith.constant 16 : i32
    %get3A_2001 = arith.index_cast %get3A_2000 : i32 to index
    %get3A_2002 = arith.constant 32 : index
    %get3A_2003 = tpu.vector_load %arg11[%get3A_2001, %get3A_2002] {strides = array<i32>} : memref<24x128xi32, #tpu.memory_space<vmem>>, vector<16xi32>,
    tpu.vector_store_idx %arg14[%get3A_2003], %broadcast_in_dim3A_5 {add = true} : memref<256xf32, #tpu.memory_space<vmem>>[vector<16xi32>], vector<16xf32>,
    %get3A_2004 = arith.constant 16 : i32
    %get3A_2005 = arith.index_cast %get3A_2004 : i32 to index
    %get3A_2006 = arith.constant 48 : index
    %get3A_2007 = tpu.vector_load %arg11[%get3A_2005, %get3A_2006] {strides = array<i32>} : memref<24x128xi32, #tpu.memory_space<vmem>>, vector<16xi32>,
    tpu.vector_store_idx %arg14[%get3A_2007], %broadcast_in_dim3A_5 {add = true} : memref<256xf32, #tpu.memory_space<vmem>>[vector<16xi32>], vector<16xf32>,
    %get3A_2008 = arith.constant 16 : i32
    %get3A_2009 = arith.index_cast %get3A_2008 : i32 to index
    %get3A_2010 = arith.constant 64 : index
    %get3A_2011 = tpu.vector_load %arg11[%get3A_2009, %get3A_2010] {strides = array<i32>} : memref<24x128xi32, #tpu.memory_space<vmem>>, vector<16xi32>,
    tpu.vector_store_idx %arg14[%get3A_2011], %broadcast_in_dim3A_5 {add = true} : memref<256xf32, #tpu.memory_space<vmem>>[vector<16xi32>], vector<16xf32>,
    %get3A_2012 = arith.constant 16 : i32
    %get3A_2013 = arith.index_cast %get3A_2012 : i32 to index
    %get3A_2014 = arith.constant 80 : index
    %get3A_2015 = tpu.vector_load %arg11[%get3A_2013, %get3A_2014] {strides = array<i32>} : memref<24x128xi32, #tpu.memory_space<vmem>>, vector<16xi32>,
    tpu.vector_store_idx %arg14[%get3A_2015], %broadcast_in_dim3A_5 {add = true} : memref<256xf32, #tpu.memory_space<vmem>>[vector<16xi32>], vector<16xf32>,
    %get3A_2016 = arith.constant 16 : i32
    %get3A_2017 = arith.index_cast %get3A_2016 : i32 to index
    %get3A_2018 = arith.constant 96 : index
    %get3A_2019 = tpu.vector_load %arg11[%get3A_2017, %get3A_2018] {strides = array<i32>} : memref<24x128xi32, #tpu.memory_space<vmem>>, vector<16xi32>,
    tpu.vector_store_idx %arg14[%get3A_2019], %broadcast_in_dim3A_5 {add = true} : memref<256xf32, #tpu.memory_space<vmem>>[vector<16xi32>], vector<16xf32>,
    %get3A_2020 = arith.constant 16 : i32
    %get3A_2021 = arith.index_cast %get3A_2020 : i32 to index
    %get3A_2022 = arith.constant 112 : index
    %get3A_2023 = tpu.vector_load %arg11[%get3A_2021, %get3A_2022] {strides = array<i32>} : memref<24x128xi32, #tpu.memory_space<vmem>>, vector<16xi32>,
    tpu.vector_store_idx %arg14[%get3A_2023], %broadcast_in_dim3A_5 {add = true} : memref<256xf32, #tpu.memory_space<vmem>>[vector<16xi32>], vector<16xf32>,
    %get3A_2024 = arith.constant 17 : i32
    %get3A_2025 = arith.index_cast %get3A_2024 : i32 to index
    %get3A_2026 = arith.constant 0 : index
    %get3A_2027 = tpu.vector_load %arg11[%get3A_2025, %get3A_2026] {strides = array<i32>} : memref<24x128xi32, #tpu.memory_space<vmem>>, vector<16xi32>,
    tpu.vector_store_idx %arg14[%get3A_2027], %broadcast_in_dim3A_5 {add = true} : memref<256xf32, #tpu.memory_space<vmem>>[vector<16xi32>], vector<16xf32>,
    %get3A_2028 = arith.constant 17 : i32
    %get3A_2029 = arith.index_cast %get3A_2028 : i32 to index
    %get3A_2030 = arith.constant 16 : index
    %get3A_2031 = tpu.vector_load %arg11[%get3A_2029, %get3A_2030] {strides = array<i32>} : memref<24x128xi32, #tpu.memory_space<vmem>>, vector<16xi32>,
    tpu.vector_store_idx %arg14[%get3A_2031], %broadcast_in_dim3A_5 {add = true} : memref<256xf32, #tpu.memory_space<vmem>>[vector<16xi32>], vector<16xf32>,
    %get3A_2032 = arith.constant 17 : i32
    %get3A_2033 = arith.index_cast %get3A_2032 : i32 to index
    %get3A_2034 = arith.constant 32 : index
    %get3A_2035 = tpu.vector_load %arg11[%get3A_2033, %get3A_2034] {strides = array<i32>} : memref<24x128xi32, #tpu.memory_space<vmem>>, vector<16xi32>,
    tpu.vector_store_idx %arg14[%get3A_2035], %broadcast_in_dim3A_5 {add = true} : memref<256xf32, #tpu.memory_space<vmem>>[vector<16xi32>], vector<16xf32>,
    %get3A_2036 = arith.constant 17 : i32
    %get3A_2037 = arith.index_cast %get3A_2036 : i32 to index
    %get3A_2038 = arith.constant 48 : index
    %get3A_2039 = tpu.vector_load %arg11[%get3A_2037, %get3A_2038] {strides = array<i32>} : memref<24x128xi32, #tpu.memory_space<vmem>>, vector<16xi32>,
    tpu.vector_store_idx %arg14[%get3A_2039], %broadcast_in_dim3A_5 {add = true} : memref<256xf32, #tpu.memory_space<vmem>>[vector<16xi32>], vector<16xf32>,
    %get3A_2040 = arith.constant 17 : i32
    %get3A_2041 = arith.index_cast %get3A_2040 : i32 to index
    %get3A_2042 = arith.constant 64 : index
    %get3A_2043 = tpu.vector_load %arg11[%get3A_2041, %get3A_2042] {strides = array<i32>} : memref<24x128xi32, #tpu.memory_space<vmem>>, vector<16xi32>,
    tpu.vector_store_idx %arg14[%get3A_2043], %broadcast_in_dim3A_5 {add = true} : memref<256xf32, #tpu.memory_space<vmem>>[vector<16xi32>], vector<16xf32>,
    %get3A_2044 = arith.constant 17 : i32
    %get3A_2045 = arith.index_cast %get3A_2044 : i32 to index
    %get3A_2046 = arith.constant 80 : index
    %get3A_2047 = tpu.vector_load %arg11[%get3A_2045, %get3A_2046] {strides = array<i32>} : memref<24x128xi32, #tpu.memory_space<vmem>>, vector<16xi32>,
    tpu.vector_store_idx %arg14[%get3A_2047], %broadcast_in_dim3A_5 {add = true} : memref<256xf32, #tpu.memory_space<vmem>>[vector<16xi32>], vector<16xf32>,
    %get3A_2048 = arith.constant 17 : i32
    %get3A_2049 = arith.index_cast %get3A_2048 : i32 to index
    %get3A_2050 = arith.constant 96 : index
    %get3A_2051 = tpu.vector_load %arg11[%get3A_2049, %get3A_2050] {strides = array<i32>} : memref<24x128xi32, #tpu.memory_space<vmem>>, vector<16xi32>,
    tpu.vector_store_idx %arg14[%get3A_2051], %broadcast_in_dim3A_5 {add = true} : memref<256xf32, #tpu.memory_space<vmem>>[vector<16xi32>], vector<16xf32>,
    %get3A_2052 = arith.constant 17 : i32
    %get3A_2053 = arith.index_cast %get3A_2052 : i32 to index
    %get3A_2054 = arith.constant 112 : index
    %get3A_2055 = tpu.vector_load %arg11[%get3A_2053, %get3A_2054] {strides = array<i32>} : memref<24x128xi32, #tpu.memory_space<vmem>>, vector<16xi32>,
    tpu.vector_store_idx %arg14[%get3A_2055], %broadcast_in_dim3A_5 {add = true} : memref<256xf32, #tpu.memory_space<vmem>>[vector<16xi32>], vector<16xf32>,
    %dma_wait3A_2056 = arith.constant 16 : i32
    %dma_wait3A_2057 = arith.constant 0 : i32
    %dma_wait3A_2058 = arith.constant 0 : i32
    %dma_wait3A_2059 = tpu.memref_slice %arg9[%dma_wait3A_2057, %dma_wait3A_2058] : memref<256x128xf32, #tpu.memory_space<vmem>> -> memref<128x128xf32, #tpu.memory_space<vmem>>
    %dma_wait3A_2060 = arith.constant 0 : i32
    %dma_wait3A_2061 = tpu.memref_slice %arg11[%dma_wait3A_2056, %dma_wait3A_2060] : memref<24x128xi32, #tpu.memory_space<vmem>> -> memref<1x128xi32, #tpu.memory_space<vmem>>
    %dma_wait3A_2062 = tpu.memref_squeeze %dma_wait3A_2061 : memref<1x128xi32, #tpu.memory_space<vmem>> -> memref<128xi32, #tpu.memory_space<vmem>>
    %dma_wait3A_2063 = arith.constant 0 : i32
    %dma_wait3A_2064 = arith.constant 0 : i32
    %dma_wait3A_2065 = tpu.memref_slice %arg6[%dma_wait3A_2063, %dma_wait3A_2064] : memref<256x128xf32, #tpu.memory_space<vmem_shared>> -> memref<256x128xf32, #tpu.memory_space<vmem_shared>>
    tpu.wait_indirect_dma semaphore(%arg19 : memref<!tpu.dma_semaphore, #tpu.memory_space<semaphore_mem>>) src(%dma_wait3A_2059 : memref<128x128xf32, #tpu.memory_space<vmem>>) dst(%dma_wait3A_2065 : memref<256x128xf32, #tpu.memory_space<vmem_shared>>)
    %dma_wait3A_2066 = arith.constant 17 : i32
    %dma_wait3A_2067 = arith.constant 128 : i32
    %dma_wait3A_2068 = arith.constant 0 : i32
    %dma_wait3A_2069 = tpu.memref_slice %arg9[%dma_wait3A_2067, %dma_wait3A_2068] : memref<256x128xf32, #tpu.memory_space<vmem>> -> memref<128x128xf32, #tpu.memory_space<vmem>>
    %dma_wait3A_2070 = arith.constant 0 : i32
    %dma_wait3A_2071 = tpu.memref_slice %arg11[%dma_wait3A_2066, %dma_wait3A_2070] : memref<24x128xi32, #tpu.memory_space<vmem>> -> memref<1x128xi32, #tpu.memory_space<vmem>>
    %dma_wait3A_2072 = tpu.memref_squeeze %dma_wait3A_2071 : memref<1x128xi32, #tpu.memory_space<vmem>> -> memref<128xi32, #tpu.memory_space<vmem>>
    %dma_wait3A_2073 = arith.constant 0 : i32
    %dma_wait3A_2074 = arith.constant 0 : i32
    %dma_wait3A_2075 = tpu.memref_slice %arg6[%dma_wait3A_2073, %dma_wait3A_2074] : memref<256x128xf32, #tpu.memory_space<vmem_shared>> -> memref<256x128xf32, #tpu.memory_space<vmem_shared>>
    tpu.wait_indirect_dma semaphore(%arg19 : memref<!tpu.dma_semaphore, #tpu.memory_space<semaphore_mem>>) src(%dma_wait3A_2069 : memref<128x128xf32, #tpu.memory_space<vmem>>) dst(%dma_wait3A_2075 : memref<256x128xf32, #tpu.memory_space<vmem_shared>>)
    %add3A_2076 = arith.constant 2816 : i32
    %add3A_2077 = arith.addi %mul3A_2, %add3A_2076 : i32
    %dma_start3A_2078 = arith.constant 0 : i32
    %dma_start3A_2079 = tpu.memref_slice %arg2[%add3A_2077, %dma_start3A_2078] : memref<100000x128xf32, #tpu.memory_space<hbm>> -> memref<256x128xf32, #tpu.memory_space<hbm>>
    %dma_start3A_2080 = arith.constant 0 : i32
    %dma_start3A_2081 = tpu.memref_slice %arg2[%add3A_2077, %dma_start3A_2080] : memref<100000x128xf32, #tpu.memory_space<hbm>> -> memref<256x128xf32, #tpu.memory_space<hbm>>
    tpu.enqueue_dma source(%dma_start3A_2081 : memref<256x128xf32, #tpu.memory_space<hbm>>) target(%arg9 : memref<256x128xf32, #tpu.memory_space<vmem>>) target_semaphore(%arg18 : memref<!tpu.dma_semaphore, #tpu.memory_space<semaphore_mem>>)
    %dma_wait3A_2082 = arith.constant 0 : i32
    %dma_wait3A_2083 = tpu.memref_slice %arg2[%add3A_1849, %dma_wait3A_2082] : memref<100000x128xf32, #tpu.memory_space<hbm>> -> memref<256x128xf32, #tpu.memory_space<hbm>>
    %dma_wait3A_2084 = arith.constant 0 : i32
    %dma_wait3A_2085 = tpu.memref_slice %arg2[%add3A_1849, %dma_wait3A_2084] : memref<100000x128xf32, #tpu.memory_space<hbm>> -> memref<256x128xf32, #tpu.memory_space<hbm>>
    tpu.wait_dma2 semaphore(%arg16 : memref<!tpu.dma_semaphore, #tpu.memory_space<semaphore_mem>>) src(%dma_wait3A_2085 : memref<256x128xf32, #tpu.memory_space<hbm>>) dst(%arg7 : memref<256x128xf32, #tpu.memory_space<vmem>>)
    %dma_start3A_2086 = arith.constant 18 : i32
    %dma_start3A_2087 = arith.constant 0 : i32
    %dma_start3A_2088 = arith.constant 0 : i32
    %dma_start3A_2089 = tpu.memref_slice %arg7[%dma_start3A_2087, %dma_start3A_2088] : memref<256x128xf32, #tpu.memory_space<vmem>> -> memref<128x128xf32, #tpu.memory_space<vmem>>
    %dma_start3A_2090 = arith.constant 0 : i32
    %dma_start3A_2091 = tpu.memref_slice %arg11[%dma_start3A_2086, %dma_start3A_2090] : memref<24x128xi32, #tpu.memory_space<vmem>> -> memref<1x128xi32, #tpu.memory_space<vmem>>
    %dma_start3A_2092 = tpu.memref_squeeze %dma_start3A_2091 : memref<1x128xi32, #tpu.memory_space<vmem>> -> memref<128xi32, #tpu.memory_space<vmem>>
    %dma_start3A_2093 = arith.constant 0 : i32
    %dma_start3A_2094 = arith.constant 0 : i32
    %dma_start3A_2095 = tpu.memref_slice %arg6[%dma_start3A_2093, %dma_start3A_2094] : memref<256x128xf32, #tpu.memory_space<vmem_shared>> -> memref<256x128xf32, #tpu.memory_space<vmem_shared>>
    tpu.enqueue_indirect_dma source(%dma_start3A_2089 : memref<128x128xf32, #tpu.memory_space<vmem>>) target(%dma_start3A_2095 : memref<256x128xf32, #tpu.memory_space<vmem_shared>>) offsets(%dma_start3A_2092 : memref<128xi32, #tpu.memory_space<vmem>>) semaphore(%arg19 : memref<!tpu.dma_semaphore, #tpu.memory_space<semaphore_mem>>) {add = true}
    %dma_start3A_2096 = arith.constant 19 : i32
    %dma_start3A_2097 = arith.constant 128 : i32
    %dma_start3A_2098 = arith.constant 0 : i32
    %dma_start3A_2099 = tpu.memref_slice %arg7[%dma_start3A_2097, %dma_start3A_2098] : memref<256x128xf32, #tpu.memory_space<vmem>> -> memref<128x128xf32, #tpu.memory_space<vmem>>
    %dma_start3A_2100 = arith.constant 0 : i32
    %dma_start3A_2101 = tpu.memref_slice %arg11[%dma_start3A_2096, %dma_start3A_2100] : memref<24x128xi32, #tpu.memory_space<vmem>> -> memref<1x128xi32, #tpu.memory_space<vmem>>
    %dma_start3A_2102 = tpu.memref_squeeze %dma_start3A_2101 : memref<1x128xi32, #tpu.memory_space<vmem>> -> memref<128xi32, #tpu.memory_space<vmem>>
    %dma_start3A_2103 = arith.constant 0 : i32
    %dma_start3A_2104 = arith.constant 0 : i32
    %dma_start3A_2105 = tpu.memref_slice %arg6[%dma_start3A_2103, %dma_start3A_2104] : memref<256x128xf32, #tpu.memory_space<vmem_shared>> -> memref<256x128xf32, #tpu.memory_space<vmem_shared>>
    tpu.enqueue_indirect_dma source(%dma_start3A_2099 : memref<128x128xf32, #tpu.memory_space<vmem>>) target(%dma_start3A_2105 : memref<256x128xf32, #tpu.memory_space<vmem_shared>>) offsets(%dma_start3A_2102 : memref<128xi32, #tpu.memory_space<vmem>>) semaphore(%arg19 : memref<!tpu.dma_semaphore, #tpu.memory_space<semaphore_mem>>) {add = true}
    %get3A_2106 = arith.constant 18 : i32
    %get3A_2107 = arith.index_cast %get3A_2106 : i32 to index
    %get3A_2108 = arith.constant 0 : index
    %get3A_2109 = tpu.vector_load %arg11[%get3A_2107, %get3A_2108] {strides = array<i32>} : memref<24x128xi32, #tpu.memory_space<vmem>>, vector<16xi32>,
    tpu.vector_store_idx %arg14[%get3A_2109], %broadcast_in_dim3A_5 {add = true} : memref<256xf32, #tpu.memory_space<vmem>>[vector<16xi32>], vector<16xf32>,
    %get3A_2110 = arith.constant 18 : i32
    %get3A_2111 = arith.index_cast %get3A_2110 : i32 to index
    %get3A_2112 = arith.constant 16 : index
    %get3A_2113 = tpu.vector_load %arg11[%get3A_2111, %get3A_2112] {strides = array<i32>} : memref<24x128xi32, #tpu.memory_space<vmem>>, vector<16xi32>,
    tpu.vector_store_idx %arg14[%get3A_2113], %broadcast_in_dim3A_5 {add = true} : memref<256xf32, #tpu.memory_space<vmem>>[vector<16xi32>], vector<16xf32>,
    %get3A_2114 = arith.constant 18 : i32
    %get3A_2115 = arith.index_cast %get3A_2114 : i32 to index
    %get3A_2116 = arith.constant 32 : index
    %get3A_2117 = tpu.vector_load %arg11[%get3A_2115, %get3A_2116] {strides = array<i32>} : memref<24x128xi32, #tpu.memory_space<vmem>>, vector<16xi32>,
    tpu.vector_store_idx %arg14[%get3A_2117], %broadcast_in_dim3A_5 {add = true} : memref<256xf32, #tpu.memory_space<vmem>>[vector<16xi32>], vector<16xf32>,
    %get3A_2118 = arith.constant 18 : i32
    %get3A_2119 = arith.index_cast %get3A_2118 : i32 to index
    %get3A_2120 = arith.constant 48 : index
    %get3A_2121 = tpu.vector_load %arg11[%get3A_2119, %get3A_2120] {strides = array<i32>} : memref<24x128xi32, #tpu.memory_space<vmem>>, vector<16xi32>,
    tpu.vector_store_idx %arg14[%get3A_2121], %broadcast_in_dim3A_5 {add = true} : memref<256xf32, #tpu.memory_space<vmem>>[vector<16xi32>], vector<16xf32>,
    %get3A_2122 = arith.constant 18 : i32
    %get3A_2123 = arith.index_cast %get3A_2122 : i32 to index
    %get3A_2124 = arith.constant 64 : index
    %get3A_2125 = tpu.vector_load %arg11[%get3A_2123, %get3A_2124] {strides = array<i32>} : memref<24x128xi32, #tpu.memory_space<vmem>>, vector<16xi32>,
    tpu.vector_store_idx %arg14[%get3A_2125], %broadcast_in_dim3A_5 {add = true} : memref<256xf32, #tpu.memory_space<vmem>>[vector<16xi32>], vector<16xf32>,
    %get3A_2126 = arith.constant 18 : i32
    %get3A_2127 = arith.index_cast %get3A_2126 : i32 to index
    %get3A_2128 = arith.constant 80 : index
    %get3A_2129 = tpu.vector_load %arg11[%get3A_2127, %get3A_2128] {strides = array<i32>} : memref<24x128xi32, #tpu.memory_space<vmem>>, vector<16xi32>,
    tpu.vector_store_idx %arg14[%get3A_2129], %broadcast_in_dim3A_5 {add = true} : memref<256xf32, #tpu.memory_space<vmem>>[vector<16xi32>], vector<16xf32>,
    %get3A_2130 = arith.constant 18 : i32
    %get3A_2131 = arith.index_cast %get3A_2130 : i32 to index
    %get3A_2132 = arith.constant 96 : index
    %get3A_2133 = tpu.vector_load %arg11[%get3A_2131, %get3A_2132] {strides = array<i32>} : memref<24x128xi32, #tpu.memory_space<vmem>>, vector<16xi32>,
    tpu.vector_store_idx %arg14[%get3A_2133], %broadcast_in_dim3A_5 {add = true} : memref<256xf32, #tpu.memory_space<vmem>>[vector<16xi32>], vector<16xf32>,
    %get3A_2134 = arith.constant 18 : i32
    %get3A_2135 = arith.index_cast %get3A_2134 : i32 to index
    %get3A_2136 = arith.constant 112 : index
    %get3A_2137 = tpu.vector_load %arg11[%get3A_2135, %get3A_2136] {strides = array<i32>} : memref<24x128xi32, #tpu.memory_space<vmem>>, vector<16xi32>,
    tpu.vector_store_idx %arg14[%get3A_2137], %broadcast_in_dim3A_5 {add = true} : memref<256xf32, #tpu.memory_space<vmem>>[vector<16xi32>], vector<16xf32>,
    %get3A_2138 = arith.constant 19 : i32
    %get3A_2139 = arith.index_cast %get3A_2138 : i32 to index
    %get3A_2140 = arith.constant 0 : index
    %get3A_2141 = tpu.vector_load %arg11[%get3A_2139, %get3A_2140] {strides = array<i32>} : memref<24x128xi32, #tpu.memory_space<vmem>>, vector<16xi32>,
    tpu.vector_store_idx %arg14[%get3A_2141], %broadcast_in_dim3A_5 {add = true} : memref<256xf32, #tpu.memory_space<vmem>>[vector<16xi32>], vector<16xf32>,
    %get3A_2142 = arith.constant 19 : i32
    %get3A_2143 = arith.index_cast %get3A_2142 : i32 to index
    %get3A_2144 = arith.constant 16 : index
    %get3A_2145 = tpu.vector_load %arg11[%get3A_2143, %get3A_2144] {strides = array<i32>} : memref<24x128xi32, #tpu.memory_space<vmem>>, vector<16xi32>,
    tpu.vector_store_idx %arg14[%get3A_2145], %broadcast_in_dim3A_5 {add = true} : memref<256xf32, #tpu.memory_space<vmem>>[vector<16xi32>], vector<16xf32>,
    %get3A_2146 = arith.constant 19 : i32
    %get3A_2147 = arith.index_cast %get3A_2146 : i32 to index
    %get3A_2148 = arith.constant 32 : index
    %get3A_2149 = tpu.vector_load %arg11[%get3A_2147, %get3A_2148] {strides = array<i32>} : memref<24x128xi32, #tpu.memory_space<vmem>>, vector<16xi32>,
    tpu.vector_store_idx %arg14[%get3A_2149], %broadcast_in_dim3A_5 {add = true} : memref<256xf32, #tpu.memory_space<vmem>>[vector<16xi32>], vector<16xf32>,
    %get3A_2150 = arith.constant 19 : i32
    %get3A_2151 = arith.index_cast %get3A_2150 : i32 to index
    %get3A_2152 = arith.constant 48 : index
    %get3A_2153 = tpu.vector_load %arg11[%get3A_2151, %get3A_2152] {strides = array<i32>} : memref<24x128xi32, #tpu.memory_space<vmem>>, vector<16xi32>,
    tpu.vector_store_idx %arg14[%get3A_2153], %broadcast_in_dim3A_5 {add = true} : memref<256xf32, #tpu.memory_space<vmem>>[vector<16xi32>], vector<16xf32>,
    %get3A_2154 = arith.constant 19 : i32
    %get3A_2155 = arith.index_cast %get3A_2154 : i32 to index
    %get3A_2156 = arith.constant 64 : index
    %get3A_2157 = tpu.vector_load %arg11[%get3A_2155, %get3A_2156] {strides = array<i32>} : memref<24x128xi32, #tpu.memory_space<vmem>>, vector<16xi32>,
    tpu.vector_store_idx %arg14[%get3A_2157], %broadcast_in_dim3A_5 {add = true} : memref<256xf32, #tpu.memory_space<vmem>>[vector<16xi32>], vector<16xf32>,
    %get3A_2158 = arith.constant 19 : i32
    %get3A_2159 = arith.index_cast %get3A_2158 : i32 to index
    %get3A_2160 = arith.constant 80 : index
    %get3A_2161 = tpu.vector_load %arg11[%get3A_2159, %get3A_2160] {strides = array<i32>} : memref<24x128xi32, #tpu.memory_space<vmem>>, vector<16xi32>,
    tpu.vector_store_idx %arg14[%get3A_2161], %broadcast_in_dim3A_5 {add = true} : memref<256xf32, #tpu.memory_space<vmem>>[vector<16xi32>], vector<16xf32>,
    %get3A_2162 = arith.constant 19 : i32
    %get3A_2163 = arith.index_cast %get3A_2162 : i32 to index
    %get3A_2164 = arith.constant 96 : index
    %get3A_2165 = tpu.vector_load %arg11[%get3A_2163, %get3A_2164] {strides = array<i32>} : memref<24x128xi32, #tpu.memory_space<vmem>>, vector<16xi32>,
    tpu.vector_store_idx %arg14[%get3A_2165], %broadcast_in_dim3A_5 {add = true} : memref<256xf32, #tpu.memory_space<vmem>>[vector<16xi32>], vector<16xf32>,
    %get3A_2166 = arith.constant 19 : i32
    %get3A_2167 = arith.index_cast %get3A_2166 : i32 to index
    %get3A_2168 = arith.constant 112 : index
    %get3A_2169 = tpu.vector_load %arg11[%get3A_2167, %get3A_2168] {strides = array<i32>} : memref<24x128xi32, #tpu.memory_space<vmem>>, vector<16xi32>,
    tpu.vector_store_idx %arg14[%get3A_2169], %broadcast_in_dim3A_5 {add = true} : memref<256xf32, #tpu.memory_space<vmem>>[vector<16xi32>], vector<16xf32>,
    %dma_wait3A_2170 = arith.constant 18 : i32
    %dma_wait3A_2171 = arith.constant 0 : i32
    %dma_wait3A_2172 = arith.constant 0 : i32
    %dma_wait3A_2173 = tpu.memref_slice %arg7[%dma_wait3A_2171, %dma_wait3A_2172] : memref<256x128xf32, #tpu.memory_space<vmem>> -> memref<128x128xf32, #tpu.memory_space<vmem>>
    %dma_wait3A_2174 = arith.constant 0 : i32
    %dma_wait3A_2175 = tpu.memref_slice %arg11[%dma_wait3A_2170, %dma_wait3A_2174] : memref<24x128xi32, #tpu.memory_space<vmem>> -> memref<1x128xi32, #tpu.memory_space<vmem>>
    %dma_wait3A_2176 = tpu.memref_squeeze %dma_wait3A_2175 : memref<1x128xi32, #tpu.memory_space<vmem>> -> memref<128xi32, #tpu.memory_space<vmem>>
    %dma_wait3A_2177 = arith.constant 0 : i32
    %dma_wait3A_2178 = arith.constant 0 : i32
    %dma_wait3A_2179 = tpu.memref_slice %arg6[%dma_wait3A_2177, %dma_wait3A_2178] : memref<256x128xf32, #tpu.memory_space<vmem_shared>> -> memref<256x128xf32, #tpu.memory_space<vmem_shared>>
    tpu.wait_indirect_dma semaphore(%arg19 : memref<!tpu.dma_semaphore, #tpu.memory_space<semaphore_mem>>) src(%dma_wait3A_2173 : memref<128x128xf32, #tpu.memory_space<vmem>>) dst(%dma_wait3A_2179 : memref<256x128xf32, #tpu.memory_space<vmem_shared>>)
    %dma_wait3A_2180 = arith.constant 19 : i32
    %dma_wait3A_2181 = arith.constant 128 : i32
    %dma_wait3A_2182 = arith.constant 0 : i32
    %dma_wait3A_2183 = tpu.memref_slice %arg7[%dma_wait3A_2181, %dma_wait3A_2182] : memref<256x128xf32, #tpu.memory_space<vmem>> -> memref<128x128xf32, #tpu.memory_space<vmem>>
    %dma_wait3A_2184 = arith.constant 0 : i32
    %dma_wait3A_2185 = tpu.memref_slice %arg11[%dma_wait3A_2180, %dma_wait3A_2184] : memref<24x128xi32, #tpu.memory_space<vmem>> -> memref<1x128xi32, #tpu.memory_space<vmem>>
    %dma_wait3A_2186 = tpu.memref_squeeze %dma_wait3A_2185 : memref<1x128xi32, #tpu.memory_space<vmem>> -> memref<128xi32, #tpu.memory_space<vmem>>
    %dma_wait3A_2187 = arith.constant 0 : i32
    %dma_wait3A_2188 = arith.constant 0 : i32
    %dma_wait3A_2189 = tpu.memref_slice %arg6[%dma_wait3A_2187, %dma_wait3A_2188] : memref<256x128xf32, #tpu.memory_space<vmem_shared>> -> memref<256x128xf32, #tpu.memory_space<vmem_shared>>
    tpu.wait_indirect_dma semaphore(%arg19 : memref<!tpu.dma_semaphore, #tpu.memory_space<semaphore_mem>>) src(%dma_wait3A_2183 : memref<128x128xf32, #tpu.memory_space<vmem>>) dst(%dma_wait3A_2189 : memref<256x128xf32, #tpu.memory_space<vmem_shared>>)
    %dma_wait3A_2190 = arith.constant 0 : i32
    %dma_wait3A_2191 = tpu.memref_slice %arg2[%add3A_1963, %dma_wait3A_2190] : memref<100000x128xf32, #tpu.memory_space<hbm>> -> memref<256x128xf32, #tpu.memory_space<hbm>>
    %dma_wait3A_2192 = arith.constant 0 : i32
    %dma_wait3A_2193 = tpu.memref_slice %arg2[%add3A_1963, %dma_wait3A_2192] : memref<100000x128xf32, #tpu.memory_space<hbm>> -> memref<256x128xf32, #tpu.memory_space<hbm>>
    tpu.wait_dma2 semaphore(%arg17 : memref<!tpu.dma_semaphore, #tpu.memory_space<semaphore_mem>>) src(%dma_wait3A_2193 : memref<256x128xf32, #tpu.memory_space<hbm>>) dst(%arg8 : memref<256x128xf32, #tpu.memory_space<vmem>>)
    %dma_start3A_2194 = arith.constant 20 : i32
    %dma_start3A_2195 = arith.constant 0 : i32
    %dma_start3A_2196 = arith.constant 0 : i32
    %dma_start3A_2197 = tpu.memref_slice %arg8[%dma_start3A_2195, %dma_start3A_2196] : memref<256x128xf32, #tpu.memory_space<vmem>> -> memref<128x128xf32, #tpu.memory_space<vmem>>
    %dma_start3A_2198 = arith.constant 0 : i32
    %dma_start3A_2199 = tpu.memref_slice %arg11[%dma_start3A_2194, %dma_start3A_2198] : memref<24x128xi32, #tpu.memory_space<vmem>> -> memref<1x128xi32, #tpu.memory_space<vmem>>
    %dma_start3A_2200 = tpu.memref_squeeze %dma_start3A_2199 : memref<1x128xi32, #tpu.memory_space<vmem>> -> memref<128xi32, #tpu.memory_space<vmem>>
    %dma_start3A_2201 = arith.constant 0 : i32
    %dma_start3A_2202 = arith.constant 0 : i32
    %dma_start3A_2203 = tpu.memref_slice %arg6[%dma_start3A_2201, %dma_start3A_2202] : memref<256x128xf32, #tpu.memory_space<vmem_shared>> -> memref<256x128xf32, #tpu.memory_space<vmem_shared>>
    tpu.enqueue_indirect_dma source(%dma_start3A_2197 : memref<128x128xf32, #tpu.memory_space<vmem>>) target(%dma_start3A_2203 : memref<256x128xf32, #tpu.memory_space<vmem_shared>>) offsets(%dma_start3A_2200 : memref<128xi32, #tpu.memory_space<vmem>>) semaphore(%arg19 : memref<!tpu.dma_semaphore, #tpu.memory_space<semaphore_mem>>) {add = true}
    %dma_start3A_2204 = arith.constant 21 : i32
    %dma_start3A_2205 = arith.constant 128 : i32
    %dma_start3A_2206 = arith.constant 0 : i32
    %dma_start3A_2207 = tpu.memref_slice %arg8[%dma_start3A_2205, %dma_start3A_2206] : memref<256x128xf32, #tpu.memory_space<vmem>> -> memref<128x128xf32, #tpu.memory_space<vmem>>
    %dma_start3A_2208 = arith.constant 0 : i32
    %dma_start3A_2209 = tpu.memref_slice %arg11[%dma_start3A_2204, %dma_start3A_2208] : memref<24x128xi32, #tpu.memory_space<vmem>> -> memref<1x128xi32, #tpu.memory_space<vmem>>
    %dma_start3A_2210 = tpu.memref_squeeze %dma_start3A_2209 : memref<1x128xi32, #tpu.memory_space<vmem>> -> memref<128xi32, #tpu.memory_space<vmem>>
    %dma_start3A_2211 = arith.constant 0 : i32
    %dma_start3A_2212 = arith.constant 0 : i32
    %dma_start3A_2213 = tpu.memref_slice %arg6[%dma_start3A_2211, %dma_start3A_2212] : memref<256x128xf32, #tpu.memory_space<vmem_shared>> -> memref<256x128xf32, #tpu.memory_space<vmem_shared>>
    tpu.enqueue_indirect_dma source(%dma_start3A_2207 : memref<128x128xf32, #tpu.memory_space<vmem>>) target(%dma_start3A_2213 : memref<256x128xf32, #tpu.memory_space<vmem_shared>>) offsets(%dma_start3A_2210 : memref<128xi32, #tpu.memory_space<vmem>>) semaphore(%arg19 : memref<!tpu.dma_semaphore, #tpu.memory_space<semaphore_mem>>) {add = true}
    %get3A_2214 = arith.constant 20 : i32
    %get3A_2215 = arith.index_cast %get3A_2214 : i32 to index
    %get3A_2216 = arith.constant 0 : index
    %get3A_2217 = tpu.vector_load %arg11[%get3A_2215, %get3A_2216] {strides = array<i32>} : memref<24x128xi32, #tpu.memory_space<vmem>>, vector<16xi32>,
    tpu.vector_store_idx %arg14[%get3A_2217], %broadcast_in_dim3A_5 {add = true} : memref<256xf32, #tpu.memory_space<vmem>>[vector<16xi32>], vector<16xf32>,
    %get3A_2218 = arith.constant 20 : i32
    %get3A_2219 = arith.index_cast %get3A_2218 : i32 to index
    %get3A_2220 = arith.constant 16 : index
    %get3A_2221 = tpu.vector_load %arg11[%get3A_2219, %get3A_2220] {strides = array<i32>} : memref<24x128xi32, #tpu.memory_space<vmem>>, vector<16xi32>,
    tpu.vector_store_idx %arg14[%get3A_2221], %broadcast_in_dim3A_5 {add = true} : memref<256xf32, #tpu.memory_space<vmem>>[vector<16xi32>], vector<16xf32>,
    %get3A_2222 = arith.constant 20 : i32
    %get3A_2223 = arith.index_cast %get3A_2222 : i32 to index
    %get3A_2224 = arith.constant 32 : index
    %get3A_2225 = tpu.vector_load %arg11[%get3A_2223, %get3A_2224] {strides = array<i32>} : memref<24x128xi32, #tpu.memory_space<vmem>>, vector<16xi32>,
    tpu.vector_store_idx %arg14[%get3A_2225], %broadcast_in_dim3A_5 {add = true} : memref<256xf32, #tpu.memory_space<vmem>>[vector<16xi32>], vector<16xf32>,
    %get3A_2226 = arith.constant 20 : i32
    %get3A_2227 = arith.index_cast %get3A_2226 : i32 to index
    %get3A_2228 = arith.constant 48 : index
    %get3A_2229 = tpu.vector_load %arg11[%get3A_2227, %get3A_2228] {strides = array<i32>} : memref<24x128xi32, #tpu.memory_space<vmem>>, vector<16xi32>,
    tpu.vector_store_idx %arg14[%get3A_2229], %broadcast_in_dim3A_5 {add = true} : memref<256xf32, #tpu.memory_space<vmem>>[vector<16xi32>], vector<16xf32>,
    %get3A_2230 = arith.constant 20 : i32
    %get3A_2231 = arith.index_cast %get3A_2230 : i32 to index
    %get3A_2232 = arith.constant 64 : index
    %get3A_2233 = tpu.vector_load %arg11[%get3A_2231, %get3A_2232] {strides = array<i32>} : memref<24x128xi32, #tpu.memory_space<vmem>>, vector<16xi32>,
    tpu.vector_store_idx %arg14[%get3A_2233], %broadcast_in_dim3A_5 {add = true} : memref<256xf32, #tpu.memory_space<vmem>>[vector<16xi32>], vector<16xf32>,
    %get3A_2234 = arith.constant 20 : i32
    %get3A_2235 = arith.index_cast %get3A_2234 : i32 to index
    %get3A_2236 = arith.constant 80 : index
    %get3A_2237 = tpu.vector_load %arg11[%get3A_2235, %get3A_2236] {strides = array<i32>} : memref<24x128xi32, #tpu.memory_space<vmem>>, vector<16xi32>,
    tpu.vector_store_idx %arg14[%get3A_2237], %broadcast_in_dim3A_5 {add = true} : memref<256xf32, #tpu.memory_space<vmem>>[vector<16xi32>], vector<16xf32>,
    %get3A_2238 = arith.constant 20 : i32
    %get3A_2239 = arith.index_cast %get3A_2238 : i32 to index
    %get3A_2240 = arith.constant 96 : index
    %get3A_2241 = tpu.vector_load %arg11[%get3A_2239, %get3A_2240] {strides = array<i32>} : memref<24x128xi32, #tpu.memory_space<vmem>>, vector<16xi32>,
    tpu.vector_store_idx %arg14[%get3A_2241], %broadcast_in_dim3A_5 {add = true} : memref<256xf32, #tpu.memory_space<vmem>>[vector<16xi32>], vector<16xf32>,
    %get3A_2242 = arith.constant 20 : i32
    %get3A_2243 = arith.index_cast %get3A_2242 : i32 to index
    %get3A_2244 = arith.constant 112 : index
    %get3A_2245 = tpu.vector_load %arg11[%get3A_2243, %get3A_2244] {strides = array<i32>} : memref<24x128xi32, #tpu.memory_space<vmem>>, vector<16xi32>,
    tpu.vector_store_idx %arg14[%get3A_2245], %broadcast_in_dim3A_5 {add = true} : memref<256xf32, #tpu.memory_space<vmem>>[vector<16xi32>], vector<16xf32>,
    %get3A_2246 = arith.constant 21 : i32
    %get3A_2247 = arith.index_cast %get3A_2246 : i32 to index
    %get3A_2248 = arith.constant 0 : index
    %get3A_2249 = tpu.vector_load %arg11[%get3A_2247, %get3A_2248] {strides = array<i32>} : memref<24x128xi32, #tpu.memory_space<vmem>>, vector<16xi32>,
    tpu.vector_store_idx %arg14[%get3A_2249], %broadcast_in_dim3A_5 {add = true} : memref<256xf32, #tpu.memory_space<vmem>>[vector<16xi32>], vector<16xf32>,
    %get3A_2250 = arith.constant 21 : i32
    %get3A_2251 = arith.index_cast %get3A_2250 : i32 to index
    %get3A_2252 = arith.constant 16 : index
    %get3A_2253 = tpu.vector_load %arg11[%get3A_2251, %get3A_2252] {strides = array<i32>} : memref<24x128xi32, #tpu.memory_space<vmem>>, vector<16xi32>,
    tpu.vector_store_idx %arg14[%get3A_2253], %broadcast_in_dim3A_5 {add = true} : memref<256xf32, #tpu.memory_space<vmem>>[vector<16xi32>], vector<16xf32>,
    %get3A_2254 = arith.constant 21 : i32
    %get3A_2255 = arith.index_cast %get3A_2254 : i32 to index
    %get3A_2256 = arith.constant 32 : index
    %get3A_2257 = tpu.vector_load %arg11[%get3A_2255, %get3A_2256] {strides = array<i32>} : memref<24x128xi32, #tpu.memory_space<vmem>>, vector<16xi32>,
    tpu.vector_store_idx %arg14[%get3A_2257], %broadcast_in_dim3A_5 {add = true} : memref<256xf32, #tpu.memory_space<vmem>>[vector<16xi32>], vector<16xf32>,
    %get3A_2258 = arith.constant 21 : i32
    %get3A_2259 = arith.index_cast %get3A_2258 : i32 to index
    %get3A_2260 = arith.constant 48 : index
    %get3A_2261 = tpu.vector_load %arg11[%get3A_2259, %get3A_2260] {strides = array<i32>} : memref<24x128xi32, #tpu.memory_space<vmem>>, vector<16xi32>,
    tpu.vector_store_idx %arg14[%get3A_2261], %broadcast_in_dim3A_5 {add = true} : memref<256xf32, #tpu.memory_space<vmem>>[vector<16xi32>], vector<16xf32>,
    %get3A_2262 = arith.constant 21 : i32
    %get3A_2263 = arith.index_cast %get3A_2262 : i32 to index
    %get3A_2264 = arith.constant 64 : index
    %get3A_2265 = tpu.vector_load %arg11[%get3A_2263, %get3A_2264] {strides = array<i32>} : memref<24x128xi32, #tpu.memory_space<vmem>>, vector<16xi32>,
    tpu.vector_store_idx %arg14[%get3A_2265], %broadcast_in_dim3A_5 {add = true} : memref<256xf32, #tpu.memory_space<vmem>>[vector<16xi32>], vector<16xf32>,
    %get3A_2266 = arith.constant 21 : i32
    %get3A_2267 = arith.index_cast %get3A_2266 : i32 to index
    %get3A_2268 = arith.constant 80 : index
    %get3A_2269 = tpu.vector_load %arg11[%get3A_2267, %get3A_2268] {strides = array<i32>} : memref<24x128xi32, #tpu.memory_space<vmem>>, vector<16xi32>,
    tpu.vector_store_idx %arg14[%get3A_2269], %broadcast_in_dim3A_5 {add = true} : memref<256xf32, #tpu.memory_space<vmem>>[vector<16xi32>], vector<16xf32>,
    %get3A_2270 = arith.constant 21 : i32
    %get3A_2271 = arith.index_cast %get3A_2270 : i32 to index
    %get3A_2272 = arith.constant 96 : index
    %get3A_2273 = tpu.vector_load %arg11[%get3A_2271, %get3A_2272] {strides = array<i32>} : memref<24x128xi32, #tpu.memory_space<vmem>>, vector<16xi32>,
    tpu.vector_store_idx %arg14[%get3A_2273], %broadcast_in_dim3A_5 {add = true} : memref<256xf32, #tpu.memory_space<vmem>>[vector<16xi32>], vector<16xf32>,
    %get3A_2274 = arith.constant 21 : i32
    %get3A_2275 = arith.index_cast %get3A_2274 : i32 to index
    %get3A_2276 = arith.constant 112 : index
    %get3A_2277 = tpu.vector_load %arg11[%get3A_2275, %get3A_2276] {strides = array<i32>} : memref<24x128xi32, #tpu.memory_space<vmem>>, vector<16xi32>,
    tpu.vector_store_idx %arg14[%get3A_2277], %broadcast_in_dim3A_5 {add = true} : memref<256xf32, #tpu.memory_space<vmem>>[vector<16xi32>], vector<16xf32>,
    %dma_wait3A_2278 = arith.constant 20 : i32
    %dma_wait3A_2279 = arith.constant 0 : i32
    %dma_wait3A_2280 = arith.constant 0 : i32
    %dma_wait3A_2281 = tpu.memref_slice %arg8[%dma_wait3A_2279, %dma_wait3A_2280] : memref<256x128xf32, #tpu.memory_space<vmem>> -> memref<128x128xf32, #tpu.memory_space<vmem>>
    %dma_wait3A_2282 = arith.constant 0 : i32
    %dma_wait3A_2283 = tpu.memref_slice %arg11[%dma_wait3A_2278, %dma_wait3A_2282] : memref<24x128xi32, #tpu.memory_space<vmem>> -> memref<1x128xi32, #tpu.memory_space<vmem>>
    %dma_wait3A_2284 = tpu.memref_squeeze %dma_wait3A_2283 : memref<1x128xi32, #tpu.memory_space<vmem>> -> memref<128xi32, #tpu.memory_space<vmem>>
    %dma_wait3A_2285 = arith.constant 0 : i32
    %dma_wait3A_2286 = arith.constant 0 : i32
    %dma_wait3A_2287 = tpu.memref_slice %arg6[%dma_wait3A_2285, %dma_wait3A_2286] : memref<256x128xf32, #tpu.memory_space<vmem_shared>> -> memref<256x128xf32, #tpu.memory_space<vmem_shared>>
    tpu.wait_indirect_dma semaphore(%arg19 : memref<!tpu.dma_semaphore, #tpu.memory_space<semaphore_mem>>) src(%dma_wait3A_2281 : memref<128x128xf32, #tpu.memory_space<vmem>>) dst(%dma_wait3A_2287 : memref<256x128xf32, #tpu.memory_space<vmem_shared>>)
    %dma_wait3A_2288 = arith.constant 21 : i32
    %dma_wait3A_2289 = arith.constant 128 : i32
    %dma_wait3A_2290 = arith.constant 0 : i32
    %dma_wait3A_2291 = tpu.memref_slice %arg8[%dma_wait3A_2289, %dma_wait3A_2290] : memref<256x128xf32, #tpu.memory_space<vmem>> -> memref<128x128xf32, #tpu.memory_space<vmem>>
    %dma_wait3A_2292 = arith.constant 0 : i32
    %dma_wait3A_2293 = tpu.memref_slice %arg11[%dma_wait3A_2288, %dma_wait3A_2292] : memref<24x128xi32, #tpu.memory_space<vmem>> -> memref<1x128xi32, #tpu.memory_space<vmem>>
    %dma_wait3A_2294 = tpu.memref_squeeze %dma_wait3A_2293 : memref<1x128xi32, #tpu.memory_space<vmem>> -> memref<128xi32, #tpu.memory_space<vmem>>
    %dma_wait3A_2295 = arith.constant 0 : i32
    %dma_wait3A_2296 = arith.constant 0 : i32
    %dma_wait3A_2297 = tpu.memref_slice %arg6[%dma_wait3A_2295, %dma_wait3A_2296] : memref<256x128xf32, #tpu.memory_space<vmem_shared>> -> memref<256x128xf32, #tpu.memory_space<vmem_shared>>
    tpu.wait_indirect_dma semaphore(%arg19 : memref<!tpu.dma_semaphore, #tpu.memory_space<semaphore_mem>>) src(%dma_wait3A_2291 : memref<128x128xf32, #tpu.memory_space<vmem>>) dst(%dma_wait3A_2297 : memref<256x128xf32, #tpu.memory_space<vmem_shared>>)
    %dma_wait3A_2298 = arith.constant 0 : i32
    %dma_wait3A_2299 = tpu.memref_slice %arg2[%add3A_2077, %dma_wait3A_2298] : memref<100000x128xf32, #tpu.memory_space<hbm>> -> memref<256x128xf32, #tpu.memory_space<hbm>>
    %dma_wait3A_2300 = arith.constant 0 : i32
    %dma_wait3A_2301 = tpu.memref_slice %arg2[%add3A_2077, %dma_wait3A_2300] : memref<100000x128xf32, #tpu.memory_space<hbm>> -> memref<256x128xf32, #tpu.memory_space<hbm>>
    tpu.wait_dma2 semaphore(%arg18 : memref<!tpu.dma_semaphore, #tpu.memory_space<semaphore_mem>>) src(%dma_wait3A_2301 : memref<256x128xf32, #tpu.memory_space<hbm>>) dst(%arg9 : memref<256x128xf32, #tpu.memory_space<vmem>>)
    %dma_start3A_2302 = arith.constant 22 : i32
    %dma_start3A_2303 = arith.constant 0 : i32
    %dma_start3A_2304 = arith.constant 0 : i32
    %dma_start3A_2305 = tpu.memref_slice %arg9[%dma_start3A_2303, %dma_start3A_2304] : memref<256x128xf32, #tpu.memory_space<vmem>> -> memref<128x128xf32, #tpu.memory_space<vmem>>
    %dma_start3A_2306 = arith.constant 0 : i32
    %dma_start3A_2307 = tpu.memref_slice %arg11[%dma_start3A_2302, %dma_start3A_2306] : memref<24x128xi32, #tpu.memory_space<vmem>> -> memref<1x128xi32, #tpu.memory_space<vmem>>
    %dma_start3A_2308 = tpu.memref_squeeze %dma_start3A_2307 : memref<1x128xi32, #tpu.memory_space<vmem>> -> memref<128xi32, #tpu.memory_space<vmem>>
    %dma_start3A_2309 = arith.constant 0 : i32
    %dma_start3A_2310 = arith.constant 0 : i32
    %dma_start3A_2311 = tpu.memref_slice %arg6[%dma_start3A_2309, %dma_start3A_2310] : memref<256x128xf32, #tpu.memory_space<vmem_shared>> -> memref<256x128xf32, #tpu.memory_space<vmem_shared>>
    tpu.enqueue_indirect_dma source(%dma_start3A_2305 : memref<128x128xf32, #tpu.memory_space<vmem>>) target(%dma_start3A_2311 : memref<256x128xf32, #tpu.memory_space<vmem_shared>>) offsets(%dma_start3A_2308 : memref<128xi32, #tpu.memory_space<vmem>>) semaphore(%arg19 : memref<!tpu.dma_semaphore, #tpu.memory_space<semaphore_mem>>) {add = true}
    %dma_start3A_2312 = arith.constant 23 : i32
    %dma_start3A_2313 = arith.constant 128 : i32
    %dma_start3A_2314 = arith.constant 0 : i32
    %dma_start3A_2315 = tpu.memref_slice %arg9[%dma_start3A_2313, %dma_start3A_2314] : memref<256x128xf32, #tpu.memory_space<vmem>> -> memref<128x128xf32, #tpu.memory_space<vmem>>
    %dma_start3A_2316 = arith.constant 0 : i32
    %dma_start3A_2317 = tpu.memref_slice %arg11[%dma_start3A_2312, %dma_start3A_2316] : memref<24x128xi32, #tpu.memory_space<vmem>> -> memref<1x128xi32, #tpu.memory_space<vmem>>
    %dma_start3A_2318 = tpu.memref_squeeze %dma_start3A_2317 : memref<1x128xi32, #tpu.memory_space<vmem>> -> memref<128xi32, #tpu.memory_space<vmem>>
    %dma_start3A_2319 = arith.constant 0 : i32
    %dma_start3A_2320 = arith.constant 0 : i32
    %dma_start3A_2321 = tpu.memref_slice %arg6[%dma_start3A_2319, %dma_start3A_2320] : memref<256x128xf32, #tpu.memory_space<vmem_shared>> -> memref<256x128xf32, #tpu.memory_space<vmem_shared>>
    tpu.enqueue_indirect_dma source(%dma_start3A_2315 : memref<128x128xf32, #tpu.memory_space<vmem>>) target(%dma_start3A_2321 : memref<256x128xf32, #tpu.memory_space<vmem_shared>>) offsets(%dma_start3A_2318 : memref<128xi32, #tpu.memory_space<vmem>>) semaphore(%arg19 : memref<!tpu.dma_semaphore, #tpu.memory_space<semaphore_mem>>) {add = true}
    %get3A_2322 = arith.constant 22 : i32
    %get3A_2323 = arith.index_cast %get3A_2322 : i32 to index
    %get3A_2324 = arith.constant 0 : index
    %get3A_2325 = tpu.vector_load %arg11[%get3A_2323, %get3A_2324] {strides = array<i32>} : memref<24x128xi32, #tpu.memory_space<vmem>>, vector<16xi32>,
    tpu.vector_store_idx %arg14[%get3A_2325], %broadcast_in_dim3A_5 {add = true} : memref<256xf32, #tpu.memory_space<vmem>>[vector<16xi32>], vector<16xf32>,
    %get3A_2326 = arith.constant 22 : i32
    %get3A_2327 = arith.index_cast %get3A_2326 : i32 to index
    %get3A_2328 = arith.constant 16 : index
    %get3A_2329 = tpu.vector_load %arg11[%get3A_2327, %get3A_2328] {strides = array<i32>} : memref<24x128xi32, #tpu.memory_space<vmem>>, vector<16xi32>,
    tpu.vector_store_idx %arg14[%get3A_2329], %broadcast_in_dim3A_5 {add = true} : memref<256xf32, #tpu.memory_space<vmem>>[vector<16xi32>], vector<16xf32>,
    %get3A_2330 = arith.constant 22 : i32
    %get3A_2331 = arith.index_cast %get3A_2330 : i32 to index
    %get3A_2332 = arith.constant 32 : index
    %get3A_2333 = tpu.vector_load %arg11[%get3A_2331, %get3A_2332] {strides = array<i32>} : memref<24x128xi32, #tpu.memory_space<vmem>>, vector<16xi32>,
    tpu.vector_store_idx %arg14[%get3A_2333], %broadcast_in_dim3A_5 {add = true} : memref<256xf32, #tpu.memory_space<vmem>>[vector<16xi32>], vector<16xf32>,
    %get3A_2334 = arith.constant 22 : i32
    %get3A_2335 = arith.index_cast %get3A_2334 : i32 to index
    %get3A_2336 = arith.constant 48 : index
    %get3A_2337 = tpu.vector_load %arg11[%get3A_2335, %get3A_2336] {strides = array<i32>} : memref<24x128xi32, #tpu.memory_space<vmem>>, vector<16xi32>,
    tpu.vector_store_idx %arg14[%get3A_2337], %broadcast_in_dim3A_5 {add = true} : memref<256xf32, #tpu.memory_space<vmem>>[vector<16xi32>], vector<16xf32>,
    %get3A_2338 = arith.constant 22 : i32
    %get3A_2339 = arith.index_cast %get3A_2338 : i32 to index
    %get3A_2340 = arith.constant 64 : index
    %get3A_2341 = tpu.vector_load %arg11[%get3A_2339, %get3A_2340] {strides = array<i32>} : memref<24x128xi32, #tpu.memory_space<vmem>>, vector<16xi32>,
    tpu.vector_store_idx %arg14[%get3A_2341], %broadcast_in_dim3A_5 {add = true} : memref<256xf32, #tpu.memory_space<vmem>>[vector<16xi32>], vector<16xf32>,
    %get3A_2342 = arith.constant 22 : i32
    %get3A_2343 = arith.index_cast %get3A_2342 : i32 to index
    %get3A_2344 = arith.constant 80 : index
    %get3A_2345 = tpu.vector_load %arg11[%get3A_2343, %get3A_2344] {strides = array<i32>} : memref<24x128xi32, #tpu.memory_space<vmem>>, vector<16xi32>,
    tpu.vector_store_idx %arg14[%get3A_2345], %broadcast_in_dim3A_5 {add = true} : memref<256xf32, #tpu.memory_space<vmem>>[vector<16xi32>], vector<16xf32>,
    %get3A_2346 = arith.constant 22 : i32
    %get3A_2347 = arith.index_cast %get3A_2346 : i32 to index
    %get3A_2348 = arith.constant 96 : index
    %get3A_2349 = tpu.vector_load %arg11[%get3A_2347, %get3A_2348] {strides = array<i32>} : memref<24x128xi32, #tpu.memory_space<vmem>>, vector<16xi32>,
    tpu.vector_store_idx %arg14[%get3A_2349], %broadcast_in_dim3A_5 {add = true} : memref<256xf32, #tpu.memory_space<vmem>>[vector<16xi32>], vector<16xf32>,
    %get3A_2350 = arith.constant 22 : i32
    %get3A_2351 = arith.index_cast %get3A_2350 : i32 to index
    %get3A_2352 = arith.constant 112 : index
    %get3A_2353 = tpu.vector_load %arg11[%get3A_2351, %get3A_2352] {strides = array<i32>} : memref<24x128xi32, #tpu.memory_space<vmem>>, vector<16xi32>,
    tpu.vector_store_idx %arg14[%get3A_2353], %broadcast_in_dim3A_5 {add = true} : memref<256xf32, #tpu.memory_space<vmem>>[vector<16xi32>], vector<16xf32>,
    %get3A_2354 = arith.constant 23 : i32
    %get3A_2355 = arith.index_cast %get3A_2354 : i32 to index
    %get3A_2356 = arith.constant 0 : index
    %get3A_2357 = tpu.vector_load %arg11[%get3A_2355, %get3A_2356] {strides = array<i32>} : memref<24x128xi32, #tpu.memory_space<vmem>>, vector<16xi32>,
    tpu.vector_store_idx %arg14[%get3A_2357], %broadcast_in_dim3A_5 {add = true} : memref<256xf32, #tpu.memory_space<vmem>>[vector<16xi32>], vector<16xf32>,
    %get3A_2358 = arith.constant 23 : i32
    %get3A_2359 = arith.index_cast %get3A_2358 : i32 to index
    %get3A_2360 = arith.constant 16 : index
    %get3A_2361 = tpu.vector_load %arg11[%get3A_2359, %get3A_2360] {strides = array<i32>} : memref<24x128xi32, #tpu.memory_space<vmem>>, vector<16xi32>,
    tpu.vector_store_idx %arg14[%get3A_2361], %broadcast_in_dim3A_5 {add = true} : memref<256xf32, #tpu.memory_space<vmem>>[vector<16xi32>], vector<16xf32>,
    %get3A_2362 = arith.constant 23 : i32
    %get3A_2363 = arith.index_cast %get3A_2362 : i32 to index
    %get3A_2364 = arith.constant 32 : index
    %get3A_2365 = tpu.vector_load %arg11[%get3A_2363, %get3A_2364] {strides = array<i32>} : memref<24x128xi32, #tpu.memory_space<vmem>>, vector<16xi32>,
    tpu.vector_store_idx %arg14[%get3A_2365], %broadcast_in_dim3A_5 {add = true} : memref<256xf32, #tpu.memory_space<vmem>>[vector<16xi32>], vector<16xf32>,
    %get3A_2366 = arith.constant 23 : i32
    %get3A_2367 = arith.index_cast %get3A_2366 : i32 to index
    %get3A_2368 = arith.constant 48 : index
    %get3A_2369 = tpu.vector_load %arg11[%get3A_2367, %get3A_2368] {strides = array<i32>} : memref<24x128xi32, #tpu.memory_space<vmem>>, vector<16xi32>,
    tpu.vector_store_idx %arg14[%get3A_2369], %broadcast_in_dim3A_5 {add = true} : memref<256xf32, #tpu.memory_space<vmem>>[vector<16xi32>], vector<16xf32>,
    %get3A_2370 = arith.constant 23 : i32
    %get3A_2371 = arith.index_cast %get3A_2370 : i32 to index
    %get3A_2372 = arith.constant 64 : index
    %get3A_2373 = tpu.vector_load %arg11[%get3A_2371, %get3A_2372] {strides = array<i32>} : memref<24x128xi32, #tpu.memory_space<vmem>>, vector<16xi32>,
    tpu.vector_store_idx %arg14[%get3A_2373], %broadcast_in_dim3A_5 {add = true} : memref<256xf32, #tpu.memory_space<vmem>>[vector<16xi32>], vector<16xf32>,
    %get3A_2374 = arith.constant 23 : i32
    %get3A_2375 = arith.index_cast %get3A_2374 : i32 to index
    %get3A_2376 = arith.constant 80 : index
    %get3A_2377 = tpu.vector_load %arg11[%get3A_2375, %get3A_2376] {strides = array<i32>} : memref<24x128xi32, #tpu.memory_space<vmem>>, vector<16xi32>,
    tpu.vector_store_idx %arg14[%get3A_2377], %broadcast_in_dim3A_5 {add = true} : memref<256xf32, #tpu.memory_space<vmem>>[vector<16xi32>], vector<16xf32>,
    %get3A_2378 = arith.constant 23 : i32
    %get3A_2379 = arith.index_cast %get3A_2378 : i32 to index
    %get3A_2380 = arith.constant 96 : index
    %get3A_2381 = tpu.vector_load %arg11[%get3A_2379, %get3A_2380] {strides = array<i32>} : memref<24x128xi32, #tpu.memory_space<vmem>>, vector<16xi32>,
    tpu.vector_store_idx %arg14[%get3A_2381], %broadcast_in_dim3A_5 {add = true} : memref<256xf32, #tpu.memory_space<vmem>>[vector<16xi32>], vector<16xf32>,
    %get3A_2382 = arith.constant 23 : i32
    %get3A_2383 = arith.index_cast %get3A_2382 : i32 to index
    %get3A_2384 = arith.constant 112 : index
    %get3A_2385 = tpu.vector_load %arg11[%get3A_2383, %get3A_2384] {strides = array<i32>} : memref<24x128xi32, #tpu.memory_space<vmem>>, vector<16xi32>,
    tpu.vector_store_idx %arg14[%get3A_2385], %broadcast_in_dim3A_5 {add = true} : memref<256xf32, #tpu.memory_space<vmem>>[vector<16xi32>], vector<16xf32>,
    %dma_wait3A_2386 = arith.constant 22 : i32
    %dma_wait3A_2387 = arith.constant 0 : i32
    %dma_wait3A_2388 = arith.constant 0 : i32
    %dma_wait3A_2389 = tpu.memref_slice %arg9[%dma_wait3A_2387, %dma_wait3A_2388] : memref<256x128xf32, #tpu.memory_space<vmem>> -> memref<128x128xf32, #tpu.memory_space<vmem>>
    %dma_wait3A_2390 = arith.constant 0 : i32
    %dma_wait3A_2391 = tpu.memref_slice %arg11[%dma_wait3A_2386, %dma_wait3A_2390] : memref<24x128xi32, #tpu.memory_space<vmem>> -> memref<1x128xi32, #tpu.memory_space<vmem>>
    %dma_wait3A_2392 = tpu.memref_squeeze %dma_wait3A_2391 : memref<1x128xi32, #tpu.memory_space<vmem>> -> memref<128xi32, #tpu.memory_space<vmem>>
    %dma_wait3A_2393 = arith.constant 0 : i32
    %dma_wait3A_2394 = arith.constant 0 : i32
    %dma_wait3A_2395 = tpu.memref_slice %arg6[%dma_wait3A_2393, %dma_wait3A_2394] : memref<256x128xf32, #tpu.memory_space<vmem_shared>> -> memref<256x128xf32, #tpu.memory_space<vmem_shared>>
    tpu.wait_indirect_dma semaphore(%arg19 : memref<!tpu.dma_semaphore, #tpu.memory_space<semaphore_mem>>) src(%dma_wait3A_2389 : memref<128x128xf32, #tpu.memory_space<vmem>>) dst(%dma_wait3A_2395 : memref<256x128xf32, #tpu.memory_space<vmem_shared>>)
    %dma_wait3A_2396 = arith.constant 23 : i32
    %dma_wait3A_2397 = arith.constant 128 : i32
    %dma_wait3A_2398 = arith.constant 0 : i32
    %dma_wait3A_2399 = tpu.memref_slice %arg9[%dma_wait3A_2397, %dma_wait3A_2398] : memref<256x128xf32, #tpu.memory_space<vmem>> -> memref<128x128xf32, #tpu.memory_space<vmem>>
    %dma_wait3A_2400 = arith.constant 0 : i32
    %dma_wait3A_2401 = tpu.memref_slice %arg11[%dma_wait3A_2396, %dma_wait3A_2400] : memref<24x128xi32, #tpu.memory_space<vmem>> -> memref<1x128xi32, #tpu.memory_space<vmem>>
    %dma_wait3A_2402 = tpu.memref_squeeze %dma_wait3A_2401 : memref<1x128xi32, #tpu.memory_space<vmem>> -> memref<128xi32, #tpu.memory_space<vmem>>
    %dma_wait3A_2403 = arith.constant 0 : i32
    %dma_wait3A_2404 = arith.constant 0 : i32
    %dma_wait3A_2405 = tpu.memref_slice %arg6[%dma_wait3A_2403, %dma_wait3A_2404] : memref<256x128xf32, #tpu.memory_space<vmem_shared>> -> memref<256x128xf32, #tpu.memory_space<vmem_shared>>
    tpu.wait_indirect_dma semaphore(%arg19 : memref<!tpu.dma_semaphore, #tpu.memory_space<semaphore_mem>>) src(%dma_wait3A_2399 : memref<128x128xf32, #tpu.memory_space<vmem>>) dst(%dma_wait3A_2405 : memref<256x128xf32, #tpu.memory_space<vmem_shared>>)
    %lt3A_2406 = arith.constant 13 : i32
    %lt3A_2407 = arith.cmpi slt, %add3A, %lt3A_2406 : i32
    %convert_element_type3A_2408 = arith.extui %lt3A_2407 : i1 to i32
    %cond3A_2409 = arith.constant 0 : i32
    %cond3A_2410 = arith.cmpi ne, %convert_element_type3A_2408, %cond3A_2409 : i32
    scf.if %cond3A_2410 {
      %dma_wait3A_2417 = tpu.memref_slice %arg3[%add3A_565] : memref<100000xi32, #tpu.memory_space<hbm>> -> memref<128xi32, #tpu.memory_space<hbm>>
      %dma_wait3A_2418 = tpu.memref_slice %arg3[%add3A_565] : memref<100000xi32, #tpu.memory_space<hbm>> -> memref<128xi32, #tpu.memory_space<hbm>>
      tpu.wait_dma2 semaphore(%arg21 : memref<!tpu.dma_semaphore, #tpu.memory_space<semaphore_mem>>) src(%dma_wait3A_2418 : memref<128xi32, #tpu.memory_space<hbm>>) dst(%arg12 : memref<128xi32, #tpu.memory_space<vmem>>)
      %dma_wait3A_2419 = arith.constant 0 : i32
      %dma_wait3A_2420 = tpu.memref_slice %arg2[%add3A_565, %dma_wait3A_2419] : memref<100000x128xf32, #tpu.memory_space<hbm>> -> memref<128x128xf32, #tpu.memory_space<hbm>>
      %dma_wait3A_2421 = arith.constant 0 : i32
      %dma_wait3A_2422 = tpu.memref_slice %arg2[%add3A_565, %dma_wait3A_2421] : memref<100000x128xf32, #tpu.memory_space<hbm>> -> memref<128x128xf32, #tpu.memory_space<hbm>>
      tpu.wait_dma2 semaphore(%arg21 : memref<!tpu.dma_semaphore, #tpu.memory_space<semaphore_mem>>) src(%dma_wait3A_2422 : memref<128x128xf32, #tpu.memory_space<hbm>>) dst(%arg10 : memref<128x128xf32, #tpu.memory_space<vmem>>)
      "tpu.region"() ({
        %run_scoped3A = tpu.sem_alloc : memref<!tpu.dma_semaphore, #tpu.memory_space<semaphore_mem>>
        %dma_start3A_2439 = arith.constant 0 : i32
        %dma_start3A_2440 = arith.constant 0 : i32
        %dma_start3A_2441 = tpu.memref_slice %arg6[%dma_start3A_2439, %dma_start3A_2440] : memref<256x128xf32, #tpu.memory_space<vmem_shared>> -> memref<256x128xf32, #tpu.memory_space<vmem_shared>>
        tpu.enqueue_indirect_dma source(%arg10 : memref<128x128xf32, #tpu.memory_space<vmem>>) target(%dma_start3A_2441 : memref<256x128xf32, #tpu.memory_space<vmem_shared>>) offsets(%arg12 : memref<128xi32, #tpu.memory_space<vmem>>) semaphore(%run_scoped3A : memref<!tpu.dma_semaphore, #tpu.memory_space<semaphore_mem>>) {add = true}
        %dma_wait3A_2442 = arith.constant 0 : i32
        %dma_wait3A_2443 = arith.constant 0 : i32
        %dma_wait3A_2444 = tpu.memref_slice %arg6[%dma_wait3A_2442, %dma_wait3A_2443] : memref<256x128xf32, #tpu.memory_space<vmem_shared>> -> memref<256x128xf32, #tpu.memory_space<vmem_shared>>
        tpu.wait_indirect_dma semaphore(%run_scoped3A : memref<!tpu.dma_semaphore, #tpu.memory_space<semaphore_mem>>) src(%arg10 : memref<128x128xf32, #tpu.memory_space<vmem>>) dst(%dma_wait3A_2444 : memref<256x128xf32, #tpu.memory_space<vmem_shared>>)
        tpu.yield
      }) : () -> ()
      %get3A_2423 = arith.constant 0 : index
      %get3A_2424 = tpu.vector_load %arg12[%get3A_2423] {strides = array<i32>} : memref<128xi32, #tpu.memory_space<vmem>>, vector<16xi32>,
      tpu.vector_store_idx %arg14[%get3A_2424], %broadcast_in_dim3A_5 {add = true} : memref<256xf32, #tpu.memory_space<vmem>>[vector<16xi32>], vector<16xf32>,
      %get3A_2425 = arith.constant 16 : index
      %get3A_2426 = tpu.vector_load %arg12[%get3A_2425] {strides = array<i32>} : memref<128xi32, #tpu.memory_space<vmem>>, vector<16xi32>,
      tpu.vector_store_idx %arg14[%get3A_2426], %broadcast_in_dim3A_5 {add = true} : memref<256xf32, #tpu.memory_space<vmem>>[vector<16xi32>], vector<16xf32>,
      %get3A_2427 = arith.constant 32 : index
      %get3A_2428 = tpu.vector_load %arg12[%get3A_2427] {strides = array<i32>} : memref<128xi32, #tpu.memory_space<vmem>>, vector<16xi32>,
      tpu.vector_store_idx %arg14[%get3A_2428], %broadcast_in_dim3A_5 {add = true} : memref<256xf32, #tpu.memory_space<vmem>>[vector<16xi32>], vector<16xf32>,
      %get3A_2429 = arith.constant 48 : index
      %get3A_2430 = tpu.vector_load %arg12[%get3A_2429] {strides = array<i32>} : memref<128xi32, #tpu.memory_space<vmem>>, vector<16xi32>,
      tpu.vector_store_idx %arg14[%get3A_2430], %broadcast_in_dim3A_5 {add = true} : memref<256xf32, #tpu.memory_space<vmem>>[vector<16xi32>], vector<16xf32>,
      %get3A_2431 = arith.constant 64 : index
      %get3A_2432 = tpu.vector_load %arg12[%get3A_2431] {strides = array<i32>} : memref<128xi32, #tpu.memory_space<vmem>>, vector<16xi32>,
      tpu.vector_store_idx %arg14[%get3A_2432], %broadcast_in_dim3A_5 {add = true} : memref<256xf32, #tpu.memory_space<vmem>>[vector<16xi32>], vector<16xf32>,
      %get3A_2433 = arith.constant 80 : index
      %get3A_2434 = tpu.vector_load %arg12[%get3A_2433] {strides = array<i32>} : memref<128xi32, #tpu.memory_space<vmem>>, vector<16xi32>,
      tpu.vector_store_idx %arg14[%get3A_2434], %broadcast_in_dim3A_5 {add = true} : memref<256xf32, #tpu.memory_space<vmem>>[vector<16xi32>], vector<16xf32>,
      %get3A_2435 = arith.constant 96 : index
      %get3A_2436 = tpu.vector_load %arg12[%get3A_2435] {strides = array<i32>} : memref<128xi32, #tpu.memory_space<vmem>>, vector<16xi32>,
      tpu.vector_store_idx %arg14[%get3A_2436], %broadcast_in_dim3A_5 {add = true} : memref<256xf32, #tpu.memory_space<vmem>>[vector<16xi32>], vector<16xf32>,
      %get3A_2437 = arith.constant 112 : index
      %get3A_2438 = tpu.vector_load %arg12[%get3A_2437] {strides = array<i32>} : memref<128xi32, #tpu.memory_space<vmem>>, vector<16xi32>,
      tpu.vector_store_idx %arg14[%get3A_2438], %broadcast_in_dim3A_5 {add = true} : memref<256xf32, #tpu.memory_space<vmem>>[vector<16xi32>], vector<16xf32>,
    } else {
    }
    %eq3A_2411 = arith.constant 13 : i32
    %eq3A_2412 = arith.cmpi eq, %add3A, %eq3A_2411 : i32
    %convert_element_type3A_2413 = arith.extui %eq3A_2412 : i1 to i32
    %cond3A_2414 = arith.constant 0 : i32
    %cond3A_2415 = arith.cmpi ne, %convert_element_type3A_2413, %cond3A_2414 : i32
    scf.if %cond3A_2415 {
      %dma_wait3A_2417 = arith.constant 99968 : i32
      %dma_wait3A_2418 = tpu.memref_slice %arg3[%dma_wait3A_2417] : memref<100000xi32, #tpu.memory_space<hbm>> -> memref<32xi32, #tpu.memory_space<hbm>>
      %dma_wait3A_2419 = arith.constant 99968 : i32
      %dma_wait3A_2420 = tpu.memref_slice %arg3[%dma_wait3A_2419] : memref<100000xi32, #tpu.memory_space<hbm>> -> memref<32xi32, #tpu.memory_space<hbm>>
      tpu.wait_dma2 semaphore(%arg21 : memref<!tpu.dma_semaphore, #tpu.memory_space<semaphore_mem>>) src(%dma_wait3A_2420 : memref<32xi32, #tpu.memory_space<hbm>>) dst(%arg13 : memref<32xi32, #tpu.memory_space<vmem>>)
      %dma_wait3A_2421 = arith.constant 0 : i32
      %dma_wait3A_2422 = arith.constant 0 : i32
      %dma_wait3A_2423 = tpu.memref_slice %arg10[%dma_wait3A_2421, %dma_wait3A_2422] : memref<128x128xf32, #tpu.memory_space<vmem>> -> memref<32x128xf32, #tpu.memory_space<vmem>>
      %dma_wait3A_2424 = arith.constant 99968 : i32
      %dma_wait3A_2425 = arith.constant 0 : i32
      %dma_wait3A_2426 = tpu.memref_slice %arg2[%dma_wait3A_2424, %dma_wait3A_2425] : memref<100000x128xf32, #tpu.memory_space<hbm>> -> memref<32x128xf32, #tpu.memory_space<hbm>>
      %dma_wait3A_2427 = arith.constant 0 : i32
      %dma_wait3A_2428 = arith.constant 0 : i32
      %dma_wait3A_2429 = tpu.memref_slice %arg10[%dma_wait3A_2427, %dma_wait3A_2428] : memref<128x128xf32, #tpu.memory_space<vmem>> -> memref<32x128xf32, #tpu.memory_space<vmem>>
      %dma_wait3A_2430 = arith.constant 99968 : i32
      %dma_wait3A_2431 = arith.constant 0 : i32
      %dma_wait3A_2432 = tpu.memref_slice %arg2[%dma_wait3A_2430, %dma_wait3A_2431] : memref<100000x128xf32, #tpu.memory_space<hbm>> -> memref<32x128xf32, #tpu.memory_space<hbm>>
      tpu.wait_dma2 semaphore(%arg21 : memref<!tpu.dma_semaphore, #tpu.memory_space<semaphore_mem>>) src(%dma_wait3A_2432 : memref<32x128xf32, #tpu.memory_space<hbm>>) dst(%dma_wait3A_2429 : memref<32x128xf32, #tpu.memory_space<vmem>>)
      "tpu.region"() ({
        %run_scoped3A = tpu.sem_alloc : memref<!tpu.dma_semaphore, #tpu.memory_space<semaphore_mem>>
        %dma_start3A_2437 = arith.constant 0 : i32
        %dma_start3A_2438 = arith.constant 0 : i32
        %dma_start3A_2439 = tpu.memref_slice %arg10[%dma_start3A_2437, %dma_start3A_2438] : memref<128x128xf32, #tpu.memory_space<vmem>> -> memref<32x128xf32, #tpu.memory_space<vmem>>
        %dma_start3A_2440 = arith.constant 0 : i32
        %dma_start3A_2441 = arith.constant 0 : i32
        %dma_start3A_2442 = tpu.memref_slice %arg6[%dma_start3A_2440, %dma_start3A_2441] : memref<256x128xf32, #tpu.memory_space<vmem_shared>> -> memref<256x128xf32, #tpu.memory_space<vmem_shared>>
        tpu.enqueue_indirect_dma source(%dma_start3A_2439 : memref<32x128xf32, #tpu.memory_space<vmem>>) target(%dma_start3A_2442 : memref<256x128xf32, #tpu.memory_space<vmem_shared>>) offsets(%arg13 : memref<32xi32, #tpu.memory_space<vmem>>) semaphore(%run_scoped3A : memref<!tpu.dma_semaphore, #tpu.memory_space<semaphore_mem>>) {add = true}
        %dma_wait3A_2443 = arith.constant 0 : i32
        %dma_wait3A_2444 = arith.constant 0 : i32
        %dma_wait3A_2445 = tpu.memref_slice %arg10[%dma_wait3A_2443, %dma_wait3A_2444] : memref<128x128xf32, #tpu.memory_space<vmem>> -> memref<32x128xf32, #tpu.memory_space<vmem>>
        %dma_wait3A_2446 = arith.constant 0 : i32
        %dma_wait3A_2447 = arith.constant 0 : i32
        %dma_wait3A_2448 = tpu.memref_slice %arg6[%dma_wait3A_2446, %dma_wait3A_2447] : memref<256x128xf32, #tpu.memory_space<vmem_shared>> -> memref<256x128xf32, #tpu.memory_space<vmem_shared>>
        tpu.wait_indirect_dma semaphore(%run_scoped3A : memref<!tpu.dma_semaphore, #tpu.memory_space<semaphore_mem>>) src(%dma_wait3A_2445 : memref<32x128xf32, #tpu.memory_space<vmem>>) dst(%dma_wait3A_2448 : memref<256x128xf32, #tpu.memory_space<vmem_shared>>)
        tpu.yield
      }) : () -> ()
      %get3A_2433 = arith.constant 0 : index
      %get3A_2434 = tpu.vector_load %arg13[%get3A_2433] {strides = array<i32>} : memref<32xi32, #tpu.memory_space<vmem>>, vector<16xi32>,
      tpu.vector_store_idx %arg14[%get3A_2434], %broadcast_in_dim3A_5 {add = true} : memref<256xf32, #tpu.memory_space<vmem>>[vector<16xi32>], vector<16xf32>,
      %get3A_2435 = arith.constant 16 : index
      %get3A_2436 = tpu.vector_load %arg13[%get3A_2435] {strides = array<i32>} : memref<32xi32, #tpu.memory_space<vmem>>, vector<16xi32>,
      tpu.vector_store_idx %arg14[%get3A_2436], %broadcast_in_dim3A_5 {add = true} : memref<256xf32, #tpu.memory_space<vmem>>[vector<16xi32>], vector<16xf32>,
    } else {
    }
    %barrier3A_2416 = arith.constant 0 : index
    tpu.barrier barrier_id(%barrier3A_2416)
    "tpu.region"() ({
      %run_scoped3A = tpu.sem_alloc : memref<!tpu.dma_semaphore, #tpu.memory_space<semaphore_mem>>
      %dma_start3A_2417 = arith.constant 0 : i32
      %dma_start3A_2418 = tpu.memref_slice %arg4[%arg0, %mul3A_550, %dma_start3A_2417] : memref<2x256x128xf32, #tpu.memory_space<hbm>> -> memref<1x16x128xf32, #tpu.memory_space<hbm>>
      %dma_start3A_2419 = tpu.memref_squeeze %dma_start3A_2418 : memref<1x16x128xf32, #tpu.memory_space<hbm>> -> memref<16x128xf32, #tpu.memory_space<hbm>>
      %dma_start3A_2420 = arith.constant 0 : i32
      %dma_start3A_2421 = tpu.memref_slice %arg6[%mul3A_550, %dma_start3A_2420] : memref<256x128xf32, #tpu.memory_space<vmem_shared>> -> memref<16x128xf32, #tpu.memory_space<vmem_shared>>
      tpu.enqueue_dma source(%dma_start3A_2421 : memref<16x128xf32, #tpu.memory_space<vmem_shared>>) target(%dma_start3A_2419 : memref<16x128xf32, #tpu.memory_space<hbm>>) target_semaphore(%run_scoped3A : memref<!tpu.dma_semaphore, #tpu.memory_space<semaphore_mem>>)
      %dma_wait3A_2422 = arith.constant 0 : i32
      %dma_wait3A_2423 = tpu.memref_slice %arg4[%arg0, %mul3A_550, %dma_wait3A_2422] : memref<2x256x128xf32, #tpu.memory_space<hbm>> -> memref<1x16x128xf32, #tpu.memory_space<hbm>>
      %dma_wait3A_2424 = tpu.memref_squeeze %dma_wait3A_2423 : memref<1x16x128xf32, #tpu.memory_space<hbm>> -> memref<16x128xf32, #tpu.memory_space<hbm>>
      %dma_wait3A_2425 = arith.constant 0 : i32
      %dma_wait3A_2426 = tpu.memref_slice %arg6[%mul3A_550, %dma_wait3A_2425] : memref<256x128xf32, #tpu.memory_space<vmem_shared>> -> memref<16x128xf32, #tpu.memory_space<vmem_shared>>
      tpu.wait_dma2 semaphore(%run_scoped3A : memref<!tpu.dma_semaphore, #tpu.memory_space<semaphore_mem>>) src(%dma_wait3A_2426 : memref<16x128xf32, #tpu.memory_space<vmem_shared>>) dst(%dma_wait3A_2424 : memref<16x128xf32, #tpu.memory_space<hbm>>)
      tpu.yield
    }) : () -> ()
    "tpu.region"() ({
      %run_scoped3A = tpu.sem_alloc : memref<!tpu.dma_semaphore, #tpu.memory_space<semaphore_mem>>
      %dma_start3A_2417 = arith.constant 0 : i32
      %dma_start3A_2418 = tpu.memref_slice %arg5[%add3A, %dma_start3A_2417] : memref<32x256xf32, #tpu.memory_space<hbm>> -> memref<1x256xf32, #tpu.memory_space<hbm>>
      %dma_start3A_2419 = tpu.memref_squeeze %dma_start3A_2418 : memref<1x256xf32, #tpu.memory_space<hbm>> -> memref<256xf32, #tpu.memory_space<hbm>>
      %dma_start3A_2420 = arith.constant 0 : i32
      %dma_start3A_2421 = tpu.memref_slice %arg5[%add3A, %dma_start3A_2420] : memref<32x256xf32, #tpu.memory_space<hbm>> -> memref<1x256xf32, #tpu.memory_space<hbm>>
      %dma_start3A_2422 = tpu.memref_squeeze %dma_start3A_2421 : memref<1x256xf32, #tpu.memory_space<hbm>> -> memref<256xf32, #tpu.memory_space<hbm>>
      tpu.enqueue_dma source(%arg14 : memref<256xf32, #tpu.memory_space<vmem>>) target(%dma_start3A_2422 : memref<256xf32, #tpu.memory_space<hbm>>) target_semaphore(%run_scoped3A : memref<!tpu.dma_semaphore, #tpu.memory_space<semaphore_mem>>)
      %dma_wait3A_2423 = arith.constant 0 : i32
      %dma_wait3A_2424 = tpu.memref_slice %arg5[%add3A, %dma_wait3A_2423] : memref<32x256xf32, #tpu.memory_space<hbm>> -> memref<1x256xf32, #tpu.memory_space<hbm>>
      %dma_wait3A_2425 = tpu.memref_squeeze %dma_wait3A_2424 : memref<1x256xf32, #tpu.memory_space<hbm>> -> memref<256xf32, #tpu.memory_space<hbm>>
      %dma_wait3A_2426 = arith.constant 0 : i32
      %dma_wait3A_2427 = tpu.memref_slice %arg5[%add3A, %dma_wait3A_2426] : memref<32x256xf32, #tpu.memory_space<hbm>> -> memref<1x256xf32, #tpu.memory_space<hbm>>
      %dma_wait3A_2428 = tpu.memref_squeeze %dma_wait3A_2427 : memref<1x256xf32, #tpu.memory_space<hbm>> -> memref<256xf32, #tpu.memory_space<hbm>>
      tpu.wait_dma2 semaphore(%run_scoped3A : memref<!tpu.dma_semaphore, #tpu.memory_space<semaphore_mem>>) src(%arg14 : memref<256xf32, #tpu.memory_space<vmem>>) dst(%dma_wait3A_2428 : memref<256xf32, #tpu.memory_space<hbm>>)
      tpu.yield
    }) : () -> ()
    return
  }
}

module attributes {stable_mosaic.version = 14 : i64} {
  func.func @_combine_body(%arg0: memref<2x256x128xf32, #tpu.memory_space<vmem>>, %arg1: memref<32x256xf32, #tpu.memory_space<vmem>>, %arg2: memref<256x128xf32, #tpu.memory_space<vmem>>) attributes {dimension_semantics = [], scalar_prefetch = 0 : i64, scratch_operands = 0 : i64, tpu.core_type = #tpu.core_type<tc>} {
    %get3A = arith.constant 0 : index
    %get3A_0 = arith.constant 0 : index
    %get3A_1 = arith.constant 0 : index
    %get3A_2 = vector.load %arg0[%get3A, %get3A_0, %get3A_1] : memref<2x256x128xf32, #tpu.memory_space<vmem>>, vector<1x256x128xf32>
    %get3A_3 = vector.shape_cast %get3A_2 : vector<1x256x128xf32> to vector<256x128xf32>
    %get3A_4 = arith.constant 1 : index
    %get3A_5 = arith.constant 0 : index
    %get3A_6 = arith.constant 0 : index
    %get3A_7 = vector.load %arg0[%get3A_4, %get3A_5, %get3A_6] : memref<2x256x128xf32, #tpu.memory_space<vmem>>, vector<1x256x128xf32>
    %get3A_8 = vector.shape_cast %get3A_7 : vector<1x256x128xf32> to vector<256x128xf32>
    %add3A = arith.addf %get3A_3, %get3A_8 : vector<256x128xf32>
    %get3A_9 = arith.constant 0 : index
    %get3A_10 = arith.constant 0 : index
    %get3A_11 = vector.load %arg1[%get3A_9, %get3A_10] : memref<32x256xf32, #tpu.memory_space<vmem>>, vector<32x256xf32>
    %reduce_sum3A = arith.constant dense<0.000000e+00> : vector<256xf32>
    %reduce_sum3A_12 = vector.multi_reduction <add>, %get3A_11, %reduce_sum3A [0] : vector<32x256xf32> to vector<256xf32>
    %broadcast_in_dim3A = vector.shape_cast %reduce_sum3A_12 : vector<256xf32> to vector<1x256xf32>
    %transpose3A = tpu.transpose %broadcast_in_dim3A, [1, 0] : vector<1x256xf32> -> vector<256x1xf32>
    %jit3A = arith.constant 1.000000e+00 : f32
    %max3A = vector.broadcast %jit3A : f32 to vector<256x1xf32>
    %max3A_13 = arith.maximumf %max3A, %transpose3A : vector<256x1xf32>
    %div3A = vector.broadcast %max3A_13 : vector<256x1xf32> to vector<256x128xf32>
    %div3A_14 = arith.divf %add3A, %div3A : vector<256x128xf32>
    %swap3A = arith.constant 0 : index
    %swap3A_15 = arith.constant 0 : index
    %swap3A_16 = vector.load %arg2[%swap3A, %swap3A_15] : memref<256x128xf32, #tpu.memory_space<vmem>>, vector<256x128xf32>
    tpu.vector_store %arg2[%swap3A, %swap3A_15], %div3A_14 {strides = array<i32>} : memref<256x128xf32, #tpu.memory_space<vmem>>, vector<256x128xf32>,
    return
  }
}

</mosaic_0001>

<sc_bundles>
// kernel: kernel.4.cloned.1.call-start
scs
__scs_entry_jumppad:
0x0: {  	(pc) =	sbr.rel $0x88, $3  }
0x1: {  	(tag) =	ssettag $0x0;
	lr =	simm.s32 $0x1  }
0x2: {  	[smem:$0x3F9F] =	sst lr;
	_ =	strace $0xD0000000  }
0x3: {  	_ = 	snop  }
0x4: {  	_ = 	snop  }
0x5: {  	_ = 	snop  }
0x6: {  	_ = 	snop  }
0x7: {  	_ = 	snop  }
__scs_overlays_trampoline_lowered:
0x8: {  	[smem:$0x3FAE] =	sst s0  }
0x9: {  	[smem:$0x3FAF] =	sst s1  }
0xa: {  	[smem:$0x3FB0] =	sst s2  }
0xb: {  	[smem:$0x3FB1] =	sst s3  }
0xc: {  	[smem:$0x3FB2] =	sst s4  }
0xd: {  	[smem:$0x3FB3] =	sst s5  }
0xe: {  	[smem:$0x3FB4] =	sst s6  }
0xf: {  	[smem:$0x3FB5] =	sst s7  }
0x10: {  	[smem:$0x3FB6] =	sst s8  }
0x11: {  	[smem:$0x3FB7] =	sst s9;
	s0 =	simm.s32 @!p0 $0x0  }
0x12: {  	s1 =	sld [smem:$0x3F9D];
	s0 =	simm.s32 @p0 $0x1  }
0x13: {  	[smem:$0x3FB8] =	sst s0;
	s0 =	simm.s32 @!p1 $0x0  }
0x14: {  	s2 =	sld [smem:$0x3F9C];
	s0 =	simm.s32 @p1 $0x1  }
0x15: {  	[smem:$0x3FB9] =	sst s0;
	s0 =	simm.s32 @!p2 $0x0  }
0x16: {  	s3 =	sld [smem:$0x3FDB];
	s0 =	simm.s32 @p2 $0x1  }
0x17: {  	s4 =	simm.s32 $0x1BF5;
	[smem:$0x3FBB] =	sst s0  }
0x18: {  	s0 =	sld [smem:$0x3F9E];
	_ =	swait.ge [sflag:s4], $0x0  }
0x19: {  	s7 =	sld [smem:$0x3F9F]  }
0x1a: {  	s8 =	sadd.s32 $0xFFFFE003, lr  }
0x1b: {  	s9 =	sadd.s32 $0xFFFFFEF7, lr;
	s5 =	simm.s32 $0xFFFFFFFF;
	p2 =	slt.u32 s8, $0xFFFFF086  }
0x1c: {  	p1 =	slt.u32 s9, $0xF7A;
	s5 =	simm.s32 @!p2 $0x0  }
0x1d: {  	s5 =	simm.s32 @p1 $0x1;
	p0 =	seq.s32 s7, s2  }
0x1e: {  	s7 =	smul.u32 @!p0 $0xF7A, s2;
	p2 =	seq.s32 @!p0 s5, $0x0  }
0x1f: {  	s9 =	smul.u32 $0xF7A, s1;
	s8 =	simm.s32 @!p0 $0x1BF5;
	p2 =	por !p2, p0  }
0x20: {  	[sflag:s8] =	ssyncset.s32 @!p0 $0xFFFFF086;
	s6 =	sadd.s32 @!p0 s3, s7;
	s7 =	simm.s32 @!p0 $0x108  }
0x21: {  	s3 =	sadd.s32 s3, s9;
	s6 =	sadd.s32 @!p0 $0x88, s6;
	s7 =	simm.s32 @p2 $0x1082  }
0x22: {  	[simem:s7], [sflag:s8] =	dma.local @!p0 [hbm:s6], $0xF7A  }
0x23: {  	s9 =	sor.u32 $0xD0000000, s2;
	s6 =	simm.s32 $0x108;
	_ =	swait.ge @!p0 [sflag:s8], $0x0  }
0x24: {  	s3 =	sadd.s32 $0x88, s3;
	s6 =	simm.s32 @!p1 $0x1082;
	[sflag:s4] =	ssyncset.s32 $0xFFFFF086  }
0x25: {  	[simem:s6], [sflag:s4] =	dma.local [hbm:s3], $0xF7A  }
0x26: {  	[smem:$0x3F9F] =	sst s1;
	(tag) =	ssettag s2;
	_ =	strace s9  }
0x27: {  	s1 =	sld [smem:$0x3FAF]  }
0x28: {  	s2 =	sld [smem:$0x3FB0]  }
0x29: {  	s4 =	sld [smem:$0x3FB2]  }
0x2a: {  	p0 =	seq.s32 s5, $0x0;
	s5 =	sld [smem:$0x3FB3]  }
0x2b: {  	s6 =	sld [smem:$0x3FB4]  }
0x2c: {  	s7 =	sld [smem:$0x3FB5]  }
0x2d: {  	s3 =	simm.s32 $0x108;
	s8 =	sld [smem:$0x3FB6]  }
0x2e: {  	s3 =	simm.s32 @!p0 $0x1082;
	s9 =	sld [smem:$0x3FB7]  }
0x2f: {  	lr =	sadd.s32 s0, s3;
	s0 =	sld [smem:$0x3FAE]  }
0x30: {  	s3 =	sld [smem:$0x3FB1]  }
0x31: {  	[smem:$0x3FBA] =	sst s10  }
0x32: {  	s10 =	sld [smem:$0x3FB8];
	_ =	sdelay $0x3  }
0x33: {  	p0 =	seq.s32 s10, $0x1;
	s10 =	sld [smem:$0x3FBA];
	_ =	sdelay $0x3  }
0x34: {  	[smem:$0x3FBA] =	sst s10  }
0x35: {  	s10 =	sld [smem:$0x3FB9];
	_ =	sdelay $0x3  }
0x36: {  	p1 =	seq.s32 s10, $0x1;
	s10 =	sld [smem:$0x3FBA];
	_ =	sdelay $0x3  }
0x37: {  	[smem:$0x3FBA] =	sst s10  }
0x38: {  	s10 =	sld [smem:$0x3FBB]  }
0x39: {  	_ = 	snop;
	(pc) =	sbr.ind lr, $3  }
0x3a: {  	_ = 	snop  }
0x3b: {  	_ = 	snop  }
0x3c: {  	p2 =	seq.s32 s10, $0x1;
	s10 =	sld [smem:$0x3FBA]  }
0x3d: {  	_ =	shalt  }
0x3e: {  	_ =	shalt  }
0x3f: {  	_ =	shalt  }
0x40: {  	_ =	shalt  }
0x41: {  	_ =	shalt  }
0x42: {  	_ =	shalt  }
0x43: {  	_ =	shalt  }
0x44: {  	_ =	shalt  }
0x45: {  	_ =	shalt  }
0x46: {  	_ =	shalt  }
0x47: {  	_ =	shalt  }
0x48: {  	_ =	shalt  }
0x49: {  	_ =	shalt  }
0x4a: {  	_ =	shalt  }
0x4b: {  	_ =	shalt  }
0x4c: {  	_ =	shalt  }
0x4d: {  	_ =	shalt  }
0x4e: {  	_ =	shalt  }
0x4f: {  	_ =	shalt  }
0x50: {  	_ =	shalt  }
0x51: {  	_ =	shalt  }
0x52: {  	_ =	shalt  }
0x53: {  	_ =	shalt  }
0x54: {  	_ =	shalt  }
0x55: {  	_ =	shalt  }
0x56: {  	_ =	shalt  }
0x57: {  	_ =	shalt  }
0x58: {  	_ =	shalt  }
0x59: {  	_ =	shalt  }
0x5a: {  	_ =	shalt  }
0x5b: {  	_ =	shalt  }
0x5c: {  	_ =	shalt  }
0x5d: {  	_ =	shalt  }
0x5e: {  	_ =	shalt  }
0x5f: {  	_ =	shalt  }
0x60: {  	_ =	shalt  }
0x61: {  	_ =	shalt  }
0x62: {  	_ =	shalt  }
0x63: {  	_ =	shalt  }
0x64: {  	_ =	shalt  }
0x65: {  	_ =	shalt  }
0x66: {  	_ =	shalt  }
0x67: {  	_ =	shalt  }
0x68: {  	_ =	shalt  }
0x69: {  	_ =	shalt  }
0x6a: {  	_ =	shalt  }
0x6b: {  	_ =	shalt  }
0x6c: {  	_ =	shalt  }
0x6d: {  	_ =	shalt  }
0x6e: {  	_ =	shalt  }
0x6f: {  	_ =	shalt  }
0x70: {  	_ =	shalt  }
0x71: {  	_ =	shalt  }
0x72: {  	_ =	shalt  }
0x73: {  	_ =	shalt  }
0x74: {  	_ =	shalt  }
0x75: {  	_ =	shalt  }
0x76: {  	_ =	shalt  }
0x77: {  	_ =	shalt  }
0x78: {  	_ =	shalt  }
0x79: {  	_ =	shalt  }
0x7a: {  	_ =	shalt  }
0x7b: {  	_ =	shalt  }
0x7c: {  	_ =	shalt  }
0x7d: {  	_ =	shalt  }
0x7e: {  	_ =	shalt  }
0x7f: {  	_ =	shalt  }
0x80: {  	_ =	shalt  }
0x81: {  	_ =	shalt  }
0x82: {  	_ =	shalt  }
0x83: {  	_ =	shalt  }
0x84: {  	_ =	shalt  }
0x85: {  	_ =	shalt  }
0x86: {  	_ =	shalt  }
0x87: {  	_ =	shalt  }
.Lfunc_end0:
.L_simem_size_0:
called_computation_lowered:
.L_overlay_start_0:
0x88: {  	s2 =	sld [smem:$0x3FD9]  }
0x89: {  	s3 =	sld [smem:$0x3FFE];
	_ =	sdelay $0x1  }
0x8a: {  	s1 =	srdreg.scid  }
0x8b: {  	s0 =	sand.u32 $0x1, s1  }
0x8c: {  	s17 =	sshll.u32 s0, $0xA;
	s2 =	sadd.s32 s3, s2  }
0x8d: {  	s2 =	sadd.s32 s2, s17  }
0x8e: {  	[smem:$0x3FC6] =	sst s2  }
0x8f: {  	_ = 	snop  }
0x90: {  	s2 =	sld [smem:$0x3FC9]  }
0x91: {  	s18 =	sld [smem:$0x3FC8]  }
0x92: {  	s4 =	sld [smem:$0x3FD0];
	(tm) =	ssettm $0x1  }
0x93: {  	s5 =	sld [smem:$0x3FFB];
	_ =	sdelay $0x3  }
0x94: {  	_ =	strace s5  }
0x95: {  	s5 =	sld [smem:$0x3FFC];
	_ =	sdelay $0x3  }
0x96: {  	_ =	strace s5  }
0x97: {  	s5 =	sld [smem:$0x3FFD];
	_ =	sdelay $0x3  }
0x98: {  	_ =	strace s5  }
0x99: {  	_ =	strace $0x8FFFFFFF  }
0x9a: {  	s19 =	sld [smem:$0x3FDB];
	_ =	sdelay $0x1  }
0x9b: {  	s6 =	simm.s32 $_scs_section_size  }
0x9c: {  	s7 =	simm.s32 $_size__tile_overlayer_lowered;
	s8 =	simm.s32 $_tile_overlayer_lowered  }
0x9d: {  	s22 =	simm.s32 $0x1BFF;
	s21 =	sshll.u32 s8, $0x1;
	s5 =	sadd.s32 s6, s19  }
0x9e: {  	s9 =	simm.s32 $0x0;
	s20 =	sshll.u32 s7, $0x1;
	s7 =	sadd.s32 s21, s5  }
0x9f: {  	[timem:s9], [sflag:s22] =	dma.local [hbm:s7], s20  }
0xa0: {  	_ =	swait.ge [sflag:s22], s20  }
0xa1: {  	s6 =	ssub.s32 $0x0, s20;
	[sflag:s22] =	ssyncset.done $0x0  }
0xa2: {  	[sflag:s22] =	ssyncadd.s32 s6;
	_ =	sdelay $0x1  }
0xa3: {  	s23 =	simm.s32 $0x1B8B  }
0xa4: {  	_ =	swait.ge [sflag:s23], $0x1  }
0xa5: {  	[sflag:s23] =	ssyncset.done $0x0  }
0xa6: {  	s25 =	simm.s32 $0x1B8E;
	s24 =	sld [smem:$0x3FFE];
	[sflag:s23] =	ssyncadd.s32 $0xFFFFFFFF  }
0xa7: {  	s26 =	simm.s32 $execute0_lowered;
	[smem:$0x3FD2] =	sst s25  }
0xa8: {  	s7 =	sshll.u32 s26, $0x1;
	_ =	strace $0x80000046;
	[dreg:$0x1] =	wrdreg $0xFFFFFFFF  }
0xa9: {  	s28 =	simm.s32 $_size_execute0_lowered;
	s5 =	sadd.s32 s5, s7;
	[dreg:$0x0] =	wrdreg $0x0  }
0xaa: {  	s7 =	sshll.u32 s28, $0x1;
	[dreg:$0x2] =	wrdreg s5  }
0xab: {  	[dreg:$0x3] =	wrdreg s7  }
0xac: {  	[dreg:$0x4] =	wrdreg $0xC0  }
0xad: {  	_ =	task [dreg:s9], $0x5FFFF  }
0xae: {  	[dreg:$0x1] =	wrdreg $0xFFFFFFFF  }
0xaf: {  	[dreg:$0x0] =	wrdreg $0x60  }
0xb0: {  	[dreg:$0x2] =	wrdreg s2  }
0xb1: {  	[dreg:$0x3] =	wrdreg s18  }
0xb2: {  	[dreg:$0x4] =	wrdreg s24  }
0xb3: {  	[dreg:$0x5] =	wrdreg s4  }
0xb4: {  	[dreg:$0x6] =	wrdreg $0x0  }
0xb5: {  	[dreg:$0x7] =	wrdreg $0x9  }
0xb6: {  	_ =	task.clear_ibuf [dreg:s9], $0x8FFFF;
	_ =	strace $0x90000046  }
0xb7: {  	s29 =	simm.s32 $0x9;
	_ =	strace $0x80000048  }
0xb8: {  	_ =	swait.ge [sflag:s29], $0x1  }
0xb9: {  	[sflag:s29] =	ssyncadd.s32 $0xFFFFFFFF  }
0xba: {  	_ =	strace $0x90000048  }
0xbb: {  	_ =	sfence  }
0xbc: {  	s30 =	sld [smem:$0x0];
	_ =	sdelay $0x2  }
0xbd: {  	s31 =	sshll.u32 s1, $0xD;
	s1 =	sshrl.u32 s1, $0x2  }
0xbe: {  	s3 =	sand.u32 $0x4000, s31;
	s1 =	sadd.s32 s1, s30  }
0xbf: {  	s0 =	sor.u32 s3, s0;
	s1 =	sshll.u32 s1, $0x11  }
0xc0: {  	s0 =	sor.u32 s1, s0  }
0xc1: {  	s0 =	sadd.s32 $0x8F2B, s0  }
0xc2: {  	[sflag:s0] =	ssyncadd.remote.s32 $0x1  }
0xc3: {  	_ =	sfence.sel $0xFFFF  }
0xc4: {  	[dreg:$0x0] =	wrdreg $0xFFFFFFFF;
	(pc) =	sbr.abs _section_cstart, $3  }
0xc5: {  	[dreg:$0x1] =	wrdreg $0xFFFFFFFF  }
0xc6: {  	_ =	task.clear_ibuf [dreg:s9], $0x2FFFF;
	_ =	strace $0x9FFFFFFF  }
0xc7: {  	(tm) =	ssettm $0x7FFFFFFF  }
tec
execute0_lowered:
.L_overlay_start_1:
0x0: {  	(tag) =	ssettag $0x1  }
0x1: {  	s5 =	rddreg [dreg:$0x0]  }
0x2: {  	s9 =	rddreg [dreg:$0x1]  }
0x3: {  	s4 =	rddreg [dreg:$0x2]  }
0x4: {  	s24 =	stileid.u32;
	s1 =	rddreg [dreg:$0x3]  }
0x5: {  	s0 =	srdreg.scid;
	s2 =	rddreg [dreg:$0x4];
	s3 =	simm.s32 $0x0  }
0x6: {  	s30 =	simm.s32 $0x1C980;
	s31 =	simm.s32 $0x1CA00;
	s6 =	sand.u32 $0x1, s0  }
0x7: {  	s13 =	sshll.u32 s24, $0x1;
	[smem:$0x7FF] =	sst s3;
	s7 =	sshll.u32 s24, $0x8  }
0x8: {  	s17 =	sadd.s32 $0x30D0, s9;
	s18 =	sadd.s32 $0x186800, s5;
	s0 =	sor.u32 s6, s13  }
0x9: {  	_ =	strace $0x80000047;
	s7 =	sadd.s32 s7, s4;
	[dreg:$0x8] =	wrdreg s17  }
0xa: {  	s11 =	ssub.s32 $0x2, s6;
	[dreg:$0x9] =	wrdreg s18;
	s10 =	smul.u32 $0xC00, s0  }
0xb: {  	s6 =	sshll.u32 s6, $0xC;
	s8 =	smul.u32 $0xC000, s0;
	s12 =	sshrl.u32 s11, $0x1  }
0xc: {  	s6 =	sadd.s32 s6, s7;
	p0 =	sgt.u32 s0, $0xC;
	s11 =	ssub.s32 s11, s12  }
0xd: {  	s6 =	sadd.s32 $0xC00, s6;
	p2 =	sne.s32 @p0 s0, $0xD;
	s13 =	sor.u32 $0x100, s10  }
0xe: {  	s14 =	sadd.s32 s5, s8;
	s8 =	sshll.u32 s0, $0x7;
	[smem:$0x7FA] =	sst s6  }
0xf: {  	s15 =	sshll.u32 s13, $0x4;
	[dreg:$0x6] =	wrdreg s14;
	s14 =	sor.u32 $0x18000, s8  }
0x10: {  	s13 =	sshrl.u32 s13, $0x3;
	s16 =	sadd.s32 s5, s15;
	s19 =	sshrl.u32 s14, $0x3  }
0x11: {  	s14 =	sshll.u32 s14, $0x4;
	s21 =	sadd.s32 s9, s13;
	[dreg:$0x7] =	wrdreg s16  }
0x12: {  	s13 =	sor.u32 $0x200, s10;
	s4 =	sadd.s32 s9, s19;
	[dreg:$0xd] =	wrdreg s21  }
0x13: {  	s14 =	sadd.s32 s5, s14;
	s23 =	sshrl.u32 s13, $0x3;
	[dreg:$0xa] =	wrdreg s4  }
0x14: {  	s15 =	sshrl.u32 s10, $0x3;
	[dreg:$0xb] =	wrdreg s14;
	s25 =	sadd.s32 s9, s23  }
0x15: {  	s13 =	sshll.u32 s13, $0x4;
	s4 =	sadd.s32 s9, s15;
	[dreg:$0xf] =	wrdreg s25  }
0x16: {  	s6 =	smax.u32 s11, $0x1;
	s14 =	sadd.s32 s5, s13;
	[smem:$0x7ED] =	sst s4  }
0x17: {  	p1 =	por p2, !p0;
	s20 =	sadd.s32 $0x10, s4;
	[smem:$0x7EF] =	sst s14  }
0x18: {  	p2 =	por !p2, !p0;
	s22 =	sadd.s32 $0x30, s4;
	[dreg:$0xc] =	wrdreg s20  }
0x19: {  	s11 =	simm.s32 $0x5;
	s26 =	sadd.s32 $0x50, s4;
	[dreg:$0xe] =	wrdreg s22  }
0x1a: {  	s8 =	sand.u32 $0x380, s8;
	s29 =	sadd.s32 $0x70, s4;
	[dreg:$0x10] =	wrdreg s26  }
0x1b: {  	s15 =	sor.u32 $0x300, s10;
	s19 =	sadd.s32 $0x90, s4;
	[dreg:$0x12] =	wrdreg s29  }
0x1c: {  	s16 =	sshrl.u32 s15, $0x3;
	s21 =	sadd.s32 $0xB0, s4;
	[dreg:$0x14] =	wrdreg s19  }
0x1d: {  	s23 =	sadd.s32 $0xD0, s4;
	s12 =	sadd.s32 $0x170, s4;
	[dreg:$0x16] =	wrdreg s21  }
0x1e: {  	s28 =	sadd.s32 s9, s16;
	s16 =	sadd.s32 $0x400, s10;
	[dreg:$0x18] =	wrdreg s23  }
0x1f: {  	s26 =	sadd.s32 $0xF0, s4;
	[smem:$0x7EE] =	sst s12;
	s17 =	sshrl.u32 s16, $0x3  }
0x20: {  	[dreg:$0x11] =	wrdreg s28;
	s18 =	sadd.s32 s9, s17;
	s17 =	sadd.s32 $0x500, s10  }
0x21: {  	s29 =	sadd.s32 $0x110, s4;
	[dreg:$0x13] =	wrdreg s18;
	s18 =	sshrl.u32 s17, $0x3  }
0x22: {  	[dreg:$0x1a] =	wrdreg s26;
	s20 =	sadd.s32 s9, s18;
	s18 =	sadd.s32 $0x600, s10  }
0x23: {  	s15 =	sshll.u32 s15, $0x4;
	[dreg:$0x1c] =	wrdreg s29;
	s19 =	sshrl.u32 s18, $0x3  }
0x24: {  	[dreg:$0x15] =	wrdreg s20;
	s22 =	sadd.s32 s9, s19;
	s19 =	sadd.s32 $0x700, s10  }
0x25: {  	s12 =	simm.s32 $0x10800;
	[dreg:$0x17] =	wrdreg s22;
	s20 =	sshrl.u32 s19, $0x3  }
0x26: {  	s14 =	sshll.u32 s19, $0x4;
	s25 =	sadd.s32 s9, s20;
	s20 =	sadd.s32 $0x800, s10  }
0x27: {  	[dreg:$0x19] =	wrdreg s25;
	s21 =	sshrl.u32 s20, $0x3;
	s25 =	sadd.s32 $0x130, s4  }
0x28: {  	s28 =	sadd.s32 s9, s21;
	s21 =	sadd.s32 $0x900, s10;
	[dreg:$0x1e] =	wrdreg s25  }
0x29: {  	s25 =	sshll.u32 s16, $0x4;
	s16 =	sshll.u32 s20, $0x4;
	[dreg:$0x1b] =	wrdreg s28  }
0x2a: {  	s22 =	sshrl.u32 s21, $0x3;
	s28 =	sadd.s32 $0x150, s4;
	s4 =	sshll.u32 s18, $0x4  }
0x2b: {  	s18 =	sshll.u32 s21, $0x4;
	s21 =	sshll.u32 s24, $0xB;
	s24 =	sshll.u32 s24, $0x9  }
0x2c: {  	s23 =	sadd.s32 s9, s22;
	s22 =	sadd.s32 $0xA00, s10;
	s10 =	sadd.s32 $0xB00, s10  }
0x2d: {  	[smem:$0x7EB] =	sst s28;
	s28 =	sshll.u32 s17, $0x4;
	s13 =	sadd.s32 s5, s4  }
0x2e: {  	s17 =	sadd.s32 s5, s16;
	s19 =	sadd.s32 s5, s18;
	[dreg:$0x1d] =	wrdreg s23  }
0x2f: {  	s16 =	simm.s32 $0x1D500;
	s18 =	simm.s32 $0x2;
	[smem:$0x7F3] =	sst s13  }
0x30: {  	s4 =	simm.s32 $0x1CC00;
	s23 =	sshrl.u32 s22, $0x3;
	[smem:$0x7F5] =	sst s17  }
0x31: {  	s29 =	sshrl.u32 s10, $0x3;
	s20 =	sshll.u32 s22, $0x4;
	[smem:$0x7F6] =	sst s19  }
0x32: {  	s13 =	simm.s32 $0x1;
	s17 =	simm.s32 $0x4;
	s26 =	sadd.s32 s9, s23  }
0x33: {  	s19 =	simm.s32 $0x1CD00;
	s9 =	sadd.s32 s9, s29;
	[dreg:$0x1f] =	wrdreg s26  }
0x34: {  	s23 =	sadd.s32 s5, s15;
	s29 =	sadd.s32 s5, s28;
	[smem:$0x7EC] =	sst s9  }
0x35: {  	s15 =	sadd.s32 s5, s14;
	s22 =	sadd.s32 s5, s20;
	[smem:$0x7F0] =	sst s23  }
0x36: {  	s28 =	simm.s32 $0x1D600;
	s14 =	simm.s32 $0x80;
	[smem:$0x7F2] =	sst s29  }
0x37: {  	s20 =	simm.s32 $0x3;
	s26 =	sadd.s32 s5, s25;
	[smem:$0x7F4] =	sst s15  }
0x38: {  	[smem:$0x7F7] =	sst s22;
	s23 =	sshll.u32 s10, $0x4;
	s10 =	sand.u32 $0x1800, s24  }
0x39: {  	[smem:$0x7FC] =	sst s28;
	s9 =	simm.s32 $0x8800;
	s29 =	simm.s32 $0x400  }
0x3a: {  	[smem:$0x7F1] =	sst s26;
	s5 =	sadd.s32 s5, s23;
	s25 =	sor.u32 s10, s8  }
0x3b: {  	s26 =	sadd.s32 s21, s2;
	s8 =	simm.s32 $0x800;
	[smem:$0x7FD] =	sst s29  }
0x3c: {  	s10 =	simm.s32 $0x1CB80;
	[smem:$0x7F8] =	sst s5;
	s7 =	sshrl.u32 s25, $0x3  }
0x3d: {  	s21 =	simm.s32 $0x1CD80;
	[smem:$0x7F9] =	sst s26;
	s1 =	sadd.s32 s1, s7  }
0x3e: {  	v0 =	vimm.f32 $0.0e+00;
	v1 =	vimm.f32 $1.000000000e+00;
	s5 =	simm.s32 $0x1CC80;
	s7 =	simm.s32 $0x7;
	[smem:$0x7FB] =	sst s1  }
.LBB2_1:
0x3f: {  	[tilespmem:$0x1D600] =	vst v0  }
0x40: {  	[tilespmem:$0x1D610] =	vst v0  }
0x41: {  	[tilespmem:$0x1D620] =	vst v0  }
0x42: {  	[tilespmem:$0x1D630] =	vst v0  }
0x43: {  	[tilespmem:$0x1D640] =	vst v0  }
0x44: {  	[tilespmem:$0x1D650] =	vst v0  }
0x45: {  	[tilespmem:$0x1D660] =	vst v0  }
0x46: {  	[tilespmem:$0x1D670] =	vst v0  }
0x47: {  	[tilespmem:$0x1D680] =	vst v0  }
0x48: {  	[tilespmem:$0x1D690] =	vst v0  }
0x49: {  	[tilespmem:$0x1D6A0] =	vst v0  }
0x4a: {  	[tilespmem:$0x1D6B0] =	vst v0  }
0x4b: {  	[tilespmem:$0x1D6C0] =	vst v0  }
0x4c: {  	[tilespmem:$0x1D6D0] =	vst v0  }
0x4d: {  	[tilespmem:$0x1D6E0] =	vst v0  }
0x4e: {  	[tilespmem:$0x1D6F0] =	vst v0  }
0x4f: {  	[tilespmem:$0x1D700] =	vst v0  }
0x50: {  	[tilespmem:$0x1D710] =	vst v0  }
0x51: {  	[tilespmem:$0x1D720] =	vst v0  }
0x52: {  	[tilespmem:$0x1D730] =	vst v0  }
0x53: {  	[tilespmem:$0x1D740] =	vst v0  }
0x54: {  	[tilespmem:$0x1D750] =	vst v0  }
0x55: {  	[tilespmem:$0x1D760] =	vst v0  }
0x56: {  	[tilespmem:$0x1D770] =	vst v0  }
0x57: {  	[tilespmem:$0x1D780] =	vst v0  }
0x58: {  	[tilespmem:$0x1D790] =	vst v0  }
0x59: {  	[tilespmem:$0x1D7A0] =	vst v0  }
0x5a: {  	[tilespmem:$0x1D7B0] =	vst v0  }
0x5b: {  	[tilespmem:$0x1D7C0] =	vst v0  }
0x5c: {  	[tilespmem:$0x1D7D0] =	vst v0  }
0x5d: {  	[tilespmem:$0x1D7E0] =	vst v0  }
0x5e: {  	[tilespmem:$0x1D7F0] =	vst v0  }
0x5f: {  	[tilespmem:$0x1D800] =	vst v0  }
0x60: {  	[tilespmem:$0x1D810] =	vst v0  }
0x61: {  	[tilespmem:$0x1D820] =	vst v0  }
0x62: {  	[tilespmem:$0x1D830] =	vst v0  }
0x63: {  	[tilespmem:$0x1D840] =	vst v0  }
0x64: {  	[tilespmem:$0x1D850] =	vst v0  }
0x65: {  	[tilespmem:$0x1D860] =	vst v0  }
0x66: {  	[tilespmem:$0x1D870] =	vst v0  }
0x67: {  	[tilespmem:$0x1D880] =	vst v0  }
0x68: {  	[tilespmem:$0x1D890] =	vst v0  }
0x69: {  	[tilespmem:$0x1D8A0] =	vst v0  }
0x6a: {  	[tilespmem:$0x1D8B0] =	vst v0  }
0x6b: {  	[tilespmem:$0x1D8C0] =	vst v0  }
0x6c: {  	[tilespmem:$0x1D8D0] =	vst v0  }
0x6d: {  	[tilespmem:$0x1D8E0] =	vst v0  }
0x6e: {  	[tilespmem:$0x1D8F0] =	vst v0  }
0x6f: {  	[tilespmem:$0x1D900] =	vst v0  }
0x70: {  	[tilespmem:$0x1D910] =	vst v0  }
0x71: {  	[tilespmem:$0x1D920] =	vst v0  }
0x72: {  	[tilespmem:$0x1D930] =	vst v0  }
0x73: {  	[tilespmem:$0x1D940] =	vst v0  }
0x74: {  	[tilespmem:$0x1D950] =	vst v0  }
0x75: {  	[tilespmem:$0x1D960] =	vst v0  }
0x76: {  	[tilespmem:$0x1D970] =	vst v0  }
0x77: {  	[tilespmem:$0x1D980] =	vst v0  }
0x78: {  	[tilespmem:$0x1D990] =	vst v0  }
0x79: {  	[tilespmem:$0x1D9A0] =	vst v0  }
0x7a: {  	[tilespmem:$0x1D9B0] =	vst v0  }
0x7b: {  	[tilespmem:$0x1D9C0] =	vst v0  }
0x7c: {  	[tilespmem:$0x1D9D0] =	vst v0  }
0x7d: {  	[tilespmem:$0x1D9E0] =	vst v0  }
0x7e: {  	[tilespmem:$0x1D9F0] =	vst v0  }
0x7f: {  	[tilespmem:$0x1DA00] =	vst v0  }
0x80: {  	[tilespmem:$0x1DA10] =	vst v0  }
0x81: {  	[tilespmem:$0x1DA20] =	vst v0  }
0x82: {  	[tilespmem:$0x1DA30] =	vst v0  }
0x83: {  	[tilespmem:$0x1DA40] =	vst v0  }
0x84: {  	[tilespmem:$0x1DA50] =	vst v0  }
0x85: {  	[tilespmem:$0x1DA60] =	vst v0  }
0x86: {  	[tilespmem:$0x1DA70] =	vst v0  }
0x87: {  	[tilespmem:$0x1DA80] =	vst v0  }
0x88: {  	[tilespmem:$0x1DA90] =	vst v0  }
0x89: {  	[tilespmem:$0x1DAA0] =	vst v0  }
0x8a: {  	[tilespmem:$0x1DAB0] =	vst v0  }
0x8b: {  	[tilespmem:$0x1DAC0] =	vst v0  }
0x8c: {  	[tilespmem:$0x1DAD0] =	vst v0  }
0x8d: {  	[tilespmem:$0x1DAE0] =	vst v0  }
0x8e: {  	[tilespmem:$0x1DAF0] =	vst v0  }
0x8f: {  	[tilespmem:$0x1DB00] =	vst v0  }
0x90: {  	[tilespmem:$0x1DB10] =	vst v0  }
0x91: {  	[tilespmem:$0x1DB20] =	vst v0  }
0x92: {  	[tilespmem:$0x1DB30] =	vst v0  }
0x93: {  	[tilespmem:$0x1DB40] =	vst v0  }
0x94: {  	[tilespmem:$0x1DB50] =	vst v0  }
0x95: {  	[tilespmem:$0x1DB60] =	vst v0  }
0x96: {  	[tilespmem:$0x1DB70] =	vst v0  }
0x97: {  	[tilespmem:$0x1DB80] =	vst v0  }
0x98: {  	[tilespmem:$0x1DB90] =	vst v0  }
0x99: {  	[tilespmem:$0x1DBA0] =	vst v0  }
0x9a: {  	[tilespmem:$0x1DBB0] =	vst v0  }
0x9b: {  	[tilespmem:$0x1DBC0] =	vst v0  }
0x9c: {  	[tilespmem:$0x1DBD0] =	vst v0  }
0x9d: {  	[tilespmem:$0x1DBE0] =	vst v0  }
0x9e: {  	[tilespmem:$0x1DBF0] =	vst v0  }
0x9f: {  	[tilespmem:$0x1DC00] =	vst v0  }
0xa0: {  	[tilespmem:$0x1DC10] =	vst v0  }
0xa1: {  	[tilespmem:$0x1DC20] =	vst v0  }
0xa2: {  	[tilespmem:$0x1DC30] =	vst v0  }
0xa3: {  	[tilespmem:$0x1DC40] =	vst v0  }
0xa4: {  	[tilespmem:$0x1DC50] =	vst v0  }
0xa5: {  	[tilespmem:$0x1DC60] =	vst v0  }
0xa6: {  	[tilespmem:$0x1DC70] =	vst v0  }
0xa7: {  	[tilespmem:$0x1DC80] =	vst v0  }
0xa8: {  	[tilespmem:$0x1DC90] =	vst v0  }
0xa9: {  	[tilespmem:$0x1DCA0] =	vst v0  }
0xaa: {  	[tilespmem:$0x1DCB0] =	vst v0  }
0xab: {  	[tilespmem:$0x1DCC0] =	vst v0  }
0xac: {  	[tilespmem:$0x1DCD0] =	vst v0  }
0xad: {  	[tilespmem:$0x1DCE0] =	vst v0  }
0xae: {  	[tilespmem:$0x1DCF0] =	vst v0  }
0xaf: {  	[tilespmem:$0x1DD00] =	vst v0  }
0xb0: {  	[tilespmem:$0x1DD10] =	vst v0  }
0xb1: {  	[tilespmem:$0x1DD20] =	vst v0  }
0xb2: {  	[tilespmem:$0x1DD30] =	vst v0  }
0xb3: {  	[tilespmem:$0x1DD40] =	vst v0  }
0xb4: {  	[tilespmem:$0x1DD50] =	vst v0  }
0xb5: {  	[tilespmem:$0x1DD60] =	vst v0  }
0xb6: {  	[tilespmem:$0x1DD70] =	vst v0  }
0xb7: {  	[tilespmem:$0x1DD80] =	vst v0  }
0xb8: {  	[tilespmem:$0x1DD90] =	vst v0  }
0xb9: {  	[tilespmem:$0x1DDA0] =	vst v0  }
0xba: {  	[tilespmem:$0x1DDB0] =	vst v0  }
0xbb: {  	[tilespmem:$0x1DDC0] =	vst v0  }
0xbc: {  	[tilespmem:$0x1DDD0] =	vst v0  }
0xbd: {  	[tilespmem:$0x1DDE0] =	vst v0  }
0xbe: {  	[tilespmem:$0x1DDF0] =	vst v0  }
0xbf: {  	[tilespmem:$0x1D500] =	vst v0  }
0xc0: {  	[tilespmem:$0x1D510] =	vst v0  }
0xc1: {  	[tilespmem:$0x1D520] =	vst v0  }
0xc2: {  	[tilespmem:$0x1D530] =	vst v0  }
0xc3: {  	[tilespmem:$0x1D540] =	vst v0  }
0xc4: {  	[tilespmem:$0x1D550] =	vst v0  }
0xc5: {  	[tilespmem:$0x1D560] =	vst v0  }
0xc6: {  	[tilespmem:$0x1D570] =	vst v0  }
0xc7: {  	[tilespmem:$0x1D580] =	vst v0  }
0xc8: {  	[tilespmem:$0x1D590] =	vst v0  }
0xc9: {  	[tilespmem:$0x1D5A0] =	vst v0  }
0xca: {  	[tilespmem:$0x1D5B0] =	vst v0  }
0xcb: {  	[tilespmem:$0x1D5C0] =	vst v0;
	s22 =	sld [smem:$0x7FC]  }
0xcc: {  	[tilespmem:$0x1D5D0] =	vst v0;
	s15 =	sld [smem:$0x7F9]  }
0xcd: {  	[tilespmem:$0x1D5E0] =	vst v0  }
0xce: {  	[tilespmem:$0x1D5F0] =	vst v0  }
0xcf: {  	[spmem:s15] =	stream.linear.scatter [tilespmem:s22], [sflag:$0x7], $0x800, $0x38;
	[tilespmem:$0x1DE00] =	vst v63  }
0xd0: {  	_ =	swait.ge [sflag:s7], $0x800  }
0xd1: {  	[sflag:s7] =	ssyncset.done $0x0  }
0xd2: {  	[sflag:s7] =	ssyncadd.s32 $0xFFFFF800  }
0xd3: {  	[bflag:$0x0] =	sbarrier.arrive $0xFFFF  }
0xd4: {  	s24 =	rddreg [dreg:$0x6]  }
0xd5: {  	s23 =	rddreg [dreg:$0x7]  }
0xd6: {  	[tilespmem:s8], [sflag:$0x1] =	stream.linear.gather [hbm4b:s24+s3], $0x8000, $0x38;
	[tilespmem:$0x1DE00] =	vst v63  }
0xd7: {  	s22 =	rddreg [dreg:$0x8]  }
0xd8: {  	[tilespmem:s9], [sflag:$0x2] =	stream.linear.gather [hbm4b:s23+s3], $0x8000, $0x38;
	[tilespmem:$0x1DE00] =	vst v63  }
0xd9: {  	s25 =	rddreg [dreg:$0x9];
	s24 =	simm.s32 @!p1 $0x1D480;
	s23 =	simm.s32 @!p1 $0x0  }
0xda: {  	[tilespmem:s24], [sflag:$0x6] =	stream.linear.gather @!p1 [hbm4b:s22+s23], $0x20, $0x38;
	[tilespmem:$0x1DE00] =	vst v63  }
0xdb: {  	s26 =	rddreg [dreg:$0xb];
	s22 =	simm.s32 @!p1 $0x18800  }
0xdc: {  	[tilespmem:s22], [sflag:$0x6] =	stream.linear.gather @!p1 [hbm4b:s25+s23], $0x1000, $0x38;
	[tilespmem:$0x1DE00] =	vst v63  }
0xdd: {  	s0 =	simm.s32 @!p0 $0x1D400;
	s24 =	rddreg [dreg:$0xa];
	s25 =	simm.s32 @!p0 $0x0  }
0xde: {  	[tilespmem:s0], [sflag:$0x6] =	stream.linear.gather @!p0 [hbm4b:s24+s25], $0x80, $0x38;
	[tilespmem:$0x1DE00] =	vst v63  }
0xdf: {  	s29 =	sld [smem:$0x7ED];
	s0 =	simm.s32 @!p0 $0x18800  }
0xe0: {  	[tilespmem:s0], [sflag:$0x6] =	stream.linear.gather @!p0 [hbm4b:s26+s25], $0x4000, $0x38;
	[tilespmem:$0x1DE00] =	vst v63  }
0xe1: {  	s1 =	rddreg [dreg:$0xd];
	s26 =	simm.s32 $0x1C800  }
0xe2: {  	[tilespmem:s26], [sflag:$0x5] =	stream.linear.gather [hbm4b:s29+s3], $0x80, $0x38;
	[tilespmem:$0x1DE00] =	vst v63  }
0xe3: {  	s28 =	simm.s32 $0x1C880;
	s25 =	rddreg [dreg:$0xc]  }
0xe4: {  	[tilespmem:s28], [sflag:$0x5] =	stream.linear.gather [hbm4b:s25+s3], $0x80, $0x38;
	[tilespmem:$0x1DE00] =	vst v63  }
0xe5: {  	s22 =	rddreg [dreg:$0xe];
	s29 =	simm.s32 $0x1C900  }
0xe6: {  	[tilespmem:s29], [sflag:$0x5] =	stream.linear.gather [hbm4b:s1+s3], $0x80, $0x38;
	[tilespmem:$0x1DE00] =	vst v63  }
0xe7: {  	s23 =	rddreg [dreg:$0xf]  }
0xe8: {  	[tilespmem:s30], [sflag:$0x5] =	stream.linear.gather [hbm4b:s22+s3], $0x80, $0x38;
	[tilespmem:$0x1DE00] =	vst v63  }
0xe9: {  	s24 =	rddreg [dreg:$0x18]  }
0xea: {  	[tilespmem:s31], [sflag:$0x5] =	stream.linear.gather [hbm4b:s23+s3], $0x80, $0x38;
	[tilespmem:$0x1DE00] =	vst v63  }
0xeb: {  	s0 =	rddreg [dreg:$0x10];
	s1 =	simm.s32 $0x1CA80  }
0xec: {  	[tilespmem:s1], [sflag:$0x5] =	stream.linear.gather [hbm4b:s0+s3], $0x80, $0x38;
	[tilespmem:$0x1DE00] =	vst v63  }
0xed: {  	s22 =	rddreg [dreg:$0x11];
	s0 =	simm.s32 $0x1CB00  }
0xee: {  	[tilespmem:s0], [sflag:$0x5] =	stream.linear.gather [hbm4b:s22+s3], $0x80, $0x38;
	[tilespmem:$0x1DE00] =	vst v63  }
0xef: {  	s23 =	rddreg [dreg:$0x12]  }
0xf0: {  	[tilespmem:s10], [sflag:$0x5] =	stream.linear.gather [hbm4b:s23+s3], $0x80, $0x38;
	[tilespmem:$0x1DE00] =	vst v63  }
0xf1: {  	s22 =	rddreg [dreg:$0x13]  }
0xf2: {  	[tilespmem:s4], [sflag:$0x5] =	stream.linear.gather [hbm4b:s22+s3], $0x80, $0x38;
	[tilespmem:$0x1DE00] =	vst v63  }
0xf3: {  	s23 =	rddreg [dreg:$0x14]  }
0xf4: {  	[tilespmem:s5], [sflag:$0x5] =	stream.linear.gather [hbm4b:s23+s3], $0x80, $0x38;
	[tilespmem:$0x1DE00] =	vst v63  }
0xf5: {  	s22 =	rddreg [dreg:$0x15]  }
0xf6: {  	[tilespmem:s19], [sflag:$0x5] =	stream.linear.gather [hbm4b:s22+s3], $0x80, $0x38;
	[tilespmem:$0x1DE00] =	vst v63  }
0xf7: {  	s23 =	rddreg [dreg:$0x16]  }
0xf8: {  	[tilespmem:s21], [sflag:$0x5] =	stream.linear.gather [hbm4b:s23+s3], $0x80, $0x38;
	[tilespmem:$0x1DE00] =	vst v63  }
0xf9: {  	s22 =	rddreg [dreg:$0x17];
	s23 =	simm.s32 $0x1CE00  }
0xfa: {  	[tilespmem:s23], [sflag:$0x5] =	stream.linear.gather [hbm4b:s22+s3], $0x80, $0x38;
	[tilespmem:$0x1DE00] =	vst v63  }
0xfb: {  	s25 =	rddreg [dreg:$0x19];
	s22 =	simm.s32 $0x1CE80  }
0xfc: {  	[tilespmem:s22], [sflag:$0x5] =	stream.linear.gather [hbm4b:s24+s3], $0x80, $0x38;
	[tilespmem:$0x1DE00] =	vst v63  }
0xfd: {  	s23 =	simm.s32 $0x1CF00;
	s24 =	rddreg [dreg:$0x1a]  }
0xfe: {  	[tilespmem:s23], [sflag:$0x5] =	stream.linear.gather [hbm4b:s25+s3], $0x80, $0x38;
	[tilespmem:$0x1DE00] =	vst v63  }
0xff: {  	s25 =	rddreg [dreg:$0x1b];
	s23 =	simm.s32 $0x1CF80  }
0x100: {  	[tilespmem:s23], [sflag:$0x5] =	stream.linear.gather [hbm4b:s24+s3], $0x80, $0x38;
	[tilespmem:$0x1DE00] =	vst v63  }
0x101: {  	s24 =	rddreg [dreg:$0x1c];
	s23 =	simm.s32 $0x1D000  }
0x102: {  	[tilespmem:s23], [sflag:$0x5] =	stream.linear.gather [hbm4b:s25+s3], $0x80, $0x38;
	[tilespmem:$0x1DE00] =	vst v63  }
0x103: {  	s25 =	rddreg [dreg:$0x1d];
	s23 =	simm.s32 $0x1D080  }
0x104: {  	[tilespmem:s23], [sflag:$0x5] =	stream.linear.gather [hbm4b:s24+s3], $0x80, $0x38;
	[tilespmem:$0x1DE00] =	vst v63  }
0x105: {  	s24 =	rddreg [dreg:$0x1e];
	s23 =	simm.s32 $0x1D100  }
0x106: {  	[tilespmem:s23], [sflag:$0x5] =	stream.linear.gather [hbm4b:s25+s3], $0x80, $0x38;
	[tilespmem:$0x1DE00] =	vst v63  }
0x107: {  	s25 =	rddreg [dreg:$0x1f];
	s23 =	simm.s32 $0x1D180  }
0x108: {  	[tilespmem:s23], [sflag:$0x5] =	stream.linear.gather [hbm4b:s24+s3], $0x80, $0x38;
	[tilespmem:$0x1DE00] =	vst v63  }
0x109: {  	s24 =	sld [smem:$0x7EB];
	s23 =	simm.s32 $0x1D200  }
0x10a: {  	[tilespmem:s23], [sflag:$0x5] =	stream.linear.gather [hbm4b:s25+s3], $0x80, $0x38;
	[tilespmem:$0x1DE00] =	vst v63  }
0x10b: {  	s25 =	sld [smem:$0x7EC];
	s23 =	simm.s32 $0x1D280  }
0x10c: {  	[tilespmem:s23], [sflag:$0x5] =	stream.linear.gather [hbm4b:s24+s3], $0x80, $0x38;
	[tilespmem:$0x1DE00] =	vst v63  }
0x10d: {  	s24 =	sld [smem:$0x7EE];
	s23 =	simm.s32 $0x1D300  }
0x10e: {  	[tilespmem:s23], [sflag:$0x5] =	stream.linear.gather [hbm4b:s25+s3], $0x80, $0x38;
	[tilespmem:$0x1DE00] =	vst v63  }
0x10f: {  	s25 =	simm.s32 $0x1D380  }
0x110: {  	[tilespmem:s25], [sflag:$0x5] =	stream.linear.gather [hbm4b:s24+s3], $0x80, $0x38;
	[tilespmem:$0x1DE00] =	vst v63  }
0x111: {  	_ =	swait.ge [sflag:s11], $0x80  }
0x112: {  	[sflag:s11] =	ssyncset.done $0x0  }
0x113: {  	[sflag:s11] =	ssyncadd.s32 $0xFFFFFF80  }
0x114: {  	_ =	swait.ge [sflag:s11], $0x80  }
0x115: {  	[sflag:s11] =	ssyncset.done $0x0  }
0x116: {  	[sflag:s11] =	ssyncadd.s32 $0xFFFFFF80  }
0x117: {  	_ =	swait.ge [sflag:s11], $0x80  }
0x118: {  	[sflag:s11] =	ssyncset.done $0x0  }
0x119: {  	[sflag:s11] =	ssyncadd.s32 $0xFFFFFF80  }
0x11a: {  	_ =	swait.ge [sflag:s11], $0x80  }
0x11b: {  	[sflag:s11] =	ssyncset.done $0x0  }
0x11c: {  	[sflag:s11] =	ssyncadd.s32 $0xFFFFFF80  }
0x11d: {  	_ =	swait.ge [sflag:s11], $0x80  }
0x11e: {  	[sflag:s11] =	ssyncset.done $0x0  }
0x11f: {  	[sflag:s11] =	ssyncadd.s32 $0xFFFFFF80  }
0x120: {  	_ =	swait.ge [sflag:s11], $0x80  }
0x121: {  	[sflag:s11] =	ssyncset.done $0x0  }
0x122: {  	[sflag:s11] =	ssyncadd.s32 $0xFFFFFF80  }
0x123: {  	_ =	swait.ge [sflag:s11], $0x80  }
0x124: {  	[sflag:s11] =	ssyncset.done $0x0  }
0x125: {  	[sflag:s11] =	ssyncadd.s32 $0xFFFFFF80  }
0x126: {  	_ =	swait.ge [sflag:s11], $0x80  }
0x127: {  	[sflag:s11] =	ssyncset.done $0x0  }
0x128: {  	[sflag:s11] =	ssyncadd.s32 $0xFFFFFF80  }
0x129: {  	_ =	swait.ge [sflag:s11], $0x80  }
0x12a: {  	[sflag:s11] =	ssyncset.done $0x0  }
0x12b: {  	[sflag:s11] =	ssyncadd.s32 $0xFFFFFF80  }
0x12c: {  	_ =	swait.ge [sflag:s11], $0x80  }
0x12d: {  	[sflag:s11] =	ssyncset.done $0x0  }
0x12e: {  	[sflag:s11] =	ssyncadd.s32 $0xFFFFFF80  }
0x12f: {  	_ =	swait.ge [sflag:s11], $0x80  }
0x130: {  	[sflag:s11] =	ssyncset.done $0x0  }
0x131: {  	[sflag:s11] =	ssyncadd.s32 $0xFFFFFF80  }
0x132: {  	_ =	swait.ge [sflag:s11], $0x80  }
0x133: {  	[sflag:s11] =	ssyncset.done $0x0  }
0x134: {  	[sflag:s11] =	ssyncadd.s32 $0xFFFFFF80  }
0x135: {  	_ =	swait.ge [sflag:s11], $0x80  }
0x136: {  	[sflag:s11] =	ssyncset.done $0x0  }
0x137: {  	[sflag:s11] =	ssyncadd.s32 $0xFFFFFF80  }
0x138: {  	_ =	swait.ge [sflag:s11], $0x80  }
0x139: {  	[sflag:s11] =	ssyncset.done $0x0  }
0x13a: {  	[sflag:s11] =	ssyncadd.s32 $0xFFFFFF80  }
0x13b: {  	_ =	swait.ge [sflag:s11], $0x80  }
0x13c: {  	[sflag:s11] =	ssyncset.done $0x0  }
0x13d: {  	[sflag:s11] =	ssyncadd.s32 $0xFFFFFF80  }
0x13e: {  	_ =	swait.ge [sflag:s11], $0x80  }
0x13f: {  	[sflag:s11] =	ssyncset.done $0x0  }
0x140: {  	[sflag:s11] =	ssyncadd.s32 $0xFFFFFF80  }
0x141: {  	_ =	swait.ge [sflag:s11], $0x80  }
0x142: {  	[sflag:s11] =	ssyncset.done $0x0  }
0x143: {  	[sflag:s11] =	ssyncadd.s32 $0xFFFFFF80  }
0x144: {  	_ =	swait.ge [sflag:s11], $0x80  }
0x145: {  	[sflag:s11] =	ssyncset.done $0x0  }
0x146: {  	[sflag:s11] =	ssyncadd.s32 $0xFFFFFF80  }
0x147: {  	_ =	swait.ge [sflag:s11], $0x80  }
0x148: {  	[sflag:s11] =	ssyncset.done $0x0  }
0x149: {  	[sflag:s11] =	ssyncadd.s32 $0xFFFFFF80  }
0x14a: {  	_ =	swait.ge [sflag:s11], $0x80  }
0x14b: {  	[sflag:s11] =	ssyncset.done $0x0  }
0x14c: {  	[sflag:s11] =	ssyncadd.s32 $0xFFFFFF80  }
0x14d: {  	_ =	swait.ge [sflag:s11], $0x80  }
0x14e: {  	[sflag:s11] =	ssyncset.done $0x0  }
0x14f: {  	[sflag:s11] =	ssyncadd.s32 $0xFFFFFF80  }
0x150: {  	_ =	swait.ge [sflag:s11], $0x80  }
0x151: {  	[sflag:s11] =	ssyncset.done $0x0  }
0x152: {  	[sflag:s11] =	ssyncadd.s32 $0xFFFFFF80  }
0x153: {  	_ =	swait.ge [sflag:s11], $0x80  }
0x154: {  	[sflag:s11] =	ssyncset.done $0x0  }
0x155: {  	[sflag:s11] =	ssyncadd.s32 $0xFFFFFF80  }
0x156: {  	_ =	swait.ge [sflag:s11], $0x80  }
0x157: {  	s24 =	sld [smem:$0x7EF]  }
0x158: {  	[sflag:s11] =	ssyncset.done $0x0  }
0x159: {  	[sflag:s11] =	ssyncadd.s32 $0xFFFFFF80  }
0x15a: {  	[tilespmem:s12], [sflag:$0x3] =	stream.linear.gather [hbm4b:s24+s3], $0x8000, $0x38;
	[tilespmem:$0x1DE00] =	vst v63  }
0x15b: {  	_ =	swait.ge [sflag:s13], $0x8000  }
0x15c: {  	[sflag:s13] =	ssyncset.done $0x0  }
0x15d: {  	[sflag:s13] =	ssyncadd.s32 $0xFFFF8000  }
0x15e: {  	[spmem:s2] =	stream.indirect.scatter.add.f32 [tilespmem:s8], [sflag:$0x4], $0x80, s26, s14, $0xb8;
	[tilespmem:$0x1DE00] =	vst v63  }
0x15f: {  	s26 =	simm.s32 $0x4800  }
0x160: {  	[spmem:s2] =	stream.indirect.scatter.add.f32 [tilespmem:s26], [sflag:$0x4], $0x80, s28, s14, $0xb8;
	[tilespmem:$0x1DE00] =	vst v63  }
0x161: {  	v2 =	vld [tilespmem:$0x1C800];
	_ =	sdelay $0x7  }
0x162: {  	[tilespmem:v2+s16+$0x0] =	vst.idx.add.f32.msk $0xffff, v1  }
0x163: {  	v2 =	vld [tilespmem:$0x1C810];
	_ =	sdelay $0x7  }
0x164: {  	[tilespmem:v2+s16+$0x0] =	vst.idx.add.f32.msk $0xffff, v1  }
0x165: {  	v2 =	vld [tilespmem:$0x1C820];
	_ =	sdelay $0x7  }
0x166: {  	[tilespmem:v2+s16+$0x0] =	vst.idx.add.f32.msk $0xffff, v1  }
0x167: {  	v2 =	vld [tilespmem:$0x1C830];
	_ =	sdelay $0x7  }
0x168: {  	[tilespmem:v2+s16+$0x0] =	vst.idx.add.f32.msk $0xffff, v1  }
0x169: {  	v2 =	vld [tilespmem:$0x1C840];
	_ =	sdelay $0x7  }
0x16a: {  	[tilespmem:v2+s16+$0x0] =	vst.idx.add.f32.msk $0xffff, v1  }
0x16b: {  	v2 =	vld [tilespmem:$0x1C850];
	_ =	sdelay $0x7  }
0x16c: {  	[tilespmem:v2+s16+$0x0] =	vst.idx.add.f32.msk $0xffff, v1  }
0x16d: {  	v2 =	vld [tilespmem:$0x1C860];
	_ =	sdelay $0x7  }
0x16e: {  	[tilespmem:v2+s16+$0x0] =	vst.idx.add.f32.msk $0xffff, v1  }
0x16f: {  	v2 =	vld [tilespmem:$0x1C870];
	_ =	sdelay $0x7  }
0x170: {  	[tilespmem:v2+s16+$0x0] =	vst.idx.add.f32.msk $0xffff, v1  }
0x171: {  	v2 =	vld [tilespmem:$0x1C880];
	_ =	sdelay $0x7  }
0x172: {  	[tilespmem:v2+s16+$0x0] =	vst.idx.add.f32.msk $0xffff, v1  }
0x173: {  	v2 =	vld [tilespmem:$0x1C890];
	_ =	sdelay $0x7  }
0x174: {  	[tilespmem:v2+s16+$0x0] =	vst.idx.add.f32.msk $0xffff, v1  }
0x175: {  	v2 =	vld [tilespmem:$0x1C8A0];
	_ =	sdelay $0x7  }
0x176: {  	[tilespmem:v2+s16+$0x0] =	vst.idx.add.f32.msk $0xffff, v1  }
0x177: {  	v2 =	vld [tilespmem:$0x1C8B0];
	_ =	sdelay $0x7  }
0x178: {  	[tilespmem:v2+s16+$0x0] =	vst.idx.add.f32.msk $0xffff, v1  }
0x179: {  	v2 =	vld [tilespmem:$0x1C8C0];
	_ =	sdelay $0x7  }
0x17a: {  	[tilespmem:v2+s16+$0x0] =	vst.idx.add.f32.msk $0xffff, v1  }
0x17b: {  	v2 =	vld [tilespmem:$0x1C8D0];
	_ =	sdelay $0x7  }
0x17c: {  	[tilespmem:v2+s16+$0x0] =	vst.idx.add.f32.msk $0xffff, v1  }
0x17d: {  	v2 =	vld [tilespmem:$0x1C8E0];
	_ =	sdelay $0x7  }
0x17e: {  	[tilespmem:v2+s16+$0x0] =	vst.idx.add.f32.msk $0xffff, v1  }
0x17f: {  	v2 =	vld [tilespmem:$0x1C8F0];
	_ =	sdelay $0x7  }
0x180: {  	[tilespmem:v2+s16+$0x0] =	vst.idx.add.f32.msk $0xffff, v1  }
0x181: {  	_ =	swait.ge [sflag:s17], $0x4000  }
0x182: {  	[sflag:s17] =	ssyncset.done $0x0  }
0x183: {  	[sflag:s17] =	ssyncadd.s32 $0xFFFFC000  }
0x184: {  	_ =	swait.ge [sflag:s17], $0x4000  }
0x185: {  	[sflag:s17] =	ssyncset.done $0x0  }
0x186: {  	[sflag:s17] =	ssyncadd.s32 $0xFFFFC000  }
0x187: {  	s28 =	sld [smem:$0x7F0];
	_ =	sdelay $0x2  }
0x188: {  	[tilespmem:s8], [sflag:$0x1] =	stream.linear.gather [hbm4b:s28+s3], $0x8000, $0x38;
	[tilespmem:$0x1DE00] =	vst v63  }
0x189: {  	_ =	swait.ge [sflag:s18], $0x8000  }
0x18a: {  	[sflag:s18] =	ssyncset.done $0x0  }
0x18b: {  	[sflag:s18] =	ssyncadd.s32 $0xFFFF8000  }
0x18c: {  	[spmem:s2] =	stream.indirect.scatter.add.f32 [tilespmem:s9], [sflag:$0x4], $0x80, s29, s14, $0xb8;
	[tilespmem:$0x1DE00] =	vst v63  }
0x18d: {  	s28 =	simm.s32 $0xC800  }
0x18e: {  	[spmem:s2] =	stream.indirect.scatter.add.f32 [tilespmem:s28], [sflag:$0x4], $0x80, s30, s14, $0xb8;
	[tilespmem:$0x1DE00] =	vst v63  }
0x18f: {  	v2 =	vld [tilespmem:$0x1C900];
	_ =	sdelay $0x7  }
0x190: {  	[tilespmem:v2+s16+$0x0] =	vst.idx.add.f32.msk $0xffff, v1  }
0x191: {  	v2 =	vld [tilespmem:$0x1C910];
	_ =	sdelay $0x7  }
0x192: {  	[tilespmem:v2+s16+$0x0] =	vst.idx.add.f32.msk $0xffff, v1  }
0x193: {  	v2 =	vld [tilespmem:$0x1C920];
	_ =	sdelay $0x7  }
0x194: {  	[tilespmem:v2+s16+$0x0] =	vst.idx.add.f32.msk $0xffff, v1  }
0x195: {  	v2 =	vld [tilespmem:$0x1C930];
	_ =	sdelay $0x7  }
0x196: {  	[tilespmem:v2+s16+$0x0] =	vst.idx.add.f32.msk $0xffff, v1  }
0x197: {  	v2 =	vld [tilespmem:$0x1C940];
	_ =	sdelay $0x7  }
0x198: {  	[tilespmem:v2+s16+$0x0] =	vst.idx.add.f32.msk $0xffff, v1  }
0x199: {  	v2 =	vld [tilespmem:$0x1C950];
	_ =	sdelay $0x7  }
0x19a: {  	[tilespmem:v2+s16+$0x0] =	vst.idx.add.f32.msk $0xffff, v1  }
0x19b: {  	v2 =	vld [tilespmem:$0x1C960];
	_ =	sdelay $0x7  }
0x19c: {  	[tilespmem:v2+s16+$0x0] =	vst.idx.add.f32.msk $0xffff, v1  }
0x19d: {  	v2 =	vld [tilespmem:$0x1C970];
	_ =	sdelay $0x7  }
0x19e: {  	[tilespmem:v2+s16+$0x0] =	vst.idx.add.f32.msk $0xffff, v1  }
0x19f: {  	v2 =	vld [tilespmem:$0x1C980];
	_ =	sdelay $0x7  }
0x1a0: {  	[tilespmem:v2+s16+$0x0] =	vst.idx.add.f32.msk $0xffff, v1  }
0x1a1: {  	v2 =	vld [tilespmem:$0x1C990];
	_ =	sdelay $0x7  }
0x1a2: {  	[tilespmem:v2+s16+$0x0] =	vst.idx.add.f32.msk $0xffff, v1  }
0x1a3: {  	v2 =	vld [tilespmem:$0x1C9A0];
	_ =	sdelay $0x7  }
0x1a4: {  	[tilespmem:v2+s16+$0x0] =	vst.idx.add.f32.msk $0xffff, v1  }
0x1a5: {  	v2 =	vld [tilespmem:$0x1C9B0];
	_ =	sdelay $0x7  }
0x1a6: {  	[tilespmem:v2+s16+$0x0] =	vst.idx.add.f32.msk $0xffff, v1  }
0x1a7: {  	v2 =	vld [tilespmem:$0x1C9C0];
	_ =	sdelay $0x7  }
0x1a8: {  	[tilespmem:v2+s16+$0x0] =	vst.idx.add.f32.msk $0xffff, v1  }
0x1a9: {  	v2 =	vld [tilespmem:$0x1C9D0];
	_ =	sdelay $0x7  }
0x1aa: {  	[tilespmem:v2+s16+$0x0] =	vst.idx.add.f32.msk $0xffff, v1  }
0x1ab: {  	v2 =	vld [tilespmem:$0x1C9E0];
	_ =	sdelay $0x7  }
0x1ac: {  	[tilespmem:v2+s16+$0x0] =	vst.idx.add.f32.msk $0xffff, v1  }
0x1ad: {  	v2 =	vld [tilespmem:$0x1C9F0];
	_ =	sdelay $0x7  }
0x1ae: {  	[tilespmem:v2+s16+$0x0] =	vst.idx.add.f32.msk $0xffff, v1  }
0x1af: {  	_ =	swait.ge [sflag:s17], $0x4000  }
0x1b0: {  	[sflag:s17] =	ssyncset.done $0x0  }
0x1b1: {  	[sflag:s17] =	ssyncadd.s32 $0xFFFFC000  }
0x1b2: {  	_ =	swait.ge [sflag:s17], $0x4000  }
0x1b3: {  	s29 =	sld [smem:$0x7F1]  }
0x1b4: {  	[sflag:s17] =	ssyncset.done $0x0  }
0x1b5: {  	[sflag:s17] =	ssyncadd.s32 $0xFFFFC000  }
0x1b6: {  	[tilespmem:s9], [sflag:$0x2] =	stream.linear.gather [hbm4b:s29+s3], $0x8000, $0x38;
	[tilespmem:$0x1DE00] =	vst v63  }
0x1b7: {  	_ =	swait.ge [sflag:s20], $0x8000  }
0x1b8: {  	[sflag:s20] =	ssyncset.done $0x0  }
0x1b9: {  	[sflag:s20] =	ssyncadd.s32 $0xFFFF8000  }
0x1ba: {  	[spmem:s2] =	stream.indirect.scatter.add.f32 [tilespmem:s12], [sflag:$0x4], $0x80, s31, s14, $0xb8;
	[tilespmem:$0x1DE00] =	vst v63  }
0x1bb: {  	s29 =	simm.s32 $0x14800  }
0x1bc: {  	[spmem:s2] =	stream.indirect.scatter.add.f32 [tilespmem:s29], [sflag:$0x4], $0x80, s1, s14, $0xb8;
	[tilespmem:$0x1DE00] =	vst v63  }
0x1bd: {  	v2 =	vld [tilespmem:$0x1CA00];
	_ =	sdelay $0x7  }
0x1be: {  	[tilespmem:v2+s16+$0x0] =	vst.idx.add.f32.msk $0xffff, v1  }
0x1bf: {  	v2 =	vld [tilespmem:$0x1CA10];
	_ =	sdelay $0x7  }
0x1c0: {  	[tilespmem:v2+s16+$0x0] =	vst.idx.add.f32.msk $0xffff, v1  }
0x1c1: {  	v2 =	vld [tilespmem:$0x1CA20];
	_ =	sdelay $0x7  }
0x1c2: {  	[tilespmem:v2+s16+$0x0] =	vst.idx.add.f32.msk $0xffff, v1  }
0x1c3: {  	v2 =	vld [tilespmem:$0x1CA30];
	_ =	sdelay $0x7  }
0x1c4: {  	[tilespmem:v2+s16+$0x0] =	vst.idx.add.f32.msk $0xffff, v1  }
0x1c5: {  	v2 =	vld [tilespmem:$0x1CA40];
	_ =	sdelay $0x7  }
0x1c6: {  	[tilespmem:v2+s16+$0x0] =	vst.idx.add.f32.msk $0xffff, v1  }
0x1c7: {  	v2 =	vld [tilespmem:$0x1CA50];
	_ =	sdelay $0x7  }
0x1c8: {  	[tilespmem:v2+s16+$0x0] =	vst.idx.add.f32.msk $0xffff, v1  }
0x1c9: {  	v2 =	vld [tilespmem:$0x1CA60];
	_ =	sdelay $0x7  }
0x1ca: {  	[tilespmem:v2+s16+$0x0] =	vst.idx.add.f32.msk $0xffff, v1  }
0x1cb: {  	v2 =	vld [tilespmem:$0x1CA70];
	_ =	sdelay $0x7  }
0x1cc: {  	[tilespmem:v2+s16+$0x0] =	vst.idx.add.f32.msk $0xffff, v1  }
0x1cd: {  	v2 =	vld [tilespmem:$0x1CA80];
	_ =	sdelay $0x7  }
0x1ce: {  	[tilespmem:v2+s16+$0x0] =	vst.idx.add.f32.msk $0xffff, v1  }
0x1cf: {  	v2 =	vld [tilespmem:$0x1CA90];
	_ =	sdelay $0x7  }
0x1d0: {  	[tilespmem:v2+s16+$0x0] =	vst.idx.add.f32.msk $0xffff, v1  }
0x1d1: {  	v2 =	vld [tilespmem:$0x1CAA0];
	_ =	sdelay $0x7  }
0x1d2: {  	[tilespmem:v2+s16+$0x0] =	vst.idx.add.f32.msk $0xffff, v1  }
0x1d3: {  	v2 =	vld [tilespmem:$0x1CAB0];
	_ =	sdelay $0x7  }
0x1d4: {  	[tilespmem:v2+s16+$0x0] =	vst.idx.add.f32.msk $0xffff, v1  }
0x1d5: {  	v2 =	vld [tilespmem:$0x1CAC0];
	_ =	sdelay $0x7  }
0x1d6: {  	[tilespmem:v2+s16+$0x0] =	vst.idx.add.f32.msk $0xffff, v1  }
0x1d7: {  	v2 =	vld [tilespmem:$0x1CAD0];
	_ =	sdelay $0x7  }
0x1d8: {  	[tilespmem:v2+s16+$0x0] =	vst.idx.add.f32.msk $0xffff, v1  }
0x1d9: {  	v2 =	vld [tilespmem:$0x1CAE0];
	_ =	sdelay $0x7  }
0x1da: {  	[tilespmem:v2+s16+$0x0] =	vst.idx.add.f32.msk $0xffff, v1  }
0x1db: {  	v2 =	vld [tilespmem:$0x1CAF0];
	_ =	sdelay $0x7  }
0x1dc: {  	[tilespmem:v2+s16+$0x0] =	vst.idx.add.f32.msk $0xffff, v1  }
0x1dd: {  	_ =	swait.ge [sflag:s17], $0x4000  }
0x1de: {  	[sflag:s17] =	ssyncset.done $0x0  }
0x1df: {  	[sflag:s17] =	ssyncadd.s32 $0xFFFFC000  }
0x1e0: {  	_ =	swait.ge [sflag:s17], $0x4000  }
0x1e1: {  	s1 =	sld [smem:$0x7F2]  }
0x1e2: {  	[sflag:s17] =	ssyncset.done $0x0  }
0x1e3: {  	[sflag:s17] =	ssyncadd.s32 $0xFFFFC000  }
0x1e4: {  	[tilespmem:s12], [sflag:$0x3] =	stream.linear.gather [hbm4b:s1+s3], $0x8000, $0x38;
	[tilespmem:$0x1DE00] =	vst v63  }
0x1e5: {  	_ =	swait.ge [sflag:s13], $0x8000  }
0x1e6: {  	[sflag:s13] =	ssyncset.done $0x0  }
0x1e7: {  	[sflag:s13] =	ssyncadd.s32 $0xFFFF8000  }
0x1e8: {  	[spmem:s2] =	stream.indirect.scatter.add.f32 [tilespmem:s8], [sflag:$0x4], $0x80, s0, s14, $0xb8;
	[tilespmem:$0x1DE00] =	vst v63  }
0x1e9: {  	_ = 	snop  }
0x1ea: {  	[spmem:s2] =	stream.indirect.scatter.add.f32 [tilespmem:s26], [sflag:$0x4], $0x80, s10, s14, $0xb8;
	[tilespmem:$0x1DE00] =	vst v63  }
0x1eb: {  	v2 =	vld [tilespmem:$0x1CB00];
	_ =	sdelay $0x7  }
0x1ec: {  	[tilespmem:v2+s16+$0x0] =	vst.idx.add.f32.msk $0xffff, v1  }
0x1ed: {  	v2 =	vld [tilespmem:$0x1CB10];
	_ =	sdelay $0x7  }
0x1ee: {  	[tilespmem:v2+s16+$0x0] =	vst.idx.add.f32.msk $0xffff, v1  }
0x1ef: {  	v2 =	vld [tilespmem:$0x1CB20];
	_ =	sdelay $0x7  }
0x1f0: {  	[tilespmem:v2+s16+$0x0] =	vst.idx.add.f32.msk $0xffff, v1  }
0x1f1: {  	v2 =	vld [tilespmem:$0x1CB30];
	_ =	sdelay $0x7  }
0x1f2: {  	[tilespmem:v2+s16+$0x0] =	vst.idx.add.f32.msk $0xffff, v1  }
0x1f3: {  	v2 =	vld [tilespmem:$0x1CB40];
	_ =	sdelay $0x7  }
0x1f4: {  	[tilespmem:v2+s16+$0x0] =	vst.idx.add.f32.msk $0xffff, v1  }
0x1f5: {  	v2 =	vld [tilespmem:$0x1CB50];
	_ =	sdelay $0x7  }
0x1f6: {  	[tilespmem:v2+s16+$0x0] =	vst.idx.add.f32.msk $0xffff, v1  }
0x1f7: {  	v2 =	vld [tilespmem:$0x1CB60];
	_ =	sdelay $0x7  }
0x1f8: {  	[tilespmem:v2+s16+$0x0] =	vst.idx.add.f32.msk $0xffff, v1  }
0x1f9: {  	v2 =	vld [tilespmem:$0x1CB70];
	_ =	sdelay $0x7  }
0x1fa: {  	[tilespmem:v2+s16+$0x0] =	vst.idx.add.f32.msk $0xffff, v1  }
0x1fb: {  	v2 =	vld [tilespmem:$0x1CB80];
	_ =	sdelay $0x7  }
0x1fc: {  	[tilespmem:v2+s16+$0x0] =	vst.idx.add.f32.msk $0xffff, v1  }
0x1fd: {  	v2 =	vld [tilespmem:$0x1CB90];
	_ =	sdelay $0x7  }
0x1fe: {  	[tilespmem:v2+s16+$0x0] =	vst.idx.add.f32.msk $0xffff, v1  }
0x1ff: {  	v2 =	vld [tilespmem:$0x1CBA0];
	_ =	sdelay $0x7  }
0x200: {  	[tilespmem:v2+s16+$0x0] =	vst.idx.add.f32.msk $0xffff, v1  }
0x201: {  	v2 =	vld [tilespmem:$0x1CBB0];
	_ =	sdelay $0x7  }
0x202: {  	[tilespmem:v2+s16+$0x0] =	vst.idx.add.f32.msk $0xffff, v1  }
0x203: {  	v2 =	vld [tilespmem:$0x1CBC0];
	_ =	sdelay $0x7  }
0x204: {  	[tilespmem:v2+s16+$0x0] =	vst.idx.add.f32.msk $0xffff, v1  }
0x205: {  	v2 =	vld [tilespmem:$0x1CBD0];
	_ =	sdelay $0x7  }
0x206: {  	[tilespmem:v2+s16+$0x0] =	vst.idx.add.f32.msk $0xffff, v1  }
0x207: {  	v2 =	vld [tilespmem:$0x1CBE0];
	_ =	sdelay $0x7  }
0x208: {  	[tilespmem:v2+s16+$0x0] =	vst.idx.add.f32.msk $0xffff, v1  }
0x209: {  	v2 =	vld [tilespmem:$0x1CBF0];
	_ =	sdelay $0x7  }
0x20a: {  	[tilespmem:v2+s16+$0x0] =	vst.idx.add.f32.msk $0xffff, v1  }
0x20b: {  	_ =	swait.ge [sflag:s17], $0x4000  }
0x20c: {  	[sflag:s17] =	ssyncset.done $0x0  }
0x20d: {  	[sflag:s17] =	ssyncadd.s32 $0xFFFFC000  }
0x20e: {  	_ =	swait.ge [sflag:s17], $0x4000  }
0x20f: {  	s1 =	sld [smem:$0x7F3]  }
0x210: {  	[sflag:s17] =	ssyncset.done $0x0  }
0x211: {  	[sflag:s17] =	ssyncadd.s32 $0xFFFFC000  }
0x212: {  	[tilespmem:s8], [sflag:$0x1] =	stream.linear.gather [hbm4b:s1+s3], $0x8000, $0x38;
	[tilespmem:$0x1DE00] =	vst v63  }
0x213: {  	_ =	swait.ge [sflag:s18], $0x8000  }
0x214: {  	[sflag:s18] =	ssyncset.done $0x0  }
0x215: {  	[sflag:s18] =	ssyncadd.s32 $0xFFFF8000  }
0x216: {  	[spmem:s2] =	stream.indirect.scatter.add.f32 [tilespmem:s9], [sflag:$0x4], $0x80, s4, s14, $0xb8;
	[tilespmem:$0x1DE00] =	vst v63  }
0x217: {  	_ = 	snop  }
0x218: {  	[spmem:s2] =	stream.indirect.scatter.add.f32 [tilespmem:s28], [sflag:$0x4], $0x80, s5, s14, $0xb8;
	[tilespmem:$0x1DE00] =	vst v63  }
0x219: {  	v2 =	vld [tilespmem:$0x1CC00];
	_ =	sdelay $0x7  }
0x21a: {  	[tilespmem:v2+s16+$0x0] =	vst.idx.add.f32.msk $0xffff, v1  }
0x21b: {  	v2 =	vld [tilespmem:$0x1CC10];
	_ =	sdelay $0x7  }
0x21c: {  	[tilespmem:v2+s16+$0x0] =	vst.idx.add.f32.msk $0xffff, v1  }
0x21d: {  	v2 =	vld [tilespmem:$0x1CC20];
	_ =	sdelay $0x7  }
0x21e: {  	[tilespmem:v2+s16+$0x0] =	vst.idx.add.f32.msk $0xffff, v1  }
0x21f: {  	v2 =	vld [tilespmem:$0x1CC30];
	_ =	sdelay $0x7  }
0x220: {  	[tilespmem:v2+s16+$0x0] =	vst.idx.add.f32.msk $0xffff, v1  }
0x221: {  	v2 =	vld [tilespmem:$0x1CC40];
	_ =	sdelay $0x7  }
0x222: {  	[tilespmem:v2+s16+$0x0] =	vst.idx.add.f32.msk $0xffff, v1  }
0x223: {  	v2 =	vld [tilespmem:$0x1CC50];
	_ =	sdelay $0x7  }
0x224: {  	[tilespmem:v2+s16+$0x0] =	vst.idx.add.f32.msk $0xffff, v1  }
0x225: {  	v2 =	vld [tilespmem:$0x1CC60];
	_ =	sdelay $0x7  }
0x226: {  	[tilespmem:v2+s16+$0x0] =	vst.idx.add.f32.msk $0xffff, v1  }
0x227: {  	v2 =	vld [tilespmem:$0x1CC70];
	_ =	sdelay $0x7  }
0x228: {  	[tilespmem:v2+s16+$0x0] =	vst.idx.add.f32.msk $0xffff, v1  }
0x229: {  	v2 =	vld [tilespmem:$0x1CC80];
	_ =	sdelay $0x7  }
0x22a: {  	[tilespmem:v2+s16+$0x0] =	vst.idx.add.f32.msk $0xffff, v1  }
0x22b: {  	v2 =	vld [tilespmem:$0x1CC90];
	_ =	sdelay $0x7  }
0x22c: {  	[tilespmem:v2+s16+$0x0] =	vst.idx.add.f32.msk $0xffff, v1  }
0x22d: {  	v2 =	vld [tilespmem:$0x1CCA0];
	_ =	sdelay $0x7  }
0x22e: {  	[tilespmem:v2+s16+$0x0] =	vst.idx.add.f32.msk $0xffff, v1  }
0x22f: {  	v2 =	vld [tilespmem:$0x1CCB0];
	_ =	sdelay $0x7  }
0x230: {  	[tilespmem:v2+s16+$0x0] =	vst.idx.add.f32.msk $0xffff, v1  }
0x231: {  	v2 =	vld [tilespmem:$0x1CCC0];
	_ =	sdelay $0x7  }
0x232: {  	[tilespmem:v2+s16+$0x0] =	vst.idx.add.f32.msk $0xffff, v1  }
0x233: {  	v2 =	vld [tilespmem:$0x1CCD0];
	_ =	sdelay $0x7  }
0x234: {  	[tilespmem:v2+s16+$0x0] =	vst.idx.add.f32.msk $0xffff, v1  }
0x235: {  	v2 =	vld [tilespmem:$0x1CCE0];
	_ =	sdelay $0x7  }
0x236: {  	[tilespmem:v2+s16+$0x0] =	vst.idx.add.f32.msk $0xffff, v1  }
0x237: {  	v2 =	vld [tilespmem:$0x1CCF0];
	_ =	sdelay $0x7  }
0x238: {  	[tilespmem:v2+s16+$0x0] =	vst.idx.add.f32.msk $0xffff, v1  }
0x239: {  	_ =	swait.ge [sflag:s17], $0x4000  }
0x23a: {  	[sflag:s17] =	ssyncset.done $0x0  }
0x23b: {  	[sflag:s17] =	ssyncadd.s32 $0xFFFFC000  }
0x23c: {  	_ =	swait.ge [sflag:s17], $0x4000  }
0x23d: {  	s0 =	sld [smem:$0x7F4]  }
0x23e: {  	[sflag:s17] =	ssyncset.done $0x0  }
0x23f: {  	[sflag:s17] =	ssyncadd.s32 $0xFFFFC000  }
0x240: {  	[tilespmem:s9], [sflag:$0x2] =	stream.linear.gather [hbm4b:s0+s3], $0x8000, $0x38;
	[tilespmem:$0x1DE00] =	vst v63  }
0x241: {  	_ =	swait.ge [sflag:s20], $0x8000  }
0x242: {  	[sflag:s20] =	ssyncset.done $0x0  }
0x243: {  	[sflag:s20] =	ssyncadd.s32 $0xFFFF8000  }
0x244: {  	[spmem:s2] =	stream.indirect.scatter.add.f32 [tilespmem:s12], [sflag:$0x4], $0x80, s19, s14, $0xb8;
	[tilespmem:$0x1DE00] =	vst v63  }
0x245: {  	_ = 	snop  }
0x246: {  	[spmem:s2] =	stream.indirect.scatter.add.f32 [tilespmem:s29], [sflag:$0x4], $0x80, s21, s14, $0xb8;
	[tilespmem:$0x1DE00] =	vst v63  }
0x247: {  	v2 =	vld [tilespmem:$0x1CD00];
	_ =	sdelay $0x7  }
0x248: {  	[tilespmem:v2+s16+$0x0] =	vst.idx.add.f32.msk $0xffff, v1  }
0x249: {  	v2 =	vld [tilespmem:$0x1CD10];
	_ =	sdelay $0x7  }
0x24a: {  	[tilespmem:v2+s16+$0x0] =	vst.idx.add.f32.msk $0xffff, v1  }
0x24b: {  	v2 =	vld [tilespmem:$0x1CD20];
	_ =	sdelay $0x7  }
0x24c: {  	[tilespmem:v2+s16+$0x0] =	vst.idx.add.f32.msk $0xffff, v1  }
0x24d: {  	v2 =	vld [tilespmem:$0x1CD30];
	_ =	sdelay $0x7  }
0x24e: {  	[tilespmem:v2+s16+$0x0] =	vst.idx.add.f32.msk $0xffff, v1  }
0x24f: {  	v2 =	vld [tilespmem:$0x1CD40];
	_ =	sdelay $0x7  }
0x250: {  	[tilespmem:v2+s16+$0x0] =	vst.idx.add.f32.msk $0xffff, v1  }
0x251: {  	v2 =	vld [tilespmem:$0x1CD50];
	_ =	sdelay $0x7  }
0x252: {  	[tilespmem:v2+s16+$0x0] =	vst.idx.add.f32.msk $0xffff, v1  }
0x253: {  	v2 =	vld [tilespmem:$0x1CD60];
	_ =	sdelay $0x7  }
0x254: {  	[tilespmem:v2+s16+$0x0] =	vst.idx.add.f32.msk $0xffff, v1  }
0x255: {  	v2 =	vld [tilespmem:$0x1CD70];
	_ =	sdelay $0x7  }
0x256: {  	[tilespmem:v2+s16+$0x0] =	vst.idx.add.f32.msk $0xffff, v1  }
0x257: {  	v2 =	vld [tilespmem:$0x1CD80];
	_ =	sdelay $0x7  }
0x258: {  	[tilespmem:v2+s16+$0x0] =	vst.idx.add.f32.msk $0xffff, v1  }
0x259: {  	v2 =	vld [tilespmem:$0x1CD90];
	_ =	sdelay $0x7  }
0x25a: {  	[tilespmem:v2+s16+$0x0] =	vst.idx.add.f32.msk $0xffff, v1  }
0x25b: {  	v2 =	vld [tilespmem:$0x1CDA0];
	_ =	sdelay $0x7  }
0x25c: {  	[tilespmem:v2+s16+$0x0] =	vst.idx.add.f32.msk $0xffff, v1  }
0x25d: {  	v2 =	vld [tilespmem:$0x1CDB0];
	_ =	sdelay $0x7  }
0x25e: {  	[tilespmem:v2+s16+$0x0] =	vst.idx.add.f32.msk $0xffff, v1  }
0x25f: {  	v2 =	vld [tilespmem:$0x1CDC0];
	_ =	sdelay $0x7  }
0x260: {  	[tilespmem:v2+s16+$0x0] =	vst.idx.add.f32.msk $0xffff, v1  }
0x261: {  	v2 =	vld [tilespmem:$0x1CDD0];
	_ =	sdelay $0x7  }
0x262: {  	[tilespmem:v2+s16+$0x0] =	vst.idx.add.f32.msk $0xffff, v1  }
0x263: {  	v2 =	vld [tilespmem:$0x1CDE0];
	_ =	sdelay $0x7  }
0x264: {  	[tilespmem:v2+s16+$0x0] =	vst.idx.add.f32.msk $0xffff, v1  }
0x265: {  	v2 =	vld [tilespmem:$0x1CDF0];
	_ =	sdelay $0x7  }
0x266: {  	[tilespmem:v2+s16+$0x0] =	vst.idx.add.f32.msk $0xffff, v1  }
0x267: {  	_ =	swait.ge [sflag:s17], $0x4000  }
0x268: {  	[sflag:s17] =	ssyncset.done $0x0  }
0x269: {  	[sflag:s17] =	ssyncadd.s32 $0xFFFFC000  }
0x26a: {  	_ =	swait.ge [sflag:s17], $0x4000  }
0x26b: {  	s1 =	sld [smem:$0x7F5]  }
0x26c: {  	[sflag:s17] =	ssyncset.done $0x0  }
0x26d: {  	[sflag:s17] =	ssyncadd.s32 $0xFFFFC000  }
0x26e: {  	[tilespmem:s12], [sflag:$0x3] =	stream.linear.gather [hbm4b:s1+s3], $0x8000, $0x38;
	[tilespmem:$0x1DE00] =	vst v63  }
0x26f: {  	_ =	swait.ge [sflag:s13], $0x8000  }
0x270: {  	[sflag:s13] =	ssyncset.done $0x0  }
0x271: {  	s24 =	simm.s32 $0x1CE00;
	[sflag:s13] =	ssyncadd.s32 $0xFFFF8000  }
0x272: {  	[spmem:s2] =	stream.indirect.scatter.add.f32 [tilespmem:s8], [sflag:$0x4], $0x80, s24, s14, $0xb8;
	[tilespmem:$0x1DE00] =	vst v63  }
0x273: {  	_ = 	snop  }
0x274: {  	[spmem:s2] =	stream.indirect.scatter.add.f32 [tilespmem:s26], [sflag:$0x4], $0x80, s22, s14, $0xb8;
	[tilespmem:$0x1DE00] =	vst v63  }
0x275: {  	v2 =	vld [tilespmem:$0x1CE00];
	_ =	sdelay $0x7  }
0x276: {  	[tilespmem:v2+s16+$0x0] =	vst.idx.add.f32.msk $0xffff, v1  }
0x277: {  	v2 =	vld [tilespmem:$0x1CE10];
	_ =	sdelay $0x7  }
0x278: {  	[tilespmem:v2+s16+$0x0] =	vst.idx.add.f32.msk $0xffff, v1  }
0x279: {  	v2 =	vld [tilespmem:$0x1CE20];
	_ =	sdelay $0x7  }
0x27a: {  	[tilespmem:v2+s16+$0x0] =	vst.idx.add.f32.msk $0xffff, v1  }
0x27b: {  	v2 =	vld [tilespmem:$0x1CE30];
	_ =	sdelay $0x7  }
0x27c: {  	[tilespmem:v2+s16+$0x0] =	vst.idx.add.f32.msk $0xffff, v1  }
0x27d: {  	v2 =	vld [tilespmem:$0x1CE40];
	_ =	sdelay $0x7  }
0x27e: {  	[tilespmem:v2+s16+$0x0] =	vst.idx.add.f32.msk $0xffff, v1  }
0x27f: {  	v2 =	vld [tilespmem:$0x1CE50];
	_ =	sdelay $0x7  }
0x280: {  	[tilespmem:v2+s16+$0x0] =	vst.idx.add.f32.msk $0xffff, v1  }
0x281: {  	v2 =	vld [tilespmem:$0x1CE60];
	_ =	sdelay $0x7  }
0x282: {  	[tilespmem:v2+s16+$0x0] =	vst.idx.add.f32.msk $0xffff, v1  }
0x283: {  	v2 =	vld [tilespmem:$0x1CE70];
	_ =	sdelay $0x7  }
0x284: {  	[tilespmem:v2+s16+$0x0] =	vst.idx.add.f32.msk $0xffff, v1  }
0x285: {  	v2 =	vld [tilespmem:$0x1CE80];
	_ =	sdelay $0x7  }
0x286: {  	[tilespmem:v2+s16+$0x0] =	vst.idx.add.f32.msk $0xffff, v1  }
0x287: {  	v2 =	vld [tilespmem:$0x1CE90];
	_ =	sdelay $0x7  }
0x288: {  	[tilespmem:v2+s16+$0x0] =	vst.idx.add.f32.msk $0xffff, v1  }
0x289: {  	v2 =	vld [tilespmem:$0x1CEA0];
	_ =	sdelay $0x7  }
0x28a: {  	[tilespmem:v2+s16+$0x0] =	vst.idx.add.f32.msk $0xffff, v1  }
0x28b: {  	v2 =	vld [tilespmem:$0x1CEB0];
	_ =	sdelay $0x7  }
0x28c: {  	[tilespmem:v2+s16+$0x0] =	vst.idx.add.f32.msk $0xffff, v1  }
0x28d: {  	v2 =	vld [tilespmem:$0x1CEC0];
	_ =	sdelay $0x7  }
0x28e: {  	[tilespmem:v2+s16+$0x0] =	vst.idx.add.f32.msk $0xffff, v1  }
0x28f: {  	v2 =	vld [tilespmem:$0x1CED0];
	_ =	sdelay $0x7  }
0x290: {  	[tilespmem:v2+s16+$0x0] =	vst.idx.add.f32.msk $0xffff, v1  }
0x291: {  	v2 =	vld [tilespmem:$0x1CEE0];
	_ =	sdelay $0x7  }
0x292: {  	[tilespmem:v2+s16+$0x0] =	vst.idx.add.f32.msk $0xffff, v1  }
0x293: {  	v2 =	vld [tilespmem:$0x1CEF0];
	_ =	sdelay $0x7  }
0x294: {  	[tilespmem:v2+s16+$0x0] =	vst.idx.add.f32.msk $0xffff, v1  }
0x295: {  	_ =	swait.ge [sflag:s17], $0x4000  }
0x296: {  	[sflag:s17] =	ssyncset.done $0x0  }
0x297: {  	[sflag:s17] =	ssyncadd.s32 $0xFFFFC000  }
0x298: {  	_ =	swait.ge [sflag:s17], $0x4000  }
0x299: {  	s1 =	sld [smem:$0x7F6]  }
0x29a: {  	[sflag:s17] =	ssyncset.done $0x0  }
0x29b: {  	[sflag:s17] =	ssyncadd.s32 $0xFFFFC000  }
0x29c: {  	[tilespmem:s8], [sflag:$0x1] =	stream.linear.gather [hbm4b:s1+s3], $0x8000, $0x38;
	[tilespmem:$0x1DE00] =	vst v63  }
0x29d: {  	_ =	swait.ge [sflag:s18], $0x8000  }
0x29e: {  	[sflag:s18] =	ssyncset.done $0x0  }
0x29f: {  	s22 =	simm.s32 $0x1CF00;
	[sflag:s18] =	ssyncadd.s32 $0xFFFF8000  }
0x2a0: {  	[spmem:s2] =	stream.indirect.scatter.add.f32 [tilespmem:s9], [sflag:$0x4], $0x80, s22, s14, $0xb8;
	[tilespmem:$0x1DE00] =	vst v63  }
0x2a1: {  	s24 =	simm.s32 $0x1CF80  }
0x2a2: {  	[spmem:s2] =	stream.indirect.scatter.add.f32 [tilespmem:s28], [sflag:$0x4], $0x80, s24, s14, $0xb8;
	[tilespmem:$0x1DE00] =	vst v63  }
0x2a3: {  	v2 =	vld [tilespmem:$0x1CF00];
	_ =	sdelay $0x7  }
0x2a4: {  	[tilespmem:v2+s16+$0x0] =	vst.idx.add.f32.msk $0xffff, v1  }
0x2a5: {  	v2 =	vld [tilespmem:$0x1CF10];
	_ =	sdelay $0x7  }
0x2a6: {  	[tilespmem:v2+s16+$0x0] =	vst.idx.add.f32.msk $0xffff, v1  }
0x2a7: {  	v2 =	vld [tilespmem:$0x1CF20];
	_ =	sdelay $0x7  }
0x2a8: {  	[tilespmem:v2+s16+$0x0] =	vst.idx.add.f32.msk $0xffff, v1  }
0x2a9: {  	v2 =	vld [tilespmem:$0x1CF30];
	_ =	sdelay $0x7  }
0x2aa: {  	[tilespmem:v2+s16+$0x0] =	vst.idx.add.f32.msk $0xffff, v1  }
0x2ab: {  	v2 =	vld [tilespmem:$0x1CF40];
	_ =	sdelay $0x7  }
0x2ac: {  	[tilespmem:v2+s16+$0x0] =	vst.idx.add.f32.msk $0xffff, v1  }
0x2ad: {  	v2 =	vld [tilespmem:$0x1CF50];
	_ =	sdelay $0x7  }
0x2ae: {  	[tilespmem:v2+s16+$0x0] =	vst.idx.add.f32.msk $0xffff, v1  }
0x2af: {  	v2 =	vld [tilespmem:$0x1CF60];
	_ =	sdelay $0x7  }
0x2b0: {  	[tilespmem:v2+s16+$0x0] =	vst.idx.add.f32.msk $0xffff, v1  }
0x2b1: {  	v2 =	vld [tilespmem:$0x1CF70];
	_ =	sdelay $0x7  }
0x2b2: {  	[tilespmem:v2+s16+$0x0] =	vst.idx.add.f32.msk $0xffff, v1  }
0x2b3: {  	v2 =	vld [tilespmem:$0x1CF80];
	_ =	sdelay $0x7  }
0x2b4: {  	[tilespmem:v2+s16+$0x0] =	vst.idx.add.f32.msk $0xffff, v1  }
0x2b5: {  	v2 =	vld [tilespmem:$0x1CF90];
	_ =	sdelay $0x7  }
0x2b6: {  	[tilespmem:v2+s16+$0x0] =	vst.idx.add.f32.msk $0xffff, v1  }
0x2b7: {  	v2 =	vld [tilespmem:$0x1CFA0];
	_ =	sdelay $0x7  }
0x2b8: {  	[tilespmem:v2+s16+$0x0] =	vst.idx.add.f32.msk $0xffff, v1  }
0x2b9: {  	v2 =	vld [tilespmem:$0x1CFB0];
	_ =	sdelay $0x7  }
0x2ba: {  	[tilespmem:v2+s16+$0x0] =	vst.idx.add.f32.msk $0xffff, v1  }
0x2bb: {  	v2 =	vld [tilespmem:$0x1CFC0];
	_ =	sdelay $0x7  }
0x2bc: {  	[tilespmem:v2+s16+$0x0] =	vst.idx.add.f32.msk $0xffff, v1  }
0x2bd: {  	v2 =	vld [tilespmem:$0x1CFD0];
	_ =	sdelay $0x7  }
0x2be: {  	[tilespmem:v2+s16+$0x0] =	vst.idx.add.f32.msk $0xffff, v1  }
0x2bf: {  	v2 =	vld [tilespmem:$0x1CFE0];
	_ =	sdelay $0x7  }
0x2c0: {  	[tilespmem:v2+s16+$0x0] =	vst.idx.add.f32.msk $0xffff, v1  }
0x2c1: {  	v2 =	vld [tilespmem:$0x1CFF0];
	_ =	sdelay $0x7  }
0x2c2: {  	[tilespmem:v2+s16+$0x0] =	vst.idx.add.f32.msk $0xffff, v1  }
0x2c3: {  	_ =	swait.ge [sflag:s17], $0x4000  }
0x2c4: {  	[sflag:s17] =	ssyncset.done $0x0  }
0x2c5: {  	[sflag:s17] =	ssyncadd.s32 $0xFFFFC000  }
0x2c6: {  	_ =	swait.ge [sflag:s17], $0x4000  }
0x2c7: {  	s1 =	sld [smem:$0x7F7]  }
0x2c8: {  	[sflag:s17] =	ssyncset.done $0x0  }
0x2c9: {  	[sflag:s17] =	ssyncadd.s32 $0xFFFFC000  }
0x2ca: {  	[tilespmem:s9], [sflag:$0x2] =	stream.linear.gather [hbm4b:s1+s3], $0x8000, $0x38;
	[tilespmem:$0x1DE00] =	vst v63  }
0x2cb: {  	_ =	swait.ge [sflag:s20], $0x8000  }
0x2cc: {  	[sflag:s20] =	ssyncset.done $0x0  }
0x2cd: {  	s22 =	simm.s32 $0x1D000;
	[sflag:s20] =	ssyncadd.s32 $0xFFFF8000  }
0x2ce: {  	[spmem:s2] =	stream.indirect.scatter.add.f32 [tilespmem:s12], [sflag:$0x4], $0x80, s22, s14, $0xb8;
	[tilespmem:$0x1DE00] =	vst v63  }
0x2cf: {  	s24 =	simm.s32 $0x1D080  }
0x2d0: {  	[spmem:s2] =	stream.indirect.scatter.add.f32 [tilespmem:s29], [sflag:$0x4], $0x80, s24, s14, $0xb8;
	[tilespmem:$0x1DE00] =	vst v63  }
0x2d1: {  	v2 =	vld [tilespmem:$0x1D000];
	_ =	sdelay $0x7  }
0x2d2: {  	[tilespmem:v2+s16+$0x0] =	vst.idx.add.f32.msk $0xffff, v1  }
0x2d3: {  	v2 =	vld [tilespmem:$0x1D010];
	_ =	sdelay $0x7  }
0x2d4: {  	[tilespmem:v2+s16+$0x0] =	vst.idx.add.f32.msk $0xffff, v1  }
0x2d5: {  	v2 =	vld [tilespmem:$0x1D020];
	_ =	sdelay $0x7  }
0x2d6: {  	[tilespmem:v2+s16+$0x0] =	vst.idx.add.f32.msk $0xffff, v1  }
0x2d7: {  	v2 =	vld [tilespmem:$0x1D030];
	_ =	sdelay $0x7  }
0x2d8: {  	[tilespmem:v2+s16+$0x0] =	vst.idx.add.f32.msk $0xffff, v1  }
0x2d9: {  	v2 =	vld [tilespmem:$0x1D040];
	_ =	sdelay $0x7  }
0x2da: {  	[tilespmem:v2+s16+$0x0] =	vst.idx.add.f32.msk $0xffff, v1  }
0x2db: {  	v2 =	vld [tilespmem:$0x1D050];
	_ =	sdelay $0x7  }
0x2dc: {  	[tilespmem:v2+s16+$0x0] =	vst.idx.add.f32.msk $0xffff, v1  }
0x2dd: {  	v2 =	vld [tilespmem:$0x1D060];
	_ =	sdelay $0x7  }
0x2de: {  	[tilespmem:v2+s16+$0x0] =	vst.idx.add.f32.msk $0xffff, v1  }
0x2df: {  	v2 =	vld [tilespmem:$0x1D070];
	_ =	sdelay $0x7  }
0x2e0: {  	[tilespmem:v2+s16+$0x0] =	vst.idx.add.f32.msk $0xffff, v1  }
0x2e1: {  	v2 =	vld [tilespmem:$0x1D080];
	_ =	sdelay $0x7  }
0x2e2: {  	[tilespmem:v2+s16+$0x0] =	vst.idx.add.f32.msk $0xffff, v1  }
0x2e3: {  	v2 =	vld [tilespmem:$0x1D090];
	_ =	sdelay $0x7  }
0x2e4: {  	[tilespmem:v2+s16+$0x0] =	vst.idx.add.f32.msk $0xffff, v1  }
0x2e5: {  	v2 =	vld [tilespmem:$0x1D0A0];
	_ =	sdelay $0x7  }
0x2e6: {  	[tilespmem:v2+s16+$0x0] =	vst.idx.add.f32.msk $0xffff, v1  }
0x2e7: {  	v2 =	vld [tilespmem:$0x1D0B0];
	_ =	sdelay $0x7  }
0x2e8: {  	[tilespmem:v2+s16+$0x0] =	vst.idx.add.f32.msk $0xffff, v1  }
0x2e9: {  	v2 =	vld [tilespmem:$0x1D0C0];
	_ =	sdelay $0x7  }
0x2ea: {  	[tilespmem:v2+s16+$0x0] =	vst.idx.add.f32.msk $0xffff, v1  }
0x2eb: {  	v2 =	vld [tilespmem:$0x1D0D0];
	_ =	sdelay $0x7  }
0x2ec: {  	[tilespmem:v2+s16+$0x0] =	vst.idx.add.f32.msk $0xffff, v1  }
0x2ed: {  	v2 =	vld [tilespmem:$0x1D0E0];
	_ =	sdelay $0x7  }
0x2ee: {  	[tilespmem:v2+s16+$0x0] =	vst.idx.add.f32.msk $0xffff, v1  }
0x2ef: {  	v2 =	vld [tilespmem:$0x1D0F0];
	_ =	sdelay $0x7  }
0x2f0: {  	[tilespmem:v2+s16+$0x0] =	vst.idx.add.f32.msk $0xffff, v1  }
0x2f1: {  	_ =	swait.ge [sflag:s17], $0x4000  }
0x2f2: {  	[sflag:s17] =	ssyncset.done $0x0  }
0x2f3: {  	[sflag:s17] =	ssyncadd.s32 $0xFFFFC000  }
0x2f4: {  	_ =	swait.ge [sflag:s17], $0x4000  }
0x2f5: {  	s1 =	sld [smem:$0x7F8]  }
0x2f6: {  	[sflag:s17] =	ssyncset.done $0x0  }
0x2f7: {  	[sflag:s17] =	ssyncadd.s32 $0xFFFFC000  }
0x2f8: {  	[tilespmem:s12], [sflag:$0x3] =	stream.linear.gather [hbm4b:s1+s3], $0x8000, $0x38;
	[tilespmem:$0x1DE00] =	vst v63  }
0x2f9: {  	_ =	swait.ge [sflag:s13], $0x8000  }
0x2fa: {  	[sflag:s13] =	ssyncset.done $0x0  }
0x2fb: {  	s22 =	simm.s32 $0x1D100;
	[sflag:s13] =	ssyncadd.s32 $0xFFFF8000  }
0x2fc: {  	[spmem:s2] =	stream.indirect.scatter.add.f32 [tilespmem:s8], [sflag:$0x4], $0x80, s22, s14, $0xb8;
	[tilespmem:$0x1DE00] =	vst v63  }
0x2fd: {  	s24 =	simm.s32 $0x1D180  }
0x2fe: {  	[spmem:s2] =	stream.indirect.scatter.add.f32 [tilespmem:s26], [sflag:$0x4], $0x80, s24, s14, $0xb8;
	[tilespmem:$0x1DE00] =	vst v63  }
0x2ff: {  	v2 =	vld [tilespmem:$0x1D100];
	_ =	sdelay $0x7  }
0x300: {  	[tilespmem:v2+s16+$0x0] =	vst.idx.add.f32.msk $0xffff, v1  }
0x301: {  	v2 =	vld [tilespmem:$0x1D110];
	_ =	sdelay $0x7  }
0x302: {  	[tilespmem:v2+s16+$0x0] =	vst.idx.add.f32.msk $0xffff, v1  }
0x303: {  	v2 =	vld [tilespmem:$0x1D120];
	_ =	sdelay $0x7  }
0x304: {  	[tilespmem:v2+s16+$0x0] =	vst.idx.add.f32.msk $0xffff, v1  }
0x305: {  	v2 =	vld [tilespmem:$0x1D130];
	_ =	sdelay $0x7  }
0x306: {  	[tilespmem:v2+s16+$0x0] =	vst.idx.add.f32.msk $0xffff, v1  }
0x307: {  	v2 =	vld [tilespmem:$0x1D140];
	_ =	sdelay $0x7  }
0x308: {  	[tilespmem:v2+s16+$0x0] =	vst.idx.add.f32.msk $0xffff, v1  }
0x309: {  	v2 =	vld [tilespmem:$0x1D150];
	_ =	sdelay $0x7  }
0x30a: {  	[tilespmem:v2+s16+$0x0] =	vst.idx.add.f32.msk $0xffff, v1  }
0x30b: {  	v2 =	vld [tilespmem:$0x1D160];
	_ =	sdelay $0x7  }
0x30c: {  	[tilespmem:v2+s16+$0x0] =	vst.idx.add.f32.msk $0xffff, v1  }
0x30d: {  	v2 =	vld [tilespmem:$0x1D170];
	_ =	sdelay $0x7  }
0x30e: {  	[tilespmem:v2+s16+$0x0] =	vst.idx.add.f32.msk $0xffff, v1  }
0x30f: {  	v2 =	vld [tilespmem:$0x1D180];
	_ =	sdelay $0x7  }
0x310: {  	[tilespmem:v2+s16+$0x0] =	vst.idx.add.f32.msk $0xffff, v1  }
0x311: {  	v2 =	vld [tilespmem:$0x1D190];
	_ =	sdelay $0x7  }
0x312: {  	[tilespmem:v2+s16+$0x0] =	vst.idx.add.f32.msk $0xffff, v1  }
0x313: {  	v2 =	vld [tilespmem:$0x1D1A0];
	_ =	sdelay $0x7  }
0x314: {  	[tilespmem:v2+s16+$0x0] =	vst.idx.add.f32.msk $0xffff, v1  }
0x315: {  	v2 =	vld [tilespmem:$0x1D1B0];
	_ =	sdelay $0x7  }
0x316: {  	[tilespmem:v2+s16+$0x0] =	vst.idx.add.f32.msk $0xffff, v1  }
0x317: {  	v2 =	vld [tilespmem:$0x1D1C0];
	_ =	sdelay $0x7  }
0x318: {  	[tilespmem:v2+s16+$0x0] =	vst.idx.add.f32.msk $0xffff, v1  }
0x319: {  	v2 =	vld [tilespmem:$0x1D1D0];
	_ =	sdelay $0x7  }
0x31a: {  	[tilespmem:v2+s16+$0x0] =	vst.idx.add.f32.msk $0xffff, v1  }
0x31b: {  	v2 =	vld [tilespmem:$0x1D1E0];
	_ =	sdelay $0x7  }
0x31c: {  	[tilespmem:v2+s16+$0x0] =	vst.idx.add.f32.msk $0xffff, v1  }
0x31d: {  	v2 =	vld [tilespmem:$0x1D1F0];
	_ =	sdelay $0x7  }
0x31e: {  	[tilespmem:v2+s16+$0x0] =	vst.idx.add.f32.msk $0xffff, v1  }
0x31f: {  	_ =	swait.ge [sflag:s17], $0x4000  }
0x320: {  	[sflag:s17] =	ssyncset.done $0x0  }
0x321: {  	[sflag:s17] =	ssyncadd.s32 $0xFFFFC000  }
0x322: {  	_ =	swait.ge [sflag:s17], $0x4000  }
0x323: {  	[sflag:s17] =	ssyncset.done $0x0  }
0x324: {  	[sflag:s17] =	ssyncadd.s32 $0xFFFFC000  }
0x325: {  	_ =	swait.ge [sflag:s18], $0x8000  }
0x326: {  	[sflag:s18] =	ssyncset.done $0x0  }
0x327: {  	s1 =	simm.s32 $0x1D200;
	[sflag:s18] =	ssyncadd.s32 $0xFFFF8000  }
0x328: {  	[spmem:s2] =	stream.indirect.scatter.add.f32 [tilespmem:s9], [sflag:$0x4], $0x80, s1, s14, $0xb8;
	[tilespmem:$0x1DE00] =	vst v63  }
0x329: {  	s22 =	simm.s32 $0x1D280  }
0x32a: {  	[spmem:s2] =	stream.indirect.scatter.add.f32 [tilespmem:s28], [sflag:$0x4], $0x80, s22, s14, $0xb8;
	[tilespmem:$0x1DE00] =	vst v63  }
0x32b: {  	v2 =	vld [tilespmem:$0x1D200];
	_ =	sdelay $0x7  }
0x32c: {  	[tilespmem:v2+s16+$0x0] =	vst.idx.add.f32.msk $0xffff, v1  }
0x32d: {  	v2 =	vld [tilespmem:$0x1D210];
	_ =	sdelay $0x7  }
0x32e: {  	[tilespmem:v2+s16+$0x0] =	vst.idx.add.f32.msk $0xffff, v1  }
0x32f: {  	v2 =	vld [tilespmem:$0x1D220];
	_ =	sdelay $0x7  }
0x330: {  	[tilespmem:v2+s16+$0x0] =	vst.idx.add.f32.msk $0xffff, v1  }
0x331: {  	v2 =	vld [tilespmem:$0x1D230];
	_ =	sdelay $0x7  }
0x332: {  	[tilespmem:v2+s16+$0x0] =	vst.idx.add.f32.msk $0xffff, v1  }
0x333: {  	v2 =	vld [tilespmem:$0x1D240];
	_ =	sdelay $0x7  }
0x334: {  	[tilespmem:v2+s16+$0x0] =	vst.idx.add.f32.msk $0xffff, v1  }
0x335: {  	v2 =	vld [tilespmem:$0x1D250];
	_ =	sdelay $0x7  }
0x336: {  	[tilespmem:v2+s16+$0x0] =	vst.idx.add.f32.msk $0xffff, v1  }
0x337: {  	v2 =	vld [tilespmem:$0x1D260];
	_ =	sdelay $0x7  }
0x338: {  	[tilespmem:v2+s16+$0x0] =	vst.idx.add.f32.msk $0xffff, v1  }
0x339: {  	v2 =	vld [tilespmem:$0x1D270];
	_ =	sdelay $0x7  }
0x33a: {  	[tilespmem:v2+s16+$0x0] =	vst.idx.add.f32.msk $0xffff, v1  }
0x33b: {  	v2 =	vld [tilespmem:$0x1D280];
	_ =	sdelay $0x7  }
0x33c: {  	[tilespmem:v2+s16+$0x0] =	vst.idx.add.f32.msk $0xffff, v1  }
0x33d: {  	v2 =	vld [tilespmem:$0x1D290];
	_ =	sdelay $0x7  }
0x33e: {  	[tilespmem:v2+s16+$0x0] =	vst.idx.add.f32.msk $0xffff, v1  }
0x33f: {  	v2 =	vld [tilespmem:$0x1D2A0];
	_ =	sdelay $0x7  }
0x340: {  	[tilespmem:v2+s16+$0x0] =	vst.idx.add.f32.msk $0xffff, v1  }
0x341: {  	v2 =	vld [tilespmem:$0x1D2B0];
	_ =	sdelay $0x7  }
0x342: {  	[tilespmem:v2+s16+$0x0] =	vst.idx.add.f32.msk $0xffff, v1  }
0x343: {  	v2 =	vld [tilespmem:$0x1D2C0];
	_ =	sdelay $0x7  }
0x344: {  	[tilespmem:v2+s16+$0x0] =	vst.idx.add.f32.msk $0xffff, v1  }
0x345: {  	v2 =	vld [tilespmem:$0x1D2D0];
	_ =	sdelay $0x7  }
0x346: {  	[tilespmem:v2+s16+$0x0] =	vst.idx.add.f32.msk $0xffff, v1  }
0x347: {  	v2 =	vld [tilespmem:$0x1D2E0];
	_ =	sdelay $0x7  }
0x348: {  	[tilespmem:v2+s16+$0x0] =	vst.idx.add.f32.msk $0xffff, v1  }
0x349: {  	v2 =	vld [tilespmem:$0x1D2F0];
	_ =	sdelay $0x7  }
0x34a: {  	[tilespmem:v2+s16+$0x0] =	vst.idx.add.f32.msk $0xffff, v1  }
0x34b: {  	_ =	swait.ge [sflag:s17], $0x4000  }
0x34c: {  	[sflag:s17] =	ssyncset.done $0x0  }
0x34d: {  	[sflag:s17] =	ssyncadd.s32 $0xFFFFC000  }
0x34e: {  	_ =	swait.ge [sflag:s17], $0x4000  }
0x34f: {  	[sflag:s17] =	ssyncset.done $0x0  }
0x350: {  	[sflag:s17] =	ssyncadd.s32 $0xFFFFC000  }
0x351: {  	_ =	swait.ge [sflag:s20], $0x8000  }
0x352: {  	[sflag:s20] =	ssyncset.done $0x0  }
0x353: {  	s23 =	simm.s32 $0x1D300;
	[sflag:s20] =	ssyncadd.s32 $0xFFFF8000  }
0x354: {  	[spmem:s2] =	stream.indirect.scatter.add.f32 [tilespmem:s12], [sflag:$0x4], $0x80, s23, s14, $0xb8;
	[tilespmem:$0x1DE00] =	vst v63  }
0x355: {  	_ = 	snop  }
0x356: {  	[spmem:s2] =	stream.indirect.scatter.add.f32 [tilespmem:s29], [sflag:$0x4], $0x80, s25, s14, $0xb8;
	[tilespmem:$0x1DE00] =	vst v63  }
0x357: {  	v2 =	vld [tilespmem:$0x1D300];
	_ =	sdelay $0x7  }
0x358: {  	[tilespmem:v2+s16+$0x0] =	vst.idx.add.f32.msk $0xffff, v1  }
0x359: {  	v2 =	vld [tilespmem:$0x1D310];
	_ =	sdelay $0x7  }
0x35a: {  	[tilespmem:v2+s16+$0x0] =	vst.idx.add.f32.msk $0xffff, v1  }
0x35b: {  	v2 =	vld [tilespmem:$0x1D320];
	_ =	sdelay $0x7  }
0x35c: {  	[tilespmem:v2+s16+$0x0] =	vst.idx.add.f32.msk $0xffff, v1  }
0x35d: {  	v2 =	vld [tilespmem:$0x1D330];
	_ =	sdelay $0x7  }
0x35e: {  	[tilespmem:v2+s16+$0x0] =	vst.idx.add.f32.msk $0xffff, v1  }
0x35f: {  	v2 =	vld [tilespmem:$0x1D340];
	_ =	sdelay $0x7  }
0x360: {  	[tilespmem:v2+s16+$0x0] =	vst.idx.add.f32.msk $0xffff, v1  }
0x361: {  	v2 =	vld [tilespmem:$0x1D350];
	_ =	sdelay $0x7  }
0x362: {  	[tilespmem:v2+s16+$0x0] =	vst.idx.add.f32.msk $0xffff, v1  }
0x363: {  	v2 =	vld [tilespmem:$0x1D360];
	_ =	sdelay $0x7  }
0x364: {  	[tilespmem:v2+s16+$0x0] =	vst.idx.add.f32.msk $0xffff, v1  }
0x365: {  	v2 =	vld [tilespmem:$0x1D370];
	_ =	sdelay $0x7  }
0x366: {  	[tilespmem:v2+s16+$0x0] =	vst.idx.add.f32.msk $0xffff, v1  }
0x367: {  	v2 =	vld [tilespmem:$0x1D380];
	_ =	sdelay $0x7  }
0x368: {  	[tilespmem:v2+s16+$0x0] =	vst.idx.add.f32.msk $0xffff, v1  }
0x369: {  	v2 =	vld [tilespmem:$0x1D390];
	_ =	sdelay $0x7  }
0x36a: {  	[tilespmem:v2+s16+$0x0] =	vst.idx.add.f32.msk $0xffff, v1  }
0x36b: {  	v2 =	vld [tilespmem:$0x1D3A0];
	_ =	sdelay $0x7  }
0x36c: {  	[tilespmem:v2+s16+$0x0] =	vst.idx.add.f32.msk $0xffff, v1  }
0x36d: {  	v2 =	vld [tilespmem:$0x1D3B0];
	_ =	sdelay $0x7  }
0x36e: {  	[tilespmem:v2+s16+$0x0] =	vst.idx.add.f32.msk $0xffff, v1  }
0x36f: {  	v2 =	vld [tilespmem:$0x1D3C0];
	_ =	sdelay $0x7  }
0x370: {  	[tilespmem:v2+s16+$0x0] =	vst.idx.add.f32.msk $0xffff, v1  }
0x371: {  	v2 =	vld [tilespmem:$0x1D3D0];
	_ =	sdelay $0x7  }
0x372: {  	[tilespmem:v2+s16+$0x0] =	vst.idx.add.f32.msk $0xffff, v1  }
0x373: {  	v2 =	vld [tilespmem:$0x1D3E0];
	_ =	sdelay $0x7  }
0x374: {  	[tilespmem:v2+s16+$0x0] =	vst.idx.add.f32.msk $0xffff, v1  }
0x375: {  	v2 =	vld [tilespmem:$0x1D3F0];
	_ =	sdelay $0x7  }
0x376: {  	[tilespmem:v2+s16+$0x0] =	vst.idx.add.f32.msk $0xffff, v1  }
0x377: {  	_ =	swait.ge [sflag:s17], $0x4000  }
0x378: {  	[sflag:s17] =	ssyncset.done $0x0  }
0x379: {  	[sflag:s17] =	ssyncadd.s32 $0xFFFFC000  }
0x37a: {  	_ =	swait.ge [sflag:s17], $0x4000  }
0x37b: {  	[sflag:s17] =	ssyncset.done $0x0  }
0x37c: {  	s24 =	simm.s32 @!p0 $0x6;
	[sflag:s17] =	ssyncadd.s32 $0xFFFFC000  }
0x37d: {  	_ =	swait.ge @!p0 [sflag:s24], $0x80  }
0x37e: {  	[sflag:s24] =	ssyncset.done @!p0 $0x0  }
0x37f: {  	[sflag:s24] =	ssyncadd.s32 @!p0 $0xFFFFFF80  }
0x380: {  	_ =	swait.ge @!p0 [sflag:s24], $0x4000  }
0x381: {  	s0 =	simm.s32 @!p0 $0x1D400;
	s1 =	simm.s32 @!p0 $0x18800;
	[sflag:s24] =	ssyncset.done @!p0 $0x0  }
0x382: {  	s22 =	simm.s32 @!p0 $0x7;
	[sflag:s24] =	ssyncadd.s32 @!p0 $0xFFFFC000;
	s24 =	simm.s32 @!p0 $0x80  }
0x383: {  	[spmem:s2] =	stream.indirect.scatter.add.f32 @!p0 [tilespmem:s1], [sflag:$0x7], $0x80, s0, s24, $0xb8;
	[tilespmem:$0x1DE00] =	vst v63  }
0x384: {  	_ =	swait.ge @!p0 [sflag:s22], $0x4000  }
0x385: {  	[sflag:s22] =	ssyncset.done @!p0 $0x0  }
0x386: {  	[sflag:s22] =	ssyncadd.s32 @!p0 $0xFFFFC000  }
0x387: {  	v2 =	vld @!p0 [tilespmem:$0x1D400];
	_ =	sdelay $0x6  }
0x388: {  	v3 =	vimm.f32 @!p0 $1.000000000e+00;
	s22 =	simm.s32 @!p0 $0x1D500  }
0x389: {  	[tilespmem:v2+s22+$0x0] =	vst.idx.add.f32.msk @!p0 $0xffff, v3  }
0x38a: {  	v2 =	vld @!p0 [tilespmem:$0x1D410];
	_ =	sdelay $0x7  }
0x38b: {  	[tilespmem:v2+s22+$0x0] =	vst.idx.add.f32.msk @!p0 $0xffff, v3  }
0x38c: {  	v2 =	vld @!p0 [tilespmem:$0x1D420];
	_ =	sdelay $0x7  }
0x38d: {  	[tilespmem:v2+s22+$0x0] =	vst.idx.add.f32.msk @!p0 $0xffff, v3  }
0x38e: {  	v2 =	vld @!p0 [tilespmem:$0x1D430];
	_ =	sdelay $0x7  }
0x38f: {  	[tilespmem:v2+s22+$0x0] =	vst.idx.add.f32.msk @!p0 $0xffff, v3  }
0x390: {  	v2 =	vld @!p0 [tilespmem:$0x1D440];
	_ =	sdelay $0x7  }
0x391: {  	[tilespmem:v2+s22+$0x0] =	vst.idx.add.f32.msk @!p0 $0xffff, v3  }
0x392: {  	v2 =	vld @!p0 [tilespmem:$0x1D450];
	_ =	sdelay $0x7  }
0x393: {  	[tilespmem:v2+s22+$0x0] =	vst.idx.add.f32.msk @!p0 $0xffff, v3  }
0x394: {  	v2 =	vld @!p0 [tilespmem:$0x1D460];
	_ =	sdelay $0x7  }
0x395: {  	[tilespmem:v2+s22+$0x0] =	vst.idx.add.f32.msk @!p0 $0xffff, v3  }
0x396: {  	v2 =	vld @!p0 [tilespmem:$0x1D470];
	_ =	sdelay $0x4  }
0x397: {  	p4 =	por @p0 $0x0, $0x0;
	p3 =	por @!p1 $0x1, $0x1  }
0x398: {  	p3 =	por @!p2 p4, p4;
	p4 =	por @!p0 $0x0, $0x0  }
0x399: {  	p3 =	por @!p0 p4, p4  }
0x39a: {  	[tilespmem:v2+s22+$0x0] =	vst.idx.add.f32.msk @!p0 $0xffff, v3;
	s22 =	simm.s32 @p3 $0x6  }
0x39b: {  	_ =	swait.ge @p3 [sflag:s22], $0x20  }
0x39c: {  	[sflag:s22] =	ssyncset.done @p3 $0x0  }
0x39d: {  	[sflag:s22] =	ssyncadd.s32 @p3 $0xFFFFFFE0  }
0x39e: {  	_ =	swait.ge @p3 [sflag:s22], $0x1000  }
0x39f: {  	s23 =	simm.s32 @p3 $0x1D480;
	[sflag:s22] =	ssyncset.done @p3 $0x0  }
0x3a0: {  	s24 =	simm.s32 @p3 $0x18800;
	[sflag:s22] =	ssyncadd.s32 @p3 $0xFFFFF000;
	s22 =	simm.s32 @p3 $0x20  }
0x3a1: {  	[spmem:s2] =	stream.indirect.scatter.add.f32 @p3 [tilespmem:s24], [sflag:$0x7], $0x80, s23, s22, $0xb8;
	[tilespmem:$0x1DE00] =	vst v63  }
0x3a2: {  	s22 =	simm.s32 @p3 $0x7  }
0x3a3: {  	_ =	swait.ge @p3 [sflag:s22], $0x1000  }
0x3a4: {  	[sflag:s22] =	ssyncset.done @p3 $0x0  }
0x3a5: {  	[sflag:s22] =	ssyncadd.s32 @p3 $0xFFFFF000  }
0x3a6: {  	v2 =	vld @p3 [tilespmem:$0x1D480];
	_ =	sdelay $0x6  }
0x3a7: {  	v3 =	vimm.f32 @p3 $1.000000000e+00;
	s22 =	simm.s32 @p3 $0x1D500  }
0x3a8: {  	[tilespmem:v2+s22+$0x0] =	vst.idx.add.f32.msk @p3 $0xffff, v3  }
0x3a9: {  	v2 =	vld @p3 [tilespmem:$0x1D490];
	_ =	sdelay $0x7  }
0x3aa: {  	[tilespmem:v2+s22+$0x0] =	vst.idx.add.f32.msk @p3 $0xffff, v3  }
0x3ab: {  	[bflag:$0x0] =	sbarrier.arrive $0xFFFF  }
0x3ac: {  	s25 =	stileid.u32;
	s24 =	sld [smem:$0x7FA]  }
0x3ad: {  	s23 =	sshll.u32 s25, $0x6  }
0x3ae: {  	s26 =	sshrl.u32 s15, $0x3;
	s23 =	sor.u32 $0x1C07, s23  }
0x3af: {  	[hbm:s24], [sflag:s23] =	dma.local [spmem:s26], $0x100  }
0x3b0: {  	_ =	swait.ge [sflag:s7], $0x100  }
0x3b1: {  	s28 =	sld [smem:$0x7FB]  }
0x3b2: {  	s6 =	sadd.s32 $0xFFFFFFFF, s6;
	s29 =	sld [smem:$0x7FD]  }
0x3b3: {  	p3 =	sne.s32 s6, $0x0;
	[sflag:s7] =	ssyncset.done $0x0  }
.Ltmp0:
0x3b4: {  	[sflag:s7] =	ssyncadd.s32 $0xFFFFFF00;
	(pc) =	sbr.rel @p3 .LBB2_1-.Ltmp0, $4  }
0x3b5: {  	[hbm4b:s28+s14] =	stream.strided.scatter [tilespmem:s16], [sflag:$0x7], $0x100, s29, s14, $0x38;
	[tilespmem:$0x1DE00] =	vst v63  }
0x3b6: {  	_ =	swait.ge [sflag:s7], $0x100  }
0x3b7: {  	[sflag:s7] =	ssyncset.done $0x0  }
0x3b8: {  	[sflag:s7] =	ssyncadd.s32 $0xFFFFFF00  }
0x3b9: {  	_ =	sfence.sel $0x180000  }
0x3ba: {  	[bflag:$0x0] =	sbarrier.arrive $0xFFFF  }
0x3bb: {  	_ =	strace $0x90000047  }
0x3bc: {  	s0 =	stileid.u32;
	[bflag:$0x2] =	sbarrier.arrive $0xFFFF  }
0x3bd: {  	p0 =	sne.s32 s0, $0x0;
	s0 =	rddreg [dreg:$0x5]  }
0x3be: {  	s0 =	sadd.s32 @!p0 $0x100000, s0  }
0x3bf: {  	[sflag:s0] =	ssyncadd.tile.s32 @!p0 $0x1;
	_ =	shalt  }
.Lfunc_end2:
_tile_overlayer_lowered:
.L_overlay_start_2:
0x3c0: {  	(tag) =	ssettag $0x2  }
0x3c1: {  	s0 =	rddreg [dreg:$0x0];
	s2 =	stileid.u32  }
0x3c2: {  	s1 =	rddreg [dreg:$0x1];
	p0 =	sne.s32 s2, $0x0  }
0x3c3: {  	s3 =	rddreg [dreg:$0x2];
	[bflag:$0x3] =	sbarrier.arrive $0xFFFF;
	s2 =	simm.s32 @!p0 $0x1C07  }
0x3c4: {  	[timem:s3], [sflag:s2] =	dma.local @!p0 [hbm:s0], s1  }
0x3c5: {  	s0 =	simm.s32 @!p0 $0x7  }
0x3c6: {  	_ =	swait.ge @!p0 [sflag:s0], s1  }
0x3c7: {  	s1 =	ssub.s32 @!p0 $0x0, s1;
	[sflag:s0] =	ssyncset.done @!p0 $0x0  }
0x3c8: {  	[sflag:s0] =	ssyncadd.s32 @!p0 s1  }
0x3c9: {  	[bflag:$0x3] =	sbarrier.arrive $0xFFFF  }
0x3ca: {  	_ =	shalt  }

</sc_bundles>
